<compile_context>
chip_gen: v7x
topology: tpu7x:2x2x1
jax: 0.10.2.dev20260603
libtpu: 0.0.44.dev20260713+nightly
codegen_flags: <defaults>
</compile_context>

<pallas_src>
import functools

import jax
import jax.numpy as jnp
from jax import lax
from jax.experimental import pallas as pl
from jax.experimental.pallas import tpu as pltpu
from jax.experimental.pallas import tpu_sc as plsc

NB_LAYER = 2
K = 8
N = 4096
HD = 256
ROW_BLK = 256
N_BLK = N // ROW_BLK

SC_NC = 2
SC_NS = 16
SC_NW = SC_NC * SC_NS
NPW = N // SC_NW
CH = 16
NSTEP = NPW // CH


def _prep_body(x_ref, xsp_ref, w1_ref, b1_ref, ws_ref, bs_ref, h_ref, xs_ref):
    h_ref[...] = (
        jnp.dot(x_ref[...], w1_ref[...], preferred_element_type=jnp.float32)
        + b1_ref[...]
    )
    xs_ref[...] = (
        jnp.dot(xsp_ref[...], ws_ref[...], preferred_element_type=jnp.float32)
        + bs_ref[...]
    )


def _topk_body(xs_ref, xst_ref, n0_ref, n1_ref, scale_ref,
               lp0_ref, idx0_ref, lp1_ref, idx1_ref):
    xs_blk = xs_ref[...]
    xst = xst_ref[...]
    sq_all = jnp.sum(xst * xst, axis=0)[None, :]
    sq_blk = jnp.sum(xs_blk * xs_blk, axis=1)[:, None]
    prod = jnp.dot(xs_blk, xst, preferred_element_type=jnp.float32)
    d = jnp.maximum(sq_blk + sq_all - 2.0 * prod, 0.0)
    iota_f = lax.broadcasted_iota(jnp.int32, d.shape, 1).astype(jnp.float32)
    neg = jnp.float32(-jnp.inf)
    big = jnp.float32(2.0 * N)

    vs = [
        jnp.log(-jnp.log(n0_ref[0])) - d * scale_ref[0, 0, 0],
        jnp.log(-jnp.log(n1_ref[0])) - d * scale_ref[1, 0, 0],
    ]
    vals = [[], []]
    idxs = [[], []]
    for k in range(K):
        for l in range(2):
            v = vs[l]
            m = jnp.max(v, axis=1, keepdims=True)
            match = v >= m
            am = jnp.min(jnp.where(match, iota_f, big), axis=1, keepdims=True)
            vals[l].append(m)
            idxs[l].append(am)
            if k < K - 1:
                vs[l] = jnp.where(match, neg, v)
    for lp_ref, idx_ref, l in ((lp0_ref, idx0_ref, 0), (lp1_ref, idx1_ref, 1)):
        lp_ref[...] = jnp.concatenate(vals[l], axis=1)
        idx_ref[...] = jnp.concatenate(idxs[l], axis=1).astype(jnp.int32)


def _sc_gather_body(h_hbm, idx_hbm, out_hbm, idx_v, rows0, rows1, acc_v,
                    sem0, sem1):
    wid = lax.axis_index("s") * SC_NC + lax.axis_index("c")
    base = wid * NPW
    pltpu.sync_copy(idx_hbm.at[wid], idx_v)
    idx2 = idx_v

    def reduce_chunk(rows_v, st):
        def per_dst(i, c2):
            r = i * K
            for f in range(HD // 16):
                sl = pl.ds(f * 16, 16)
                s0 = rows_v[r + 0, sl] + rows_v[r + 1, sl]
                s1 = rows_v[r + 2, sl] + rows_v[r + 3, sl]
                s2 = rows_v[r + 4, sl] + rows_v[r + 5, sl]
                s3 = rows_v[r + 6, sl] + rows_v[r + 7, sl]
                acc_v[st * CH + i, sl] = (s0 + s1) + (s2 + s3)
            return c2

        lax.fori_loop(0, CH, per_dst, 0)

    pltpu.async_copy(h_hbm.at[idx2.at[0]], rows0, sem0)

    def pair(p, carry):
        s0 = 2 * p
        s1 = s0 + 1
        pltpu.async_copy(h_hbm.at[idx2.at[s1]], rows1, sem1)
        pltpu.make_async_copy(h_hbm.at[idx2.at[s0]], rows0, sem0).wait()
        reduce_chunk(rows0, s0)

        @pl.when(s0 + 2 < NSTEP)
        def _():
            pltpu.async_copy(h_hbm.at[idx2.at[s0 + 2]], rows0, sem0)

        pltpu.make_async_copy(h_hbm.at[idx2.at[s1]], rows1, sem1).wait()
        reduce_chunk(rows1, s1)
        return carry

    lax.fori_loop(0, NSTEP // 2, pair, 0)
    pltpu.sync_copy(acc_v, out_hbm.at[pl.ds(base, NPW)])


def _gather_mean(h, idx_flat):
    mesh = plsc.VectorSubcoreMesh(core_axis_name="c", subcore_axis_name="s")
    fn = functools.partial(
        pl.kernel,
        mesh=mesh,
        out_type=jax.ShapeDtypeStruct((N, HD), jnp.float32),
        scratch_types=[
            pltpu.VMEM((NSTEP, CH * K), jnp.int32),
            pltpu.VMEM((CH * K, HD), jnp.float32),
            pltpu.VMEM((CH * K, HD), jnp.float32),
            pltpu.VMEM((NPW, HD), jnp.float32),
            pltpu.SemaphoreType.DMA,
            pltpu.SemaphoreType.DMA,
        ],
    )(_sc_gather_body)
    return fn(h, idx_flat.reshape(SC_NW, NSTEP, CH * K))


def _mm_body(g_ref, wg_ref, bg_ref, out_ref):
    g = g_ref[...] * jnp.float32(1.0 / K)
    out_ref[...] = (
        jnp.dot(g, wg_ref[...], preferred_element_type=jnp.float32)
        + bg_ref[...]
    )


def _mm_final_body(g_ref, wg_ref, bg_ref, wl_ref, bl_ref, out_ref):
    g = g_ref[...] * jnp.float32(1.0 / K)
    h2 = (
        jnp.dot(g, wg_ref[...], preferred_element_type=jnp.float32)
        + bg_ref[...]
    )
    out_ref[...] = (
        jnp.dot(h2, wl_ref[...], preferred_element_type=jnp.float32)
        + bl_ref[...]
    )


def kernel(x, x_spatial, W1, b1, Ws, bs, Wl, bl, Wg, bg, temp, noise):
    n = x.shape[0]
    hdim = W1.shape[1]
    odim = Wl.shape[1]

    h, xs = pl.pallas_call(
        _prep_body,
        out_shape=(
            jax.ShapeDtypeStruct((n, hdim), jnp.float32),
            jax.ShapeDtypeStruct((n, hdim), jnp.float32),
        ),
    )(x, x_spatial, W1, b1.reshape(1, hdim), Ws, bs.reshape(1, hdim))

    xst = xs.T
    scale = jnp.exp(jnp.clip(temp, -5.0, 5.0)).reshape(NB_LAYER, 1, 1)

    okspec = pl.BlockSpec((ROW_BLK, K), lambda b: (b, 0))
    lp0, idx0, lp1, idx1 = pl.pallas_call(
        _topk_body,
        grid=(N_BLK,),
        in_specs=[
            pl.BlockSpec((ROW_BLK, hdim), lambda b: (b, 0)),
            pl.BlockSpec((hdim, n), lambda b: (0, 0)),
            pl.BlockSpec((1, ROW_BLK, n), lambda b: (0, b, 0)),
            pl.BlockSpec((1, ROW_BLK, n), lambda b: (1, b, 0)),
            pl.BlockSpec((NB_LAYER, 1, 1), lambda b: (0, 0, 0)),
        ],
        out_specs=(okspec, okspec, okspec, okspec),
        out_shape=(
            jax.ShapeDtypeStruct((n, K), jnp.float32),
            jax.ShapeDtypeStruct((n, K), jnp.int32),
            jax.ShapeDtypeStruct((n, K), jnp.float32),
            jax.ShapeDtypeStruct((n, K), jnp.int32),
        ),
    )(xs, xst, noise, noise, scale)

    g0 = _gather_mean(h, idx0.reshape(-1))
    h1 = pl.pallas_call(
        _mm_body,
        out_shape=jax.ShapeDtypeStruct((n, hdim), jnp.float32),
    )(g0, Wg[0], bg[0].reshape(1, hdim))

    g1 = _gather_mean(h1, idx1.reshape(-1))
    out = pl.pallas_call(
        _mm_final_body,
        out_shape=jax.ShapeDtypeStruct((n, odim), jnp.float32),
    )(g1, Wg[1], bg[1].reshape(1, hdim), Wl, bl.reshape(1, odim))

    rows = jnp.tile(jnp.arange(n, dtype=jnp.int32)[:, None], (1, K)).reshape(-1)
    edges = tuple(
        jnp.stack([i.reshape(-1), rows], axis=0) for i in (idx0, idx1)
    )
    return (out, (lp0, lp1), edges)

# --- scband reference (transcript-rebuilt; emitter-appended) ---
"""Pipeline reference for scband-dgm-model-6073083756909 (READ-ONLY COPY).

The authoritative reference and input builder live on the scoring server;
editing this copy changes nothing except your own understanding.
"""

import jax, jax.numpy as jnp
import numpy as np

NB_LAYER = 2
K = 8
N = 4096
INPUT_DIM = 512
HIDDEN_DIM = 256
SPATIAL_DIM = 64
OUTPUT_DIM = 128


def setup_inputs(seed: int = 0) -> dict:
    key = jax.random.key(seed)
    ks = jax.random.split(key, 8)
    inp = {
        "x": jax.random.normal(ks[0], (N, INPUT_DIM), dtype=jnp.float32),
        "x_spatial": jax.random.normal(ks[1], (N, SPATIAL_DIM), dtype=jnp.float32),
        "W1": jax.random.normal(ks[2], (INPUT_DIM, HIDDEN_DIM), dtype=jnp.float32) * 0.02,
        "b1": jnp.zeros((HIDDEN_DIM,), dtype=jnp.float32),
        "Ws": jax.random.normal(ks[3], (SPATIAL_DIM, HIDDEN_DIM), dtype=jnp.float32) * 0.02,
        "bs": jnp.zeros((HIDDEN_DIM,), dtype=jnp.float32),
        "Wl": jax.random.normal(ks[4], (HIDDEN_DIM, OUTPUT_DIM), dtype=jnp.float32) * 0.02,
        "bl": jnp.zeros((OUTPUT_DIM,), dtype=jnp.float32),
        "Wg": jax.random.normal(ks[5], (NB_LAYER, HIDDEN_DIM, HIDDEN_DIM), dtype=jnp.float32) * 0.05,
        "bg": jnp.zeros((NB_LAYER, HIDDEN_DIM), dtype=jnp.float32),
        "temp": jnp.full((NB_LAYER,), 4.0, dtype=jnp.float32),
        "noise": jax.random.uniform(ks[6], (NB_LAYER, N, N), dtype=jnp.float32, minval=0.0, maxval=1.0) + 1e-8,
    }
    return inp


def _pairwise_sq_dist(x):
    sq = jnp.sum(x * x, axis=1)
    d = sq[:, None] + sq[None, :] - 2.0 * (x @ x.T)
    return jnp.maximum(d, 0.0)


def reference(x, x_spatial, W1, b1, Ws, bs, Wl, bl, Wg, bg, temp, noise):
    n = x.shape[0]
    # first_layer
    h = x @ W1 + b1
    # spatial_preprocessing
    xs = x_spatial @ Ws + bs
    # DGM_d graph generation (sparse, Gumbel top-k sampling without replacement)
    edges_list = []
    logprobs_list = []
    for i in range(NB_LAYER):
        D = _pairwise_sq_dist(xs)
        logits = D * jnp.exp(jnp.clip(temp[i], -5.0, 5.0))
        q = noise[i]
        lq = logits - jnp.log(-jnp.log(q))
        logprobs, indices = jax.lax.top_k(-lq, K)  # [n, K]
        rows = jnp.tile(jnp.arange(n)[:, None], (1, K))
        edges = jnp.stack([indices.reshape(-1), rows.reshape(-1)], axis=0)  # [2, n*K] (src=neighbor, dst=node)
        edges_list.append(edges)
        logprobs_list.append(logprobs)
    # GCNConv layers (improved=True, add_self_loops=False -> plain sym-norm on given edges)
    for i in range(NB_LAYER):
        src = edges_list[i][0]
        dst = edges_list[i][1]
        hw = h @ Wg[i]
        deg = jnp.zeros((n,), dtype=hw.dtype).at[dst].add(1.0)
        dinv = jnp.where(deg > 0, 1.0 / jnp.sqrt(deg), 0.0)
        norm = dinv[src] * dinv[dst]
        h = jnp.zeros_like(hw).at[dst].add(norm[:, None] * hw[src]) + bg[i]
    out = h @ Wl + bl
    return (out, tuple(logprobs_list), tuple(edges_list))

if __name__ == "__main__":
    import jax
    _d = setup_inputs()
    print(jax.jit(kernel)(*tuple(_d.values())))

</pallas_src>

<mosaic_0001>
#map = affine_map<(d0, d1) -> (0, 0)>
#map1 = affine_map<(d0, d1) -> (0, 0, 0)>
module attributes {stable_mosaic.version = 14 : i64} {
  func.func @_sc_gather_body(%arg0: i32, %arg1: i32, %arg2: memref<4096x256xf32, #tpu.memory_space<hbm>>, %arg3: memref<32x8x128xi32, #tpu.memory_space<hbm>>, %arg4: memref<4096x256xf32, #tpu.memory_space<hbm>>, %arg5: memref<8x128xi32, #tpu.memory_space<vmem>>, %arg6: memref<128x256xf32, #tpu.memory_space<vmem>>, %arg7: memref<128x256xf32, #tpu.memory_space<vmem>>, %arg8: memref<128x256xf32, #tpu.memory_space<vmem>>, %arg9: memref<!tpu.dma_semaphore, #tpu.memory_space<semaphore_mem>>, %arg10: memref<!tpu.dma_semaphore, #tpu.memory_space<semaphore_mem>>) attributes {dimension_semantics = [#tpu.dimension_semantics<core_parallel>, #tpu.dimension_semantics<subcore_parallel>], iteration_bounds = array<i64: 2, 16>, scalar_prefetch = 0 : i64, scratch_operands = 6 : i64, tpu.core_type = #tpu.core_type<sc_vector_subcore>, window_params = [{transform_indices = #map}, {transform_indices = #map1}, {transform_indices = #map}]} {
    %mul3A = arith.constant 2 : i32
    %mul3A_0 = arith.muli %arg1, %mul3A : i32
    %add3A = arith.addi %mul3A_0, %arg0 : i32
    %mul3A_1 = arith.constant 128 : i32
    %mul3A_2 = arith.muli %add3A, %mul3A_1 : i32
    "tpu.region"() ({
      %run_scoped3A = tpu.sem_alloc : memref<!tpu.dma_semaphore, #tpu.memory_space<semaphore_mem>>
      %dma_start3A_14 = arith.constant 0 : i32
      %dma_start3A_15 = arith.constant 0 : i32
      %dma_start3A_16 = tpu.memref_slice %arg3[%add3A, %dma_start3A_14, %dma_start3A_15] : memref<32x8x128xi32, #tpu.memory_space<hbm>> -> memref<1x8x128xi32, #tpu.memory_space<hbm>>
      %dma_start3A_17 = tpu.memref_squeeze %dma_start3A_16 : memref<1x8x128xi32, #tpu.memory_space<hbm>> -> memref<8x128xi32, #tpu.memory_space<hbm>>
      %dma_start3A_18 = arith.constant 0 : i32
      %dma_start3A_19 = arith.constant 0 : i32
      %dma_start3A_20 = tpu.memref_slice %arg3[%add3A, %dma_start3A_18, %dma_start3A_19] : memref<32x8x128xi32, #tpu.memory_space<hbm>> -> memref<1x8x128xi32, #tpu.memory_space<hbm>>
      %dma_start3A_21 = tpu.memref_squeeze %dma_start3A_20 : memref<1x8x128xi32, #tpu.memory_space<hbm>> -> memref<8x128xi32, #tpu.memory_space<hbm>>
      tpu.enqueue_dma source(%dma_start3A_21 : memref<8x128xi32, #tpu.memory_space<hbm>>) target(%arg5 : memref<8x128xi32, #tpu.memory_space<vmem>>) target_semaphore(%run_scoped3A : memref<!tpu.dma_semaphore, #tpu.memory_space<semaphore_mem>>)
      %dma_wait3A = arith.constant 0 : i32
      %dma_wait3A_22 = arith.constant 0 : i32
      %dma_wait3A_23 = tpu.memref_slice %arg3[%add3A, %dma_wait3A, %dma_wait3A_22] : memref<32x8x128xi32, #tpu.memory_space<hbm>> -> memref<1x8x128xi32, #tpu.memory_space<hbm>>
      %dma_wait3A_24 = tpu.memref_squeeze %dma_wait3A_23 : memref<1x8x128xi32, #tpu.memory_space<hbm>> -> memref<8x128xi32, #tpu.memory_space<hbm>>
      %dma_wait3A_25 = arith.constant 0 : i32
      %dma_wait3A_26 = arith.constant 0 : i32
      %dma_wait3A_27 = tpu.memref_slice %arg3[%add3A, %dma_wait3A_25, %dma_wait3A_26] : memref<32x8x128xi32, #tpu.memory_space<hbm>> -> memref<1x8x128xi32, #tpu.memory_space<hbm>>
      %dma_wait3A_28 = tpu.memref_squeeze %dma_wait3A_27 : memref<1x8x128xi32, #tpu.memory_space<hbm>> -> memref<8x128xi32, #tpu.memory_space<hbm>>
      tpu.wait_dma2 semaphore(%run_scoped3A : memref<!tpu.dma_semaphore, #tpu.memory_space<semaphore_mem>>) src(%dma_wait3A_28 : memref<8x128xi32, #tpu.memory_space<hbm>>) dst(%arg5 : memref<8x128xi32, #tpu.memory_space<vmem>>)
      tpu.yield
    }) : () -> ()
    %dma_start3A = arith.constant 0 : i32
    %dma_start3A_3 = arith.constant 0 : i32
    %dma_start3A_4 = tpu.memref_slice %arg5[%dma_start3A, %dma_start3A_3] : memref<8x128xi32, #tpu.memory_space<vmem>> -> memref<1x128xi32, #tpu.memory_space<vmem>>
    %dma_start3A_5 = tpu.memref_squeeze %dma_start3A_4 : memref<1x128xi32, #tpu.memory_space<vmem>> -> memref<128xi32, #tpu.memory_space<vmem>>
    %dma_start3A_6 = arith.constant 0 : i32
    %dma_start3A_7 = arith.constant 0 : i32
    %dma_start3A_8 = tpu.memref_slice %arg2[%dma_start3A_6, %dma_start3A_7] : memref<4096x256xf32, #tpu.memory_space<hbm>> -> memref<4096x256xf32, #tpu.memory_space<hbm>>
    tpu.enqueue_indirect_dma source(%dma_start3A_8 : memref<4096x256xf32, #tpu.memory_space<hbm>>) target(%arg6 : memref<128x256xf32, #tpu.memory_space<vmem>>) offsets(%dma_start3A_5 : memref<128xi32, #tpu.memory_space<vmem>>) semaphore(%arg9 : memref<!tpu.dma_semaphore, #tpu.memory_space<semaphore_mem>>)
    %scan3A = arith.constant 0 : i32
    %scan3A_9 = arith.constant 0 : i32
    %scan3A_10 = arith.constant 4 : i32
    %scan3A_11 = arith.addi %scan3A_9, %scan3A_10 : i32
    %scan3A_12 = arith.constant 1 : i32
    scf.for %scan3A_14 = %scan3A_9 to %scan3A_11 step %scan3A_12  : i32 {
      %mul3A_15 = arith.constant 2 : i32
      %mul3A_16 = arith.muli %mul3A_15, %scan3A_14 : i32
      %add3A_17 = arith.constant 1 : i32
      %add3A_18 = arith.addi %mul3A_16, %add3A_17 : i32
      %dma_start3A_19 = arith.constant 0 : i32
      %dma_start3A_20 = tpu.memref_slice %arg5[%add3A_18, %dma_start3A_19] : memref<8x128xi32, #tpu.memory_space<vmem>> -> memref<1x128xi32, #tpu.memory_space<vmem>>
      %dma_start3A_21 = tpu.memref_squeeze %dma_start3A_20 : memref<1x128xi32, #tpu.memory_space<vmem>> -> memref<128xi32, #tpu.memory_space<vmem>>
      %dma_start3A_22 = arith.constant 0 : i32
      %dma_start3A_23 = arith.constant 0 : i32
      %dma_start3A_24 = tpu.memref_slice %arg2[%dma_start3A_22, %dma_start3A_23] : memref<4096x256xf32, #tpu.memory_space<hbm>> -> memref<4096x256xf32, #tpu.memory_space<hbm>>
      tpu.enqueue_indirect_dma source(%dma_start3A_24 : memref<4096x256xf32, #tpu.memory_space<hbm>>) target(%arg7 : memref<128x256xf32, #tpu.memory_space<vmem>>) offsets(%dma_start3A_21 : memref<128xi32, #tpu.memory_space<vmem>>) semaphore(%arg10 : memref<!tpu.dma_semaphore, #tpu.memory_space<semaphore_mem>>)
      %dma_wait3A = arith.constant 0 : i32
      %dma_wait3A_25 = tpu.memref_slice %arg5[%mul3A_16, %dma_wait3A] : memref<8x128xi32, #tpu.memory_space<vmem>> -> memref<1x128xi32, #tpu.memory_space<vmem>>
      %dma_wait3A_26 = tpu.memref_squeeze %dma_wait3A_25 : memref<1x128xi32, #tpu.memory_space<vmem>> -> memref<128xi32, #tpu.memory_space<vmem>>
      %dma_wait3A_27 = arith.constant 0 : i32
      %dma_wait3A_28 = arith.constant 0 : i32
      %dma_wait3A_29 = tpu.memref_slice %arg2[%dma_wait3A_27, %dma_wait3A_28] : memref<4096x256xf32, #tpu.memory_space<hbm>> -> memref<4096x256xf32, #tpu.memory_space<hbm>>
      tpu.wait_indirect_dma semaphore(%arg9 : memref<!tpu.dma_semaphore, #tpu.memory_space<semaphore_mem>>) src(%dma_wait3A_29 : memref<4096x256xf32, #tpu.memory_space<hbm>>) dst(%arg6 : memref<128x256xf32, #tpu.memory_space<vmem>>)
      %scan3A_30 = arith.constant 0 : i32
      %scan3A_31 = arith.constant 0 : i32
      %scan3A_32 = arith.constant 16 : i32
      %scan3A_33 = arith.addi %scan3A_31, %scan3A_32 : i32
      %scan3A_34 = arith.constant 1 : i32
      scf.for %scan3A_52 = %scan3A_31 to %scan3A_33 step %scan3A_34  : i32 {
        %mul3A_53 = arith.constant 8 : i32
        %mul3A_54 = arith.muli %scan3A_52, %mul3A_53 : i32
        %add3A_55 = arith.constant 0 : i32
        %add3A_56 = arith.addi %mul3A_54, %add3A_55 : i32
        %get3A = arith.index_cast %add3A_56 : i32 to index
        %get3A_57 = arith.constant 0 : index
        %get3A_58 = tpu.vector_load %arg6[%get3A, %get3A_57] {strides = array<i32>} : memref<128x256xf32, #tpu.memory_space<vmem>>, vector<1x16xf32>,
        %get3A_59 = vector.shape_cast %get3A_58 : vector<1x16xf32> to vector<16xf32>
        %add3A_60 = arith.constant 1 : i32
        %add3A_61 = arith.addi %mul3A_54, %add3A_60 : i32
        %get3A_62 = arith.index_cast %add3A_61 : i32 to index
        %get3A_63 = arith.constant 0 : index
        %get3A_64 = tpu.vector_load %arg6[%get3A_62, %get3A_63] {strides = array<i32>} : memref<128x256xf32, #tpu.memory_space<vmem>>, vector<1x16xf32>,
        %get3A_65 = vector.shape_cast %get3A_64 : vector<1x16xf32> to vector<16xf32>
        %add3A_66 = arith.addf %get3A_59, %get3A_65 : vector<16xf32>
        %add3A_67 = arith.constant 2 : i32
        %add3A_68 = arith.addi %mul3A_54, %add3A_67 : i32
        %get3A_69 = arith.index_cast %add3A_68 : i32 to index
        %get3A_70 = arith.constant 0 : index
        %get3A_71 = tpu.vector_load %arg6[%get3A_69, %get3A_70] {strides = array<i32>} : memref<128x256xf32, #tpu.memory_space<vmem>>, vector<1x16xf32>,
        %get3A_72 = vector.shape_cast %get3A_71 : vector<1x16xf32> to vector<16xf32>
        %add3A_73 = arith.constant 3 : i32
        %add3A_74 = arith.addi %mul3A_54, %add3A_73 : i32
        %get3A_75 = arith.index_cast %add3A_74 : i32 to index
        %get3A_76 = arith.constant 0 : index
        %get3A_77 = tpu.vector_load %arg6[%get3A_75, %get3A_76] {strides = array<i32>} : memref<128x256xf32, #tpu.memory_space<vmem>>, vector<1x16xf32>,
        %get3A_78 = vector.shape_cast %get3A_77 : vector<1x16xf32> to vector<16xf32>
        %add3A_79 = arith.addf %get3A_72, %get3A_78 : vector<16xf32>
        %add3A_80 = arith.constant 4 : i32
        %add3A_81 = arith.addi %mul3A_54, %add3A_80 : i32
        %get3A_82 = arith.index_cast %add3A_81 : i32 to index
        %get3A_83 = arith.constant 0 : index
        %get3A_84 = tpu.vector_load %arg6[%get3A_82, %get3A_83] {strides = array<i32>} : memref<128x256xf32, #tpu.memory_space<vmem>>, vector<1x16xf32>,
        %get3A_85 = vector.shape_cast %get3A_84 : vector<1x16xf32> to vector<16xf32>
        %add3A_86 = arith.constant 5 : i32
        %add3A_87 = arith.addi %mul3A_54, %add3A_86 : i32
        %get3A_88 = arith.index_cast %add3A_87 : i32 to index
        %get3A_89 = arith.constant 0 : index
        %get3A_90 = tpu.vector_load %arg6[%get3A_88, %get3A_89] {strides = array<i32>} : memref<128x256xf32, #tpu.memory_space<vmem>>, vector<1x16xf32>,
        %get3A_91 = vector.shape_cast %get3A_90 : vector<1x16xf32> to vector<16xf32>
        %add3A_92 = arith.addf %get3A_85, %get3A_91 : vector<16xf32>
        %add3A_93 = arith.constant 6 : i32
        %add3A_94 = arith.addi %mul3A_54, %add3A_93 : i32
        %get3A_95 = arith.index_cast %add3A_94 : i32 to index
        %get3A_96 = arith.constant 0 : index
        %get3A_97 = tpu.vector_load %arg6[%get3A_95, %get3A_96] {strides = array<i32>} : memref<128x256xf32, #tpu.memory_space<vmem>>, vector<1x16xf32>,
        %get3A_98 = vector.shape_cast %get3A_97 : vector<1x16xf32> to vector<16xf32>
        %add3A_99 = arith.constant 7 : i32
        %add3A_100 = arith.addi %mul3A_54, %add3A_99 : i32
        %get3A_101 = arith.index_cast %add3A_100 : i32 to index
        %get3A_102 = arith.constant 0 : index
        %get3A_103 = tpu.vector_load %arg6[%get3A_101, %get3A_102] {strides = array<i32>} : memref<128x256xf32, #tpu.memory_space<vmem>>, vector<1x16xf32>,
        %get3A_104 = vector.shape_cast %get3A_103 : vector<1x16xf32> to vector<16xf32>
        %add3A_105 = arith.addf %get3A_98, %get3A_104 : vector<16xf32>
        %add3A_106 = arith.addf %add3A_66, %add3A_79 : vector<16xf32>
        %add3A_107 = arith.addf %add3A_92, %add3A_105 : vector<16xf32>
        %add3A_108 = arith.addf %add3A_106, %add3A_107 : vector<16xf32>
        %mul3A_109 = arith.constant 16 : i32
        %mul3A_110 = arith.muli %mul3A_16, %mul3A_109 : i32
        %add3A_111 = arith.addi %mul3A_110, %scan3A_52 : i32
        %swap3A = arith.index_cast %add3A_111 : i32 to index
        %swap3A_112 = arith.constant 0 : index
        %swap3A_113 = tpu.vector_load %arg8[%swap3A, %swap3A_112] {strides = array<i32>} : memref<128x256xf32, #tpu.memory_space<vmem>>, vector<1x16xf32>,
        %swap3A_114 = vector.shape_cast %swap3A_113 : vector<1x16xf32> to vector<16xf32>
        %swap3A_115 = vector.shape_cast %add3A_108 : vector<16xf32> to vector<1x16xf32>
        tpu.vector_store %arg8[%swap3A, %swap3A_112], %swap3A_115 {strides = array<i32>} : memref<128x256xf32, #tpu.memory_space<vmem>>, vector<1x16xf32>,
        %add3A_116 = arith.constant 0 : i32
        %add3A_117 = arith.addi %mul3A_54, %add3A_116 : i32
        %get3A_118 = arith.index_cast %add3A_117 : i32 to index
        %get3A_119 = arith.constant 16 : index
        %get3A_120 = tpu.vector_load %arg6[%get3A_118, %get3A_119] {strides = array<i32>} : memref<128x256xf32, #tpu.memory_space<vmem>>, vector<1x16xf32>,
        %get3A_121 = vector.shape_cast %get3A_120 : vector<1x16xf32> to vector<16xf32>
        %add3A_122 = arith.constant 1 : i32
        %add3A_123 = arith.addi %mul3A_54, %add3A_122 : i32
        %get3A_124 = arith.index_cast %add3A_123 : i32 to index
        %get3A_125 = arith.constant 16 : index
        %get3A_126 = tpu.vector_load %arg6[%get3A_124, %get3A_125] {strides = array<i32>} : memref<128x256xf32, #tpu.memory_space<vmem>>, vector<1x16xf32>,
        %get3A_127 = vector.shape_cast %get3A_126 : vector<1x16xf32> to vector<16xf32>
        %add3A_128 = arith.addf %get3A_121, %get3A_127 : vector<16xf32>
        %add3A_129 = arith.constant 2 : i32
        %add3A_130 = arith.addi %mul3A_54, %add3A_129 : i32
        %get3A_131 = arith.index_cast %add3A_130 : i32 to index
        %get3A_132 = arith.constant 16 : index
        %get3A_133 = tpu.vector_load %arg6[%get3A_131, %get3A_132] {strides = array<i32>} : memref<128x256xf32, #tpu.memory_space<vmem>>, vector<1x16xf32>,
        %get3A_134 = vector.shape_cast %get3A_133 : vector<1x16xf32> to vector<16xf32>
        %add3A_135 = arith.constant 3 : i32
        %add3A_136 = arith.addi %mul3A_54, %add3A_135 : i32
        %get3A_137 = arith.index_cast %add3A_136 : i32 to index
        %get3A_138 = arith.constant 16 : index
        %get3A_139 = tpu.vector_load %arg6[%get3A_137, %get3A_138] {strides = array<i32>} : memref<128x256xf32, #tpu.memory_space<vmem>>, vector<1x16xf32>,
        %get3A_140 = vector.shape_cast %get3A_139 : vector<1x16xf32> to vector<16xf32>
        %add3A_141 = arith.addf %get3A_134, %get3A_140 : vector<16xf32>
        %add3A_142 = arith.constant 4 : i32
        %add3A_143 = arith.addi %mul3A_54, %add3A_142 : i32
        %get3A_144 = arith.index_cast %add3A_143 : i32 to index
        %get3A_145 = arith.constant 16 : index
        %get3A_146 = tpu.vector_load %arg6[%get3A_144, %get3A_145] {strides = array<i32>} : memref<128x256xf32, #tpu.memory_space<vmem>>, vector<1x16xf32>,
        %get3A_147 = vector.shape_cast %get3A_146 : vector<1x16xf32> to vector<16xf32>
        %add3A_148 = arith.constant 5 : i32
        %add3A_149 = arith.addi %mul3A_54, %add3A_148 : i32
        %get3A_150 = arith.index_cast %add3A_149 : i32 to index
        %get3A_151 = arith.constant 16 : index
        %get3A_152 = tpu.vector_load %arg6[%get3A_150, %get3A_151] {strides = array<i32>} : memref<128x256xf32, #tpu.memory_space<vmem>>, vector<1x16xf32>,
        %get3A_153 = vector.shape_cast %get3A_152 : vector<1x16xf32> to vector<16xf32>
        %add3A_154 = arith.addf %get3A_147, %get3A_153 : vector<16xf32>
        %add3A_155 = arith.constant 6 : i32
        %add3A_156 = arith.addi %mul3A_54, %add3A_155 : i32
        %get3A_157 = arith.index_cast %add3A_156 : i32 to index
        %get3A_158 = arith.constant 16 : index
        %get3A_159 = tpu.vector_load %arg6[%get3A_157, %get3A_158] {strides = array<i32>} : memref<128x256xf32, #tpu.memory_space<vmem>>, vector<1x16xf32>,
        %get3A_160 = vector.shape_cast %get3A_159 : vector<1x16xf32> to vector<16xf32>
        %add3A_161 = arith.constant 7 : i32
        %add3A_162 = arith.addi %mul3A_54, %add3A_161 : i32
        %get3A_163 = arith.index_cast %add3A_162 : i32 to index
        %get3A_164 = arith.constant 16 : index
        %get3A_165 = tpu.vector_load %arg6[%get3A_163, %get3A_164] {strides = array<i32>} : memref<128x256xf32, #tpu.memory_space<vmem>>, vector<1x16xf32>,
        %get3A_166 = vector.shape_cast %get3A_165 : vector<1x16xf32> to vector<16xf32>
        %add3A_167 = arith.addf %get3A_160, %get3A_166 : vector<16xf32>
        %add3A_168 = arith.addf %add3A_128, %add3A_141 : vector<16xf32>
        %add3A_169 = arith.addf %add3A_154, %add3A_167 : vector<16xf32>
        %add3A_170 = arith.addf %add3A_168, %add3A_169 : vector<16xf32>
        %mul3A_171 = arith.constant 16 : i32
        %mul3A_172 = arith.muli %mul3A_16, %mul3A_171 : i32
        %add3A_173 = arith.addi %mul3A_172, %scan3A_52 : i32
        %swap3A_174 = arith.index_cast %add3A_173 : i32 to index
        %swap3A_175 = arith.constant 16 : index
        %swap3A_176 = tpu.vector_load %arg8[%swap3A_174, %swap3A_175] {strides = array<i32>} : memref<128x256xf32, #tpu.memory_space<vmem>>, vector<1x16xf32>,
        %swap3A_177 = vector.shape_cast %swap3A_176 : vector<1x16xf32> to vector<16xf32>
        %swap3A_178 = vector.shape_cast %add3A_170 : vector<16xf32> to vector<1x16xf32>
        tpu.vector_store %arg8[%swap3A_174, %swap3A_175], %swap3A_178 {strides = array<i32>} : memref<128x256xf32, #tpu.memory_space<vmem>>, vector<1x16xf32>,
        %add3A_179 = arith.constant 0 : i32
        %add3A_180 = arith.addi %mul3A_54, %add3A_179 : i32
        %get3A_181 = arith.index_cast %add3A_180 : i32 to index
        %get3A_182 = arith.constant 32 : index
        %get3A_183 = tpu.vector_load %arg6[%get3A_181, %get3A_182] {strides = array<i32>} : memref<128x256xf32, #tpu.memory_space<vmem>>, vector<1x16xf32>,
        %get3A_184 = vector.shape_cast %get3A_183 : vector<1x16xf32> to vector<16xf32>
        %add3A_185 = arith.constant 1 : i32
        %add3A_186 = arith.addi %mul3A_54, %add3A_185 : i32
        %get3A_187 = arith.index_cast %add3A_186 : i32 to index
        %get3A_188 = arith.constant 32 : index
        %get3A_189 = tpu.vector_load %arg6[%get3A_187, %get3A_188] {strides = array<i32>} : memref<128x256xf32, #tpu.memory_space<vmem>>, vector<1x16xf32>,
        %get3A_190 = vector.shape_cast %get3A_189 : vector<1x16xf32> to vector<16xf32>
        %add3A_191 = arith.addf %get3A_184, %get3A_190 : vector<16xf32>
        %add3A_192 = arith.constant 2 : i32
        %add3A_193 = arith.addi %mul3A_54, %add3A_192 : i32
        %get3A_194 = arith.index_cast %add3A_193 : i32 to index
        %get3A_195 = arith.constant 32 : index
        %get3A_196 = tpu.vector_load %arg6[%get3A_194, %get3A_195] {strides = array<i32>} : memref<128x256xf32, #tpu.memory_space<vmem>>, vector<1x16xf32>,
        %get3A_197 = vector.shape_cast %get3A_196 : vector<1x16xf32> to vector<16xf32>
        %add3A_198 = arith.constant 3 : i32
        %add3A_199 = arith.addi %mul3A_54, %add3A_198 : i32
        %get3A_200 = arith.index_cast %add3A_199 : i32 to index
        %get3A_201 = arith.constant 32 : index
        %get3A_202 = tpu.vector_load %arg6[%get3A_200, %get3A_201] {strides = array<i32>} : memref<128x256xf32, #tpu.memory_space<vmem>>, vector<1x16xf32>,
        %get3A_203 = vector.shape_cast %get3A_202 : vector<1x16xf32> to vector<16xf32>
        %add3A_204 = arith.addf %get3A_197, %get3A_203 : vector<16xf32>
        %add3A_205 = arith.constant 4 : i32
        %add3A_206 = arith.addi %mul3A_54, %add3A_205 : i32
        %get3A_207 = arith.index_cast %add3A_206 : i32 to index
        %get3A_208 = arith.constant 32 : index
        %get3A_209 = tpu.vector_load %arg6[%get3A_207, %get3A_208] {strides = array<i32>} : memref<128x256xf32, #tpu.memory_space<vmem>>, vector<1x16xf32>,
        %get3A_210 = vector.shape_cast %get3A_209 : vector<1x16xf32> to vector<16xf32>
        %add3A_211 = arith.constant 5 : i32
        %add3A_212 = arith.addi %mul3A_54, %add3A_211 : i32
        %get3A_213 = arith.index_cast %add3A_212 : i32 to index
        %get3A_214 = arith.constant 32 : index
        %get3A_215 = tpu.vector_load %arg6[%get3A_213, %get3A_214] {strides = array<i32>} : memref<128x256xf32, #tpu.memory_space<vmem>>, vector<1x16xf32>,
        %get3A_216 = vector.shape_cast %get3A_215 : vector<1x16xf32> to vector<16xf32>
        %add3A_217 = arith.addf %get3A_210, %get3A_216 : vector<16xf32>
        %add3A_218 = arith.constant 6 : i32
        %add3A_219 = arith.addi %mul3A_54, %add3A_218 : i32
        %get3A_220 = arith.index_cast %add3A_219 : i32 to index
        %get3A_221 = arith.constant 32 : index
        %get3A_222 = tpu.vector_load %arg6[%get3A_220, %get3A_221] {strides = array<i32>} : memref<128x256xf32, #tpu.memory_space<vmem>>, vector<1x16xf32>,
        %get3A_223 = vector.shape_cast %get3A_222 : vector<1x16xf32> to vector<16xf32>
        %add3A_224 = arith.constant 7 : i32
        %add3A_225 = arith.addi %mul3A_54, %add3A_224 : i32
        %get3A_226 = arith.index_cast %add3A_225 : i32 to index
        %get3A_227 = arith.constant 32 : index
        %get3A_228 = tpu.vector_load %arg6[%get3A_226, %get3A_227] {strides = array<i32>} : memref<128x256xf32, #tpu.memory_space<vmem>>, vector<1x16xf32>,
        %get3A_229 = vector.shape_cast %get3A_228 : vector<1x16xf32> to vector<16xf32>
        %add3A_230 = arith.addf %get3A_223, %get3A_229 : vector<16xf32>
        %add3A_231 = arith.addf %add3A_191, %add3A_204 : vector<16xf32>
        %add3A_232 = arith.addf %add3A_217, %add3A_230 : vector<16xf32>
        %add3A_233 = arith.addf %add3A_231, %add3A_232 : vector<16xf32>
        %mul3A_234 = arith.constant 16 : i32
        %mul3A_235 = arith.muli %mul3A_16, %mul3A_234 : i32
        %add3A_236 = arith.addi %mul3A_235, %scan3A_52 : i32
        %swap3A_237 = arith.index_cast %add3A_236 : i32 to index
        %swap3A_238 = arith.constant 32 : index
        %swap3A_239 = tpu.vector_load %arg8[%swap3A_237, %swap3A_238] {strides = array<i32>} : memref<128x256xf32, #tpu.memory_space<vmem>>, vector<1x16xf32>,
        %swap3A_240 = vector.shape_cast %swap3A_239 : vector<1x16xf32> to vector<16xf32>
        %swap3A_241 = vector.shape_cast %add3A_233 : vector<16xf32> to vector<1x16xf32>
        tpu.vector_store %arg8[%swap3A_237, %swap3A_238], %swap3A_241 {strides = array<i32>} : memref<128x256xf32, #tpu.memory_space<vmem>>, vector<1x16xf32>,
        %add3A_242 = arith.constant 0 : i32
        %add3A_243 = arith.addi %mul3A_54, %add3A_242 : i32
        %get3A_244 = arith.index_cast %add3A_243 : i32 to index
        %get3A_245 = arith.constant 48 : index
        %get3A_246 = tpu.vector_load %arg6[%get3A_244, %get3A_245] {strides = array<i32>} : memref<128x256xf32, #tpu.memory_space<vmem>>, vector<1x16xf32>,
        %get3A_247 = vector.shape_cast %get3A_246 : vector<1x16xf32> to vector<16xf32>
        %add3A_248 = arith.constant 1 : i32
        %add3A_249 = arith.addi %mul3A_54, %add3A_248 : i32
        %get3A_250 = arith.index_cast %add3A_249 : i32 to index
        %get3A_251 = arith.constant 48 : index
        %get3A_252 = tpu.vector_load %arg6[%get3A_250, %get3A_251] {strides = array<i32>} : memref<128x256xf32, #tpu.memory_space<vmem>>, vector<1x16xf32>,
        %get3A_253 = vector.shape_cast %get3A_252 : vector<1x16xf32> to vector<16xf32>
        %add3A_254 = arith.addf %get3A_247, %get3A_253 : vector<16xf32>
        %add3A_255 = arith.constant 2 : i32
        %add3A_256 = arith.addi %mul3A_54, %add3A_255 : i32
        %get3A_257 = arith.index_cast %add3A_256 : i32 to index
        %get3A_258 = arith.constant 48 : index
        %get3A_259 = tpu.vector_load %arg6[%get3A_257, %get3A_258] {strides = array<i32>} : memref<128x256xf32, #tpu.memory_space<vmem>>, vector<1x16xf32>,
        %get3A_260 = vector.shape_cast %get3A_259 : vector<1x16xf32> to vector<16xf32>
        %add3A_261 = arith.constant 3 : i32
        %add3A_262 = arith.addi %mul3A_54, %add3A_261 : i32
        %get3A_263 = arith.index_cast %add3A_262 : i32 to index
        %get3A_264 = arith.constant 48 : index
        %get3A_265 = tpu.vector_load %arg6[%get3A_263, %get3A_264] {strides = array<i32>} : memref<128x256xf32, #tpu.memory_space<vmem>>, vector<1x16xf32>,
        %get3A_266 = vector.shape_cast %get3A_265 : vector<1x16xf32> to vector<16xf32>
        %add3A_267 = arith.addf %get3A_260, %get3A_266 : vector<16xf32>
        %add3A_268 = arith.constant 4 : i32
        %add3A_269 = arith.addi %mul3A_54, %add3A_268 : i32
        %get3A_270 = arith.index_cast %add3A_269 : i32 to index
        %get3A_271 = arith.constant 48 : index
        %get3A_272 = tpu.vector_load %arg6[%get3A_270, %get3A_271] {strides = array<i32>} : memref<128x256xf32, #tpu.memory_space<vmem>>, vector<1x16xf32>,
        %get3A_273 = vector.shape_cast %get3A_272 : vector<1x16xf32> to vector<16xf32>
        %add3A_274 = arith.constant 5 : i32
        %add3A_275 = arith.addi %mul3A_54, %add3A_274 : i32
        %get3A_276 = arith.index_cast %add3A_275 : i32 to index
        %get3A_277 = arith.constant 48 : index
        %get3A_278 = tpu.vector_load %arg6[%get3A_276, %get3A_277] {strides = array<i32>} : memref<128x256xf32, #tpu.memory_space<vmem>>, vector<1x16xf32>,
        %get3A_279 = vector.shape_cast %get3A_278 : vector<1x16xf32> to vector<16xf32>
        %add3A_280 = arith.addf %get3A_273, %get3A_279 : vector<16xf32>
        %add3A_281 = arith.constant 6 : i32
        %add3A_282 = arith.addi %mul3A_54, %add3A_281 : i32
        %get3A_283 = arith.index_cast %add3A_282 : i32 to index
        %get3A_284 = arith.constant 48 : index
        %get3A_285 = tpu.vector_load %arg6[%get3A_283, %get3A_284] {strides = array<i32>} : memref<128x256xf32, #tpu.memory_space<vmem>>, vector<1x16xf32>,
        %get3A_286 = vector.shape_cast %get3A_285 : vector<1x16xf32> to vector<16xf32>
        %add3A_287 = arith.constant 7 : i32
        %add3A_288 = arith.addi %mul3A_54, %add3A_287 : i32
        %get3A_289 = arith.index_cast %add3A_288 : i32 to index
        %get3A_290 = arith.constant 48 : index
        %get3A_291 = tpu.vector_load %arg6[%get3A_289, %get3A_290] {strides = array<i32>} : memref<128x256xf32, #tpu.memory_space<vmem>>, vector<1x16xf32>,
        %get3A_292 = vector.shape_cast %get3A_291 : vector<1x16xf32> to vector<16xf32>
        %add3A_293 = arith.addf %get3A_286, %get3A_292 : vector<16xf32>
        %add3A_294 = arith.addf %add3A_254, %add3A_267 : vector<16xf32>
        %add3A_295 = arith.addf %add3A_280, %add3A_293 : vector<16xf32>
        %add3A_296 = arith.addf %add3A_294, %add3A_295 : vector<16xf32>
        %mul3A_297 = arith.constant 16 : i32
        %mul3A_298 = arith.muli %mul3A_16, %mul3A_297 : i32
        %add3A_299 = arith.addi %mul3A_298, %scan3A_52 : i32
        %swap3A_300 = arith.index_cast %add3A_299 : i32 to index
        %swap3A_301 = arith.constant 48 : index
        %swap3A_302 = tpu.vector_load %arg8[%swap3A_300, %swap3A_301] {strides = array<i32>} : memref<128x256xf32, #tpu.memory_space<vmem>>, vector<1x16xf32>,
        %swap3A_303 = vector.shape_cast %swap3A_302 : vector<1x16xf32> to vector<16xf32>
        %swap3A_304 = vector.shape_cast %add3A_296 : vector<16xf32> to vector<1x16xf32>
        tpu.vector_store %arg8[%swap3A_300, %swap3A_301], %swap3A_304 {strides = array<i32>} : memref<128x256xf32, #tpu.memory_space<vmem>>, vector<1x16xf32>,
        %add3A_305 = arith.constant 0 : i32
        %add3A_306 = arith.addi %mul3A_54, %add3A_305 : i32
        %get3A_307 = arith.index_cast %add3A_306 : i32 to index
        %get3A_308 = arith.constant 64 : index
        %get3A_309 = tpu.vector_load %arg6[%get3A_307, %get3A_308] {strides = array<i32>} : memref<128x256xf32, #tpu.memory_space<vmem>>, vector<1x16xf32>,
        %get3A_310 = vector.shape_cast %get3A_309 : vector<1x16xf32> to vector<16xf32>
        %add3A_311 = arith.constant 1 : i32
        %add3A_312 = arith.addi %mul3A_54, %add3A_311 : i32
        %get3A_313 = arith.index_cast %add3A_312 : i32 to index
        %get3A_314 = arith.constant 64 : index
        %get3A_315 = tpu.vector_load %arg6[%get3A_313, %get3A_314] {strides = array<i32>} : memref<128x256xf32, #tpu.memory_space<vmem>>, vector<1x16xf32>,
        %get3A_316 = vector.shape_cast %get3A_315 : vector<1x16xf32> to vector<16xf32>
        %add3A_317 = arith.addf %get3A_310, %get3A_316 : vector<16xf32>
        %add3A_318 = arith.constant 2 : i32
        %add3A_319 = arith.addi %mul3A_54, %add3A_318 : i32
        %get3A_320 = arith.index_cast %add3A_319 : i32 to index
        %get3A_321 = arith.constant 64 : index
        %get3A_322 = tpu.vector_load %arg6[%get3A_320, %get3A_321] {strides = array<i32>} : memref<128x256xf32, #tpu.memory_space<vmem>>, vector<1x16xf32>,
        %get3A_323 = vector.shape_cast %get3A_322 : vector<1x16xf32> to vector<16xf32>
        %add3A_324 = arith.constant 3 : i32
        %add3A_325 = arith.addi %mul3A_54, %add3A_324 : i32
        %get3A_326 = arith.index_cast %add3A_325 : i32 to index
        %get3A_327 = arith.constant 64 : index
        %get3A_328 = tpu.vector_load %arg6[%get3A_326, %get3A_327] {strides = array<i32>} : memref<128x256xf32, #tpu.memory_space<vmem>>, vector<1x16xf32>,
        %get3A_329 = vector.shape_cast %get3A_328 : vector<1x16xf32> to vector<16xf32>
        %add3A_330 = arith.addf %get3A_323, %get3A_329 : vector<16xf32>
        %add3A_331 = arith.constant 4 : i32
        %add3A_332 = arith.addi %mul3A_54, %add3A_331 : i32
        %get3A_333 = arith.index_cast %add3A_332 : i32 to index
        %get3A_334 = arith.constant 64 : index
        %get3A_335 = tpu.vector_load %arg6[%get3A_333, %get3A_334] {strides = array<i32>} : memref<128x256xf32, #tpu.memory_space<vmem>>, vector<1x16xf32>,
        %get3A_336 = vector.shape_cast %get3A_335 : vector<1x16xf32> to vector<16xf32>
        %add3A_337 = arith.constant 5 : i32
        %add3A_338 = arith.addi %mul3A_54, %add3A_337 : i32
        %get3A_339 = arith.index_cast %add3A_338 : i32 to index
        %get3A_340 = arith.constant 64 : index
        %get3A_341 = tpu.vector_load %arg6[%get3A_339, %get3A_340] {strides = array<i32>} : memref<128x256xf32, #tpu.memory_space<vmem>>, vector<1x16xf32>,
        %get3A_342 = vector.shape_cast %get3A_341 : vector<1x16xf32> to vector<16xf32>
        %add3A_343 = arith.addf %get3A_336, %get3A_342 : vector<16xf32>
        %add3A_344 = arith.constant 6 : i32
        %add3A_345 = arith.addi %mul3A_54, %add3A_344 : i32
        %get3A_346 = arith.index_cast %add3A_345 : i32 to index
        %get3A_347 = arith.constant 64 : index
        %get3A_348 = tpu.vector_load %arg6[%get3A_346, %get3A_347] {strides = array<i32>} : memref<128x256xf32, #tpu.memory_space<vmem>>, vector<1x16xf32>,
        %get3A_349 = vector.shape_cast %get3A_348 : vector<1x16xf32> to vector<16xf32>
        %add3A_350 = arith.constant 7 : i32
        %add3A_351 = arith.addi %mul3A_54, %add3A_350 : i32
        %get3A_352 = arith.index_cast %add3A_351 : i32 to index
        %get3A_353 = arith.constant 64 : index
        %get3A_354 = tpu.vector_load %arg6[%get3A_352, %get3A_353] {strides = array<i32>} : memref<128x256xf32, #tpu.memory_space<vmem>>, vector<1x16xf32>,
        %get3A_355 = vector.shape_cast %get3A_354 : vector<1x16xf32> to vector<16xf32>
        %add3A_356 = arith.addf %get3A_349, %get3A_355 : vector<16xf32>
        %add3A_357 = arith.addf %add3A_317, %add3A_330 : vector<16xf32>
        %add3A_358 = arith.addf %add3A_343, %add3A_356 : vector<16xf32>
        %add3A_359 = arith.addf %add3A_357, %add3A_358 : vector<16xf32>
        %mul3A_360 = arith.constant 16 : i32
        %mul3A_361 = arith.muli %mul3A_16, %mul3A_360 : i32
        %add3A_362 = arith.addi %mul3A_361, %scan3A_52 : i32
        %swap3A_363 = arith.index_cast %add3A_362 : i32 to index
        %swap3A_364 = arith.constant 64 : index
        %swap3A_365 = tpu.vector_load %arg8[%swap3A_363, %swap3A_364] {strides = array<i32>} : memref<128x256xf32, #tpu.memory_space<vmem>>, vector<1x16xf32>,
        %swap3A_366 = vector.shape_cast %swap3A_365 : vector<1x16xf32> to vector<16xf32>
        %swap3A_367 = vector.shape_cast %add3A_359 : vector<16xf32> to vector<1x16xf32>
        tpu.vector_store %arg8[%swap3A_363, %swap3A_364], %swap3A_367 {strides = array<i32>} : memref<128x256xf32, #tpu.memory_space<vmem>>, vector<1x16xf32>,
        %add3A_368 = arith.constant 0 : i32
        %add3A_369 = arith.addi %mul3A_54, %add3A_368 : i32
        %get3A_370 = arith.index_cast %add3A_369 : i32 to index
        %get3A_371 = arith.constant 80 : index
        %get3A_372 = tpu.vector_load %arg6[%get3A_370, %get3A_371] {strides = array<i32>} : memref<128x256xf32, #tpu.memory_space<vmem>>, vector<1x16xf32>,
        %get3A_373 = vector.shape_cast %get3A_372 : vector<1x16xf32> to vector<16xf32>
        %add3A_374 = arith.constant 1 : i32
        %add3A_375 = arith.addi %mul3A_54, %add3A_374 : i32
        %get3A_376 = arith.index_cast %add3A_375 : i32 to index
        %get3A_377 = arith.constant 80 : index
        %get3A_378 = tpu.vector_load %arg6[%get3A_376, %get3A_377] {strides = array<i32>} : memref<128x256xf32, #tpu.memory_space<vmem>>, vector<1x16xf32>,
        %get3A_379 = vector.shape_cast %get3A_378 : vector<1x16xf32> to vector<16xf32>
        %add3A_380 = arith.addf %get3A_373, %get3A_379 : vector<16xf32>
        %add3A_381 = arith.constant 2 : i32
        %add3A_382 = arith.addi %mul3A_54, %add3A_381 : i32
        %get3A_383 = arith.index_cast %add3A_382 : i32 to index
        %get3A_384 = arith.constant 80 : index
        %get3A_385 = tpu.vector_load %arg6[%get3A_383, %get3A_384] {strides = array<i32>} : memref<128x256xf32, #tpu.memory_space<vmem>>, vector<1x16xf32>,
        %get3A_386 = vector.shape_cast %get3A_385 : vector<1x16xf32> to vector<16xf32>
        %add3A_387 = arith.constant 3 : i32
        %add3A_388 = arith.addi %mul3A_54, %add3A_387 : i32
        %get3A_389 = arith.index_cast %add3A_388 : i32 to index
        %get3A_390 = arith.constant 80 : index
        %get3A_391 = tpu.vector_load %arg6[%get3A_389, %get3A_390] {strides = array<i32>} : memref<128x256xf32, #tpu.memory_space<vmem>>, vector<1x16xf32>,
        %get3A_392 = vector.shape_cast %get3A_391 : vector<1x16xf32> to vector<16xf32>
        %add3A_393 = arith.addf %get3A_386, %get3A_392 : vector<16xf32>
        %add3A_394 = arith.constant 4 : i32
        %add3A_395 = arith.addi %mul3A_54, %add3A_394 : i32
        %get3A_396 = arith.index_cast %add3A_395 : i32 to index
        %get3A_397 = arith.constant 80 : index
        %get3A_398 = tpu.vector_load %arg6[%get3A_396, %get3A_397] {strides = array<i32>} : memref<128x256xf32, #tpu.memory_space<vmem>>, vector<1x16xf32>,
        %get3A_399 = vector.shape_cast %get3A_398 : vector<1x16xf32> to vector<16xf32>
        %add3A_400 = arith.constant 5 : i32
        %add3A_401 = arith.addi %mul3A_54, %add3A_400 : i32
        %get3A_402 = arith.index_cast %add3A_401 : i32 to index
        %get3A_403 = arith.constant 80 : index
        %get3A_404 = tpu.vector_load %arg6[%get3A_402, %get3A_403] {strides = array<i32>} : memref<128x256xf32, #tpu.memory_space<vmem>>, vector<1x16xf32>,
        %get3A_405 = vector.shape_cast %get3A_404 : vector<1x16xf32> to vector<16xf32>
        %add3A_406 = arith.addf %get3A_399, %get3A_405 : vector<16xf32>
        %add3A_407 = arith.constant 6 : i32
        %add3A_408 = arith.addi %mul3A_54, %add3A_407 : i32
        %get3A_409 = arith.index_cast %add3A_408 : i32 to index
        %get3A_410 = arith.constant 80 : index
        %get3A_411 = tpu.vector_load %arg6[%get3A_409, %get3A_410] {strides = array<i32>} : memref<128x256xf32, #tpu.memory_space<vmem>>, vector<1x16xf32>,
        %get3A_412 = vector.shape_cast %get3A_411 : vector<1x16xf32> to vector<16xf32>
        %add3A_413 = arith.constant 7 : i32
        %add3A_414 = arith.addi %mul3A_54, %add3A_413 : i32
        %get3A_415 = arith.index_cast %add3A_414 : i32 to index
        %get3A_416 = arith.constant 80 : index
        %get3A_417 = tpu.vector_load %arg6[%get3A_415, %get3A_416] {strides = array<i32>} : memref<128x256xf32, #tpu.memory_space<vmem>>, vector<1x16xf32>,
        %get3A_418 = vector.shape_cast %get3A_417 : vector<1x16xf32> to vector<16xf32>
        %add3A_419 = arith.addf %get3A_412, %get3A_418 : vector<16xf32>
        %add3A_420 = arith.addf %add3A_380, %add3A_393 : vector<16xf32>
        %add3A_421 = arith.addf %add3A_406, %add3A_419 : vector<16xf32>
        %add3A_422 = arith.addf %add3A_420, %add3A_421 : vector<16xf32>
        %mul3A_423 = arith.constant 16 : i32
        %mul3A_424 = arith.muli %mul3A_16, %mul3A_423 : i32
        %add3A_425 = arith.addi %mul3A_424, %scan3A_52 : i32
        %swap3A_426 = arith.index_cast %add3A_425 : i32 to index
        %swap3A_427 = arith.constant 80 : index
        %swap3A_428 = tpu.vector_load %arg8[%swap3A_426, %swap3A_427] {strides = array<i32>} : memref<128x256xf32, #tpu.memory_space<vmem>>, vector<1x16xf32>,
        %swap3A_429 = vector.shape_cast %swap3A_428 : vector<1x16xf32> to vector<16xf32>
        %swap3A_430 = vector.shape_cast %add3A_422 : vector<16xf32> to vector<1x16xf32>
        tpu.vector_store %arg8[%swap3A_426, %swap3A_427], %swap3A_430 {strides = array<i32>} : memref<128x256xf32, #tpu.memory_space<vmem>>, vector<1x16xf32>,
        %add3A_431 = arith.constant 0 : i32
        %add3A_432 = arith.addi %mul3A_54, %add3A_431 : i32
        %get3A_433 = arith.index_cast %add3A_432 : i32 to index
        %get3A_434 = arith.constant 96 : index
        %get3A_435 = tpu.vector_load %arg6[%get3A_433, %get3A_434] {strides = array<i32>} : memref<128x256xf32, #tpu.memory_space<vmem>>, vector<1x16xf32>,
        %get3A_436 = vector.shape_cast %get3A_435 : vector<1x16xf32> to vector<16xf32>
        %add3A_437 = arith.constant 1 : i32
        %add3A_438 = arith.addi %mul3A_54, %add3A_437 : i32
        %get3A_439 = arith.index_cast %add3A_438 : i32 to index
        %get3A_440 = arith.constant 96 : index
        %get3A_441 = tpu.vector_load %arg6[%get3A_439, %get3A_440] {strides = array<i32>} : memref<128x256xf32, #tpu.memory_space<vmem>>, vector<1x16xf32>,
        %get3A_442 = vector.shape_cast %get3A_441 : vector<1x16xf32> to vector<16xf32>
        %add3A_443 = arith.addf %get3A_436, %get3A_442 : vector<16xf32>
        %add3A_444 = arith.constant 2 : i32
        %add3A_445 = arith.addi %mul3A_54, %add3A_444 : i32
        %get3A_446 = arith.index_cast %add3A_445 : i32 to index
        %get3A_447 = arith.constant 96 : index
        %get3A_448 = tpu.vector_load %arg6[%get3A_446, %get3A_447] {strides = array<i32>} : memref<128x256xf32, #tpu.memory_space<vmem>>, vector<1x16xf32>,
        %get3A_449 = vector.shape_cast %get3A_448 : vector<1x16xf32> to vector<16xf32>
        %add3A_450 = arith.constant 3 : i32
        %add3A_451 = arith.addi %mul3A_54, %add3A_450 : i32
        %get3A_452 = arith.index_cast %add3A_451 : i32 to index
        %get3A_453 = arith.constant 96 : index
        %get3A_454 = tpu.vector_load %arg6[%get3A_452, %get3A_453] {strides = array<i32>} : memref<128x256xf32, #tpu.memory_space<vmem>>, vector<1x16xf32>,
        %get3A_455 = vector.shape_cast %get3A_454 : vector<1x16xf32> to vector<16xf32>
        %add3A_456 = arith.addf %get3A_449, %get3A_455 : vector<16xf32>
        %add3A_457 = arith.constant 4 : i32
        %add3A_458 = arith.addi %mul3A_54, %add3A_457 : i32
        %get3A_459 = arith.index_cast %add3A_458 : i32 to index
        %get3A_460 = arith.constant 96 : index
        %get3A_461 = tpu.vector_load %arg6[%get3A_459, %get3A_460] {strides = array<i32>} : memref<128x256xf32, #tpu.memory_space<vmem>>, vector<1x16xf32>,
        %get3A_462 = vector.shape_cast %get3A_461 : vector<1x16xf32> to vector<16xf32>
        %add3A_463 = arith.constant 5 : i32
        %add3A_464 = arith.addi %mul3A_54, %add3A_463 : i32
        %get3A_465 = arith.index_cast %add3A_464 : i32 to index
        %get3A_466 = arith.constant 96 : index
        %get3A_467 = tpu.vector_load %arg6[%get3A_465, %get3A_466] {strides = array<i32>} : memref<128x256xf32, #tpu.memory_space<vmem>>, vector<1x16xf32>,
        %get3A_468 = vector.shape_cast %get3A_467 : vector<1x16xf32> to vector<16xf32>
        %add3A_469 = arith.addf %get3A_462, %get3A_468 : vector<16xf32>
        %add3A_470 = arith.constant 6 : i32
        %add3A_471 = arith.addi %mul3A_54, %add3A_470 : i32
        %get3A_472 = arith.index_cast %add3A_471 : i32 to index
        %get3A_473 = arith.constant 96 : index
        %get3A_474 = tpu.vector_load %arg6[%get3A_472, %get3A_473] {strides = array<i32>} : memref<128x256xf32, #tpu.memory_space<vmem>>, vector<1x16xf32>,
        %get3A_475 = vector.shape_cast %get3A_474 : vector<1x16xf32> to vector<16xf32>
        %add3A_476 = arith.constant 7 : i32
        %add3A_477 = arith.addi %mul3A_54, %add3A_476 : i32
        %get3A_478 = arith.index_cast %add3A_477 : i32 to index
        %get3A_479 = arith.constant 96 : index
        %get3A_480 = tpu.vector_load %arg6[%get3A_478, %get3A_479] {strides = array<i32>} : memref<128x256xf32, #tpu.memory_space<vmem>>, vector<1x16xf32>,
        %get3A_481 = vector.shape_cast %get3A_480 : vector<1x16xf32> to vector<16xf32>
        %add3A_482 = arith.addf %get3A_475, %get3A_481 : vector<16xf32>
        %add3A_483 = arith.addf %add3A_443, %add3A_456 : vector<16xf32>
        %add3A_484 = arith.addf %add3A_469, %add3A_482 : vector<16xf32>
        %add3A_485 = arith.addf %add3A_483, %add3A_484 : vector<16xf32>
        %mul3A_486 = arith.constant 16 : i32
        %mul3A_487 = arith.muli %mul3A_16, %mul3A_486 : i32
        %add3A_488 = arith.addi %mul3A_487, %scan3A_52 : i32
        %swap3A_489 = arith.index_cast %add3A_488 : i32 to index
        %swap3A_490 = arith.constant 96 : index
        %swap3A_491 = tpu.vector_load %arg8[%swap3A_489, %swap3A_490] {strides = array<i32>} : memref<128x256xf32, #tpu.memory_space<vmem>>, vector<1x16xf32>,
        %swap3A_492 = vector.shape_cast %swap3A_491 : vector<1x16xf32> to vector<16xf32>
        %swap3A_493 = vector.shape_cast %add3A_485 : vector<16xf32> to vector<1x16xf32>
        tpu.vector_store %arg8[%swap3A_489, %swap3A_490], %swap3A_493 {strides = array<i32>} : memref<128x256xf32, #tpu.memory_space<vmem>>, vector<1x16xf32>,
        %add3A_494 = arith.constant 0 : i32
        %add3A_495 = arith.addi %mul3A_54, %add3A_494 : i32
        %get3A_496 = arith.index_cast %add3A_495 : i32 to index
        %get3A_497 = arith.constant 112 : index
        %get3A_498 = tpu.vector_load %arg6[%get3A_496, %get3A_497] {strides = array<i32>} : memref<128x256xf32, #tpu.memory_space<vmem>>, vector<1x16xf32>,
        %get3A_499 = vector.shape_cast %get3A_498 : vector<1x16xf32> to vector<16xf32>
        %add3A_500 = arith.constant 1 : i32
        %add3A_501 = arith.addi %mul3A_54, %add3A_500 : i32
        %get3A_502 = arith.index_cast %add3A_501 : i32 to index
        %get3A_503 = arith.constant 112 : index
        %get3A_504 = tpu.vector_load %arg6[%get3A_502, %get3A_503] {strides = array<i32>} : memref<128x256xf32, #tpu.memory_space<vmem>>, vector<1x16xf32>,
        %get3A_505 = vector.shape_cast %get3A_504 : vector<1x16xf32> to vector<16xf32>
        %add3A_506 = arith.addf %get3A_499, %get3A_505 : vector<16xf32>
        %add3A_507 = arith.constant 2 : i32
        %add3A_508 = arith.addi %mul3A_54, %add3A_507 : i32
        %get3A_509 = arith.index_cast %add3A_508 : i32 to index
        %get3A_510 = arith.constant 112 : index
        %get3A_511 = tpu.vector_load %arg6[%get3A_509, %get3A_510] {strides = array<i32>} : memref<128x256xf32, #tpu.memory_space<vmem>>, vector<1x16xf32>,
        %get3A_512 = vector.shape_cast %get3A_511 : vector<1x16xf32> to vector<16xf32>
        %add3A_513 = arith.constant 3 : i32
        %add3A_514 = arith.addi %mul3A_54, %add3A_513 : i32
        %get3A_515 = arith.index_cast %add3A_514 : i32 to index
        %get3A_516 = arith.constant 112 : index
        %get3A_517 = tpu.vector_load %arg6[%get3A_515, %get3A_516] {strides = array<i32>} : memref<128x256xf32, #tpu.memory_space<vmem>>, vector<1x16xf32>,
        %get3A_518 = vector.shape_cast %get3A_517 : vector<1x16xf32> to vector<16xf32>
        %add3A_519 = arith.addf %get3A_512, %get3A_518 : vector<16xf32>
        %add3A_520 = arith.constant 4 : i32
        %add3A_521 = arith.addi %mul3A_54, %add3A_520 : i32
        %get3A_522 = arith.index_cast %add3A_521 : i32 to index
        %get3A_523 = arith.constant 112 : index
        %get3A_524 = tpu.vector_load %arg6[%get3A_522, %get3A_523] {strides = array<i32>} : memref<128x256xf32, #tpu.memory_space<vmem>>, vector<1x16xf32>,
        %get3A_525 = vector.shape_cast %get3A_524 : vector<1x16xf32> to vector<16xf32>
        %add3A_526 = arith.constant 5 : i32
        %add3A_527 = arith.addi %mul3A_54, %add3A_526 : i32
        %get3A_528 = arith.index_cast %add3A_527 : i32 to index
        %get3A_529 = arith.constant 112 : index
        %get3A_530 = tpu.vector_load %arg6[%get3A_528, %get3A_529] {strides = array<i32>} : memref<128x256xf32, #tpu.memory_space<vmem>>, vector<1x16xf32>,
        %get3A_531 = vector.shape_cast %get3A_530 : vector<1x16xf32> to vector<16xf32>
        %add3A_532 = arith.addf %get3A_525, %get3A_531 : vector<16xf32>
        %add3A_533 = arith.constant 6 : i32
        %add3A_534 = arith.addi %mul3A_54, %add3A_533 : i32
        %get3A_535 = arith.index_cast %add3A_534 : i32 to index
        %get3A_536 = arith.constant 112 : index
        %get3A_537 = tpu.vector_load %arg6[%get3A_535, %get3A_536] {strides = array<i32>} : memref<128x256xf32, #tpu.memory_space<vmem>>, vector<1x16xf32>,
        %get3A_538 = vector.shape_cast %get3A_537 : vector<1x16xf32> to vector<16xf32>
        %add3A_539 = arith.constant 7 : i32
        %add3A_540 = arith.addi %mul3A_54, %add3A_539 : i32
        %get3A_541 = arith.index_cast %add3A_540 : i32 to index
        %get3A_542 = arith.constant 112 : index
        %get3A_543 = tpu.vector_load %arg6[%get3A_541, %get3A_542] {strides = array<i32>} : memref<128x256xf32, #tpu.memory_space<vmem>>, vector<1x16xf32>,
        %get3A_544 = vector.shape_cast %get3A_543 : vector<1x16xf32> to vector<16xf32>
        %add3A_545 = arith.addf %get3A_538, %get3A_544 : vector<16xf32>
        %add3A_546 = arith.addf %add3A_506, %add3A_519 : vector<16xf32>
        %add3A_547 = arith.addf %add3A_532, %add3A_545 : vector<16xf32>
        %add3A_548 = arith.addf %add3A_546, %add3A_547 : vector<16xf32>
        %mul3A_549 = arith.constant 16 : i32
        %mul3A_550 = arith.muli %mul3A_16, %mul3A_549 : i32
        %add3A_551 = arith.addi %mul3A_550, %scan3A_52 : i32
        %swap3A_552 = arith.index_cast %add3A_551 : i32 to index
        %swap3A_553 = arith.constant 112 : index
        %swap3A_554 = tpu.vector_load %arg8[%swap3A_552, %swap3A_553] {strides = array<i32>} : memref<128x256xf32, #tpu.memory_space<vmem>>, vector<1x16xf32>,
        %swap3A_555 = vector.shape_cast %swap3A_554 : vector<1x16xf32> to vector<16xf32>
        %swap3A_556 = vector.shape_cast %add3A_548 : vector<16xf32> to vector<1x16xf32>
        tpu.vector_store %arg8[%swap3A_552, %swap3A_553], %swap3A_556 {strides = array<i32>} : memref<128x256xf32, #tpu.memory_space<vmem>>, vector<1x16xf32>,
        %add3A_557 = arith.constant 0 : i32
        %add3A_558 = arith.addi %mul3A_54, %add3A_557 : i32
        %get3A_559 = arith.index_cast %add3A_558 : i32 to index
        %get3A_560 = arith.constant 128 : index
        %get3A_561 = tpu.vector_load %arg6[%get3A_559, %get3A_560] {strides = array<i32>} : memref<128x256xf32, #tpu.memory_space<vmem>>, vector<1x16xf32>,
        %get3A_562 = vector.shape_cast %get3A_561 : vector<1x16xf32> to vector<16xf32>
        %add3A_563 = arith.constant 1 : i32
        %add3A_564 = arith.addi %mul3A_54, %add3A_563 : i32
        %get3A_565 = arith.index_cast %add3A_564 : i32 to index
        %get3A_566 = arith.constant 128 : index
        %get3A_567 = tpu.vector_load %arg6[%get3A_565, %get3A_566] {strides = array<i32>} : memref<128x256xf32, #tpu.memory_space<vmem>>, vector<1x16xf32>,
        %get3A_568 = vector.shape_cast %get3A_567 : vector<1x16xf32> to vector<16xf32>
        %add3A_569 = arith.addf %get3A_562, %get3A_568 : vector<16xf32>
        %add3A_570 = arith.constant 2 : i32
        %add3A_571 = arith.addi %mul3A_54, %add3A_570 : i32
        %get3A_572 = arith.index_cast %add3A_571 : i32 to index
        %get3A_573 = arith.constant 128 : index
        %get3A_574 = tpu.vector_load %arg6[%get3A_572, %get3A_573] {strides = array<i32>} : memref<128x256xf32, #tpu.memory_space<vmem>>, vector<1x16xf32>,
        %get3A_575 = vector.shape_cast %get3A_574 : vector<1x16xf32> to vector<16xf32>
        %add3A_576 = arith.constant 3 : i32
        %add3A_577 = arith.addi %mul3A_54, %add3A_576 : i32
        %get3A_578 = arith.index_cast %add3A_577 : i32 to index
        %get3A_579 = arith.constant 128 : index
        %get3A_580 = tpu.vector_load %arg6[%get3A_578, %get3A_579] {strides = array<i32>} : memref<128x256xf32, #tpu.memory_space<vmem>>, vector<1x16xf32>,
        %get3A_581 = vector.shape_cast %get3A_580 : vector<1x16xf32> to vector<16xf32>
        %add3A_582 = arith.addf %get3A_575, %get3A_581 : vector<16xf32>
        %add3A_583 = arith.constant 4 : i32
        %add3A_584 = arith.addi %mul3A_54, %add3A_583 : i32
        %get3A_585 = arith.index_cast %add3A_584 : i32 to index
        %get3A_586 = arith.constant 128 : index
        %get3A_587 = tpu.vector_load %arg6[%get3A_585, %get3A_586] {strides = array<i32>} : memref<128x256xf32, #tpu.memory_space<vmem>>, vector<1x16xf32>,
        %get3A_588 = vector.shape_cast %get3A_587 : vector<1x16xf32> to vector<16xf32>
        %add3A_589 = arith.constant 5 : i32
        %add3A_590 = arith.addi %mul3A_54, %add3A_589 : i32
        %get3A_591 = arith.index_cast %add3A_590 : i32 to index
        %get3A_592 = arith.constant 128 : index
        %get3A_593 = tpu.vector_load %arg6[%get3A_591, %get3A_592] {strides = array<i32>} : memref<128x256xf32, #tpu.memory_space<vmem>>, vector<1x16xf32>,
        %get3A_594 = vector.shape_cast %get3A_593 : vector<1x16xf32> to vector<16xf32>
        %add3A_595 = arith.addf %get3A_588, %get3A_594 : vector<16xf32>
        %add3A_596 = arith.constant 6 : i32
        %add3A_597 = arith.addi %mul3A_54, %add3A_596 : i32
        %get3A_598 = arith.index_cast %add3A_597 : i32 to index
        %get3A_599 = arith.constant 128 : index
        %get3A_600 = tpu.vector_load %arg6[%get3A_598, %get3A_599] {strides = array<i32>} : memref<128x256xf32, #tpu.memory_space<vmem>>, vector<1x16xf32>,
        %get3A_601 = vector.shape_cast %get3A_600 : vector<1x16xf32> to vector<16xf32>
        %add3A_602 = arith.constant 7 : i32
        %add3A_603 = arith.addi %mul3A_54, %add3A_602 : i32
        %get3A_604 = arith.index_cast %add3A_603 : i32 to index
        %get3A_605 = arith.constant 128 : index
        %get3A_606 = tpu.vector_load %arg6[%get3A_604, %get3A_605] {strides = array<i32>} : memref<128x256xf32, #tpu.memory_space<vmem>>, vector<1x16xf32>,
        %get3A_607 = vector.shape_cast %get3A_606 : vector<1x16xf32> to vector<16xf32>
        %add3A_608 = arith.addf %get3A_601, %get3A_607 : vector<16xf32>
        %add3A_609 = arith.addf %add3A_569, %add3A_582 : vector<16xf32>
        %add3A_610 = arith.addf %add3A_595, %add3A_608 : vector<16xf32>
        %add3A_611 = arith.addf %add3A_609, %add3A_610 : vector<16xf32>
        %mul3A_612 = arith.constant 16 : i32
        %mul3A_613 = arith.muli %mul3A_16, %mul3A_612 : i32
        %add3A_614 = arith.addi %mul3A_613, %scan3A_52 : i32
        %swap3A_615 = arith.index_cast %add3A_614 : i32 to index
        %swap3A_616 = arith.constant 128 : index
        %swap3A_617 = tpu.vector_load %arg8[%swap3A_615, %swap3A_616] {strides = array<i32>} : memref<128x256xf32, #tpu.memory_space<vmem>>, vector<1x16xf32>,
        %swap3A_618 = vector.shape_cast %swap3A_617 : vector<1x16xf32> to vector<16xf32>
        %swap3A_619 = vector.shape_cast %add3A_611 : vector<16xf32> to vector<1x16xf32>
        tpu.vector_store %arg8[%swap3A_615, %swap3A_616], %swap3A_619 {strides = array<i32>} : memref<128x256xf32, #tpu.memory_space<vmem>>, vector<1x16xf32>,
        %add3A_620 = arith.constant 0 : i32
        %add3A_621 = arith.addi %mul3A_54, %add3A_620 : i32
        %get3A_622 = arith.index_cast %add3A_621 : i32 to index
        %get3A_623 = arith.constant 144 : index
        %get3A_624 = tpu.vector_load %arg6[%get3A_622, %get3A_623] {strides = array<i32>} : memref<128x256xf32, #tpu.memory_space<vmem>>, vector<1x16xf32>,
        %get3A_625 = vector.shape_cast %get3A_624 : vector<1x16xf32> to vector<16xf32>
        %add3A_626 = arith.constant 1 : i32
        %add3A_627 = arith.addi %mul3A_54, %add3A_626 : i32
        %get3A_628 = arith.index_cast %add3A_627 : i32 to index
        %get3A_629 = arith.constant 144 : index
        %get3A_630 = tpu.vector_load %arg6[%get3A_628, %get3A_629] {strides = array<i32>} : memref<128x256xf32, #tpu.memory_space<vmem>>, vector<1x16xf32>,
        %get3A_631 = vector.shape_cast %get3A_630 : vector<1x16xf32> to vector<16xf32>
        %add3A_632 = arith.addf %get3A_625, %get3A_631 : vector<16xf32>
        %add3A_633 = arith.constant 2 : i32
        %add3A_634 = arith.addi %mul3A_54, %add3A_633 : i32
        %get3A_635 = arith.index_cast %add3A_634 : i32 to index
        %get3A_636 = arith.constant 144 : index
        %get3A_637 = tpu.vector_load %arg6[%get3A_635, %get3A_636] {strides = array<i32>} : memref<128x256xf32, #tpu.memory_space<vmem>>, vector<1x16xf32>,
        %get3A_638 = vector.shape_cast %get3A_637 : vector<1x16xf32> to vector<16xf32>
        %add3A_639 = arith.constant 3 : i32
        %add3A_640 = arith.addi %mul3A_54, %add3A_639 : i32
        %get3A_641 = arith.index_cast %add3A_640 : i32 to index
        %get3A_642 = arith.constant 144 : index
        %get3A_643 = tpu.vector_load %arg6[%get3A_641, %get3A_642] {strides = array<i32>} : memref<128x256xf32, #tpu.memory_space<vmem>>, vector<1x16xf32>,
        %get3A_644 = vector.shape_cast %get3A_643 : vector<1x16xf32> to vector<16xf32>
        %add3A_645 = arith.addf %get3A_638, %get3A_644 : vector<16xf32>
        %add3A_646 = arith.constant 4 : i32
        %add3A_647 = arith.addi %mul3A_54, %add3A_646 : i32
        %get3A_648 = arith.index_cast %add3A_647 : i32 to index
        %get3A_649 = arith.constant 144 : index
        %get3A_650 = tpu.vector_load %arg6[%get3A_648, %get3A_649] {strides = array<i32>} : memref<128x256xf32, #tpu.memory_space<vmem>>, vector<1x16xf32>,
        %get3A_651 = vector.shape_cast %get3A_650 : vector<1x16xf32> to vector<16xf32>
        %add3A_652 = arith.constant 5 : i32
        %add3A_653 = arith.addi %mul3A_54, %add3A_652 : i32
        %get3A_654 = arith.index_cast %add3A_653 : i32 to index
        %get3A_655 = arith.constant 144 : index
        %get3A_656 = tpu.vector_load %arg6[%get3A_654, %get3A_655] {strides = array<i32>} : memref<128x256xf32, #tpu.memory_space<vmem>>, vector<1x16xf32>,
        %get3A_657 = vector.shape_cast %get3A_656 : vector<1x16xf32> to vector<16xf32>
        %add3A_658 = arith.addf %get3A_651, %get3A_657 : vector<16xf32>
        %add3A_659 = arith.constant 6 : i32
        %add3A_660 = arith.addi %mul3A_54, %add3A_659 : i32
        %get3A_661 = arith.index_cast %add3A_660 : i32 to index
        %get3A_662 = arith.constant 144 : index
        %get3A_663 = tpu.vector_load %arg6[%get3A_661, %get3A_662] {strides = array<i32>} : memref<128x256xf32, #tpu.memory_space<vmem>>, vector<1x16xf32>,
        %get3A_664 = vector.shape_cast %get3A_663 : vector<1x16xf32> to vector<16xf32>
        %add3A_665 = arith.constant 7 : i32
        %add3A_666 = arith.addi %mul3A_54, %add3A_665 : i32
        %get3A_667 = arith.index_cast %add3A_666 : i32 to index
        %get3A_668 = arith.constant 144 : index
        %get3A_669 = tpu.vector_load %arg6[%get3A_667, %get3A_668] {strides = array<i32>} : memref<128x256xf32, #tpu.memory_space<vmem>>, vector<1x16xf32>,
        %get3A_670 = vector.shape_cast %get3A_669 : vector<1x16xf32> to vector<16xf32>
        %add3A_671 = arith.addf %get3A_664, %get3A_670 : vector<16xf32>
        %add3A_672 = arith.addf %add3A_632, %add3A_645 : vector<16xf32>
        %add3A_673 = arith.addf %add3A_658, %add3A_671 : vector<16xf32>
        %add3A_674 = arith.addf %add3A_672, %add3A_673 : vector<16xf32>
        %mul3A_675 = arith.constant 16 : i32
        %mul3A_676 = arith.muli %mul3A_16, %mul3A_675 : i32
        %add3A_677 = arith.addi %mul3A_676, %scan3A_52 : i32
        %swap3A_678 = arith.index_cast %add3A_677 : i32 to index
        %swap3A_679 = arith.constant 144 : index
        %swap3A_680 = tpu.vector_load %arg8[%swap3A_678, %swap3A_679] {strides = array<i32>} : memref<128x256xf32, #tpu.memory_space<vmem>>, vector<1x16xf32>,
        %swap3A_681 = vector.shape_cast %swap3A_680 : vector<1x16xf32> to vector<16xf32>
        %swap3A_682 = vector.shape_cast %add3A_674 : vector<16xf32> to vector<1x16xf32>
        tpu.vector_store %arg8[%swap3A_678, %swap3A_679], %swap3A_682 {strides = array<i32>} : memref<128x256xf32, #tpu.memory_space<vmem>>, vector<1x16xf32>,
        %add3A_683 = arith.constant 0 : i32
        %add3A_684 = arith.addi %mul3A_54, %add3A_683 : i32
        %get3A_685 = arith.index_cast %add3A_684 : i32 to index
        %get3A_686 = arith.constant 160 : index
        %get3A_687 = tpu.vector_load %arg6[%get3A_685, %get3A_686] {strides = array<i32>} : memref<128x256xf32, #tpu.memory_space<vmem>>, vector<1x16xf32>,
        %get3A_688 = vector.shape_cast %get3A_687 : vector<1x16xf32> to vector<16xf32>
        %add3A_689 = arith.constant 1 : i32
        %add3A_690 = arith.addi %mul3A_54, %add3A_689 : i32
        %get3A_691 = arith.index_cast %add3A_690 : i32 to index
        %get3A_692 = arith.constant 160 : index
        %get3A_693 = tpu.vector_load %arg6[%get3A_691, %get3A_692] {strides = array<i32>} : memref<128x256xf32, #tpu.memory_space<vmem>>, vector<1x16xf32>,
        %get3A_694 = vector.shape_cast %get3A_693 : vector<1x16xf32> to vector<16xf32>
        %add3A_695 = arith.addf %get3A_688, %get3A_694 : vector<16xf32>
        %add3A_696 = arith.constant 2 : i32
        %add3A_697 = arith.addi %mul3A_54, %add3A_696 : i32
        %get3A_698 = arith.index_cast %add3A_697 : i32 to index
        %get3A_699 = arith.constant 160 : index
        %get3A_700 = tpu.vector_load %arg6[%get3A_698, %get3A_699] {strides = array<i32>} : memref<128x256xf32, #tpu.memory_space<vmem>>, vector<1x16xf32>,
        %get3A_701 = vector.shape_cast %get3A_700 : vector<1x16xf32> to vector<16xf32>
        %add3A_702 = arith.constant 3 : i32
        %add3A_703 = arith.addi %mul3A_54, %add3A_702 : i32
        %get3A_704 = arith.index_cast %add3A_703 : i32 to index
        %get3A_705 = arith.constant 160 : index
        %get3A_706 = tpu.vector_load %arg6[%get3A_704, %get3A_705] {strides = array<i32>} : memref<128x256xf32, #tpu.memory_space<vmem>>, vector<1x16xf32>,
        %get3A_707 = vector.shape_cast %get3A_706 : vector<1x16xf32> to vector<16xf32>
        %add3A_708 = arith.addf %get3A_701, %get3A_707 : vector<16xf32>
        %add3A_709 = arith.constant 4 : i32
        %add3A_710 = arith.addi %mul3A_54, %add3A_709 : i32
        %get3A_711 = arith.index_cast %add3A_710 : i32 to index
        %get3A_712 = arith.constant 160 : index
        %get3A_713 = tpu.vector_load %arg6[%get3A_711, %get3A_712] {strides = array<i32>} : memref<128x256xf32, #tpu.memory_space<vmem>>, vector<1x16xf32>,
        %get3A_714 = vector.shape_cast %get3A_713 : vector<1x16xf32> to vector<16xf32>
        %add3A_715 = arith.constant 5 : i32
        %add3A_716 = arith.addi %mul3A_54, %add3A_715 : i32
        %get3A_717 = arith.index_cast %add3A_716 : i32 to index
        %get3A_718 = arith.constant 160 : index
        %get3A_719 = tpu.vector_load %arg6[%get3A_717, %get3A_718] {strides = array<i32>} : memref<128x256xf32, #tpu.memory_space<vmem>>, vector<1x16xf32>,
        %get3A_720 = vector.shape_cast %get3A_719 : vector<1x16xf32> to vector<16xf32>
        %add3A_721 = arith.addf %get3A_714, %get3A_720 : vector<16xf32>
        %add3A_722 = arith.constant 6 : i32
        %add3A_723 = arith.addi %mul3A_54, %add3A_722 : i32
        %get3A_724 = arith.index_cast %add3A_723 : i32 to index
        %get3A_725 = arith.constant 160 : index
        %get3A_726 = tpu.vector_load %arg6[%get3A_724, %get3A_725] {strides = array<i32>} : memref<128x256xf32, #tpu.memory_space<vmem>>, vector<1x16xf32>,
        %get3A_727 = vector.shape_cast %get3A_726 : vector<1x16xf32> to vector<16xf32>
        %add3A_728 = arith.constant 7 : i32
        %add3A_729 = arith.addi %mul3A_54, %add3A_728 : i32
        %get3A_730 = arith.index_cast %add3A_729 : i32 to index
        %get3A_731 = arith.constant 160 : index
        %get3A_732 = tpu.vector_load %arg6[%get3A_730, %get3A_731] {strides = array<i32>} : memref<128x256xf32, #tpu.memory_space<vmem>>, vector<1x16xf32>,
        %get3A_733 = vector.shape_cast %get3A_732 : vector<1x16xf32> to vector<16xf32>
        %add3A_734 = arith.addf %get3A_727, %get3A_733 : vector<16xf32>
        %add3A_735 = arith.addf %add3A_695, %add3A_708 : vector<16xf32>
        %add3A_736 = arith.addf %add3A_721, %add3A_734 : vector<16xf32>
        %add3A_737 = arith.addf %add3A_735, %add3A_736 : vector<16xf32>
        %mul3A_738 = arith.constant 16 : i32
        %mul3A_739 = arith.muli %mul3A_16, %mul3A_738 : i32
        %add3A_740 = arith.addi %mul3A_739, %scan3A_52 : i32
        %swap3A_741 = arith.index_cast %add3A_740 : i32 to index
        %swap3A_742 = arith.constant 160 : index
        %swap3A_743 = tpu.vector_load %arg8[%swap3A_741, %swap3A_742] {strides = array<i32>} : memref<128x256xf32, #tpu.memory_space<vmem>>, vector<1x16xf32>,
        %swap3A_744 = vector.shape_cast %swap3A_743 : vector<1x16xf32> to vector<16xf32>
        %swap3A_745 = vector.shape_cast %add3A_737 : vector<16xf32> to vector<1x16xf32>
        tpu.vector_store %arg8[%swap3A_741, %swap3A_742], %swap3A_745 {strides = array<i32>} : memref<128x256xf32, #tpu.memory_space<vmem>>, vector<1x16xf32>,
        %add3A_746 = arith.constant 0 : i32
        %add3A_747 = arith.addi %mul3A_54, %add3A_746 : i32
        %get3A_748 = arith.index_cast %add3A_747 : i32 to index
        %get3A_749 = arith.constant 176 : index
        %get3A_750 = tpu.vector_load %arg6[%get3A_748, %get3A_749] {strides = array<i32>} : memref<128x256xf32, #tpu.memory_space<vmem>>, vector<1x16xf32>,
        %get3A_751 = vector.shape_cast %get3A_750 : vector<1x16xf32> to vector<16xf32>
        %add3A_752 = arith.constant 1 : i32
        %add3A_753 = arith.addi %mul3A_54, %add3A_752 : i32
        %get3A_754 = arith.index_cast %add3A_753 : i32 to index
        %get3A_755 = arith.constant 176 : index
        %get3A_756 = tpu.vector_load %arg6[%get3A_754, %get3A_755] {strides = array<i32>} : memref<128x256xf32, #tpu.memory_space<vmem>>, vector<1x16xf32>,
        %get3A_757 = vector.shape_cast %get3A_756 : vector<1x16xf32> to vector<16xf32>
        %add3A_758 = arith.addf %get3A_751, %get3A_757 : vector<16xf32>
        %add3A_759 = arith.constant 2 : i32
        %add3A_760 = arith.addi %mul3A_54, %add3A_759 : i32
        %get3A_761 = arith.index_cast %add3A_760 : i32 to index
        %get3A_762 = arith.constant 176 : index
        %get3A_763 = tpu.vector_load %arg6[%get3A_761, %get3A_762] {strides = array<i32>} : memref<128x256xf32, #tpu.memory_space<vmem>>, vector<1x16xf32>,
        %get3A_764 = vector.shape_cast %get3A_763 : vector<1x16xf32> to vector<16xf32>
        %add3A_765 = arith.constant 3 : i32
        %add3A_766 = arith.addi %mul3A_54, %add3A_765 : i32
        %get3A_767 = arith.index_cast %add3A_766 : i32 to index
        %get3A_768 = arith.constant 176 : index
        %get3A_769 = tpu.vector_load %arg6[%get3A_767, %get3A_768] {strides = array<i32>} : memref<128x256xf32, #tpu.memory_space<vmem>>, vector<1x16xf32>,
        %get3A_770 = vector.shape_cast %get3A_769 : vector<1x16xf32> to vector<16xf32>
        %add3A_771 = arith.addf %get3A_764, %get3A_770 : vector<16xf32>
        %add3A_772 = arith.constant 4 : i32
        %add3A_773 = arith.addi %mul3A_54, %add3A_772 : i32
        %get3A_774 = arith.index_cast %add3A_773 : i32 to index
        %get3A_775 = arith.constant 176 : index
        %get3A_776 = tpu.vector_load %arg6[%get3A_774, %get3A_775] {strides = array<i32>} : memref<128x256xf32, #tpu.memory_space<vmem>>, vector<1x16xf32>,
        %get3A_777 = vector.shape_cast %get3A_776 : vector<1x16xf32> to vector<16xf32>
        %add3A_778 = arith.constant 5 : i32
        %add3A_779 = arith.addi %mul3A_54, %add3A_778 : i32
        %get3A_780 = arith.index_cast %add3A_779 : i32 to index
        %get3A_781 = arith.constant 176 : index
        %get3A_782 = tpu.vector_load %arg6[%get3A_780, %get3A_781] {strides = array<i32>} : memref<128x256xf32, #tpu.memory_space<vmem>>, vector<1x16xf32>,
        %get3A_783 = vector.shape_cast %get3A_782 : vector<1x16xf32> to vector<16xf32>
        %add3A_784 = arith.addf %get3A_777, %get3A_783 : vector<16xf32>
        %add3A_785 = arith.constant 6 : i32
        %add3A_786 = arith.addi %mul3A_54, %add3A_785 : i32
        %get3A_787 = arith.index_cast %add3A_786 : i32 to index
        %get3A_788 = arith.constant 176 : index
        %get3A_789 = tpu.vector_load %arg6[%get3A_787, %get3A_788] {strides = array<i32>} : memref<128x256xf32, #tpu.memory_space<vmem>>, vector<1x16xf32>,
        %get3A_790 = vector.shape_cast %get3A_789 : vector<1x16xf32> to vector<16xf32>
        %add3A_791 = arith.constant 7 : i32
        %add3A_792 = arith.addi %mul3A_54, %add3A_791 : i32
        %get3A_793 = arith.index_cast %add3A_792 : i32 to index
        %get3A_794 = arith.constant 176 : index
        %get3A_795 = tpu.vector_load %arg6[%get3A_793, %get3A_794] {strides = array<i32>} : memref<128x256xf32, #tpu.memory_space<vmem>>, vector<1x16xf32>,
        %get3A_796 = vector.shape_cast %get3A_795 : vector<1x16xf32> to vector<16xf32>
        %add3A_797 = arith.addf %get3A_790, %get3A_796 : vector<16xf32>
        %add3A_798 = arith.addf %add3A_758, %add3A_771 : vector<16xf32>
        %add3A_799 = arith.addf %add3A_784, %add3A_797 : vector<16xf32>
        %add3A_800 = arith.addf %add3A_798, %add3A_799 : vector<16xf32>
        %mul3A_801 = arith.constant 16 : i32
        %mul3A_802 = arith.muli %mul3A_16, %mul3A_801 : i32
        %add3A_803 = arith.addi %mul3A_802, %scan3A_52 : i32
        %swap3A_804 = arith.index_cast %add3A_803 : i32 to index
        %swap3A_805 = arith.constant 176 : index
        %swap3A_806 = tpu.vector_load %arg8[%swap3A_804, %swap3A_805] {strides = array<i32>} : memref<128x256xf32, #tpu.memory_space<vmem>>, vector<1x16xf32>,
        %swap3A_807 = vector.shape_cast %swap3A_806 : vector<1x16xf32> to vector<16xf32>
        %swap3A_808 = vector.shape_cast %add3A_800 : vector<16xf32> to vector<1x16xf32>
        tpu.vector_store %arg8[%swap3A_804, %swap3A_805], %swap3A_808 {strides = array<i32>} : memref<128x256xf32, #tpu.memory_space<vmem>>, vector<1x16xf32>,
        %add3A_809 = arith.constant 0 : i32
        %add3A_810 = arith.addi %mul3A_54, %add3A_809 : i32
        %get3A_811 = arith.index_cast %add3A_810 : i32 to index
        %get3A_812 = arith.constant 192 : index
        %get3A_813 = tpu.vector_load %arg6[%get3A_811, %get3A_812] {strides = array<i32>} : memref<128x256xf32, #tpu.memory_space<vmem>>, vector<1x16xf32>,
        %get3A_814 = vector.shape_cast %get3A_813 : vector<1x16xf32> to vector<16xf32>
        %add3A_815 = arith.constant 1 : i32
        %add3A_816 = arith.addi %mul3A_54, %add3A_815 : i32
        %get3A_817 = arith.index_cast %add3A_816 : i32 to index
        %get3A_818 = arith.constant 192 : index
        %get3A_819 = tpu.vector_load %arg6[%get3A_817, %get3A_818] {strides = array<i32>} : memref<128x256xf32, #tpu.memory_space<vmem>>, vector<1x16xf32>,
        %get3A_820 = vector.shape_cast %get3A_819 : vector<1x16xf32> to vector<16xf32>
        %add3A_821 = arith.addf %get3A_814, %get3A_820 : vector<16xf32>
        %add3A_822 = arith.constant 2 : i32
        %add3A_823 = arith.addi %mul3A_54, %add3A_822 : i32
        %get3A_824 = arith.index_cast %add3A_823 : i32 to index
        %get3A_825 = arith.constant 192 : index
        %get3A_826 = tpu.vector_load %arg6[%get3A_824, %get3A_825] {strides = array<i32>} : memref<128x256xf32, #tpu.memory_space<vmem>>, vector<1x16xf32>,
        %get3A_827 = vector.shape_cast %get3A_826 : vector<1x16xf32> to vector<16xf32>
        %add3A_828 = arith.constant 3 : i32
        %add3A_829 = arith.addi %mul3A_54, %add3A_828 : i32
        %get3A_830 = arith.index_cast %add3A_829 : i32 to index
        %get3A_831 = arith.constant 192 : index
        %get3A_832 = tpu.vector_load %arg6[%get3A_830, %get3A_831] {strides = array<i32>} : memref<128x256xf32, #tpu.memory_space<vmem>>, vector<1x16xf32>,
        %get3A_833 = vector.shape_cast %get3A_832 : vector<1x16xf32> to vector<16xf32>
        %add3A_834 = arith.addf %get3A_827, %get3A_833 : vector<16xf32>
        %add3A_835 = arith.constant 4 : i32
        %add3A_836 = arith.addi %mul3A_54, %add3A_835 : i32
        %get3A_837 = arith.index_cast %add3A_836 : i32 to index
        %get3A_838 = arith.constant 192 : index
        %get3A_839 = tpu.vector_load %arg6[%get3A_837, %get3A_838] {strides = array<i32>} : memref<128x256xf32, #tpu.memory_space<vmem>>, vector<1x16xf32>,
        %get3A_840 = vector.shape_cast %get3A_839 : vector<1x16xf32> to vector<16xf32>
        %add3A_841 = arith.constant 5 : i32
        %add3A_842 = arith.addi %mul3A_54, %add3A_841 : i32
        %get3A_843 = arith.index_cast %add3A_842 : i32 to index
        %get3A_844 = arith.constant 192 : index
        %get3A_845 = tpu.vector_load %arg6[%get3A_843, %get3A_844] {strides = array<i32>} : memref<128x256xf32, #tpu.memory_space<vmem>>, vector<1x16xf32>,
        %get3A_846 = vector.shape_cast %get3A_845 : vector<1x16xf32> to vector<16xf32>
        %add3A_847 = arith.addf %get3A_840, %get3A_846 : vector<16xf32>
        %add3A_848 = arith.constant 6 : i32
        %add3A_849 = arith.addi %mul3A_54, %add3A_848 : i32
        %get3A_850 = arith.index_cast %add3A_849 : i32 to index
        %get3A_851 = arith.constant 192 : index
        %get3A_852 = tpu.vector_load %arg6[%get3A_850, %get3A_851] {strides = array<i32>} : memref<128x256xf32, #tpu.memory_space<vmem>>, vector<1x16xf32>,
        %get3A_853 = vector.shape_cast %get3A_852 : vector<1x16xf32> to vector<16xf32>
        %add3A_854 = arith.constant 7 : i32
        %add3A_855 = arith.addi %mul3A_54, %add3A_854 : i32
        %get3A_856 = arith.index_cast %add3A_855 : i32 to index
        %get3A_857 = arith.constant 192 : index
        %get3A_858 = tpu.vector_load %arg6[%get3A_856, %get3A_857] {strides = array<i32>} : memref<128x256xf32, #tpu.memory_space<vmem>>, vector<1x16xf32>,
        %get3A_859 = vector.shape_cast %get3A_858 : vector<1x16xf32> to vector<16xf32>
        %add3A_860 = arith.addf %get3A_853, %get3A_859 : vector<16xf32>
        %add3A_861 = arith.addf %add3A_821, %add3A_834 : vector<16xf32>
        %add3A_862 = arith.addf %add3A_847, %add3A_860 : vector<16xf32>
        %add3A_863 = arith.addf %add3A_861, %add3A_862 : vector<16xf32>
        %mul3A_864 = arith.constant 16 : i32
        %mul3A_865 = arith.muli %mul3A_16, %mul3A_864 : i32
        %add3A_866 = arith.addi %mul3A_865, %scan3A_52 : i32
        %swap3A_867 = arith.index_cast %add3A_866 : i32 to index
        %swap3A_868 = arith.constant 192 : index
        %swap3A_869 = tpu.vector_load %arg8[%swap3A_867, %swap3A_868] {strides = array<i32>} : memref<128x256xf32, #tpu.memory_space<vmem>>, vector<1x16xf32>,
        %swap3A_870 = vector.shape_cast %swap3A_869 : vector<1x16xf32> to vector<16xf32>
        %swap3A_871 = vector.shape_cast %add3A_863 : vector<16xf32> to vector<1x16xf32>
        tpu.vector_store %arg8[%swap3A_867, %swap3A_868], %swap3A_871 {strides = array<i32>} : memref<128x256xf32, #tpu.memory_space<vmem>>, vector<1x16xf32>,
        %add3A_872 = arith.constant 0 : i32
        %add3A_873 = arith.addi %mul3A_54, %add3A_872 : i32
        %get3A_874 = arith.index_cast %add3A_873 : i32 to index
        %get3A_875 = arith.constant 208 : index
        %get3A_876 = tpu.vector_load %arg6[%get3A_874, %get3A_875] {strides = array<i32>} : memref<128x256xf32, #tpu.memory_space<vmem>>, vector<1x16xf32>,
        %get3A_877 = vector.shape_cast %get3A_876 : vector<1x16xf32> to vector<16xf32>
        %add3A_878 = arith.constant 1 : i32
        %add3A_879 = arith.addi %mul3A_54, %add3A_878 : i32
        %get3A_880 = arith.index_cast %add3A_879 : i32 to index
        %get3A_881 = arith.constant 208 : index
        %get3A_882 = tpu.vector_load %arg6[%get3A_880, %get3A_881] {strides = array<i32>} : memref<128x256xf32, #tpu.memory_space<vmem>>, vector<1x16xf32>,
        %get3A_883 = vector.shape_cast %get3A_882 : vector<1x16xf32> to vector<16xf32>
        %add3A_884 = arith.addf %get3A_877, %get3A_883 : vector<16xf32>
        %add3A_885 = arith.constant 2 : i32
        %add3A_886 = arith.addi %mul3A_54, %add3A_885 : i32
        %get3A_887 = arith.index_cast %add3A_886 : i32 to index
        %get3A_888 = arith.constant 208 : index
        %get3A_889 = tpu.vector_load %arg6[%get3A_887, %get3A_888] {strides = array<i32>} : memref<128x256xf32, #tpu.memory_space<vmem>>, vector<1x16xf32>,
        %get3A_890 = vector.shape_cast %get3A_889 : vector<1x16xf32> to vector<16xf32>
        %add3A_891 = arith.constant 3 : i32
        %add3A_892 = arith.addi %mul3A_54, %add3A_891 : i32
        %get3A_893 = arith.index_cast %add3A_892 : i32 to index
        %get3A_894 = arith.constant 208 : index
        %get3A_895 = tpu.vector_load %arg6[%get3A_893, %get3A_894] {strides = array<i32>} : memref<128x256xf32, #tpu.memory_space<vmem>>, vector<1x16xf32>,
        %get3A_896 = vector.shape_cast %get3A_895 : vector<1x16xf32> to vector<16xf32>
        %add3A_897 = arith.addf %get3A_890, %get3A_896 : vector<16xf32>
        %add3A_898 = arith.constant 4 : i32
        %add3A_899 = arith.addi %mul3A_54, %add3A_898 : i32
        %get3A_900 = arith.index_cast %add3A_899 : i32 to index
        %get3A_901 = arith.constant 208 : index
        %get3A_902 = tpu.vector_load %arg6[%get3A_900, %get3A_901] {strides = array<i32>} : memref<128x256xf32, #tpu.memory_space<vmem>>, vector<1x16xf32>,
        %get3A_903 = vector.shape_cast %get3A_902 : vector<1x16xf32> to vector<16xf32>
        %add3A_904 = arith.constant 5 : i32
        %add3A_905 = arith.addi %mul3A_54, %add3A_904 : i32
        %get3A_906 = arith.index_cast %add3A_905 : i32 to index
        %get3A_907 = arith.constant 208 : index
        %get3A_908 = tpu.vector_load %arg6[%get3A_906, %get3A_907] {strides = array<i32>} : memref<128x256xf32, #tpu.memory_space<vmem>>, vector<1x16xf32>,
        %get3A_909 = vector.shape_cast %get3A_908 : vector<1x16xf32> to vector<16xf32>
        %add3A_910 = arith.addf %get3A_903, %get3A_909 : vector<16xf32>
        %add3A_911 = arith.constant 6 : i32
        %add3A_912 = arith.addi %mul3A_54, %add3A_911 : i32
        %get3A_913 = arith.index_cast %add3A_912 : i32 to index
        %get3A_914 = arith.constant 208 : index
        %get3A_915 = tpu.vector_load %arg6[%get3A_913, %get3A_914] {strides = array<i32>} : memref<128x256xf32, #tpu.memory_space<vmem>>, vector<1x16xf32>,
        %get3A_916 = vector.shape_cast %get3A_915 : vector<1x16xf32> to vector<16xf32>
        %add3A_917 = arith.constant 7 : i32
        %add3A_918 = arith.addi %mul3A_54, %add3A_917 : i32
        %get3A_919 = arith.index_cast %add3A_918 : i32 to index
        %get3A_920 = arith.constant 208 : index
        %get3A_921 = tpu.vector_load %arg6[%get3A_919, %get3A_920] {strides = array<i32>} : memref<128x256xf32, #tpu.memory_space<vmem>>, vector<1x16xf32>,
        %get3A_922 = vector.shape_cast %get3A_921 : vector<1x16xf32> to vector<16xf32>
        %add3A_923 = arith.addf %get3A_916, %get3A_922 : vector<16xf32>
        %add3A_924 = arith.addf %add3A_884, %add3A_897 : vector<16xf32>
        %add3A_925 = arith.addf %add3A_910, %add3A_923 : vector<16xf32>
        %add3A_926 = arith.addf %add3A_924, %add3A_925 : vector<16xf32>
        %mul3A_927 = arith.constant 16 : i32
        %mul3A_928 = arith.muli %mul3A_16, %mul3A_927 : i32
        %add3A_929 = arith.addi %mul3A_928, %scan3A_52 : i32
        %swap3A_930 = arith.index_cast %add3A_929 : i32 to index
        %swap3A_931 = arith.constant 208 : index
        %swap3A_932 = tpu.vector_load %arg8[%swap3A_930, %swap3A_931] {strides = array<i32>} : memref<128x256xf32, #tpu.memory_space<vmem>>, vector<1x16xf32>,
        %swap3A_933 = vector.shape_cast %swap3A_932 : vector<1x16xf32> to vector<16xf32>
        %swap3A_934 = vector.shape_cast %add3A_926 : vector<16xf32> to vector<1x16xf32>
        tpu.vector_store %arg8[%swap3A_930, %swap3A_931], %swap3A_934 {strides = array<i32>} : memref<128x256xf32, #tpu.memory_space<vmem>>, vector<1x16xf32>,
        %add3A_935 = arith.constant 0 : i32
        %add3A_936 = arith.addi %mul3A_54, %add3A_935 : i32
        %get3A_937 = arith.index_cast %add3A_936 : i32 to index
        %get3A_938 = arith.constant 224 : index
        %get3A_939 = tpu.vector_load %arg6[%get3A_937, %get3A_938] {strides = array<i32>} : memref<128x256xf32, #tpu.memory_space<vmem>>, vector<1x16xf32>,
        %get3A_940 = vector.shape_cast %get3A_939 : vector<1x16xf32> to vector<16xf32>
        %add3A_941 = arith.constant 1 : i32
        %add3A_942 = arith.addi %mul3A_54, %add3A_941 : i32
        %get3A_943 = arith.index_cast %add3A_942 : i32 to index
        %get3A_944 = arith.constant 224 : index
        %get3A_945 = tpu.vector_load %arg6[%get3A_943, %get3A_944] {strides = array<i32>} : memref<128x256xf32, #tpu.memory_space<vmem>>, vector<1x16xf32>,
        %get3A_946 = vector.shape_cast %get3A_945 : vector<1x16xf32> to vector<16xf32>
        %add3A_947 = arith.addf %get3A_940, %get3A_946 : vector<16xf32>
        %add3A_948 = arith.constant 2 : i32
        %add3A_949 = arith.addi %mul3A_54, %add3A_948 : i32
        %get3A_950 = arith.index_cast %add3A_949 : i32 to index
        %get3A_951 = arith.constant 224 : index
        %get3A_952 = tpu.vector_load %arg6[%get3A_950, %get3A_951] {strides = array<i32>} : memref<128x256xf32, #tpu.memory_space<vmem>>, vector<1x16xf32>,
        %get3A_953 = vector.shape_cast %get3A_952 : vector<1x16xf32> to vector<16xf32>
        %add3A_954 = arith.constant 3 : i32
        %add3A_955 = arith.addi %mul3A_54, %add3A_954 : i32
        %get3A_956 = arith.index_cast %add3A_955 : i32 to index
        %get3A_957 = arith.constant 224 : index
        %get3A_958 = tpu.vector_load %arg6[%get3A_956, %get3A_957] {strides = array<i32>} : memref<128x256xf32, #tpu.memory_space<vmem>>, vector<1x16xf32>,
        %get3A_959 = vector.shape_cast %get3A_958 : vector<1x16xf32> to vector<16xf32>
        %add3A_960 = arith.addf %get3A_953, %get3A_959 : vector<16xf32>
        %add3A_961 = arith.constant 4 : i32
        %add3A_962 = arith.addi %mul3A_54, %add3A_961 : i32
        %get3A_963 = arith.index_cast %add3A_962 : i32 to index
        %get3A_964 = arith.constant 224 : index
        %get3A_965 = tpu.vector_load %arg6[%get3A_963, %get3A_964] {strides = array<i32>} : memref<128x256xf32, #tpu.memory_space<vmem>>, vector<1x16xf32>,
        %get3A_966 = vector.shape_cast %get3A_965 : vector<1x16xf32> to vector<16xf32>
        %add3A_967 = arith.constant 5 : i32
        %add3A_968 = arith.addi %mul3A_54, %add3A_967 : i32
        %get3A_969 = arith.index_cast %add3A_968 : i32 to index
        %get3A_970 = arith.constant 224 : index
        %get3A_971 = tpu.vector_load %arg6[%get3A_969, %get3A_970] {strides = array<i32>} : memref<128x256xf32, #tpu.memory_space<vmem>>, vector<1x16xf32>,
        %get3A_972 = vector.shape_cast %get3A_971 : vector<1x16xf32> to vector<16xf32>
        %add3A_973 = arith.addf %get3A_966, %get3A_972 : vector<16xf32>
        %add3A_974 = arith.constant 6 : i32
        %add3A_975 = arith.addi %mul3A_54, %add3A_974 : i32
        %get3A_976 = arith.index_cast %add3A_975 : i32 to index
        %get3A_977 = arith.constant 224 : index
        %get3A_978 = tpu.vector_load %arg6[%get3A_976, %get3A_977] {strides = array<i32>} : memref<128x256xf32, #tpu.memory_space<vmem>>, vector<1x16xf32>,
        %get3A_979 = vector.shape_cast %get3A_978 : vector<1x16xf32> to vector<16xf32>
        %add3A_980 = arith.constant 7 : i32
        %add3A_981 = arith.addi %mul3A_54, %add3A_980 : i32
        %get3A_982 = arith.index_cast %add3A_981 : i32 to index
        %get3A_983 = arith.constant 224 : index
        %get3A_984 = tpu.vector_load %arg6[%get3A_982, %get3A_983] {strides = array<i32>} : memref<128x256xf32, #tpu.memory_space<vmem>>, vector<1x16xf32>,
        %get3A_985 = vector.shape_cast %get3A_984 : vector<1x16xf32> to vector<16xf32>
        %add3A_986 = arith.addf %get3A_979, %get3A_985 : vector<16xf32>
        %add3A_987 = arith.addf %add3A_947, %add3A_960 : vector<16xf32>
        %add3A_988 = arith.addf %add3A_973, %add3A_986 : vector<16xf32>
        %add3A_989 = arith.addf %add3A_987, %add3A_988 : vector<16xf32>
        %mul3A_990 = arith.constant 16 : i32
        %mul3A_991 = arith.muli %mul3A_16, %mul3A_990 : i32
        %add3A_992 = arith.addi %mul3A_991, %scan3A_52 : i32
        %swap3A_993 = arith.index_cast %add3A_992 : i32 to index
        %swap3A_994 = arith.constant 224 : index
        %swap3A_995 = tpu.vector_load %arg8[%swap3A_993, %swap3A_994] {strides = array<i32>} : memref<128x256xf32, #tpu.memory_space<vmem>>, vector<1x16xf32>,
        %swap3A_996 = vector.shape_cast %swap3A_995 : vector<1x16xf32> to vector<16xf32>
        %swap3A_997 = vector.shape_cast %add3A_989 : vector<16xf32> to vector<1x16xf32>
        tpu.vector_store %arg8[%swap3A_993, %swap3A_994], %swap3A_997 {strides = array<i32>} : memref<128x256xf32, #tpu.memory_space<vmem>>, vector<1x16xf32>,
        %add3A_998 = arith.constant 0 : i32
        %add3A_999 = arith.addi %mul3A_54, %add3A_998 : i32
        %get3A_1000 = arith.index_cast %add3A_999 : i32 to index
        %get3A_1001 = arith.constant 240 : index
        %get3A_1002 = tpu.vector_load %arg6[%get3A_1000, %get3A_1001] {strides = array<i32>} : memref<128x256xf32, #tpu.memory_space<vmem>>, vector<1x16xf32>,
        %get3A_1003 = vector.shape_cast %get3A_1002 : vector<1x16xf32> to vector<16xf32>
        %add3A_1004 = arith.constant 1 : i32
        %add3A_1005 = arith.addi %mul3A_54, %add3A_1004 : i32
        %get3A_1006 = arith.index_cast %add3A_1005 : i32 to index
        %get3A_1007 = arith.constant 240 : index
        %get3A_1008 = tpu.vector_load %arg6[%get3A_1006, %get3A_1007] {strides = array<i32>} : memref<128x256xf32, #tpu.memory_space<vmem>>, vector<1x16xf32>,
        %get3A_1009 = vector.shape_cast %get3A_1008 : vector<1x16xf32> to vector<16xf32>
        %add3A_1010 = arith.addf %get3A_1003, %get3A_1009 : vector<16xf32>
        %add3A_1011 = arith.constant 2 : i32
        %add3A_1012 = arith.addi %mul3A_54, %add3A_1011 : i32
        %get3A_1013 = arith.index_cast %add3A_1012 : i32 to index
        %get3A_1014 = arith.constant 240 : index
        %get3A_1015 = tpu.vector_load %arg6[%get3A_1013, %get3A_1014] {strides = array<i32>} : memref<128x256xf32, #tpu.memory_space<vmem>>, vector<1x16xf32>,
        %get3A_1016 = vector.shape_cast %get3A_1015 : vector<1x16xf32> to vector<16xf32>
        %add3A_1017 = arith.constant 3 : i32
        %add3A_1018 = arith.addi %mul3A_54, %add3A_1017 : i32
        %get3A_1019 = arith.index_cast %add3A_1018 : i32 to index
        %get3A_1020 = arith.constant 240 : index
        %get3A_1021 = tpu.vector_load %arg6[%get3A_1019, %get3A_1020] {strides = array<i32>} : memref<128x256xf32, #tpu.memory_space<vmem>>, vector<1x16xf32>,
        %get3A_1022 = vector.shape_cast %get3A_1021 : vector<1x16xf32> to vector<16xf32>
        %add3A_1023 = arith.addf %get3A_1016, %get3A_1022 : vector<16xf32>
        %add3A_1024 = arith.constant 4 : i32
        %add3A_1025 = arith.addi %mul3A_54, %add3A_1024 : i32
        %get3A_1026 = arith.index_cast %add3A_1025 : i32 to index
        %get3A_1027 = arith.constant 240 : index
        %get3A_1028 = tpu.vector_load %arg6[%get3A_1026, %get3A_1027] {strides = array<i32>} : memref<128x256xf32, #tpu.memory_space<vmem>>, vector<1x16xf32>,
        %get3A_1029 = vector.shape_cast %get3A_1028 : vector<1x16xf32> to vector<16xf32>
        %add3A_1030 = arith.constant 5 : i32
        %add3A_1031 = arith.addi %mul3A_54, %add3A_1030 : i32
        %get3A_1032 = arith.index_cast %add3A_1031 : i32 to index
        %get3A_1033 = arith.constant 240 : index
        %get3A_1034 = tpu.vector_load %arg6[%get3A_1032, %get3A_1033] {strides = array<i32>} : memref<128x256xf32, #tpu.memory_space<vmem>>, vector<1x16xf32>,
        %get3A_1035 = vector.shape_cast %get3A_1034 : vector<1x16xf32> to vector<16xf32>
        %add3A_1036 = arith.addf %get3A_1029, %get3A_1035 : vector<16xf32>
        %add3A_1037 = arith.constant 6 : i32
        %add3A_1038 = arith.addi %mul3A_54, %add3A_1037 : i32
        %get3A_1039 = arith.index_cast %add3A_1038 : i32 to index
        %get3A_1040 = arith.constant 240 : index
        %get3A_1041 = tpu.vector_load %arg6[%get3A_1039, %get3A_1040] {strides = array<i32>} : memref<128x256xf32, #tpu.memory_space<vmem>>, vector<1x16xf32>,
        %get3A_1042 = vector.shape_cast %get3A_1041 : vector<1x16xf32> to vector<16xf32>
        %add3A_1043 = arith.constant 7 : i32
        %add3A_1044 = arith.addi %mul3A_54, %add3A_1043 : i32
        %get3A_1045 = arith.index_cast %add3A_1044 : i32 to index
        %get3A_1046 = arith.constant 240 : index
        %get3A_1047 = tpu.vector_load %arg6[%get3A_1045, %get3A_1046] {strides = array<i32>} : memref<128x256xf32, #tpu.memory_space<vmem>>, vector<1x16xf32>,
        %get3A_1048 = vector.shape_cast %get3A_1047 : vector<1x16xf32> to vector<16xf32>
        %add3A_1049 = arith.addf %get3A_1042, %get3A_1048 : vector<16xf32>
        %add3A_1050 = arith.addf %add3A_1010, %add3A_1023 : vector<16xf32>
        %add3A_1051 = arith.addf %add3A_1036, %add3A_1049 : vector<16xf32>
        %add3A_1052 = arith.addf %add3A_1050, %add3A_1051 : vector<16xf32>
        %mul3A_1053 = arith.constant 16 : i32
        %mul3A_1054 = arith.muli %mul3A_16, %mul3A_1053 : i32
        %add3A_1055 = arith.addi %mul3A_1054, %scan3A_52 : i32
        %swap3A_1056 = arith.index_cast %add3A_1055 : i32 to index
        %swap3A_1057 = arith.constant 240 : index
        %swap3A_1058 = tpu.vector_load %arg8[%swap3A_1056, %swap3A_1057] {strides = array<i32>} : memref<128x256xf32, #tpu.memory_space<vmem>>, vector<1x16xf32>,
        %swap3A_1059 = vector.shape_cast %swap3A_1058 : vector<1x16xf32> to vector<16xf32>
        %swap3A_1060 = vector.shape_cast %add3A_1052 : vector<16xf32> to vector<1x16xf32>
        tpu.vector_store %arg8[%swap3A_1056, %swap3A_1057], %swap3A_1060 {strides = array<i32>} : memref<128x256xf32, #tpu.memory_space<vmem>>, vector<1x16xf32>,
      }
      %scan3A_35 = arith.constant 16 : i32
      %add3A_36 = arith.constant 2 : i32
      %add3A_37 = arith.addi %mul3A_16, %add3A_36 : i32
      %lt3A = arith.constant 8 : i32
      %lt3A_38 = arith.cmpi slt, %add3A_37, %lt3A : i32
      %convert_element_type3A = arith.extui %lt3A_38 : i1 to i32
      %cond3A = arith.constant 0 : i32
      %cond3A_39 = arith.cmpi ne, %convert_element_type3A, %cond3A : i32
      scf.if %cond3A_39 {
        %add3A_52 = arith.constant 2 : i32
        %add3A_53 = arith.addi %mul3A_16, %add3A_52 : i32
        %dma_start3A_54 = arith.constant 0 : i32
        %dma_start3A_55 = tpu.memref_slice %arg5[%add3A_53, %dma_start3A_54] : memref<8x128xi32, #tpu.memory_space<vmem>> -> memref<1x128xi32, #tpu.memory_space<vmem>>
        %dma_start3A_56 = tpu.memref_squeeze %dma_start3A_55 : memref<1x128xi32, #tpu.memory_space<vmem>> -> memref<128xi32, #tpu.memory_space<vmem>>
        %dma_start3A_57 = arith.constant 0 : i32
        %dma_start3A_58 = arith.constant 0 : i32
        %dma_start3A_59 = tpu.memref_slice %arg2[%dma_start3A_57, %dma_start3A_58] : memref<4096x256xf32, #tpu.memory_space<hbm>> -> memref<4096x256xf32, #tpu.memory_space<hbm>>
        tpu.enqueue_indirect_dma source(%dma_start3A_59 : memref<4096x256xf32, #tpu.memory_space<hbm>>) target(%arg6 : memref<128x256xf32, #tpu.memory_space<vmem>>) offsets(%dma_start3A_56 : memref<128xi32, #tpu.memory_space<vmem>>) semaphore(%arg9 : memref<!tpu.dma_semaphore, #tpu.memory_space<semaphore_mem>>)
      } else {
      }
      %dma_wait3A_40 = arith.constant 0 : i32
      %dma_wait3A_41 = tpu.memref_slice %arg5[%add3A_18, %dma_wait3A_40] : memref<8x128xi32, #tpu.memory_space<vmem>> -> memref<1x128xi32, #tpu.memory_space<vmem>>
      %dma_wait3A_42 = tpu.memref_squeeze %dma_wait3A_41 : memref<1x128xi32, #tpu.memory_space<vmem>> -> memref<128xi32, #tpu.memory_space<vmem>>
      %dma_wait3A_43 = arith.constant 0 : i32
      %dma_wait3A_44 = arith.constant 0 : i32
      %dma_wait3A_45 = tpu.memref_slice %arg2[%dma_wait3A_43, %dma_wait3A_44] : memref<4096x256xf32, #tpu.memory_space<hbm>> -> memref<4096x256xf32, #tpu.memory_space<hbm>>
      tpu.wait_indirect_dma semaphore(%arg10 : memref<!tpu.dma_semaphore, #tpu.memory_space<semaphore_mem>>) src(%dma_wait3A_45 : memref<4096x256xf32, #tpu.memory_space<hbm>>) dst(%arg7 : memref<128x256xf32, #tpu.memory_space<vmem>>)
      %scan3A_46 = arith.constant 0 : i32
      %scan3A_47 = arith.constant 0 : i32
      %scan3A_48 = arith.constant 16 : i32
      %scan3A_49 = arith.addi %scan3A_47, %scan3A_48 : i32
      %scan3A_50 = arith.constant 1 : i32
      scf.for %scan3A_52 = %scan3A_47 to %scan3A_49 step %scan3A_50  : i32 {
        %mul3A_53 = arith.constant 8 : i32
        %mul3A_54 = arith.muli %scan3A_52, %mul3A_53 : i32
        %add3A_55 = arith.constant 0 : i32
        %add3A_56 = arith.addi %mul3A_54, %add3A_55 : i32
        %get3A = arith.index_cast %add3A_56 : i32 to index
        %get3A_57 = arith.constant 0 : index
        %get3A_58 = tpu.vector_load %arg7[%get3A, %get3A_57] {strides = array<i32>} : memref<128x256xf32, #tpu.memory_space<vmem>>, vector<1x16xf32>,
        %get3A_59 = vector.shape_cast %get3A_58 : vector<1x16xf32> to vector<16xf32>
        %add3A_60 = arith.constant 1 : i32
        %add3A_61 = arith.addi %mul3A_54, %add3A_60 : i32
        %get3A_62 = arith.index_cast %add3A_61 : i32 to index
        %get3A_63 = arith.constant 0 : index
        %get3A_64 = tpu.vector_load %arg7[%get3A_62, %get3A_63] {strides = array<i32>} : memref<128x256xf32, #tpu.memory_space<vmem>>, vector<1x16xf32>,
        %get3A_65 = vector.shape_cast %get3A_64 : vector<1x16xf32> to vector<16xf32>
        %add3A_66 = arith.addf %get3A_59, %get3A_65 : vector<16xf32>
        %add3A_67 = arith.constant 2 : i32
        %add3A_68 = arith.addi %mul3A_54, %add3A_67 : i32
        %get3A_69 = arith.index_cast %add3A_68 : i32 to index
        %get3A_70 = arith.constant 0 : index
        %get3A_71 = tpu.vector_load %arg7[%get3A_69, %get3A_70] {strides = array<i32>} : memref<128x256xf32, #tpu.memory_space<vmem>>, vector<1x16xf32>,
        %get3A_72 = vector.shape_cast %get3A_71 : vector<1x16xf32> to vector<16xf32>
        %add3A_73 = arith.constant 3 : i32
        %add3A_74 = arith.addi %mul3A_54, %add3A_73 : i32
        %get3A_75 = arith.index_cast %add3A_74 : i32 to index
        %get3A_76 = arith.constant 0 : index
        %get3A_77 = tpu.vector_load %arg7[%get3A_75, %get3A_76] {strides = array<i32>} : memref<128x256xf32, #tpu.memory_space<vmem>>, vector<1x16xf32>,
        %get3A_78 = vector.shape_cast %get3A_77 : vector<1x16xf32> to vector<16xf32>
        %add3A_79 = arith.addf %get3A_72, %get3A_78 : vector<16xf32>
        %add3A_80 = arith.constant 4 : i32
        %add3A_81 = arith.addi %mul3A_54, %add3A_80 : i32
        %get3A_82 = arith.index_cast %add3A_81 : i32 to index
        %get3A_83 = arith.constant 0 : index
        %get3A_84 = tpu.vector_load %arg7[%get3A_82, %get3A_83] {strides = array<i32>} : memref<128x256xf32, #tpu.memory_space<vmem>>, vector<1x16xf32>,
        %get3A_85 = vector.shape_cast %get3A_84 : vector<1x16xf32> to vector<16xf32>
        %add3A_86 = arith.constant 5 : i32
        %add3A_87 = arith.addi %mul3A_54, %add3A_86 : i32
        %get3A_88 = arith.index_cast %add3A_87 : i32 to index
        %get3A_89 = arith.constant 0 : index
        %get3A_90 = tpu.vector_load %arg7[%get3A_88, %get3A_89] {strides = array<i32>} : memref<128x256xf32, #tpu.memory_space<vmem>>, vector<1x16xf32>,
        %get3A_91 = vector.shape_cast %get3A_90 : vector<1x16xf32> to vector<16xf32>
        %add3A_92 = arith.addf %get3A_85, %get3A_91 : vector<16xf32>
        %add3A_93 = arith.constant 6 : i32
        %add3A_94 = arith.addi %mul3A_54, %add3A_93 : i32
        %get3A_95 = arith.index_cast %add3A_94 : i32 to index
        %get3A_96 = arith.constant 0 : index
        %get3A_97 = tpu.vector_load %arg7[%get3A_95, %get3A_96] {strides = array<i32>} : memref<128x256xf32, #tpu.memory_space<vmem>>, vector<1x16xf32>,
        %get3A_98 = vector.shape_cast %get3A_97 : vector<1x16xf32> to vector<16xf32>
        %add3A_99 = arith.constant 7 : i32
        %add3A_100 = arith.addi %mul3A_54, %add3A_99 : i32
        %get3A_101 = arith.index_cast %add3A_100 : i32 to index
        %get3A_102 = arith.constant 0 : index
        %get3A_103 = tpu.vector_load %arg7[%get3A_101, %get3A_102] {strides = array<i32>} : memref<128x256xf32, #tpu.memory_space<vmem>>, vector<1x16xf32>,
        %get3A_104 = vector.shape_cast %get3A_103 : vector<1x16xf32> to vector<16xf32>
        %add3A_105 = arith.addf %get3A_98, %get3A_104 : vector<16xf32>
        %add3A_106 = arith.addf %add3A_66, %add3A_79 : vector<16xf32>
        %add3A_107 = arith.addf %add3A_92, %add3A_105 : vector<16xf32>
        %add3A_108 = arith.addf %add3A_106, %add3A_107 : vector<16xf32>
        %mul3A_109 = arith.constant 16 : i32
        %mul3A_110 = arith.muli %add3A_18, %mul3A_109 : i32
        %add3A_111 = arith.addi %mul3A_110, %scan3A_52 : i32
        %swap3A = arith.index_cast %add3A_111 : i32 to index
        %swap3A_112 = arith.constant 0 : index
        %swap3A_113 = tpu.vector_load %arg8[%swap3A, %swap3A_112] {strides = array<i32>} : memref<128x256xf32, #tpu.memory_space<vmem>>, vector<1x16xf32>,
        %swap3A_114 = vector.shape_cast %swap3A_113 : vector<1x16xf32> to vector<16xf32>
        %swap3A_115 = vector.shape_cast %add3A_108 : vector<16xf32> to vector<1x16xf32>
        tpu.vector_store %arg8[%swap3A, %swap3A_112], %swap3A_115 {strides = array<i32>} : memref<128x256xf32, #tpu.memory_space<vmem>>, vector<1x16xf32>,
        %add3A_116 = arith.constant 0 : i32
        %add3A_117 = arith.addi %mul3A_54, %add3A_116 : i32
        %get3A_118 = arith.index_cast %add3A_117 : i32 to index
        %get3A_119 = arith.constant 16 : index
        %get3A_120 = tpu.vector_load %arg7[%get3A_118, %get3A_119] {strides = array<i32>} : memref<128x256xf32, #tpu.memory_space<vmem>>, vector<1x16xf32>,
        %get3A_121 = vector.shape_cast %get3A_120 : vector<1x16xf32> to vector<16xf32>
        %add3A_122 = arith.constant 1 : i32
        %add3A_123 = arith.addi %mul3A_54, %add3A_122 : i32
        %get3A_124 = arith.index_cast %add3A_123 : i32 to index
        %get3A_125 = arith.constant 16 : index
        %get3A_126 = tpu.vector_load %arg7[%get3A_124, %get3A_125] {strides = array<i32>} : memref<128x256xf32, #tpu.memory_space<vmem>>, vector<1x16xf32>,
        %get3A_127 = vector.shape_cast %get3A_126 : vector<1x16xf32> to vector<16xf32>
        %add3A_128 = arith.addf %get3A_121, %get3A_127 : vector<16xf32>
        %add3A_129 = arith.constant 2 : i32
        %add3A_130 = arith.addi %mul3A_54, %add3A_129 : i32
        %get3A_131 = arith.index_cast %add3A_130 : i32 to index
        %get3A_132 = arith.constant 16 : index
        %get3A_133 = tpu.vector_load %arg7[%get3A_131, %get3A_132] {strides = array<i32>} : memref<128x256xf32, #tpu.memory_space<vmem>>, vector<1x16xf32>,
        %get3A_134 = vector.shape_cast %get3A_133 : vector<1x16xf32> to vector<16xf32>
        %add3A_135 = arith.constant 3 : i32
        %add3A_136 = arith.addi %mul3A_54, %add3A_135 : i32
        %get3A_137 = arith.index_cast %add3A_136 : i32 to index
        %get3A_138 = arith.constant 16 : index
        %get3A_139 = tpu.vector_load %arg7[%get3A_137, %get3A_138] {strides = array<i32>} : memref<128x256xf32, #tpu.memory_space<vmem>>, vector<1x16xf32>,
        %get3A_140 = vector.shape_cast %get3A_139 : vector<1x16xf32> to vector<16xf32>
        %add3A_141 = arith.addf %get3A_134, %get3A_140 : vector<16xf32>
        %add3A_142 = arith.constant 4 : i32
        %add3A_143 = arith.addi %mul3A_54, %add3A_142 : i32
        %get3A_144 = arith.index_cast %add3A_143 : i32 to index
        %get3A_145 = arith.constant 16 : index
        %get3A_146 = tpu.vector_load %arg7[%get3A_144, %get3A_145] {strides = array<i32>} : memref<128x256xf32, #tpu.memory_space<vmem>>, vector<1x16xf32>,
        %get3A_147 = vector.shape_cast %get3A_146 : vector<1x16xf32> to vector<16xf32>
        %add3A_148 = arith.constant 5 : i32
        %add3A_149 = arith.addi %mul3A_54, %add3A_148 : i32
        %get3A_150 = arith.index_cast %add3A_149 : i32 to index
        %get3A_151 = arith.constant 16 : index
        %get3A_152 = tpu.vector_load %arg7[%get3A_150, %get3A_151] {strides = array<i32>} : memref<128x256xf32, #tpu.memory_space<vmem>>, vector<1x16xf32>,
        %get3A_153 = vector.shape_cast %get3A_152 : vector<1x16xf32> to vector<16xf32>
        %add3A_154 = arith.addf %get3A_147, %get3A_153 : vector<16xf32>
        %add3A_155 = arith.constant 6 : i32
        %add3A_156 = arith.addi %mul3A_54, %add3A_155 : i32
        %get3A_157 = arith.index_cast %add3A_156 : i32 to index
        %get3A_158 = arith.constant 16 : index
        %get3A_159 = tpu.vector_load %arg7[%get3A_157, %get3A_158] {strides = array<i32>} : memref<128x256xf32, #tpu.memory_space<vmem>>, vector<1x16xf32>,
        %get3A_160 = vector.shape_cast %get3A_159 : vector<1x16xf32> to vector<16xf32>
        %add3A_161 = arith.constant 7 : i32
        %add3A_162 = arith.addi %mul3A_54, %add3A_161 : i32
        %get3A_163 = arith.index_cast %add3A_162 : i32 to index
        %get3A_164 = arith.constant 16 : index
        %get3A_165 = tpu.vector_load %arg7[%get3A_163, %get3A_164] {strides = array<i32>} : memref<128x256xf32, #tpu.memory_space<vmem>>, vector<1x16xf32>,
        %get3A_166 = vector.shape_cast %get3A_165 : vector<1x16xf32> to vector<16xf32>
        %add3A_167 = arith.addf %get3A_160, %get3A_166 : vector<16xf32>
        %add3A_168 = arith.addf %add3A_128, %add3A_141 : vector<16xf32>
        %add3A_169 = arith.addf %add3A_154, %add3A_167 : vector<16xf32>
        %add3A_170 = arith.addf %add3A_168, %add3A_169 : vector<16xf32>
        %mul3A_171 = arith.constant 16 : i32
        %mul3A_172 = arith.muli %add3A_18, %mul3A_171 : i32
        %add3A_173 = arith.addi %mul3A_172, %scan3A_52 : i32
        %swap3A_174 = arith.index_cast %add3A_173 : i32 to index
        %swap3A_175 = arith.constant 16 : index
        %swap3A_176 = tpu.vector_load %arg8[%swap3A_174, %swap3A_175] {strides = array<i32>} : memref<128x256xf32, #tpu.memory_space<vmem>>, vector<1x16xf32>,
        %swap3A_177 = vector.shape_cast %swap3A_176 : vector<1x16xf32> to vector<16xf32>
        %swap3A_178 = vector.shape_cast %add3A_170 : vector<16xf32> to vector<1x16xf32>
        tpu.vector_store %arg8[%swap3A_174, %swap3A_175], %swap3A_178 {strides = array<i32>} : memref<128x256xf32, #tpu.memory_space<vmem>>, vector<1x16xf32>,
        %add3A_179 = arith.constant 0 : i32
        %add3A_180 = arith.addi %mul3A_54, %add3A_179 : i32
        %get3A_181 = arith.index_cast %add3A_180 : i32 to index
        %get3A_182 = arith.constant 32 : index
        %get3A_183 = tpu.vector_load %arg7[%get3A_181, %get3A_182] {strides = array<i32>} : memref<128x256xf32, #tpu.memory_space<vmem>>, vector<1x16xf32>,
        %get3A_184 = vector.shape_cast %get3A_183 : vector<1x16xf32> to vector<16xf32>
        %add3A_185 = arith.constant 1 : i32
        %add3A_186 = arith.addi %mul3A_54, %add3A_185 : i32
        %get3A_187 = arith.index_cast %add3A_186 : i32 to index
        %get3A_188 = arith.constant 32 : index
        %get3A_189 = tpu.vector_load %arg7[%get3A_187, %get3A_188] {strides = array<i32>} : memref<128x256xf32, #tpu.memory_space<vmem>>, vector<1x16xf32>,
        %get3A_190 = vector.shape_cast %get3A_189 : vector<1x16xf32> to vector<16xf32>
        %add3A_191 = arith.addf %get3A_184, %get3A_190 : vector<16xf32>
        %add3A_192 = arith.constant 2 : i32
        %add3A_193 = arith.addi %mul3A_54, %add3A_192 : i32
        %get3A_194 = arith.index_cast %add3A_193 : i32 to index
        %get3A_195 = arith.constant 32 : index
        %get3A_196 = tpu.vector_load %arg7[%get3A_194, %get3A_195] {strides = array<i32>} : memref<128x256xf32, #tpu.memory_space<vmem>>, vector<1x16xf32>,
        %get3A_197 = vector.shape_cast %get3A_196 : vector<1x16xf32> to vector<16xf32>
        %add3A_198 = arith.constant 3 : i32
        %add3A_199 = arith.addi %mul3A_54, %add3A_198 : i32
        %get3A_200 = arith.index_cast %add3A_199 : i32 to index
        %get3A_201 = arith.constant 32 : index
        %get3A_202 = tpu.vector_load %arg7[%get3A_200, %get3A_201] {strides = array<i32>} : memref<128x256xf32, #tpu.memory_space<vmem>>, vector<1x16xf32>,
        %get3A_203 = vector.shape_cast %get3A_202 : vector<1x16xf32> to vector<16xf32>
        %add3A_204 = arith.addf %get3A_197, %get3A_203 : vector<16xf32>
        %add3A_205 = arith.constant 4 : i32
        %add3A_206 = arith.addi %mul3A_54, %add3A_205 : i32
        %get3A_207 = arith.index_cast %add3A_206 : i32 to index
        %get3A_208 = arith.constant 32 : index
        %get3A_209 = tpu.vector_load %arg7[%get3A_207, %get3A_208] {strides = array<i32>} : memref<128x256xf32, #tpu.memory_space<vmem>>, vector<1x16xf32>,
        %get3A_210 = vector.shape_cast %get3A_209 : vector<1x16xf32> to vector<16xf32>
        %add3A_211 = arith.constant 5 : i32
        %add3A_212 = arith.addi %mul3A_54, %add3A_211 : i32
        %get3A_213 = arith.index_cast %add3A_212 : i32 to index
        %get3A_214 = arith.constant 32 : index
        %get3A_215 = tpu.vector_load %arg7[%get3A_213, %get3A_214] {strides = array<i32>} : memref<128x256xf32, #tpu.memory_space<vmem>>, vector<1x16xf32>,
        %get3A_216 = vector.shape_cast %get3A_215 : vector<1x16xf32> to vector<16xf32>
        %add3A_217 = arith.addf %get3A_210, %get3A_216 : vector<16xf32>
        %add3A_218 = arith.constant 6 : i32
        %add3A_219 = arith.addi %mul3A_54, %add3A_218 : i32
        %get3A_220 = arith.index_cast %add3A_219 : i32 to index
        %get3A_221 = arith.constant 32 : index
        %get3A_222 = tpu.vector_load %arg7[%get3A_220, %get3A_221] {strides = array<i32>} : memref<128x256xf32, #tpu.memory_space<vmem>>, vector<1x16xf32>,
        %get3A_223 = vector.shape_cast %get3A_222 : vector<1x16xf32> to vector<16xf32>
        %add3A_224 = arith.constant 7 : i32
        %add3A_225 = arith.addi %mul3A_54, %add3A_224 : i32
        %get3A_226 = arith.index_cast %add3A_225 : i32 to index
        %get3A_227 = arith.constant 32 : index
        %get3A_228 = tpu.vector_load %arg7[%get3A_226, %get3A_227] {strides = array<i32>} : memref<128x256xf32, #tpu.memory_space<vmem>>, vector<1x16xf32>,
        %get3A_229 = vector.shape_cast %get3A_228 : vector<1x16xf32> to vector<16xf32>
        %add3A_230 = arith.addf %get3A_223, %get3A_229 : vector<16xf32>
        %add3A_231 = arith.addf %add3A_191, %add3A_204 : vector<16xf32>
        %add3A_232 = arith.addf %add3A_217, %add3A_230 : vector<16xf32>
        %add3A_233 = arith.addf %add3A_231, %add3A_232 : vector<16xf32>
        %mul3A_234 = arith.constant 16 : i32
        %mul3A_235 = arith.muli %add3A_18, %mul3A_234 : i32
        %add3A_236 = arith.addi %mul3A_235, %scan3A_52 : i32
        %swap3A_237 = arith.index_cast %add3A_236 : i32 to index
        %swap3A_238 = arith.constant 32 : index
        %swap3A_239 = tpu.vector_load %arg8[%swap3A_237, %swap3A_238] {strides = array<i32>} : memref<128x256xf32, #tpu.memory_space<vmem>>, vector<1x16xf32>,
        %swap3A_240 = vector.shape_cast %swap3A_239 : vector<1x16xf32> to vector<16xf32>
        %swap3A_241 = vector.shape_cast %add3A_233 : vector<16xf32> to vector<1x16xf32>
        tpu.vector_store %arg8[%swap3A_237, %swap3A_238], %swap3A_241 {strides = array<i32>} : memref<128x256xf32, #tpu.memory_space<vmem>>, vector<1x16xf32>,
        %add3A_242 = arith.constant 0 : i32
        %add3A_243 = arith.addi %mul3A_54, %add3A_242 : i32
        %get3A_244 = arith.index_cast %add3A_243 : i32 to index
        %get3A_245 = arith.constant 48 : index
        %get3A_246 = tpu.vector_load %arg7[%get3A_244, %get3A_245] {strides = array<i32>} : memref<128x256xf32, #tpu.memory_space<vmem>>, vector<1x16xf32>,
        %get3A_247 = vector.shape_cast %get3A_246 : vector<1x16xf32> to vector<16xf32>
        %add3A_248 = arith.constant 1 : i32
        %add3A_249 = arith.addi %mul3A_54, %add3A_248 : i32
        %get3A_250 = arith.index_cast %add3A_249 : i32 to index
        %get3A_251 = arith.constant 48 : index
        %get3A_252 = tpu.vector_load %arg7[%get3A_250, %get3A_251] {strides = array<i32>} : memref<128x256xf32, #tpu.memory_space<vmem>>, vector<1x16xf32>,
        %get3A_253 = vector.shape_cast %get3A_252 : vector<1x16xf32> to vector<16xf32>
        %add3A_254 = arith.addf %get3A_247, %get3A_253 : vector<16xf32>
        %add3A_255 = arith.constant 2 : i32
        %add3A_256 = arith.addi %mul3A_54, %add3A_255 : i32
        %get3A_257 = arith.index_cast %add3A_256 : i32 to index
        %get3A_258 = arith.constant 48 : index
        %get3A_259 = tpu.vector_load %arg7[%get3A_257, %get3A_258] {strides = array<i32>} : memref<128x256xf32, #tpu.memory_space<vmem>>, vector<1x16xf32>,
        %get3A_260 = vector.shape_cast %get3A_259 : vector<1x16xf32> to vector<16xf32>
        %add3A_261 = arith.constant 3 : i32
        %add3A_262 = arith.addi %mul3A_54, %add3A_261 : i32
        %get3A_263 = arith.index_cast %add3A_262 : i32 to index
        %get3A_264 = arith.constant 48 : index
        %get3A_265 = tpu.vector_load %arg7[%get3A_263, %get3A_264] {strides = array<i32>} : memref<128x256xf32, #tpu.memory_space<vmem>>, vector<1x16xf32>,
        %get3A_266 = vector.shape_cast %get3A_265 : vector<1x16xf32> to vector<16xf32>
        %add3A_267 = arith.addf %get3A_260, %get3A_266 : vector<16xf32>
        %add3A_268 = arith.constant 4 : i32
        %add3A_269 = arith.addi %mul3A_54, %add3A_268 : i32
        %get3A_270 = arith.index_cast %add3A_269 : i32 to index
        %get3A_271 = arith.constant 48 : index
        %get3A_272 = tpu.vector_load %arg7[%get3A_270, %get3A_271] {strides = array<i32>} : memref<128x256xf32, #tpu.memory_space<vmem>>, vector<1x16xf32>,
        %get3A_273 = vector.shape_cast %get3A_272 : vector<1x16xf32> to vector<16xf32>
        %add3A_274 = arith.constant 5 : i32
        %add3A_275 = arith.addi %mul3A_54, %add3A_274 : i32
        %get3A_276 = arith.index_cast %add3A_275 : i32 to index
        %get3A_277 = arith.constant 48 : index
        %get3A_278 = tpu.vector_load %arg7[%get3A_276, %get3A_277] {strides = array<i32>} : memref<128x256xf32, #tpu.memory_space<vmem>>, vector<1x16xf32>,
        %get3A_279 = vector.shape_cast %get3A_278 : vector<1x16xf32> to vector<16xf32>
        %add3A_280 = arith.addf %get3A_273, %get3A_279 : vector<16xf32>
        %add3A_281 = arith.constant 6 : i32
        %add3A_282 = arith.addi %mul3A_54, %add3A_281 : i32
        %get3A_283 = arith.index_cast %add3A_282 : i32 to index
        %get3A_284 = arith.constant 48 : index
        %get3A_285 = tpu.vector_load %arg7[%get3A_283, %get3A_284] {strides = array<i32>} : memref<128x256xf32, #tpu.memory_space<vmem>>, vector<1x16xf32>,
        %get3A_286 = vector.shape_cast %get3A_285 : vector<1x16xf32> to vector<16xf32>
        %add3A_287 = arith.constant 7 : i32
        %add3A_288 = arith.addi %mul3A_54, %add3A_287 : i32
        %get3A_289 = arith.index_cast %add3A_288 : i32 to index
        %get3A_290 = arith.constant 48 : index
        %get3A_291 = tpu.vector_load %arg7[%get3A_289, %get3A_290] {strides = array<i32>} : memref<128x256xf32, #tpu.memory_space<vmem>>, vector<1x16xf32>,
        %get3A_292 = vector.shape_cast %get3A_291 : vector<1x16xf32> to vector<16xf32>
        %add3A_293 = arith.addf %get3A_286, %get3A_292 : vector<16xf32>
        %add3A_294 = arith.addf %add3A_254, %add3A_267 : vector<16xf32>
        %add3A_295 = arith.addf %add3A_280, %add3A_293 : vector<16xf32>
        %add3A_296 = arith.addf %add3A_294, %add3A_295 : vector<16xf32>
        %mul3A_297 = arith.constant 16 : i32
        %mul3A_298 = arith.muli %add3A_18, %mul3A_297 : i32
        %add3A_299 = arith.addi %mul3A_298, %scan3A_52 : i32
        %swap3A_300 = arith.index_cast %add3A_299 : i32 to index
        %swap3A_301 = arith.constant 48 : index
        %swap3A_302 = tpu.vector_load %arg8[%swap3A_300, %swap3A_301] {strides = array<i32>} : memref<128x256xf32, #tpu.memory_space<vmem>>, vector<1x16xf32>,
        %swap3A_303 = vector.shape_cast %swap3A_302 : vector<1x16xf32> to vector<16xf32>
        %swap3A_304 = vector.shape_cast %add3A_296 : vector<16xf32> to vector<1x16xf32>
        tpu.vector_store %arg8[%swap3A_300, %swap3A_301], %swap3A_304 {strides = array<i32>} : memref<128x256xf32, #tpu.memory_space<vmem>>, vector<1x16xf32>,
        %add3A_305 = arith.constant 0 : i32
        %add3A_306 = arith.addi %mul3A_54, %add3A_305 : i32
        %get3A_307 = arith.index_cast %add3A_306 : i32 to index
        %get3A_308 = arith.constant 64 : index
        %get3A_309 = tpu.vector_load %arg7[%get3A_307, %get3A_308] {strides = array<i32>} : memref<128x256xf32, #tpu.memory_space<vmem>>, vector<1x16xf32>,
        %get3A_310 = vector.shape_cast %get3A_309 : vector<1x16xf32> to vector<16xf32>
        %add3A_311 = arith.constant 1 : i32
        %add3A_312 = arith.addi %mul3A_54, %add3A_311 : i32
        %get3A_313 = arith.index_cast %add3A_312 : i32 to index
        %get3A_314 = arith.constant 64 : index
        %get3A_315 = tpu.vector_load %arg7[%get3A_313, %get3A_314] {strides = array<i32>} : memref<128x256xf32, #tpu.memory_space<vmem>>, vector<1x16xf32>,
        %get3A_316 = vector.shape_cast %get3A_315 : vector<1x16xf32> to vector<16xf32>
        %add3A_317 = arith.addf %get3A_310, %get3A_316 : vector<16xf32>
        %add3A_318 = arith.constant 2 : i32
        %add3A_319 = arith.addi %mul3A_54, %add3A_318 : i32
        %get3A_320 = arith.index_cast %add3A_319 : i32 to index
        %get3A_321 = arith.constant 64 : index
        %get3A_322 = tpu.vector_load %arg7[%get3A_320, %get3A_321] {strides = array<i32>} : memref<128x256xf32, #tpu.memory_space<vmem>>, vector<1x16xf32>,
        %get3A_323 = vector.shape_cast %get3A_322 : vector<1x16xf32> to vector<16xf32>
        %add3A_324 = arith.constant 3 : i32
        %add3A_325 = arith.addi %mul3A_54, %add3A_324 : i32
        %get3A_326 = arith.index_cast %add3A_325 : i32 to index
        %get3A_327 = arith.constant 64 : index
        %get3A_328 = tpu.vector_load %arg7[%get3A_326, %get3A_327] {strides = array<i32>} : memref<128x256xf32, #tpu.memory_space<vmem>>, vector<1x16xf32>,
        %get3A_329 = vector.shape_cast %get3A_328 : vector<1x16xf32> to vector<16xf32>
        %add3A_330 = arith.addf %get3A_323, %get3A_329 : vector<16xf32>
        %add3A_331 = arith.constant 4 : i32
        %add3A_332 = arith.addi %mul3A_54, %add3A_331 : i32
        %get3A_333 = arith.index_cast %add3A_332 : i32 to index
        %get3A_334 = arith.constant 64 : index
        %get3A_335 = tpu.vector_load %arg7[%get3A_333, %get3A_334] {strides = array<i32>} : memref<128x256xf32, #tpu.memory_space<vmem>>, vector<1x16xf32>,
        %get3A_336 = vector.shape_cast %get3A_335 : vector<1x16xf32> to vector<16xf32>
        %add3A_337 = arith.constant 5 : i32
        %add3A_338 = arith.addi %mul3A_54, %add3A_337 : i32
        %get3A_339 = arith.index_cast %add3A_338 : i32 to index
        %get3A_340 = arith.constant 64 : index
        %get3A_341 = tpu.vector_load %arg7[%get3A_339, %get3A_340] {strides = array<i32>} : memref<128x256xf32, #tpu.memory_space<vmem>>, vector<1x16xf32>,
        %get3A_342 = vector.shape_cast %get3A_341 : vector<1x16xf32> to vector<16xf32>
        %add3A_343 = arith.addf %get3A_336, %get3A_342 : vector<16xf32>
        %add3A_344 = arith.constant 6 : i32
        %add3A_345 = arith.addi %mul3A_54, %add3A_344 : i32
        %get3A_346 = arith.index_cast %add3A_345 : i32 to index
        %get3A_347 = arith.constant 64 : index
        %get3A_348 = tpu.vector_load %arg7[%get3A_346, %get3A_347] {strides = array<i32>} : memref<128x256xf32, #tpu.memory_space<vmem>>, vector<1x16xf32>,
        %get3A_349 = vector.shape_cast %get3A_348 : vector<1x16xf32> to vector<16xf32>
        %add3A_350 = arith.constant 7 : i32
        %add3A_351 = arith.addi %mul3A_54, %add3A_350 : i32
        %get3A_352 = arith.index_cast %add3A_351 : i32 to index
        %get3A_353 = arith.constant 64 : index
        %get3A_354 = tpu.vector_load %arg7[%get3A_352, %get3A_353] {strides = array<i32>} : memref<128x256xf32, #tpu.memory_space<vmem>>, vector<1x16xf32>,
        %get3A_355 = vector.shape_cast %get3A_354 : vector<1x16xf32> to vector<16xf32>
        %add3A_356 = arith.addf %get3A_349, %get3A_355 : vector<16xf32>
        %add3A_357 = arith.addf %add3A_317, %add3A_330 : vector<16xf32>
        %add3A_358 = arith.addf %add3A_343, %add3A_356 : vector<16xf32>
        %add3A_359 = arith.addf %add3A_357, %add3A_358 : vector<16xf32>
        %mul3A_360 = arith.constant 16 : i32
        %mul3A_361 = arith.muli %add3A_18, %mul3A_360 : i32
        %add3A_362 = arith.addi %mul3A_361, %scan3A_52 : i32
        %swap3A_363 = arith.index_cast %add3A_362 : i32 to index
        %swap3A_364 = arith.constant 64 : index
        %swap3A_365 = tpu.vector_load %arg8[%swap3A_363, %swap3A_364] {strides = array<i32>} : memref<128x256xf32, #tpu.memory_space<vmem>>, vector<1x16xf32>,
        %swap3A_366 = vector.shape_cast %swap3A_365 : vector<1x16xf32> to vector<16xf32>
        %swap3A_367 = vector.shape_cast %add3A_359 : vector<16xf32> to vector<1x16xf32>
        tpu.vector_store %arg8[%swap3A_363, %swap3A_364], %swap3A_367 {strides = array<i32>} : memref<128x256xf32, #tpu.memory_space<vmem>>, vector<1x16xf32>,
        %add3A_368 = arith.constant 0 : i32
        %add3A_369 = arith.addi %mul3A_54, %add3A_368 : i32
        %get3A_370 = arith.index_cast %add3A_369 : i32 to index
        %get3A_371 = arith.constant 80 : index
        %get3A_372 = tpu.vector_load %arg7[%get3A_370, %get3A_371] {strides = array<i32>} : memref<128x256xf32, #tpu.memory_space<vmem>>, vector<1x16xf32>,
        %get3A_373 = vector.shape_cast %get3A_372 : vector<1x16xf32> to vector<16xf32>
        %add3A_374 = arith.constant 1 : i32
        %add3A_375 = arith.addi %mul3A_54, %add3A_374 : i32
        %get3A_376 = arith.index_cast %add3A_375 : i32 to index
        %get3A_377 = arith.constant 80 : index
        %get3A_378 = tpu.vector_load %arg7[%get3A_376, %get3A_377] {strides = array<i32>} : memref<128x256xf32, #tpu.memory_space<vmem>>, vector<1x16xf32>,
        %get3A_379 = vector.shape_cast %get3A_378 : vector<1x16xf32> to vector<16xf32>
        %add3A_380 = arith.addf %get3A_373, %get3A_379 : vector<16xf32>
        %add3A_381 = arith.constant 2 : i32
        %add3A_382 = arith.addi %mul3A_54, %add3A_381 : i32
        %get3A_383 = arith.index_cast %add3A_382 : i32 to index
        %get3A_384 = arith.constant 80 : index
        %get3A_385 = tpu.vector_load %arg7[%get3A_383, %get3A_384] {strides = array<i32>} : memref<128x256xf32, #tpu.memory_space<vmem>>, vector<1x16xf32>,
        %get3A_386 = vector.shape_cast %get3A_385 : vector<1x16xf32> to vector<16xf32>
        %add3A_387 = arith.constant 3 : i32
        %add3A_388 = arith.addi %mul3A_54, %add3A_387 : i32
        %get3A_389 = arith.index_cast %add3A_388 : i32 to index
        %get3A_390 = arith.constant 80 : index
        %get3A_391 = tpu.vector_load %arg7[%get3A_389, %get3A_390] {strides = array<i32>} : memref<128x256xf32, #tpu.memory_space<vmem>>, vector<1x16xf32>,
        %get3A_392 = vector.shape_cast %get3A_391 : vector<1x16xf32> to vector<16xf32>
        %add3A_393 = arith.addf %get3A_386, %get3A_392 : vector<16xf32>
        %add3A_394 = arith.constant 4 : i32
        %add3A_395 = arith.addi %mul3A_54, %add3A_394 : i32
        %get3A_396 = arith.index_cast %add3A_395 : i32 to index
        %get3A_397 = arith.constant 80 : index
        %get3A_398 = tpu.vector_load %arg7[%get3A_396, %get3A_397] {strides = array<i32>} : memref<128x256xf32, #tpu.memory_space<vmem>>, vector<1x16xf32>,
        %get3A_399 = vector.shape_cast %get3A_398 : vector<1x16xf32> to vector<16xf32>
        %add3A_400 = arith.constant 5 : i32
        %add3A_401 = arith.addi %mul3A_54, %add3A_400 : i32
        %get3A_402 = arith.index_cast %add3A_401 : i32 to index
        %get3A_403 = arith.constant 80 : index
        %get3A_404 = tpu.vector_load %arg7[%get3A_402, %get3A_403] {strides = array<i32>} : memref<128x256xf32, #tpu.memory_space<vmem>>, vector<1x16xf32>,
        %get3A_405 = vector.shape_cast %get3A_404 : vector<1x16xf32> to vector<16xf32>
        %add3A_406 = arith.addf %get3A_399, %get3A_405 : vector<16xf32>
        %add3A_407 = arith.constant 6 : i32
        %add3A_408 = arith.addi %mul3A_54, %add3A_407 : i32
        %get3A_409 = arith.index_cast %add3A_408 : i32 to index
        %get3A_410 = arith.constant 80 : index
        %get3A_411 = tpu.vector_load %arg7[%get3A_409, %get3A_410] {strides = array<i32>} : memref<128x256xf32, #tpu.memory_space<vmem>>, vector<1x16xf32>,
        %get3A_412 = vector.shape_cast %get3A_411 : vector<1x16xf32> to vector<16xf32>
        %add3A_413 = arith.constant 7 : i32
        %add3A_414 = arith.addi %mul3A_54, %add3A_413 : i32
        %get3A_415 = arith.index_cast %add3A_414 : i32 to index
        %get3A_416 = arith.constant 80 : index
        %get3A_417 = tpu.vector_load %arg7[%get3A_415, %get3A_416] {strides = array<i32>} : memref<128x256xf32, #tpu.memory_space<vmem>>, vector<1x16xf32>,
        %get3A_418 = vector.shape_cast %get3A_417 : vector<1x16xf32> to vector<16xf32>
        %add3A_419 = arith.addf %get3A_412, %get3A_418 : vector<16xf32>
        %add3A_420 = arith.addf %add3A_380, %add3A_393 : vector<16xf32>
        %add3A_421 = arith.addf %add3A_406, %add3A_419 : vector<16xf32>
        %add3A_422 = arith.addf %add3A_420, %add3A_421 : vector<16xf32>
        %mul3A_423 = arith.constant 16 : i32
        %mul3A_424 = arith.muli %add3A_18, %mul3A_423 : i32
        %add3A_425 = arith.addi %mul3A_424, %scan3A_52 : i32
        %swap3A_426 = arith.index_cast %add3A_425 : i32 to index
        %swap3A_427 = arith.constant 80 : index
        %swap3A_428 = tpu.vector_load %arg8[%swap3A_426, %swap3A_427] {strides = array<i32>} : memref<128x256xf32, #tpu.memory_space<vmem>>, vector<1x16xf32>,
        %swap3A_429 = vector.shape_cast %swap3A_428 : vector<1x16xf32> to vector<16xf32>
        %swap3A_430 = vector.shape_cast %add3A_422 : vector<16xf32> to vector<1x16xf32>
        tpu.vector_store %arg8[%swap3A_426, %swap3A_427], %swap3A_430 {strides = array<i32>} : memref<128x256xf32, #tpu.memory_space<vmem>>, vector<1x16xf32>,
        %add3A_431 = arith.constant 0 : i32
        %add3A_432 = arith.addi %mul3A_54, %add3A_431 : i32
        %get3A_433 = arith.index_cast %add3A_432 : i32 to index
        %get3A_434 = arith.constant 96 : index
        %get3A_435 = tpu.vector_load %arg7[%get3A_433, %get3A_434] {strides = array<i32>} : memref<128x256xf32, #tpu.memory_space<vmem>>, vector<1x16xf32>,
        %get3A_436 = vector.shape_cast %get3A_435 : vector<1x16xf32> to vector<16xf32>
        %add3A_437 = arith.constant 1 : i32
        %add3A_438 = arith.addi %mul3A_54, %add3A_437 : i32
        %get3A_439 = arith.index_cast %add3A_438 : i32 to index
        %get3A_440 = arith.constant 96 : index
        %get3A_441 = tpu.vector_load %arg7[%get3A_439, %get3A_440] {strides = array<i32>} : memref<128x256xf32, #tpu.memory_space<vmem>>, vector<1x16xf32>,
        %get3A_442 = vector.shape_cast %get3A_441 : vector<1x16xf32> to vector<16xf32>
        %add3A_443 = arith.addf %get3A_436, %get3A_442 : vector<16xf32>
        %add3A_444 = arith.constant 2 : i32
        %add3A_445 = arith.addi %mul3A_54, %add3A_444 : i32
        %get3A_446 = arith.index_cast %add3A_445 : i32 to index
        %get3A_447 = arith.constant 96 : index
        %get3A_448 = tpu.vector_load %arg7[%get3A_446, %get3A_447] {strides = array<i32>} : memref<128x256xf32, #tpu.memory_space<vmem>>, vector<1x16xf32>,
        %get3A_449 = vector.shape_cast %get3A_448 : vector<1x16xf32> to vector<16xf32>
        %add3A_450 = arith.constant 3 : i32
        %add3A_451 = arith.addi %mul3A_54, %add3A_450 : i32
        %get3A_452 = arith.index_cast %add3A_451 : i32 to index
        %get3A_453 = arith.constant 96 : index
        %get3A_454 = tpu.vector_load %arg7[%get3A_452, %get3A_453] {strides = array<i32>} : memref<128x256xf32, #tpu.memory_space<vmem>>, vector<1x16xf32>,
        %get3A_455 = vector.shape_cast %get3A_454 : vector<1x16xf32> to vector<16xf32>
        %add3A_456 = arith.addf %get3A_449, %get3A_455 : vector<16xf32>
        %add3A_457 = arith.constant 4 : i32
        %add3A_458 = arith.addi %mul3A_54, %add3A_457 : i32
        %get3A_459 = arith.index_cast %add3A_458 : i32 to index
        %get3A_460 = arith.constant 96 : index
        %get3A_461 = tpu.vector_load %arg7[%get3A_459, %get3A_460] {strides = array<i32>} : memref<128x256xf32, #tpu.memory_space<vmem>>, vector<1x16xf32>,
        %get3A_462 = vector.shape_cast %get3A_461 : vector<1x16xf32> to vector<16xf32>
        %add3A_463 = arith.constant 5 : i32
        %add3A_464 = arith.addi %mul3A_54, %add3A_463 : i32
        %get3A_465 = arith.index_cast %add3A_464 : i32 to index
        %get3A_466 = arith.constant 96 : index
        %get3A_467 = tpu.vector_load %arg7[%get3A_465, %get3A_466] {strides = array<i32>} : memref<128x256xf32, #tpu.memory_space<vmem>>, vector<1x16xf32>,
        %get3A_468 = vector.shape_cast %get3A_467 : vector<1x16xf32> to vector<16xf32>
        %add3A_469 = arith.addf %get3A_462, %get3A_468 : vector<16xf32>
        %add3A_470 = arith.constant 6 : i32
        %add3A_471 = arith.addi %mul3A_54, %add3A_470 : i32
        %get3A_472 = arith.index_cast %add3A_471 : i32 to index
        %get3A_473 = arith.constant 96 : index
        %get3A_474 = tpu.vector_load %arg7[%get3A_472, %get3A_473] {strides = array<i32>} : memref<128x256xf32, #tpu.memory_space<vmem>>, vector<1x16xf32>,
        %get3A_475 = vector.shape_cast %get3A_474 : vector<1x16xf32> to vector<16xf32>
        %add3A_476 = arith.constant 7 : i32
        %add3A_477 = arith.addi %mul3A_54, %add3A_476 : i32
        %get3A_478 = arith.index_cast %add3A_477 : i32 to index
        %get3A_479 = arith.constant 96 : index
        %get3A_480 = tpu.vector_load %arg7[%get3A_478, %get3A_479] {strides = array<i32>} : memref<128x256xf32, #tpu.memory_space<vmem>>, vector<1x16xf32>,
        %get3A_481 = vector.shape_cast %get3A_480 : vector<1x16xf32> to vector<16xf32>
        %add3A_482 = arith.addf %get3A_475, %get3A_481 : vector<16xf32>
        %add3A_483 = arith.addf %add3A_443, %add3A_456 : vector<16xf32>
        %add3A_484 = arith.addf %add3A_469, %add3A_482 : vector<16xf32>
        %add3A_485 = arith.addf %add3A_483, %add3A_484 : vector<16xf32>
        %mul3A_486 = arith.constant 16 : i32
        %mul3A_487 = arith.muli %add3A_18, %mul3A_486 : i32
        %add3A_488 = arith.addi %mul3A_487, %scan3A_52 : i32
        %swap3A_489 = arith.index_cast %add3A_488 : i32 to index
        %swap3A_490 = arith.constant 96 : index
        %swap3A_491 = tpu.vector_load %arg8[%swap3A_489, %swap3A_490] {strides = array<i32>} : memref<128x256xf32, #tpu.memory_space<vmem>>, vector<1x16xf32>,
        %swap3A_492 = vector.shape_cast %swap3A_491 : vector<1x16xf32> to vector<16xf32>
        %swap3A_493 = vector.shape_cast %add3A_485 : vector<16xf32> to vector<1x16xf32>
        tpu.vector_store %arg8[%swap3A_489, %swap3A_490], %swap3A_493 {strides = array<i32>} : memref<128x256xf32, #tpu.memory_space<vmem>>, vector<1x16xf32>,
        %add3A_494 = arith.constant 0 : i32
        %add3A_495 = arith.addi %mul3A_54, %add3A_494 : i32
        %get3A_496 = arith.index_cast %add3A_495 : i32 to index
        %get3A_497 = arith.constant 112 : index
        %get3A_498 = tpu.vector_load %arg7[%get3A_496, %get3A_497] {strides = array<i32>} : memref<128x256xf32, #tpu.memory_space<vmem>>, vector<1x16xf32>,
        %get3A_499 = vector.shape_cast %get3A_498 : vector<1x16xf32> to vector<16xf32>
        %add3A_500 = arith.constant 1 : i32
        %add3A_501 = arith.addi %mul3A_54, %add3A_500 : i32
        %get3A_502 = arith.index_cast %add3A_501 : i32 to index
        %get3A_503 = arith.constant 112 : index
        %get3A_504 = tpu.vector_load %arg7[%get3A_502, %get3A_503] {strides = array<i32>} : memref<128x256xf32, #tpu.memory_space<vmem>>, vector<1x16xf32>,
        %get3A_505 = vector.shape_cast %get3A_504 : vector<1x16xf32> to vector<16xf32>
        %add3A_506 = arith.addf %get3A_499, %get3A_505 : vector<16xf32>
        %add3A_507 = arith.constant 2 : i32
        %add3A_508 = arith.addi %mul3A_54, %add3A_507 : i32
        %get3A_509 = arith.index_cast %add3A_508 : i32 to index
        %get3A_510 = arith.constant 112 : index
        %get3A_511 = tpu.vector_load %arg7[%get3A_509, %get3A_510] {strides = array<i32>} : memref<128x256xf32, #tpu.memory_space<vmem>>, vector<1x16xf32>,
        %get3A_512 = vector.shape_cast %get3A_511 : vector<1x16xf32> to vector<16xf32>
        %add3A_513 = arith.constant 3 : i32
        %add3A_514 = arith.addi %mul3A_54, %add3A_513 : i32
        %get3A_515 = arith.index_cast %add3A_514 : i32 to index
        %get3A_516 = arith.constant 112 : index
        %get3A_517 = tpu.vector_load %arg7[%get3A_515, %get3A_516] {strides = array<i32>} : memref<128x256xf32, #tpu.memory_space<vmem>>, vector<1x16xf32>,
        %get3A_518 = vector.shape_cast %get3A_517 : vector<1x16xf32> to vector<16xf32>
        %add3A_519 = arith.addf %get3A_512, %get3A_518 : vector<16xf32>
        %add3A_520 = arith.constant 4 : i32
        %add3A_521 = arith.addi %mul3A_54, %add3A_520 : i32
        %get3A_522 = arith.index_cast %add3A_521 : i32 to index
        %get3A_523 = arith.constant 112 : index
        %get3A_524 = tpu.vector_load %arg7[%get3A_522, %get3A_523] {strides = array<i32>} : memref<128x256xf32, #tpu.memory_space<vmem>>, vector<1x16xf32>,
        %get3A_525 = vector.shape_cast %get3A_524 : vector<1x16xf32> to vector<16xf32>
        %add3A_526 = arith.constant 5 : i32
        %add3A_527 = arith.addi %mul3A_54, %add3A_526 : i32
        %get3A_528 = arith.index_cast %add3A_527 : i32 to index
        %get3A_529 = arith.constant 112 : index
        %get3A_530 = tpu.vector_load %arg7[%get3A_528, %get3A_529] {strides = array<i32>} : memref<128x256xf32, #tpu.memory_space<vmem>>, vector<1x16xf32>,
        %get3A_531 = vector.shape_cast %get3A_530 : vector<1x16xf32> to vector<16xf32>
        %add3A_532 = arith.addf %get3A_525, %get3A_531 : vector<16xf32>
        %add3A_533 = arith.constant 6 : i32
        %add3A_534 = arith.addi %mul3A_54, %add3A_533 : i32
        %get3A_535 = arith.index_cast %add3A_534 : i32 to index
        %get3A_536 = arith.constant 112 : index
        %get3A_537 = tpu.vector_load %arg7[%get3A_535, %get3A_536] {strides = array<i32>} : memref<128x256xf32, #tpu.memory_space<vmem>>, vector<1x16xf32>,
        %get3A_538 = vector.shape_cast %get3A_537 : vector<1x16xf32> to vector<16xf32>
        %add3A_539 = arith.constant 7 : i32
        %add3A_540 = arith.addi %mul3A_54, %add3A_539 : i32
        %get3A_541 = arith.index_cast %add3A_540 : i32 to index
        %get3A_542 = arith.constant 112 : index
        %get3A_543 = tpu.vector_load %arg7[%get3A_541, %get3A_542] {strides = array<i32>} : memref<128x256xf32, #tpu.memory_space<vmem>>, vector<1x16xf32>,
        %get3A_544 = vector.shape_cast %get3A_543 : vector<1x16xf32> to vector<16xf32>
        %add3A_545 = arith.addf %get3A_538, %get3A_544 : vector<16xf32>
        %add3A_546 = arith.addf %add3A_506, %add3A_519 : vector<16xf32>
        %add3A_547 = arith.addf %add3A_532, %add3A_545 : vector<16xf32>
        %add3A_548 = arith.addf %add3A_546, %add3A_547 : vector<16xf32>
        %mul3A_549 = arith.constant 16 : i32
        %mul3A_550 = arith.muli %add3A_18, %mul3A_549 : i32
        %add3A_551 = arith.addi %mul3A_550, %scan3A_52 : i32
        %swap3A_552 = arith.index_cast %add3A_551 : i32 to index
        %swap3A_553 = arith.constant 112 : index
        %swap3A_554 = tpu.vector_load %arg8[%swap3A_552, %swap3A_553] {strides = array<i32>} : memref<128x256xf32, #tpu.memory_space<vmem>>, vector<1x16xf32>,
        %swap3A_555 = vector.shape_cast %swap3A_554 : vector<1x16xf32> to vector<16xf32>
        %swap3A_556 = vector.shape_cast %add3A_548 : vector<16xf32> to vector<1x16xf32>
        tpu.vector_store %arg8[%swap3A_552, %swap3A_553], %swap3A_556 {strides = array<i32>} : memref<128x256xf32, #tpu.memory_space<vmem>>, vector<1x16xf32>,
        %add3A_557 = arith.constant 0 : i32
        %add3A_558 = arith.addi %mul3A_54, %add3A_557 : i32
        %get3A_559 = arith.index_cast %add3A_558 : i32 to index
        %get3A_560 = arith.constant 128 : index
        %get3A_561 = tpu.vector_load %arg7[%get3A_559, %get3A_560] {strides = array<i32>} : memref<128x256xf32, #tpu.memory_space<vmem>>, vector<1x16xf32>,
        %get3A_562 = vector.shape_cast %get3A_561 : vector<1x16xf32> to vector<16xf32>
        %add3A_563 = arith.constant 1 : i32
        %add3A_564 = arith.addi %mul3A_54, %add3A_563 : i32
        %get3A_565 = arith.index_cast %add3A_564 : i32 to index
        %get3A_566 = arith.constant 128 : index
        %get3A_567 = tpu.vector_load %arg7[%get3A_565, %get3A_566] {strides = array<i32>} : memref<128x256xf32, #tpu.memory_space<vmem>>, vector<1x16xf32>,
        %get3A_568 = vector.shape_cast %get3A_567 : vector<1x16xf32> to vector<16xf32>
        %add3A_569 = arith.addf %get3A_562, %get3A_568 : vector<16xf32>
        %add3A_570 = arith.constant 2 : i32
        %add3A_571 = arith.addi %mul3A_54, %add3A_570 : i32
        %get3A_572 = arith.index_cast %add3A_571 : i32 to index
        %get3A_573 = arith.constant 128 : index
        %get3A_574 = tpu.vector_load %arg7[%get3A_572, %get3A_573] {strides = array<i32>} : memref<128x256xf32, #tpu.memory_space<vmem>>, vector<1x16xf32>,
        %get3A_575 = vector.shape_cast %get3A_574 : vector<1x16xf32> to vector<16xf32>
        %add3A_576 = arith.constant 3 : i32
        %add3A_577 = arith.addi %mul3A_54, %add3A_576 : i32
        %get3A_578 = arith.index_cast %add3A_577 : i32 to index
        %get3A_579 = arith.constant 128 : index
        %get3A_580 = tpu.vector_load %arg7[%get3A_578, %get3A_579] {strides = array<i32>} : memref<128x256xf32, #tpu.memory_space<vmem>>, vector<1x16xf32>,
        %get3A_581 = vector.shape_cast %get3A_580 : vector<1x16xf32> to vector<16xf32>
        %add3A_582 = arith.addf %get3A_575, %get3A_581 : vector<16xf32>
        %add3A_583 = arith.constant 4 : i32
        %add3A_584 = arith.addi %mul3A_54, %add3A_583 : i32
        %get3A_585 = arith.index_cast %add3A_584 : i32 to index
        %get3A_586 = arith.constant 128 : index
        %get3A_587 = tpu.vector_load %arg7[%get3A_585, %get3A_586] {strides = array<i32>} : memref<128x256xf32, #tpu.memory_space<vmem>>, vector<1x16xf32>,
        %get3A_588 = vector.shape_cast %get3A_587 : vector<1x16xf32> to vector<16xf32>
        %add3A_589 = arith.constant 5 : i32
        %add3A_590 = arith.addi %mul3A_54, %add3A_589 : i32
        %get3A_591 = arith.index_cast %add3A_590 : i32 to index
        %get3A_592 = arith.constant 128 : index
        %get3A_593 = tpu.vector_load %arg7[%get3A_591, %get3A_592] {strides = array<i32>} : memref<128x256xf32, #tpu.memory_space<vmem>>, vector<1x16xf32>,
        %get3A_594 = vector.shape_cast %get3A_593 : vector<1x16xf32> to vector<16xf32>
        %add3A_595 = arith.addf %get3A_588, %get3A_594 : vector<16xf32>
        %add3A_596 = arith.constant 6 : i32
        %add3A_597 = arith.addi %mul3A_54, %add3A_596 : i32
        %get3A_598 = arith.index_cast %add3A_597 : i32 to index
        %get3A_599 = arith.constant 128 : index
        %get3A_600 = tpu.vector_load %arg7[%get3A_598, %get3A_599] {strides = array<i32>} : memref<128x256xf32, #tpu.memory_space<vmem>>, vector<1x16xf32>,
        %get3A_601 = vector.shape_cast %get3A_600 : vector<1x16xf32> to vector<16xf32>
        %add3A_602 = arith.constant 7 : i32
        %add3A_603 = arith.addi %mul3A_54, %add3A_602 : i32
        %get3A_604 = arith.index_cast %add3A_603 : i32 to index
        %get3A_605 = arith.constant 128 : index
        %get3A_606 = tpu.vector_load %arg7[%get3A_604, %get3A_605] {strides = array<i32>} : memref<128x256xf32, #tpu.memory_space<vmem>>, vector<1x16xf32>,
        %get3A_607 = vector.shape_cast %get3A_606 : vector<1x16xf32> to vector<16xf32>
        %add3A_608 = arith.addf %get3A_601, %get3A_607 : vector<16xf32>
        %add3A_609 = arith.addf %add3A_569, %add3A_582 : vector<16xf32>
        %add3A_610 = arith.addf %add3A_595, %add3A_608 : vector<16xf32>
        %add3A_611 = arith.addf %add3A_609, %add3A_610 : vector<16xf32>
        %mul3A_612 = arith.constant 16 : i32
        %mul3A_613 = arith.muli %add3A_18, %mul3A_612 : i32
        %add3A_614 = arith.addi %mul3A_613, %scan3A_52 : i32
        %swap3A_615 = arith.index_cast %add3A_614 : i32 to index
        %swap3A_616 = arith.constant 128 : index
        %swap3A_617 = tpu.vector_load %arg8[%swap3A_615, %swap3A_616] {strides = array<i32>} : memref<128x256xf32, #tpu.memory_space<vmem>>, vector<1x16xf32>,
        %swap3A_618 = vector.shape_cast %swap3A_617 : vector<1x16xf32> to vector<16xf32>
        %swap3A_619 = vector.shape_cast %add3A_611 : vector<16xf32> to vector<1x16xf32>
        tpu.vector_store %arg8[%swap3A_615, %swap3A_616], %swap3A_619 {strides = array<i32>} : memref<128x256xf32, #tpu.memory_space<vmem>>, vector<1x16xf32>,
        %add3A_620 = arith.constant 0 : i32
        %add3A_621 = arith.addi %mul3A_54, %add3A_620 : i32
        %get3A_622 = arith.index_cast %add3A_621 : i32 to index
        %get3A_623 = arith.constant 144 : index
        %get3A_624 = tpu.vector_load %arg7[%get3A_622, %get3A_623] {strides = array<i32>} : memref<128x256xf32, #tpu.memory_space<vmem>>, vector<1x16xf32>,
        %get3A_625 = vector.shape_cast %get3A_624 : vector<1x16xf32> to vector<16xf32>
        %add3A_626 = arith.constant 1 : i32
        %add3A_627 = arith.addi %mul3A_54, %add3A_626 : i32
        %get3A_628 = arith.index_cast %add3A_627 : i32 to index
        %get3A_629 = arith.constant 144 : index
        %get3A_630 = tpu.vector_load %arg7[%get3A_628, %get3A_629] {strides = array<i32>} : memref<128x256xf32, #tpu.memory_space<vmem>>, vector<1x16xf32>,
        %get3A_631 = vector.shape_cast %get3A_630 : vector<1x16xf32> to vector<16xf32>
        %add3A_632 = arith.addf %get3A_625, %get3A_631 : vector<16xf32>
        %add3A_633 = arith.constant 2 : i32
        %add3A_634 = arith.addi %mul3A_54, %add3A_633 : i32
        %get3A_635 = arith.index_cast %add3A_634 : i32 to index
        %get3A_636 = arith.constant 144 : index
        %get3A_637 = tpu.vector_load %arg7[%get3A_635, %get3A_636] {strides = array<i32>} : memref<128x256xf32, #tpu.memory_space<vmem>>, vector<1x16xf32>,
        %get3A_638 = vector.shape_cast %get3A_637 : vector<1x16xf32> to vector<16xf32>
        %add3A_639 = arith.constant 3 : i32
        %add3A_640 = arith.addi %mul3A_54, %add3A_639 : i32
        %get3A_641 = arith.index_cast %add3A_640 : i32 to index
        %get3A_642 = arith.constant 144 : index
        %get3A_643 = tpu.vector_load %arg7[%get3A_641, %get3A_642] {strides = array<i32>} : memref<128x256xf32, #tpu.memory_space<vmem>>, vector<1x16xf32>,
        %get3A_644 = vector.shape_cast %get3A_643 : vector<1x16xf32> to vector<16xf32>
        %add3A_645 = arith.addf %get3A_638, %get3A_644 : vector<16xf32>
        %add3A_646 = arith.constant 4 : i32
        %add3A_647 = arith.addi %mul3A_54, %add3A_646 : i32
        %get3A_648 = arith.index_cast %add3A_647 : i32 to index
        %get3A_649 = arith.constant 144 : index
        %get3A_650 = tpu.vector_load %arg7[%get3A_648, %get3A_649] {strides = array<i32>} : memref<128x256xf32, #tpu.memory_space<vmem>>, vector<1x16xf32>,
        %get3A_651 = vector.shape_cast %get3A_650 : vector<1x16xf32> to vector<16xf32>
        %add3A_652 = arith.constant 5 : i32
        %add3A_653 = arith.addi %mul3A_54, %add3A_652 : i32
        %get3A_654 = arith.index_cast %add3A_653 : i32 to index
        %get3A_655 = arith.constant 144 : index
        %get3A_656 = tpu.vector_load %arg7[%get3A_654, %get3A_655] {strides = array<i32>} : memref<128x256xf32, #tpu.memory_space<vmem>>, vector<1x16xf32>,
        %get3A_657 = vector.shape_cast %get3A_656 : vector<1x16xf32> to vector<16xf32>
        %add3A_658 = arith.addf %get3A_651, %get3A_657 : vector<16xf32>
        %add3A_659 = arith.constant 6 : i32
        %add3A_660 = arith.addi %mul3A_54, %add3A_659 : i32
        %get3A_661 = arith.index_cast %add3A_660 : i32 to index
        %get3A_662 = arith.constant 144 : index
        %get3A_663 = tpu.vector_load %arg7[%get3A_661, %get3A_662] {strides = array<i32>} : memref<128x256xf32, #tpu.memory_space<vmem>>, vector<1x16xf32>,
        %get3A_664 = vector.shape_cast %get3A_663 : vector<1x16xf32> to vector<16xf32>
        %add3A_665 = arith.constant 7 : i32
        %add3A_666 = arith.addi %mul3A_54, %add3A_665 : i32
        %get3A_667 = arith.index_cast %add3A_666 : i32 to index
        %get3A_668 = arith.constant 144 : index
        %get3A_669 = tpu.vector_load %arg7[%get3A_667, %get3A_668] {strides = array<i32>} : memref<128x256xf32, #tpu.memory_space<vmem>>, vector<1x16xf32>,
        %get3A_670 = vector.shape_cast %get3A_669 : vector<1x16xf32> to vector<16xf32>
        %add3A_671 = arith.addf %get3A_664, %get3A_670 : vector<16xf32>
        %add3A_672 = arith.addf %add3A_632, %add3A_645 : vector<16xf32>
        %add3A_673 = arith.addf %add3A_658, %add3A_671 : vector<16xf32>
        %add3A_674 = arith.addf %add3A_672, %add3A_673 : vector<16xf32>
        %mul3A_675 = arith.constant 16 : i32
        %mul3A_676 = arith.muli %add3A_18, %mul3A_675 : i32
        %add3A_677 = arith.addi %mul3A_676, %scan3A_52 : i32
        %swap3A_678 = arith.index_cast %add3A_677 : i32 to index
        %swap3A_679 = arith.constant 144 : index
        %swap3A_680 = tpu.vector_load %arg8[%swap3A_678, %swap3A_679] {strides = array<i32>} : memref<128x256xf32, #tpu.memory_space<vmem>>, vector<1x16xf32>,
        %swap3A_681 = vector.shape_cast %swap3A_680 : vector<1x16xf32> to vector<16xf32>
        %swap3A_682 = vector.shape_cast %add3A_674 : vector<16xf32> to vector<1x16xf32>
        tpu.vector_store %arg8[%swap3A_678, %swap3A_679], %swap3A_682 {strides = array<i32>} : memref<128x256xf32, #tpu.memory_space<vmem>>, vector<1x16xf32>,
        %add3A_683 = arith.constant 0 : i32
        %add3A_684 = arith.addi %mul3A_54, %add3A_683 : i32
        %get3A_685 = arith.index_cast %add3A_684 : i32 to index
        %get3A_686 = arith.constant 160 : index
        %get3A_687 = tpu.vector_load %arg7[%get3A_685, %get3A_686] {strides = array<i32>} : memref<128x256xf32, #tpu.memory_space<vmem>>, vector<1x16xf32>,
        %get3A_688 = vector.shape_cast %get3A_687 : vector<1x16xf32> to vector<16xf32>
        %add3A_689 = arith.constant 1 : i32
        %add3A_690 = arith.addi %mul3A_54, %add3A_689 : i32
        %get3A_691 = arith.index_cast %add3A_690 : i32 to index
        %get3A_692 = arith.constant 160 : index
        %get3A_693 = tpu.vector_load %arg7[%get3A_691, %get3A_692] {strides = array<i32>} : memref<128x256xf32, #tpu.memory_space<vmem>>, vector<1x16xf32>,
        %get3A_694 = vector.shape_cast %get3A_693 : vector<1x16xf32> to vector<16xf32>
        %add3A_695 = arith.addf %get3A_688, %get3A_694 : vector<16xf32>
        %add3A_696 = arith.constant 2 : i32
        %add3A_697 = arith.addi %mul3A_54, %add3A_696 : i32
        %get3A_698 = arith.index_cast %add3A_697 : i32 to index
        %get3A_699 = arith.constant 160 : index
        %get3A_700 = tpu.vector_load %arg7[%get3A_698, %get3A_699] {strides = array<i32>} : memref<128x256xf32, #tpu.memory_space<vmem>>, vector<1x16xf32>,
        %get3A_701 = vector.shape_cast %get3A_700 : vector<1x16xf32> to vector<16xf32>
        %add3A_702 = arith.constant 3 : i32
        %add3A_703 = arith.addi %mul3A_54, %add3A_702 : i32
        %get3A_704 = arith.index_cast %add3A_703 : i32 to index
        %get3A_705 = arith.constant 160 : index
        %get3A_706 = tpu.vector_load %arg7[%get3A_704, %get3A_705] {strides = array<i32>} : memref<128x256xf32, #tpu.memory_space<vmem>>, vector<1x16xf32>,
        %get3A_707 = vector.shape_cast %get3A_706 : vector<1x16xf32> to vector<16xf32>
        %add3A_708 = arith.addf %get3A_701, %get3A_707 : vector<16xf32>
        %add3A_709 = arith.constant 4 : i32
        %add3A_710 = arith.addi %mul3A_54, %add3A_709 : i32
        %get3A_711 = arith.index_cast %add3A_710 : i32 to index
        %get3A_712 = arith.constant 160 : index
        %get3A_713 = tpu.vector_load %arg7[%get3A_711, %get3A_712] {strides = array<i32>} : memref<128x256xf32, #tpu.memory_space<vmem>>, vector<1x16xf32>,
        %get3A_714 = vector.shape_cast %get3A_713 : vector<1x16xf32> to vector<16xf32>
        %add3A_715 = arith.constant 5 : i32
        %add3A_716 = arith.addi %mul3A_54, %add3A_715 : i32
        %get3A_717 = arith.index_cast %add3A_716 : i32 to index
        %get3A_718 = arith.constant 160 : index
        %get3A_719 = tpu.vector_load %arg7[%get3A_717, %get3A_718] {strides = array<i32>} : memref<128x256xf32, #tpu.memory_space<vmem>>, vector<1x16xf32>,
        %get3A_720 = vector.shape_cast %get3A_719 : vector<1x16xf32> to vector<16xf32>
        %add3A_721 = arith.addf %get3A_714, %get3A_720 : vector<16xf32>
        %add3A_722 = arith.constant 6 : i32
        %add3A_723 = arith.addi %mul3A_54, %add3A_722 : i32
        %get3A_724 = arith.index_cast %add3A_723 : i32 to index
        %get3A_725 = arith.constant 160 : index
        %get3A_726 = tpu.vector_load %arg7[%get3A_724, %get3A_725] {strides = array<i32>} : memref<128x256xf32, #tpu.memory_space<vmem>>, vector<1x16xf32>,
        %get3A_727 = vector.shape_cast %get3A_726 : vector<1x16xf32> to vector<16xf32>
        %add3A_728 = arith.constant 7 : i32
        %add3A_729 = arith.addi %mul3A_54, %add3A_728 : i32
        %get3A_730 = arith.index_cast %add3A_729 : i32 to index
        %get3A_731 = arith.constant 160 : index
        %get3A_732 = tpu.vector_load %arg7[%get3A_730, %get3A_731] {strides = array<i32>} : memref<128x256xf32, #tpu.memory_space<vmem>>, vector<1x16xf32>,
        %get3A_733 = vector.shape_cast %get3A_732 : vector<1x16xf32> to vector<16xf32>
        %add3A_734 = arith.addf %get3A_727, %get3A_733 : vector<16xf32>
        %add3A_735 = arith.addf %add3A_695, %add3A_708 : vector<16xf32>
        %add3A_736 = arith.addf %add3A_721, %add3A_734 : vector<16xf32>
        %add3A_737 = arith.addf %add3A_735, %add3A_736 : vector<16xf32>
        %mul3A_738 = arith.constant 16 : i32
        %mul3A_739 = arith.muli %add3A_18, %mul3A_738 : i32
        %add3A_740 = arith.addi %mul3A_739, %scan3A_52 : i32
        %swap3A_741 = arith.index_cast %add3A_740 : i32 to index
        %swap3A_742 = arith.constant 160 : index
        %swap3A_743 = tpu.vector_load %arg8[%swap3A_741, %swap3A_742] {strides = array<i32>} : memref<128x256xf32, #tpu.memory_space<vmem>>, vector<1x16xf32>,
        %swap3A_744 = vector.shape_cast %swap3A_743 : vector<1x16xf32> to vector<16xf32>
        %swap3A_745 = vector.shape_cast %add3A_737 : vector<16xf32> to vector<1x16xf32>
        tpu.vector_store %arg8[%swap3A_741, %swap3A_742], %swap3A_745 {strides = array<i32>} : memref<128x256xf32, #tpu.memory_space<vmem>>, vector<1x16xf32>,
        %add3A_746 = arith.constant 0 : i32
        %add3A_747 = arith.addi %mul3A_54, %add3A_746 : i32
        %get3A_748 = arith.index_cast %add3A_747 : i32 to index
        %get3A_749 = arith.constant 176 : index
        %get3A_750 = tpu.vector_load %arg7[%get3A_748, %get3A_749] {strides = array<i32>} : memref<128x256xf32, #tpu.memory_space<vmem>>, vector<1x16xf32>,
        %get3A_751 = vector.shape_cast %get3A_750 : vector<1x16xf32> to vector<16xf32>
        %add3A_752 = arith.constant 1 : i32
        %add3A_753 = arith.addi %mul3A_54, %add3A_752 : i32
        %get3A_754 = arith.index_cast %add3A_753 : i32 to index
        %get3A_755 = arith.constant 176 : index
        %get3A_756 = tpu.vector_load %arg7[%get3A_754, %get3A_755] {strides = array<i32>} : memref<128x256xf32, #tpu.memory_space<vmem>>, vector<1x16xf32>,
        %get3A_757 = vector.shape_cast %get3A_756 : vector<1x16xf32> to vector<16xf32>
        %add3A_758 = arith.addf %get3A_751, %get3A_757 : vector<16xf32>
        %add3A_759 = arith.constant 2 : i32
        %add3A_760 = arith.addi %mul3A_54, %add3A_759 : i32
        %get3A_761 = arith.index_cast %add3A_760 : i32 to index
        %get3A_762 = arith.constant 176 : index
        %get3A_763 = tpu.vector_load %arg7[%get3A_761, %get3A_762] {strides = array<i32>} : memref<128x256xf32, #tpu.memory_space<vmem>>, vector<1x16xf32>,
        %get3A_764 = vector.shape_cast %get3A_763 : vector<1x16xf32> to vector<16xf32>
        %add3A_765 = arith.constant 3 : i32
        %add3A_766 = arith.addi %mul3A_54, %add3A_765 : i32
        %get3A_767 = arith.index_cast %add3A_766 : i32 to index
        %get3A_768 = arith.constant 176 : index
        %get3A_769 = tpu.vector_load %arg7[%get3A_767, %get3A_768] {strides = array<i32>} : memref<128x256xf32, #tpu.memory_space<vmem>>, vector<1x16xf32>,
        %get3A_770 = vector.shape_cast %get3A_769 : vector<1x16xf32> to vector<16xf32>
        %add3A_771 = arith.addf %get3A_764, %get3A_770 : vector<16xf32>
        %add3A_772 = arith.constant 4 : i32
        %add3A_773 = arith.addi %mul3A_54, %add3A_772 : i32
        %get3A_774 = arith.index_cast %add3A_773 : i32 to index
        %get3A_775 = arith.constant 176 : index
        %get3A_776 = tpu.vector_load %arg7[%get3A_774, %get3A_775] {strides = array<i32>} : memref<128x256xf32, #tpu.memory_space<vmem>>, vector<1x16xf32>,
        %get3A_777 = vector.shape_cast %get3A_776 : vector<1x16xf32> to vector<16xf32>
        %add3A_778 = arith.constant 5 : i32
        %add3A_779 = arith.addi %mul3A_54, %add3A_778 : i32
        %get3A_780 = arith.index_cast %add3A_779 : i32 to index
        %get3A_781 = arith.constant 176 : index
        %get3A_782 = tpu.vector_load %arg7[%get3A_780, %get3A_781] {strides = array<i32>} : memref<128x256xf32, #tpu.memory_space<vmem>>, vector<1x16xf32>,
        %get3A_783 = vector.shape_cast %get3A_782 : vector<1x16xf32> to vector<16xf32>
        %add3A_784 = arith.addf %get3A_777, %get3A_783 : vector<16xf32>
        %add3A_785 = arith.constant 6 : i32
        %add3A_786 = arith.addi %mul3A_54, %add3A_785 : i32
        %get3A_787 = arith.index_cast %add3A_786 : i32 to index
        %get3A_788 = arith.constant 176 : index
        %get3A_789 = tpu.vector_load %arg7[%get3A_787, %get3A_788] {strides = array<i32>} : memref<128x256xf32, #tpu.memory_space<vmem>>, vector<1x16xf32>,
        %get3A_790 = vector.shape_cast %get3A_789 : vector<1x16xf32> to vector<16xf32>
        %add3A_791 = arith.constant 7 : i32
        %add3A_792 = arith.addi %mul3A_54, %add3A_791 : i32
        %get3A_793 = arith.index_cast %add3A_792 : i32 to index
        %get3A_794 = arith.constant 176 : index
        %get3A_795 = tpu.vector_load %arg7[%get3A_793, %get3A_794] {strides = array<i32>} : memref<128x256xf32, #tpu.memory_space<vmem>>, vector<1x16xf32>,
        %get3A_796 = vector.shape_cast %get3A_795 : vector<1x16xf32> to vector<16xf32>
        %add3A_797 = arith.addf %get3A_790, %get3A_796 : vector<16xf32>
        %add3A_798 = arith.addf %add3A_758, %add3A_771 : vector<16xf32>
        %add3A_799 = arith.addf %add3A_784, %add3A_797 : vector<16xf32>
        %add3A_800 = arith.addf %add3A_798, %add3A_799 : vector<16xf32>
        %mul3A_801 = arith.constant 16 : i32
        %mul3A_802 = arith.muli %add3A_18, %mul3A_801 : i32
        %add3A_803 = arith.addi %mul3A_802, %scan3A_52 : i32
        %swap3A_804 = arith.index_cast %add3A_803 : i32 to index
        %swap3A_805 = arith.constant 176 : index
        %swap3A_806 = tpu.vector_load %arg8[%swap3A_804, %swap3A_805] {strides = array<i32>} : memref<128x256xf32, #tpu.memory_space<vmem>>, vector<1x16xf32>,
        %swap3A_807 = vector.shape_cast %swap3A_806 : vector<1x16xf32> to vector<16xf32>
        %swap3A_808 = vector.shape_cast %add3A_800 : vector<16xf32> to vector<1x16xf32>
        tpu.vector_store %arg8[%swap3A_804, %swap3A_805], %swap3A_808 {strides = array<i32>} : memref<128x256xf32, #tpu.memory_space<vmem>>, vector<1x16xf32>,
        %add3A_809 = arith.constant 0 : i32
        %add3A_810 = arith.addi %mul3A_54, %add3A_809 : i32
        %get3A_811 = arith.index_cast %add3A_810 : i32 to index
        %get3A_812 = arith.constant 192 : index
        %get3A_813 = tpu.vector_load %arg7[%get3A_811, %get3A_812] {strides = array<i32>} : memref<128x256xf32, #tpu.memory_space<vmem>>, vector<1x16xf32>,
        %get3A_814 = vector.shape_cast %get3A_813 : vector<1x16xf32> to vector<16xf32>
        %add3A_815 = arith.constant 1 : i32
        %add3A_816 = arith.addi %mul3A_54, %add3A_815 : i32
        %get3A_817 = arith.index_cast %add3A_816 : i32 to index
        %get3A_818 = arith.constant 192 : index
        %get3A_819 = tpu.vector_load %arg7[%get3A_817, %get3A_818] {strides = array<i32>} : memref<128x256xf32, #tpu.memory_space<vmem>>, vector<1x16xf32>,
        %get3A_820 = vector.shape_cast %get3A_819 : vector<1x16xf32> to vector<16xf32>
        %add3A_821 = arith.addf %get3A_814, %get3A_820 : vector<16xf32>
        %add3A_822 = arith.constant 2 : i32
        %add3A_823 = arith.addi %mul3A_54, %add3A_822 : i32
        %get3A_824 = arith.index_cast %add3A_823 : i32 to index
        %get3A_825 = arith.constant 192 : index
        %get3A_826 = tpu.vector_load %arg7[%get3A_824, %get3A_825] {strides = array<i32>} : memref<128x256xf32, #tpu.memory_space<vmem>>, vector<1x16xf32>,
        %get3A_827 = vector.shape_cast %get3A_826 : vector<1x16xf32> to vector<16xf32>
        %add3A_828 = arith.constant 3 : i32
        %add3A_829 = arith.addi %mul3A_54, %add3A_828 : i32
        %get3A_830 = arith.index_cast %add3A_829 : i32 to index
        %get3A_831 = arith.constant 192 : index
        %get3A_832 = tpu.vector_load %arg7[%get3A_830, %get3A_831] {strides = array<i32>} : memref<128x256xf32, #tpu.memory_space<vmem>>, vector<1x16xf32>,
        %get3A_833 = vector.shape_cast %get3A_832 : vector<1x16xf32> to vector<16xf32>
        %add3A_834 = arith.addf %get3A_827, %get3A_833 : vector<16xf32>
        %add3A_835 = arith.constant 4 : i32
        %add3A_836 = arith.addi %mul3A_54, %add3A_835 : i32
        %get3A_837 = arith.index_cast %add3A_836 : i32 to index
        %get3A_838 = arith.constant 192 : index
        %get3A_839 = tpu.vector_load %arg7[%get3A_837, %get3A_838] {strides = array<i32>} : memref<128x256xf32, #tpu.memory_space<vmem>>, vector<1x16xf32>,
        %get3A_840 = vector.shape_cast %get3A_839 : vector<1x16xf32> to vector<16xf32>
        %add3A_841 = arith.constant 5 : i32
        %add3A_842 = arith.addi %mul3A_54, %add3A_841 : i32
        %get3A_843 = arith.index_cast %add3A_842 : i32 to index
        %get3A_844 = arith.constant 192 : index
        %get3A_845 = tpu.vector_load %arg7[%get3A_843, %get3A_844] {strides = array<i32>} : memref<128x256xf32, #tpu.memory_space<vmem>>, vector<1x16xf32>,
        %get3A_846 = vector.shape_cast %get3A_845 : vector<1x16xf32> to vector<16xf32>
        %add3A_847 = arith.addf %get3A_840, %get3A_846 : vector<16xf32>
        %add3A_848 = arith.constant 6 : i32
        %add3A_849 = arith.addi %mul3A_54, %add3A_848 : i32
        %get3A_850 = arith.index_cast %add3A_849 : i32 to index
        %get3A_851 = arith.constant 192 : index
        %get3A_852 = tpu.vector_load %arg7[%get3A_850, %get3A_851] {strides = array<i32>} : memref<128x256xf32, #tpu.memory_space<vmem>>, vector<1x16xf32>,
        %get3A_853 = vector.shape_cast %get3A_852 : vector<1x16xf32> to vector<16xf32>
        %add3A_854 = arith.constant 7 : i32
        %add3A_855 = arith.addi %mul3A_54, %add3A_854 : i32
        %get3A_856 = arith.index_cast %add3A_855 : i32 to index
        %get3A_857 = arith.constant 192 : index
        %get3A_858 = tpu.vector_load %arg7[%get3A_856, %get3A_857] {strides = array<i32>} : memref<128x256xf32, #tpu.memory_space<vmem>>, vector<1x16xf32>,
        %get3A_859 = vector.shape_cast %get3A_858 : vector<1x16xf32> to vector<16xf32>
        %add3A_860 = arith.addf %get3A_853, %get3A_859 : vector<16xf32>
        %add3A_861 = arith.addf %add3A_821, %add3A_834 : vector<16xf32>
        %add3A_862 = arith.addf %add3A_847, %add3A_860 : vector<16xf32>
        %add3A_863 = arith.addf %add3A_861, %add3A_862 : vector<16xf32>
        %mul3A_864 = arith.constant 16 : i32
        %mul3A_865 = arith.muli %add3A_18, %mul3A_864 : i32
        %add3A_866 = arith.addi %mul3A_865, %scan3A_52 : i32
        %swap3A_867 = arith.index_cast %add3A_866 : i32 to index
        %swap3A_868 = arith.constant 192 : index
        %swap3A_869 = tpu.vector_load %arg8[%swap3A_867, %swap3A_868] {strides = array<i32>} : memref<128x256xf32, #tpu.memory_space<vmem>>, vector<1x16xf32>,
        %swap3A_870 = vector.shape_cast %swap3A_869 : vector<1x16xf32> to vector<16xf32>
        %swap3A_871 = vector.shape_cast %add3A_863 : vector<16xf32> to vector<1x16xf32>
        tpu.vector_store %arg8[%swap3A_867, %swap3A_868], %swap3A_871 {strides = array<i32>} : memref<128x256xf32, #tpu.memory_space<vmem>>, vector<1x16xf32>,
        %add3A_872 = arith.constant 0 : i32
        %add3A_873 = arith.addi %mul3A_54, %add3A_872 : i32
        %get3A_874 = arith.index_cast %add3A_873 : i32 to index
        %get3A_875 = arith.constant 208 : index
        %get3A_876 = tpu.vector_load %arg7[%get3A_874, %get3A_875] {strides = array<i32>} : memref<128x256xf32, #tpu.memory_space<vmem>>, vector<1x16xf32>,
        %get3A_877 = vector.shape_cast %get3A_876 : vector<1x16xf32> to vector<16xf32>
        %add3A_878 = arith.constant 1 : i32
        %add3A_879 = arith.addi %mul3A_54, %add3A_878 : i32
        %get3A_880 = arith.index_cast %add3A_879 : i32 to index
        %get3A_881 = arith.constant 208 : index
        %get3A_882 = tpu.vector_load %arg7[%get3A_880, %get3A_881] {strides = array<i32>} : memref<128x256xf32, #tpu.memory_space<vmem>>, vector<1x16xf32>,
        %get3A_883 = vector.shape_cast %get3A_882 : vector<1x16xf32> to vector<16xf32>
        %add3A_884 = arith.addf %get3A_877, %get3A_883 : vector<16xf32>
        %add3A_885 = arith.constant 2 : i32
        %add3A_886 = arith.addi %mul3A_54, %add3A_885 : i32
        %get3A_887 = arith.index_cast %add3A_886 : i32 to index
        %get3A_888 = arith.constant 208 : index
        %get3A_889 = tpu.vector_load %arg7[%get3A_887, %get3A_888] {strides = array<i32>} : memref<128x256xf32, #tpu.memory_space<vmem>>, vector<1x16xf32>,
        %get3A_890 = vector.shape_cast %get3A_889 : vector<1x16xf32> to vector<16xf32>
        %add3A_891 = arith.constant 3 : i32
        %add3A_892 = arith.addi %mul3A_54, %add3A_891 : i32
        %get3A_893 = arith.index_cast %add3A_892 : i32 to index
        %get3A_894 = arith.constant 208 : index
        %get3A_895 = tpu.vector_load %arg7[%get3A_893, %get3A_894] {strides = array<i32>} : memref<128x256xf32, #tpu.memory_space<vmem>>, vector<1x16xf32>,
        %get3A_896 = vector.shape_cast %get3A_895 : vector<1x16xf32> to vector<16xf32>
        %add3A_897 = arith.addf %get3A_890, %get3A_896 : vector<16xf32>
        %add3A_898 = arith.constant 4 : i32
        %add3A_899 = arith.addi %mul3A_54, %add3A_898 : i32
        %get3A_900 = arith.index_cast %add3A_899 : i32 to index
        %get3A_901 = arith.constant 208 : index
        %get3A_902 = tpu.vector_load %arg7[%get3A_900, %get3A_901] {strides = array<i32>} : memref<128x256xf32, #tpu.memory_space<vmem>>, vector<1x16xf32>,
        %get3A_903 = vector.shape_cast %get3A_902 : vector<1x16xf32> to vector<16xf32>
        %add3A_904 = arith.constant 5 : i32
        %add3A_905 = arith.addi %mul3A_54, %add3A_904 : i32
        %get3A_906 = arith.index_cast %add3A_905 : i32 to index
        %get3A_907 = arith.constant 208 : index
        %get3A_908 = tpu.vector_load %arg7[%get3A_906, %get3A_907] {strides = array<i32>} : memref<128x256xf32, #tpu.memory_space<vmem>>, vector<1x16xf32>,
        %get3A_909 = vector.shape_cast %get3A_908 : vector<1x16xf32> to vector<16xf32>
        %add3A_910 = arith.addf %get3A_903, %get3A_909 : vector<16xf32>
        %add3A_911 = arith.constant 6 : i32
        %add3A_912 = arith.addi %mul3A_54, %add3A_911 : i32
        %get3A_913 = arith.index_cast %add3A_912 : i32 to index
        %get3A_914 = arith.constant 208 : index
        %get3A_915 = tpu.vector_load %arg7[%get3A_913, %get3A_914] {strides = array<i32>} : memref<128x256xf32, #tpu.memory_space<vmem>>, vector<1x16xf32>,
        %get3A_916 = vector.shape_cast %get3A_915 : vector<1x16xf32> to vector<16xf32>
        %add3A_917 = arith.constant 7 : i32
        %add3A_918 = arith.addi %mul3A_54, %add3A_917 : i32
        %get3A_919 = arith.index_cast %add3A_918 : i32 to index
        %get3A_920 = arith.constant 208 : index
        %get3A_921 = tpu.vector_load %arg7[%get3A_919, %get3A_920] {strides = array<i32>} : memref<128x256xf32, #tpu.memory_space<vmem>>, vector<1x16xf32>,
        %get3A_922 = vector.shape_cast %get3A_921 : vector<1x16xf32> to vector<16xf32>
        %add3A_923 = arith.addf %get3A_916, %get3A_922 : vector<16xf32>
        %add3A_924 = arith.addf %add3A_884, %add3A_897 : vector<16xf32>
        %add3A_925 = arith.addf %add3A_910, %add3A_923 : vector<16xf32>
        %add3A_926 = arith.addf %add3A_924, %add3A_925 : vector<16xf32>
        %mul3A_927 = arith.constant 16 : i32
        %mul3A_928 = arith.muli %add3A_18, %mul3A_927 : i32
        %add3A_929 = arith.addi %mul3A_928, %scan3A_52 : i32
        %swap3A_930 = arith.index_cast %add3A_929 : i32 to index
        %swap3A_931 = arith.constant 208 : index
        %swap3A_932 = tpu.vector_load %arg8[%swap3A_930, %swap3A_931] {strides = array<i32>} : memref<128x256xf32, #tpu.memory_space<vmem>>, vector<1x16xf32>,
        %swap3A_933 = vector.shape_cast %swap3A_932 : vector<1x16xf32> to vector<16xf32>
        %swap3A_934 = vector.shape_cast %add3A_926 : vector<16xf32> to vector<1x16xf32>
        tpu.vector_store %arg8[%swap3A_930, %swap3A_931], %swap3A_934 {strides = array<i32>} : memref<128x256xf32, #tpu.memory_space<vmem>>, vector<1x16xf32>,
        %add3A_935 = arith.constant 0 : i32
        %add3A_936 = arith.addi %mul3A_54, %add3A_935 : i32
        %get3A_937 = arith.index_cast %add3A_936 : i32 to index
        %get3A_938 = arith.constant 224 : index
        %get3A_939 = tpu.vector_load %arg7[%get3A_937, %get3A_938] {strides = array<i32>} : memref<128x256xf32, #tpu.memory_space<vmem>>, vector<1x16xf32>,
        %get3A_940 = vector.shape_cast %get3A_939 : vector<1x16xf32> to vector<16xf32>
        %add3A_941 = arith.constant 1 : i32
        %add3A_942 = arith.addi %mul3A_54, %add3A_941 : i32
        %get3A_943 = arith.index_cast %add3A_942 : i32 to index
        %get3A_944 = arith.constant 224 : index
        %get3A_945 = tpu.vector_load %arg7[%get3A_943, %get3A_944] {strides = array<i32>} : memref<128x256xf32, #tpu.memory_space<vmem>>, vector<1x16xf32>,
        %get3A_946 = vector.shape_cast %get3A_945 : vector<1x16xf32> to vector<16xf32>
        %add3A_947 = arith.addf %get3A_940, %get3A_946 : vector<16xf32>
        %add3A_948 = arith.constant 2 : i32
        %add3A_949 = arith.addi %mul3A_54, %add3A_948 : i32
        %get3A_950 = arith.index_cast %add3A_949 : i32 to index
        %get3A_951 = arith.constant 224 : index
        %get3A_952 = tpu.vector_load %arg7[%get3A_950, %get3A_951] {strides = array<i32>} : memref<128x256xf32, #tpu.memory_space<vmem>>, vector<1x16xf32>,
        %get3A_953 = vector.shape_cast %get3A_952 : vector<1x16xf32> to vector<16xf32>
        %add3A_954 = arith.constant 3 : i32
        %add3A_955 = arith.addi %mul3A_54, %add3A_954 : i32
        %get3A_956 = arith.index_cast %add3A_955 : i32 to index
        %get3A_957 = arith.constant 224 : index
        %get3A_958 = tpu.vector_load %arg7[%get3A_956, %get3A_957] {strides = array<i32>} : memref<128x256xf32, #tpu.memory_space<vmem>>, vector<1x16xf32>,
        %get3A_959 = vector.shape_cast %get3A_958 : vector<1x16xf32> to vector<16xf32>
        %add3A_960 = arith.addf %get3A_953, %get3A_959 : vector<16xf32>
        %add3A_961 = arith.constant 4 : i32
        %add3A_962 = arith.addi %mul3A_54, %add3A_961 : i32
        %get3A_963 = arith.index_cast %add3A_962 : i32 to index
        %get3A_964 = arith.constant 224 : index
        %get3A_965 = tpu.vector_load %arg7[%get3A_963, %get3A_964] {strides = array<i32>} : memref<128x256xf32, #tpu.memory_space<vmem>>, vector<1x16xf32>,
        %get3A_966 = vector.shape_cast %get3A_965 : vector<1x16xf32> to vector<16xf32>
        %add3A_967 = arith.constant 5 : i32
        %add3A_968 = arith.addi %mul3A_54, %add3A_967 : i32
        %get3A_969 = arith.index_cast %add3A_968 : i32 to index
        %get3A_970 = arith.constant 224 : index
        %get3A_971 = tpu.vector_load %arg7[%get3A_969, %get3A_970] {strides = array<i32>} : memref<128x256xf32, #tpu.memory_space<vmem>>, vector<1x16xf32>,
        %get3A_972 = vector.shape_cast %get3A_971 : vector<1x16xf32> to vector<16xf32>
        %add3A_973 = arith.addf %get3A_966, %get3A_972 : vector<16xf32>
        %add3A_974 = arith.constant 6 : i32
        %add3A_975 = arith.addi %mul3A_54, %add3A_974 : i32
        %get3A_976 = arith.index_cast %add3A_975 : i32 to index
        %get3A_977 = arith.constant 224 : index
        %get3A_978 = tpu.vector_load %arg7[%get3A_976, %get3A_977] {strides = array<i32>} : memref<128x256xf32, #tpu.memory_space<vmem>>, vector<1x16xf32>,
        %get3A_979 = vector.shape_cast %get3A_978 : vector<1x16xf32> to vector<16xf32>
        %add3A_980 = arith.constant 7 : i32
        %add3A_981 = arith.addi %mul3A_54, %add3A_980 : i32
        %get3A_982 = arith.index_cast %add3A_981 : i32 to index
        %get3A_983 = arith.constant 224 : index
        %get3A_984 = tpu.vector_load %arg7[%get3A_982, %get3A_983] {strides = array<i32>} : memref<128x256xf32, #tpu.memory_space<vmem>>, vector<1x16xf32>,
        %get3A_985 = vector.shape_cast %get3A_984 : vector<1x16xf32> to vector<16xf32>
        %add3A_986 = arith.addf %get3A_979, %get3A_985 : vector<16xf32>
        %add3A_987 = arith.addf %add3A_947, %add3A_960 : vector<16xf32>
        %add3A_988 = arith.addf %add3A_973, %add3A_986 : vector<16xf32>
        %add3A_989 = arith.addf %add3A_987, %add3A_988 : vector<16xf32>
        %mul3A_990 = arith.constant 16 : i32
        %mul3A_991 = arith.muli %add3A_18, %mul3A_990 : i32
        %add3A_992 = arith.addi %mul3A_991, %scan3A_52 : i32
        %swap3A_993 = arith.index_cast %add3A_992 : i32 to index
        %swap3A_994 = arith.constant 224 : index
        %swap3A_995 = tpu.vector_load %arg8[%swap3A_993, %swap3A_994] {strides = array<i32>} : memref<128x256xf32, #tpu.memory_space<vmem>>, vector<1x16xf32>,
        %swap3A_996 = vector.shape_cast %swap3A_995 : vector<1x16xf32> to vector<16xf32>
        %swap3A_997 = vector.shape_cast %add3A_989 : vector<16xf32> to vector<1x16xf32>
        tpu.vector_store %arg8[%swap3A_993, %swap3A_994], %swap3A_997 {strides = array<i32>} : memref<128x256xf32, #tpu.memory_space<vmem>>, vector<1x16xf32>,
        %add3A_998 = arith.constant 0 : i32
        %add3A_999 = arith.addi %mul3A_54, %add3A_998 : i32
        %get3A_1000 = arith.index_cast %add3A_999 : i32 to index
        %get3A_1001 = arith.constant 240 : index
        %get3A_1002 = tpu.vector_load %arg7[%get3A_1000, %get3A_1001] {strides = array<i32>} : memref<128x256xf32, #tpu.memory_space<vmem>>, vector<1x16xf32>,
        %get3A_1003 = vector.shape_cast %get3A_1002 : vector<1x16xf32> to vector<16xf32>
        %add3A_1004 = arith.constant 1 : i32
        %add3A_1005 = arith.addi %mul3A_54, %add3A_1004 : i32
        %get3A_1006 = arith.index_cast %add3A_1005 : i32 to index
        %get3A_1007 = arith.constant 240 : index
        %get3A_1008 = tpu.vector_load %arg7[%get3A_1006, %get3A_1007] {strides = array<i32>} : memref<128x256xf32, #tpu.memory_space<vmem>>, vector<1x16xf32>,
        %get3A_1009 = vector.shape_cast %get3A_1008 : vector<1x16xf32> to vector<16xf32>
        %add3A_1010 = arith.addf %get3A_1003, %get3A_1009 : vector<16xf32>
        %add3A_1011 = arith.constant 2 : i32
        %add3A_1012 = arith.addi %mul3A_54, %add3A_1011 : i32
        %get3A_1013 = arith.index_cast %add3A_1012 : i32 to index
        %get3A_1014 = arith.constant 240 : index
        %get3A_1015 = tpu.vector_load %arg7[%get3A_1013, %get3A_1014] {strides = array<i32>} : memref<128x256xf32, #tpu.memory_space<vmem>>, vector<1x16xf32>,
        %get3A_1016 = vector.shape_cast %get3A_1015 : vector<1x16xf32> to vector<16xf32>
        %add3A_1017 = arith.constant 3 : i32
        %add3A_1018 = arith.addi %mul3A_54, %add3A_1017 : i32
        %get3A_1019 = arith.index_cast %add3A_1018 : i32 to index
        %get3A_1020 = arith.constant 240 : index
        %get3A_1021 = tpu.vector_load %arg7[%get3A_1019, %get3A_1020] {strides = array<i32>} : memref<128x256xf32, #tpu.memory_space<vmem>>, vector<1x16xf32>,
        %get3A_1022 = vector.shape_cast %get3A_1021 : vector<1x16xf32> to vector<16xf32>
        %add3A_1023 = arith.addf %get3A_1016, %get3A_1022 : vector<16xf32>
        %add3A_1024 = arith.constant 4 : i32
        %add3A_1025 = arith.addi %mul3A_54, %add3A_1024 : i32
        %get3A_1026 = arith.index_cast %add3A_1025 : i32 to index
        %get3A_1027 = arith.constant 240 : index
        %get3A_1028 = tpu.vector_load %arg7[%get3A_1026, %get3A_1027] {strides = array<i32>} : memref<128x256xf32, #tpu.memory_space<vmem>>, vector<1x16xf32>,
        %get3A_1029 = vector.shape_cast %get3A_1028 : vector<1x16xf32> to vector<16xf32>
        %add3A_1030 = arith.constant 5 : i32
        %add3A_1031 = arith.addi %mul3A_54, %add3A_1030 : i32
        %get3A_1032 = arith.index_cast %add3A_1031 : i32 to index
        %get3A_1033 = arith.constant 240 : index
        %get3A_1034 = tpu.vector_load %arg7[%get3A_1032, %get3A_1033] {strides = array<i32>} : memref<128x256xf32, #tpu.memory_space<vmem>>, vector<1x16xf32>,
        %get3A_1035 = vector.shape_cast %get3A_1034 : vector<1x16xf32> to vector<16xf32>
        %add3A_1036 = arith.addf %get3A_1029, %get3A_1035 : vector<16xf32>
        %add3A_1037 = arith.constant 6 : i32
        %add3A_1038 = arith.addi %mul3A_54, %add3A_1037 : i32
        %get3A_1039 = arith.index_cast %add3A_1038 : i32 to index
        %get3A_1040 = arith.constant 240 : index
        %get3A_1041 = tpu.vector_load %arg7[%get3A_1039, %get3A_1040] {strides = array<i32>} : memref<128x256xf32, #tpu.memory_space<vmem>>, vector<1x16xf32>,
        %get3A_1042 = vector.shape_cast %get3A_1041 : vector<1x16xf32> to vector<16xf32>
        %add3A_1043 = arith.constant 7 : i32
        %add3A_1044 = arith.addi %mul3A_54, %add3A_1043 : i32
        %get3A_1045 = arith.index_cast %add3A_1044 : i32 to index
        %get3A_1046 = arith.constant 240 : index
        %get3A_1047 = tpu.vector_load %arg7[%get3A_1045, %get3A_1046] {strides = array<i32>} : memref<128x256xf32, #tpu.memory_space<vmem>>, vector<1x16xf32>,
        %get3A_1048 = vector.shape_cast %get3A_1047 : vector<1x16xf32> to vector<16xf32>
        %add3A_1049 = arith.addf %get3A_1042, %get3A_1048 : vector<16xf32>
        %add3A_1050 = arith.addf %add3A_1010, %add3A_1023 : vector<16xf32>
        %add3A_1051 = arith.addf %add3A_1036, %add3A_1049 : vector<16xf32>
        %add3A_1052 = arith.addf %add3A_1050, %add3A_1051 : vector<16xf32>
        %mul3A_1053 = arith.constant 16 : i32
        %mul3A_1054 = arith.muli %add3A_18, %mul3A_1053 : i32
        %add3A_1055 = arith.addi %mul3A_1054, %scan3A_52 : i32
        %swap3A_1056 = arith.index_cast %add3A_1055 : i32 to index
        %swap3A_1057 = arith.constant 240 : index
        %swap3A_1058 = tpu.vector_load %arg8[%swap3A_1056, %swap3A_1057] {strides = array<i32>} : memref<128x256xf32, #tpu.memory_space<vmem>>, vector<1x16xf32>,
        %swap3A_1059 = vector.shape_cast %swap3A_1058 : vector<1x16xf32> to vector<16xf32>
        %swap3A_1060 = vector.shape_cast %add3A_1052 : vector<16xf32> to vector<1x16xf32>
        tpu.vector_store %arg8[%swap3A_1056, %swap3A_1057], %swap3A_1060 {strides = array<i32>} : memref<128x256xf32, #tpu.memory_space<vmem>>, vector<1x16xf32>,
      }
      %scan3A_51 = arith.constant 16 : i32
    }
    %scan3A_13 = arith.constant 4 : i32
    "tpu.region"() ({
      %run_scoped3A = tpu.sem_alloc : memref<!tpu.dma_semaphore, #tpu.memory_space<semaphore_mem>>
      %dma_start3A_14 = arith.constant 0 : i32
      %dma_start3A_15 = tpu.memref_slice %arg4[%mul3A_2, %dma_start3A_14] : memref<4096x256xf32, #tpu.memory_space<hbm>> -> memref<128x256xf32, #tpu.memory_space<hbm>>
      %dma_start3A_16 = arith.constant 0 : i32
      %dma_start3A_17 = tpu.memref_slice %arg4[%mul3A_2, %dma_start3A_16] : memref<4096x256xf32, #tpu.memory_space<hbm>> -> memref<128x256xf32, #tpu.memory_space<hbm>>
      tpu.enqueue_dma source(%arg8 : memref<128x256xf32, #tpu.memory_space<vmem>>) target(%dma_start3A_17 : memref<128x256xf32, #tpu.memory_space<hbm>>) target_semaphore(%run_scoped3A : memref<!tpu.dma_semaphore, #tpu.memory_space<semaphore_mem>>)
      %dma_wait3A = arith.constant 0 : i32
      %dma_wait3A_18 = tpu.memref_slice %arg4[%mul3A_2, %dma_wait3A] : memref<4096x256xf32, #tpu.memory_space<hbm>> -> memref<128x256xf32, #tpu.memory_space<hbm>>
      %dma_wait3A_19 = arith.constant 0 : i32
      %dma_wait3A_20 = tpu.memref_slice %arg4[%mul3A_2, %dma_wait3A_19] : memref<4096x256xf32, #tpu.memory_space<hbm>> -> memref<128x256xf32, #tpu.memory_space<hbm>>
      tpu.wait_dma2 semaphore(%run_scoped3A : memref<!tpu.dma_semaphore, #tpu.memory_space<semaphore_mem>>) src(%arg8 : memref<128x256xf32, #tpu.memory_space<vmem>>) dst(%dma_wait3A_20 : memref<128x256xf32, #tpu.memory_space<hbm>>)
      tpu.yield
    }) : () -> ()
    return
  }
}

#map = affine_map<(d0, d1) -> (0, 0)>
#map1 = affine_map<(d0, d1) -> (0, 0, 0)>
module attributes {stable_mosaic.version = 14 : i64} {
  func.func @_sc_gather_body(%arg0: i32, %arg1: i32, %arg2: memref<4096x256xf32, #tpu.memory_space<hbm>>, %arg3: memref<32x8x128xi32, #tpu.memory_space<hbm>>, %arg4: memref<4096x256xf32, #tpu.memory_space<hbm>>, %arg5: memref<8x128xi32, #tpu.memory_space<vmem>>, %arg6: memref<128x256xf32, #tpu.memory_space<vmem>>, %arg7: memref<128x256xf32, #tpu.memory_space<vmem>>, %arg8: memref<128x256xf32, #tpu.memory_space<vmem>>, %arg9: memref<!tpu.dma_semaphore, #tpu.memory_space<semaphore_mem>>, %arg10: memref<!tpu.dma_semaphore, #tpu.memory_space<semaphore_mem>>) attributes {dimension_semantics = [#tpu.dimension_semantics<core_parallel>, #tpu.dimension_semantics<subcore_parallel>], iteration_bounds = array<i64: 2, 16>, scalar_prefetch = 0 : i64, scratch_operands = 6 : i64, tpu.core_type = #tpu.core_type<sc_vector_subcore>, window_params = [{transform_indices = #map}, {transform_indices = #map1}, {transform_indices = #map}]} {
    %mul3A = arith.constant 2 : i32
    %mul3A_0 = arith.muli %arg1, %mul3A : i32
    %add3A = arith.addi %mul3A_0, %arg0 : i32
    %mul3A_1 = arith.constant 128 : i32
    %mul3A_2 = arith.muli %add3A, %mul3A_1 : i32
    "tpu.region"() ({
      %run_scoped3A = tpu.sem_alloc : memref<!tpu.dma_semaphore, #tpu.memory_space<semaphore_mem>>
      %dma_start3A_14 = arith.constant 0 : i32
      %dma_start3A_15 = arith.constant 0 : i32
      %dma_start3A_16 = tpu.memref_slice %arg3[%add3A, %dma_start3A_14, %dma_start3A_15] : memref<32x8x128xi32, #tpu.memory_space<hbm>> -> memref<1x8x128xi32, #tpu.memory_space<hbm>>
      %dma_start3A_17 = tpu.memref_squeeze %dma_start3A_16 : memref<1x8x128xi32, #tpu.memory_space<hbm>> -> memref<8x128xi32, #tpu.memory_space<hbm>>
      %dma_start3A_18 = arith.constant 0 : i32
      %dma_start3A_19 = arith.constant 0 : i32
      %dma_start3A_20 = tpu.memref_slice %arg3[%add3A, %dma_start3A_18, %dma_start3A_19] : memref<32x8x128xi32, #tpu.memory_space<hbm>> -> memref<1x8x128xi32, #tpu.memory_space<hbm>>
      %dma_start3A_21 = tpu.memref_squeeze %dma_start3A_20 : memref<1x8x128xi32, #tpu.memory_space<hbm>> -> memref<8x128xi32, #tpu.memory_space<hbm>>
      tpu.enqueue_dma source(%dma_start3A_21 : memref<8x128xi32, #tpu.memory_space<hbm>>) target(%arg5 : memref<8x128xi32, #tpu.memory_space<vmem>>) target_semaphore(%run_scoped3A : memref<!tpu.dma_semaphore, #tpu.memory_space<semaphore_mem>>)
      %dma_wait3A = arith.constant 0 : i32
      %dma_wait3A_22 = arith.constant 0 : i32
      %dma_wait3A_23 = tpu.memref_slice %arg3[%add3A, %dma_wait3A, %dma_wait3A_22] : memref<32x8x128xi32, #tpu.memory_space<hbm>> -> memref<1x8x128xi32, #tpu.memory_space<hbm>>
      %dma_wait3A_24 = tpu.memref_squeeze %dma_wait3A_23 : memref<1x8x128xi32, #tpu.memory_space<hbm>> -> memref<8x128xi32, #tpu.memory_space<hbm>>
      %dma_wait3A_25 = arith.constant 0 : i32
      %dma_wait3A_26 = arith.constant 0 : i32
      %dma_wait3A_27 = tpu.memref_slice %arg3[%add3A, %dma_wait3A_25, %dma_wait3A_26] : memref<32x8x128xi32, #tpu.memory_space<hbm>> -> memref<1x8x128xi32, #tpu.memory_space<hbm>>
      %dma_wait3A_28 = tpu.memref_squeeze %dma_wait3A_27 : memref<1x8x128xi32, #tpu.memory_space<hbm>> -> memref<8x128xi32, #tpu.memory_space<hbm>>
      tpu.wait_dma2 semaphore(%run_scoped3A : memref<!tpu.dma_semaphore, #tpu.memory_space<semaphore_mem>>) src(%dma_wait3A_28 : memref<8x128xi32, #tpu.memory_space<hbm>>) dst(%arg5 : memref<8x128xi32, #tpu.memory_space<vmem>>)
      tpu.yield
    }) : () -> ()
    %dma_start3A = arith.constant 0 : i32
    %dma_start3A_3 = arith.constant 0 : i32
    %dma_start3A_4 = tpu.memref_slice %arg5[%dma_start3A, %dma_start3A_3] : memref<8x128xi32, #tpu.memory_space<vmem>> -> memref<1x128xi32, #tpu.memory_space<vmem>>
    %dma_start3A_5 = tpu.memref_squeeze %dma_start3A_4 : memref<1x128xi32, #tpu.memory_space<vmem>> -> memref<128xi32, #tpu.memory_space<vmem>>
    %dma_start3A_6 = arith.constant 0 : i32
    %dma_start3A_7 = arith.constant 0 : i32
    %dma_start3A_8 = tpu.memref_slice %arg2[%dma_start3A_6, %dma_start3A_7] : memref<4096x256xf32, #tpu.memory_space<hbm>> -> memref<4096x256xf32, #tpu.memory_space<hbm>>
    tpu.enqueue_indirect_dma source(%dma_start3A_8 : memref<4096x256xf32, #tpu.memory_space<hbm>>) target(%arg6 : memref<128x256xf32, #tpu.memory_space<vmem>>) offsets(%dma_start3A_5 : memref<128xi32, #tpu.memory_space<vmem>>) semaphore(%arg9 : memref<!tpu.dma_semaphore, #tpu.memory_space<semaphore_mem>>)
    %scan3A = arith.constant 0 : i32
    %scan3A_9 = arith.constant 0 : i32
    %scan3A_10 = arith.constant 4 : i32
    %scan3A_11 = arith.addi %scan3A_9, %scan3A_10 : i32
    %scan3A_12 = arith.constant 1 : i32
    scf.for %scan3A_14 = %scan3A_9 to %scan3A_11 step %scan3A_12  : i32 {
      %mul3A_15 = arith.constant 2 : i32
      %mul3A_16 = arith.muli %mul3A_15, %scan3A_14 : i32
      %add3A_17 = arith.constant 1 : i32
      %add3A_18 = arith.addi %mul3A_16, %add3A_17 : i32
      %dma_start3A_19 = arith.constant 0 : i32
      %dma_start3A_20 = tpu.memref_slice %arg5[%add3A_18, %dma_start3A_19] : memref<8x128xi32, #tpu.memory_space<vmem>> -> memref<1x128xi32, #tpu.memory_space<vmem>>
      %dma_start3A_21 = tpu.memref_squeeze %dma_start3A_20 : memref<1x128xi32, #tpu.memory_space<vmem>> -> memref<128xi32, #tpu.memory_space<vmem>>
      %dma_start3A_22 = arith.constant 0 : i32
      %dma_start3A_23 = arith.constant 0 : i32
      %dma_start3A_24 = tpu.memref_slice %arg2[%dma_start3A_22, %dma_start3A_23] : memref<4096x256xf32, #tpu.memory_space<hbm>> -> memref<4096x256xf32, #tpu.memory_space<hbm>>
      tpu.enqueue_indirect_dma source(%dma_start3A_24 : memref<4096x256xf32, #tpu.memory_space<hbm>>) target(%arg7 : memref<128x256xf32, #tpu.memory_space<vmem>>) offsets(%dma_start3A_21 : memref<128xi32, #tpu.memory_space<vmem>>) semaphore(%arg10 : memref<!tpu.dma_semaphore, #tpu.memory_space<semaphore_mem>>)
      %dma_wait3A = arith.constant 0 : i32
      %dma_wait3A_25 = tpu.memref_slice %arg5[%mul3A_16, %dma_wait3A] : memref<8x128xi32, #tpu.memory_space<vmem>> -> memref<1x128xi32, #tpu.memory_space<vmem>>
      %dma_wait3A_26 = tpu.memref_squeeze %dma_wait3A_25 : memref<1x128xi32, #tpu.memory_space<vmem>> -> memref<128xi32, #tpu.memory_space<vmem>>
      %dma_wait3A_27 = arith.constant 0 : i32
      %dma_wait3A_28 = arith.constant 0 : i32
      %dma_wait3A_29 = tpu.memref_slice %arg2[%dma_wait3A_27, %dma_wait3A_28] : memref<4096x256xf32, #tpu.memory_space<hbm>> -> memref<4096x256xf32, #tpu.memory_space<hbm>>
      tpu.wait_indirect_dma semaphore(%arg9 : memref<!tpu.dma_semaphore, #tpu.memory_space<semaphore_mem>>) src(%dma_wait3A_29 : memref<4096x256xf32, #tpu.memory_space<hbm>>) dst(%arg6 : memref<128x256xf32, #tpu.memory_space<vmem>>)
      %scan3A_30 = arith.constant 0 : i32
      %scan3A_31 = arith.constant 0 : i32
      %scan3A_32 = arith.constant 16 : i32
      %scan3A_33 = arith.addi %scan3A_31, %scan3A_32 : i32
      %scan3A_34 = arith.constant 1 : i32
      scf.for %scan3A_52 = %scan3A_31 to %scan3A_33 step %scan3A_34  : i32 {
        %mul3A_53 = arith.constant 8 : i32
        %mul3A_54 = arith.muli %scan3A_52, %mul3A_53 : i32
        %add3A_55 = arith.constant 0 : i32
        %add3A_56 = arith.addi %mul3A_54, %add3A_55 : i32
        %get3A = arith.index_cast %add3A_56 : i32 to index
        %get3A_57 = arith.constant 0 : index
        %get3A_58 = tpu.vector_load %arg6[%get3A, %get3A_57] {strides = array<i32>} : memref<128x256xf32, #tpu.memory_space<vmem>>, vector<1x16xf32>,
        %get3A_59 = vector.shape_cast %get3A_58 : vector<1x16xf32> to vector<16xf32>
        %add3A_60 = arith.constant 1 : i32
        %add3A_61 = arith.addi %mul3A_54, %add3A_60 : i32
        %get3A_62 = arith.index_cast %add3A_61 : i32 to index
        %get3A_63 = arith.constant 0 : index
        %get3A_64 = tpu.vector_load %arg6[%get3A_62, %get3A_63] {strides = array<i32>} : memref<128x256xf32, #tpu.memory_space<vmem>>, vector<1x16xf32>,
        %get3A_65 = vector.shape_cast %get3A_64 : vector<1x16xf32> to vector<16xf32>
        %add3A_66 = arith.addf %get3A_59, %get3A_65 : vector<16xf32>
        %add3A_67 = arith.constant 2 : i32
        %add3A_68 = arith.addi %mul3A_54, %add3A_67 : i32
        %get3A_69 = arith.index_cast %add3A_68 : i32 to index
        %get3A_70 = arith.constant 0 : index
        %get3A_71 = tpu.vector_load %arg6[%get3A_69, %get3A_70] {strides = array<i32>} : memref<128x256xf32, #tpu.memory_space<vmem>>, vector<1x16xf32>,
        %get3A_72 = vector.shape_cast %get3A_71 : vector<1x16xf32> to vector<16xf32>
        %add3A_73 = arith.constant 3 : i32
        %add3A_74 = arith.addi %mul3A_54, %add3A_73 : i32
        %get3A_75 = arith.index_cast %add3A_74 : i32 to index
        %get3A_76 = arith.constant 0 : index
        %get3A_77 = tpu.vector_load %arg6[%get3A_75, %get3A_76] {strides = array<i32>} : memref<128x256xf32, #tpu.memory_space<vmem>>, vector<1x16xf32>,
        %get3A_78 = vector.shape_cast %get3A_77 : vector<1x16xf32> to vector<16xf32>
        %add3A_79 = arith.addf %get3A_72, %get3A_78 : vector<16xf32>
        %add3A_80 = arith.constant 4 : i32
        %add3A_81 = arith.addi %mul3A_54, %add3A_80 : i32
        %get3A_82 = arith.index_cast %add3A_81 : i32 to index
        %get3A_83 = arith.constant 0 : index
        %get3A_84 = tpu.vector_load %arg6[%get3A_82, %get3A_83] {strides = array<i32>} : memref<128x256xf32, #tpu.memory_space<vmem>>, vector<1x16xf32>,
        %get3A_85 = vector.shape_cast %get3A_84 : vector<1x16xf32> to vector<16xf32>
        %add3A_86 = arith.constant 5 : i32
        %add3A_87 = arith.addi %mul3A_54, %add3A_86 : i32
        %get3A_88 = arith.index_cast %add3A_87 : i32 to index
        %get3A_89 = arith.constant 0 : index
        %get3A_90 = tpu.vector_load %arg6[%get3A_88, %get3A_89] {strides = array<i32>} : memref<128x256xf32, #tpu.memory_space<vmem>>, vector<1x16xf32>,
        %get3A_91 = vector.shape_cast %get3A_90 : vector<1x16xf32> to vector<16xf32>
        %add3A_92 = arith.addf %get3A_85, %get3A_91 : vector<16xf32>
        %add3A_93 = arith.constant 6 : i32
        %add3A_94 = arith.addi %mul3A_54, %add3A_93 : i32
        %get3A_95 = arith.index_cast %add3A_94 : i32 to index
        %get3A_96 = arith.constant 0 : index
        %get3A_97 = tpu.vector_load %arg6[%get3A_95, %get3A_96] {strides = array<i32>} : memref<128x256xf32, #tpu.memory_space<vmem>>, vector<1x16xf32>,
        %get3A_98 = vector.shape_cast %get3A_97 : vector<1x16xf32> to vector<16xf32>
        %add3A_99 = arith.constant 7 : i32
        %add3A_100 = arith.addi %mul3A_54, %add3A_99 : i32
        %get3A_101 = arith.index_cast %add3A_100 : i32 to index
        %get3A_102 = arith.constant 0 : index
        %get3A_103 = tpu.vector_load %arg6[%get3A_101, %get3A_102] {strides = array<i32>} : memref<128x256xf32, #tpu.memory_space<vmem>>, vector<1x16xf32>,
        %get3A_104 = vector.shape_cast %get3A_103 : vector<1x16xf32> to vector<16xf32>
        %add3A_105 = arith.addf %get3A_98, %get3A_104 : vector<16xf32>
        %add3A_106 = arith.addf %add3A_66, %add3A_79 : vector<16xf32>
        %add3A_107 = arith.addf %add3A_92, %add3A_105 : vector<16xf32>
        %add3A_108 = arith.addf %add3A_106, %add3A_107 : vector<16xf32>
        %mul3A_109 = arith.constant 16 : i32
        %mul3A_110 = arith.muli %mul3A_16, %mul3A_109 : i32
        %add3A_111 = arith.addi %mul3A_110, %scan3A_52 : i32
        %swap3A = arith.index_cast %add3A_111 : i32 to index
        %swap3A_112 = arith.constant 0 : index
        %swap3A_113 = tpu.vector_load %arg8[%swap3A, %swap3A_112] {strides = array<i32>} : memref<128x256xf32, #tpu.memory_space<vmem>>, vector<1x16xf32>,
        %swap3A_114 = vector.shape_cast %swap3A_113 : vector<1x16xf32> to vector<16xf32>
        %swap3A_115 = vector.shape_cast %add3A_108 : vector<16xf32> to vector<1x16xf32>
        tpu.vector_store %arg8[%swap3A, %swap3A_112], %swap3A_115 {strides = array<i32>} : memref<128x256xf32, #tpu.memory_space<vmem>>, vector<1x16xf32>,
        %add3A_116 = arith.constant 0 : i32
        %add3A_117 = arith.addi %mul3A_54, %add3A_116 : i32
        %get3A_118 = arith.index_cast %add3A_117 : i32 to index
        %get3A_119 = arith.constant 16 : index
        %get3A_120 = tpu.vector_load %arg6[%get3A_118, %get3A_119] {strides = array<i32>} : memref<128x256xf32, #tpu.memory_space<vmem>>, vector<1x16xf32>,
        %get3A_121 = vector.shape_cast %get3A_120 : vector<1x16xf32> to vector<16xf32>
        %add3A_122 = arith.constant 1 : i32
        %add3A_123 = arith.addi %mul3A_54, %add3A_122 : i32
        %get3A_124 = arith.index_cast %add3A_123 : i32 to index
        %get3A_125 = arith.constant 16 : index
        %get3A_126 = tpu.vector_load %arg6[%get3A_124, %get3A_125] {strides = array<i32>} : memref<128x256xf32, #tpu.memory_space<vmem>>, vector<1x16xf32>,
        %get3A_127 = vector.shape_cast %get3A_126 : vector<1x16xf32> to vector<16xf32>
        %add3A_128 = arith.addf %get3A_121, %get3A_127 : vector<16xf32>
        %add3A_129 = arith.constant 2 : i32
        %add3A_130 = arith.addi %mul3A_54, %add3A_129 : i32
        %get3A_131 = arith.index_cast %add3A_130 : i32 to index
        %get3A_132 = arith.constant 16 : index
        %get3A_133 = tpu.vector_load %arg6[%get3A_131, %get3A_132] {strides = array<i32>} : memref<128x256xf32, #tpu.memory_space<vmem>>, vector<1x16xf32>,
        %get3A_134 = vector.shape_cast %get3A_133 : vector<1x16xf32> to vector<16xf32>
        %add3A_135 = arith.constant 3 : i32
        %add3A_136 = arith.addi %mul3A_54, %add3A_135 : i32
        %get3A_137 = arith.index_cast %add3A_136 : i32 to index
        %get3A_138 = arith.constant 16 : index
        %get3A_139 = tpu.vector_load %arg6[%get3A_137, %get3A_138] {strides = array<i32>} : memref<128x256xf32, #tpu.memory_space<vmem>>, vector<1x16xf32>,
        %get3A_140 = vector.shape_cast %get3A_139 : vector<1x16xf32> to vector<16xf32>
        %add3A_141 = arith.addf %get3A_134, %get3A_140 : vector<16xf32>
        %add3A_142 = arith.constant 4 : i32
        %add3A_143 = arith.addi %mul3A_54, %add3A_142 : i32
        %get3A_144 = arith.index_cast %add3A_143 : i32 to index
        %get3A_145 = arith.constant 16 : index
        %get3A_146 = tpu.vector_load %arg6[%get3A_144, %get3A_145] {strides = array<i32>} : memref<128x256xf32, #tpu.memory_space<vmem>>, vector<1x16xf32>,
        %get3A_147 = vector.shape_cast %get3A_146 : vector<1x16xf32> to vector<16xf32>
        %add3A_148 = arith.constant 5 : i32
        %add3A_149 = arith.addi %mul3A_54, %add3A_148 : i32
        %get3A_150 = arith.index_cast %add3A_149 : i32 to index
        %get3A_151 = arith.constant 16 : index
        %get3A_152 = tpu.vector_load %arg6[%get3A_150, %get3A_151] {strides = array<i32>} : memref<128x256xf32, #tpu.memory_space<vmem>>, vector<1x16xf32>,
        %get3A_153 = vector.shape_cast %get3A_152 : vector<1x16xf32> to vector<16xf32>
        %add3A_154 = arith.addf %get3A_147, %get3A_153 : vector<16xf32>
        %add3A_155 = arith.constant 6 : i32
        %add3A_156 = arith.addi %mul3A_54, %add3A_155 : i32
        %get3A_157 = arith.index_cast %add3A_156 : i32 to index
        %get3A_158 = arith.constant 16 : index
        %get3A_159 = tpu.vector_load %arg6[%get3A_157, %get3A_158] {strides = array<i32>} : memref<128x256xf32, #tpu.memory_space<vmem>>, vector<1x16xf32>,
        %get3A_160 = vector.shape_cast %get3A_159 : vector<1x16xf32> to vector<16xf32>
        %add3A_161 = arith.constant 7 : i32
        %add3A_162 = arith.addi %mul3A_54, %add3A_161 : i32
        %get3A_163 = arith.index_cast %add3A_162 : i32 to index
        %get3A_164 = arith.constant 16 : index
        %get3A_165 = tpu.vector_load %arg6[%get3A_163, %get3A_164] {strides = array<i32>} : memref<128x256xf32, #tpu.memory_space<vmem>>, vector<1x16xf32>,
        %get3A_166 = vector.shape_cast %get3A_165 : vector<1x16xf32> to vector<16xf32>
        %add3A_167 = arith.addf %get3A_160, %get3A_166 : vector<16xf32>
        %add3A_168 = arith.addf %add3A_128, %add3A_141 : vector<16xf32>
        %add3A_169 = arith.addf %add3A_154, %add3A_167 : vector<16xf32>
        %add3A_170 = arith.addf %add3A_168, %add3A_169 : vector<16xf32>
        %mul3A_171 = arith.constant 16 : i32
        %mul3A_172 = arith.muli %mul3A_16, %mul3A_171 : i32
        %add3A_173 = arith.addi %mul3A_172, %scan3A_52 : i32
        %swap3A_174 = arith.index_cast %add3A_173 : i32 to index
        %swap3A_175 = arith.constant 16 : index
        %swap3A_176 = tpu.vector_load %arg8[%swap3A_174, %swap3A_175] {strides = array<i32>} : memref<128x256xf32, #tpu.memory_space<vmem>>, vector<1x16xf32>,
        %swap3A_177 = vector.shape_cast %swap3A_176 : vector<1x16xf32> to vector<16xf32>
        %swap3A_178 = vector.shape_cast %add3A_170 : vector<16xf32> to vector<1x16xf32>
        tpu.vector_store %arg8[%swap3A_174, %swap3A_175], %swap3A_178 {strides = array<i32>} : memref<128x256xf32, #tpu.memory_space<vmem>>, vector<1x16xf32>,
        %add3A_179 = arith.constant 0 : i32
        %add3A_180 = arith.addi %mul3A_54, %add3A_179 : i32
        %get3A_181 = arith.index_cast %add3A_180 : i32 to index
        %get3A_182 = arith.constant 32 : index
        %get3A_183 = tpu.vector_load %arg6[%get3A_181, %get3A_182] {strides = array<i32>} : memref<128x256xf32, #tpu.memory_space<vmem>>, vector<1x16xf32>,
        %get3A_184 = vector.shape_cast %get3A_183 : vector<1x16xf32> to vector<16xf32>
        %add3A_185 = arith.constant 1 : i32
        %add3A_186 = arith.addi %mul3A_54, %add3A_185 : i32
        %get3A_187 = arith.index_cast %add3A_186 : i32 to index
        %get3A_188 = arith.constant 32 : index
        %get3A_189 = tpu.vector_load %arg6[%get3A_187, %get3A_188] {strides = array<i32>} : memref<128x256xf32, #tpu.memory_space<vmem>>, vector<1x16xf32>,
        %get3A_190 = vector.shape_cast %get3A_189 : vector<1x16xf32> to vector<16xf32>
        %add3A_191 = arith.addf %get3A_184, %get3A_190 : vector<16xf32>
        %add3A_192 = arith.constant 2 : i32
        %add3A_193 = arith.addi %mul3A_54, %add3A_192 : i32
        %get3A_194 = arith.index_cast %add3A_193 : i32 to index
        %get3A_195 = arith.constant 32 : index
        %get3A_196 = tpu.vector_load %arg6[%get3A_194, %get3A_195] {strides = array<i32>} : memref<128x256xf32, #tpu.memory_space<vmem>>, vector<1x16xf32>,
        %get3A_197 = vector.shape_cast %get3A_196 : vector<1x16xf32> to vector<16xf32>
        %add3A_198 = arith.constant 3 : i32
        %add3A_199 = arith.addi %mul3A_54, %add3A_198 : i32
        %get3A_200 = arith.index_cast %add3A_199 : i32 to index
        %get3A_201 = arith.constant 32 : index
        %get3A_202 = tpu.vector_load %arg6[%get3A_200, %get3A_201] {strides = array<i32>} : memref<128x256xf32, #tpu.memory_space<vmem>>, vector<1x16xf32>,
        %get3A_203 = vector.shape_cast %get3A_202 : vector<1x16xf32> to vector<16xf32>
        %add3A_204 = arith.addf %get3A_197, %get3A_203 : vector<16xf32>
        %add3A_205 = arith.constant 4 : i32
        %add3A_206 = arith.addi %mul3A_54, %add3A_205 : i32
        %get3A_207 = arith.index_cast %add3A_206 : i32 to index
        %get3A_208 = arith.constant 32 : index
        %get3A_209 = tpu.vector_load %arg6[%get3A_207, %get3A_208] {strides = array<i32>} : memref<128x256xf32, #tpu.memory_space<vmem>>, vector<1x16xf32>,
        %get3A_210 = vector.shape_cast %get3A_209 : vector<1x16xf32> to vector<16xf32>
        %add3A_211 = arith.constant 5 : i32
        %add3A_212 = arith.addi %mul3A_54, %add3A_211 : i32
        %get3A_213 = arith.index_cast %add3A_212 : i32 to index
        %get3A_214 = arith.constant 32 : index
        %get3A_215 = tpu.vector_load %arg6[%get3A_213, %get3A_214] {strides = array<i32>} : memref<128x256xf32, #tpu.memory_space<vmem>>, vector<1x16xf32>,
        %get3A_216 = vector.shape_cast %get3A_215 : vector<1x16xf32> to vector<16xf32>
        %add3A_217 = arith.addf %get3A_210, %get3A_216 : vector<16xf32>
        %add3A_218 = arith.constant 6 : i32
        %add3A_219 = arith.addi %mul3A_54, %add3A_218 : i32
        %get3A_220 = arith.index_cast %add3A_219 : i32 to index
        %get3A_221 = arith.constant 32 : index
        %get3A_222 = tpu.vector_load %arg6[%get3A_220, %get3A_221] {strides = array<i32>} : memref<128x256xf32, #tpu.memory_space<vmem>>, vector<1x16xf32>,
        %get3A_223 = vector.shape_cast %get3A_222 : vector<1x16xf32> to vector<16xf32>
        %add3A_224 = arith.constant 7 : i32
        %add3A_225 = arith.addi %mul3A_54, %add3A_224 : i32
        %get3A_226 = arith.index_cast %add3A_225 : i32 to index
        %get3A_227 = arith.constant 32 : index
        %get3A_228 = tpu.vector_load %arg6[%get3A_226, %get3A_227] {strides = array<i32>} : memref<128x256xf32, #tpu.memory_space<vmem>>, vector<1x16xf32>,
        %get3A_229 = vector.shape_cast %get3A_228 : vector<1x16xf32> to vector<16xf32>
        %add3A_230 = arith.addf %get3A_223, %get3A_229 : vector<16xf32>
        %add3A_231 = arith.addf %add3A_191, %add3A_204 : vector<16xf32>
        %add3A_232 = arith.addf %add3A_217, %add3A_230 : vector<16xf32>
        %add3A_233 = arith.addf %add3A_231, %add3A_232 : vector<16xf32>
        %mul3A_234 = arith.constant 16 : i32
        %mul3A_235 = arith.muli %mul3A_16, %mul3A_234 : i32
        %add3A_236 = arith.addi %mul3A_235, %scan3A_52 : i32
        %swap3A_237 = arith.index_cast %add3A_236 : i32 to index
        %swap3A_238 = arith.constant 32 : index
        %swap3A_239 = tpu.vector_load %arg8[%swap3A_237, %swap3A_238] {strides = array<i32>} : memref<128x256xf32, #tpu.memory_space<vmem>>, vector<1x16xf32>,
        %swap3A_240 = vector.shape_cast %swap3A_239 : vector<1x16xf32> to vector<16xf32>
        %swap3A_241 = vector.shape_cast %add3A_233 : vector<16xf32> to vector<1x16xf32>
        tpu.vector_store %arg8[%swap3A_237, %swap3A_238], %swap3A_241 {strides = array<i32>} : memref<128x256xf32, #tpu.memory_space<vmem>>, vector<1x16xf32>,
        %add3A_242 = arith.constant 0 : i32
        %add3A_243 = arith.addi %mul3A_54, %add3A_242 : i32
        %get3A_244 = arith.index_cast %add3A_243 : i32 to index
        %get3A_245 = arith.constant 48 : index
        %get3A_246 = tpu.vector_load %arg6[%get3A_244, %get3A_245] {strides = array<i32>} : memref<128x256xf32, #tpu.memory_space<vmem>>, vector<1x16xf32>,
        %get3A_247 = vector.shape_cast %get3A_246 : vector<1x16xf32> to vector<16xf32>
        %add3A_248 = arith.constant 1 : i32
        %add3A_249 = arith.addi %mul3A_54, %add3A_248 : i32
        %get3A_250 = arith.index_cast %add3A_249 : i32 to index
        %get3A_251 = arith.constant 48 : index
        %get3A_252 = tpu.vector_load %arg6[%get3A_250, %get3A_251] {strides = array<i32>} : memref<128x256xf32, #tpu.memory_space<vmem>>, vector<1x16xf32>,
        %get3A_253 = vector.shape_cast %get3A_252 : vector<1x16xf32> to vector<16xf32>
        %add3A_254 = arith.addf %get3A_247, %get3A_253 : vector<16xf32>
        %add3A_255 = arith.constant 2 : i32
        %add3A_256 = arith.addi %mul3A_54, %add3A_255 : i32
        %get3A_257 = arith.index_cast %add3A_256 : i32 to index
        %get3A_258 = arith.constant 48 : index
        %get3A_259 = tpu.vector_load %arg6[%get3A_257, %get3A_258] {strides = array<i32>} : memref<128x256xf32, #tpu.memory_space<vmem>>, vector<1x16xf32>,
        %get3A_260 = vector.shape_cast %get3A_259 : vector<1x16xf32> to vector<16xf32>
        %add3A_261 = arith.constant 3 : i32
        %add3A_262 = arith.addi %mul3A_54, %add3A_261 : i32
        %get3A_263 = arith.index_cast %add3A_262 : i32 to index
        %get3A_264 = arith.constant 48 : index
        %get3A_265 = tpu.vector_load %arg6[%get3A_263, %get3A_264] {strides = array<i32>} : memref<128x256xf32, #tpu.memory_space<vmem>>, vector<1x16xf32>,
        %get3A_266 = vector.shape_cast %get3A_265 : vector<1x16xf32> to vector<16xf32>
        %add3A_267 = arith.addf %get3A_260, %get3A_266 : vector<16xf32>
        %add3A_268 = arith.constant 4 : i32
        %add3A_269 = arith.addi %mul3A_54, %add3A_268 : i32
        %get3A_270 = arith.index_cast %add3A_269 : i32 to index
        %get3A_271 = arith.constant 48 : index
        %get3A_272 = tpu.vector_load %arg6[%get3A_270, %get3A_271] {strides = array<i32>} : memref<128x256xf32, #tpu.memory_space<vmem>>, vector<1x16xf32>,
        %get3A_273 = vector.shape_cast %get3A_272 : vector<1x16xf32> to vector<16xf32>
        %add3A_274 = arith.constant 5 : i32
        %add3A_275 = arith.addi %mul3A_54, %add3A_274 : i32
        %get3A_276 = arith.index_cast %add3A_275 : i32 to index
        %get3A_277 = arith.constant 48 : index
        %get3A_278 = tpu.vector_load %arg6[%get3A_276, %get3A_277] {strides = array<i32>} : memref<128x256xf32, #tpu.memory_space<vmem>>, vector<1x16xf32>,
        %get3A_279 = vector.shape_cast %get3A_278 : vector<1x16xf32> to vector<16xf32>
        %add3A_280 = arith.addf %get3A_273, %get3A_279 : vector<16xf32>
        %add3A_281 = arith.constant 6 : i32
        %add3A_282 = arith.addi %mul3A_54, %add3A_281 : i32
        %get3A_283 = arith.index_cast %add3A_282 : i32 to index
        %get3A_284 = arith.constant 48 : index
        %get3A_285 = tpu.vector_load %arg6[%get3A_283, %get3A_284] {strides = array<i32>} : memref<128x256xf32, #tpu.memory_space<vmem>>, vector<1x16xf32>,
        %get3A_286 = vector.shape_cast %get3A_285 : vector<1x16xf32> to vector<16xf32>
        %add3A_287 = arith.constant 7 : i32
        %add3A_288 = arith.addi %mul3A_54, %add3A_287 : i32
        %get3A_289 = arith.index_cast %add3A_288 : i32 to index
        %get3A_290 = arith.constant 48 : index
        %get3A_291 = tpu.vector_load %arg6[%get3A_289, %get3A_290] {strides = array<i32>} : memref<128x256xf32, #tpu.memory_space<vmem>>, vector<1x16xf32>,
        %get3A_292 = vector.shape_cast %get3A_291 : vector<1x16xf32> to vector<16xf32>
        %add3A_293 = arith.addf %get3A_286, %get3A_292 : vector<16xf32>
        %add3A_294 = arith.addf %add3A_254, %add3A_267 : vector<16xf32>
        %add3A_295 = arith.addf %add3A_280, %add3A_293 : vector<16xf32>
        %add3A_296 = arith.addf %add3A_294, %add3A_295 : vector<16xf32>
        %mul3A_297 = arith.constant 16 : i32
        %mul3A_298 = arith.muli %mul3A_16, %mul3A_297 : i32
        %add3A_299 = arith.addi %mul3A_298, %scan3A_52 : i32
        %swap3A_300 = arith.index_cast %add3A_299 : i32 to index
        %swap3A_301 = arith.constant 48 : index
        %swap3A_302 = tpu.vector_load %arg8[%swap3A_300, %swap3A_301] {strides = array<i32>} : memref<128x256xf32, #tpu.memory_space<vmem>>, vector<1x16xf32>,
        %swap3A_303 = vector.shape_cast %swap3A_302 : vector<1x16xf32> to vector<16xf32>
        %swap3A_304 = vector.shape_cast %add3A_296 : vector<16xf32> to vector<1x16xf32>
        tpu.vector_store %arg8[%swap3A_300, %swap3A_301], %swap3A_304 {strides = array<i32>} : memref<128x256xf32, #tpu.memory_space<vmem>>, vector<1x16xf32>,
        %add3A_305 = arith.constant 0 : i32
        %add3A_306 = arith.addi %mul3A_54, %add3A_305 : i32
        %get3A_307 = arith.index_cast %add3A_306 : i32 to index
        %get3A_308 = arith.constant 64 : index
        %get3A_309 = tpu.vector_load %arg6[%get3A_307, %get3A_308] {strides = array<i32>} : memref<128x256xf32, #tpu.memory_space<vmem>>, vector<1x16xf32>,
        %get3A_310 = vector.shape_cast %get3A_309 : vector<1x16xf32> to vector<16xf32>
        %add3A_311 = arith.constant 1 : i32
        %add3A_312 = arith.addi %mul3A_54, %add3A_311 : i32
        %get3A_313 = arith.index_cast %add3A_312 : i32 to index
        %get3A_314 = arith.constant 64 : index
        %get3A_315 = tpu.vector_load %arg6[%get3A_313, %get3A_314] {strides = array<i32>} : memref<128x256xf32, #tpu.memory_space<vmem>>, vector<1x16xf32>,
        %get3A_316 = vector.shape_cast %get3A_315 : vector<1x16xf32> to vector<16xf32>
        %add3A_317 = arith.addf %get3A_310, %get3A_316 : vector<16xf32>
        %add3A_318 = arith.constant 2 : i32
        %add3A_319 = arith.addi %mul3A_54, %add3A_318 : i32
        %get3A_320 = arith.index_cast %add3A_319 : i32 to index
        %get3A_321 = arith.constant 64 : index
        %get3A_322 = tpu.vector_load %arg6[%get3A_320, %get3A_321] {strides = array<i32>} : memref<128x256xf32, #tpu.memory_space<vmem>>, vector<1x16xf32>,
        %get3A_323 = vector.shape_cast %get3A_322 : vector<1x16xf32> to vector<16xf32>
        %add3A_324 = arith.constant 3 : i32
        %add3A_325 = arith.addi %mul3A_54, %add3A_324 : i32
        %get3A_326 = arith.index_cast %add3A_325 : i32 to index
        %get3A_327 = arith.constant 64 : index
        %get3A_328 = tpu.vector_load %arg6[%get3A_326, %get3A_327] {strides = array<i32>} : memref<128x256xf32, #tpu.memory_space<vmem>>, vector<1x16xf32>,
        %get3A_329 = vector.shape_cast %get3A_328 : vector<1x16xf32> to vector<16xf32>
        %add3A_330 = arith.addf %get3A_323, %get3A_329 : vector<16xf32>
        %add3A_331 = arith.constant 4 : i32
        %add3A_332 = arith.addi %mul3A_54, %add3A_331 : i32
        %get3A_333 = arith.index_cast %add3A_332 : i32 to index
        %get3A_334 = arith.constant 64 : index
        %get3A_335 = tpu.vector_load %arg6[%get3A_333, %get3A_334] {strides = array<i32>} : memref<128x256xf32, #tpu.memory_space<vmem>>, vector<1x16xf32>,
        %get3A_336 = vector.shape_cast %get3A_335 : vector<1x16xf32> to vector<16xf32>
        %add3A_337 = arith.constant 5 : i32
        %add3A_338 = arith.addi %mul3A_54, %add3A_337 : i32
        %get3A_339 = arith.index_cast %add3A_338 : i32 to index
        %get3A_340 = arith.constant 64 : index
        %get3A_341 = tpu.vector_load %arg6[%get3A_339, %get3A_340] {strides = array<i32>} : memref<128x256xf32, #tpu.memory_space<vmem>>, vector<1x16xf32>,
        %get3A_342 = vector.shape_cast %get3A_341 : vector<1x16xf32> to vector<16xf32>
        %add3A_343 = arith.addf %get3A_336, %get3A_342 : vector<16xf32>
        %add3A_344 = arith.constant 6 : i32
        %add3A_345 = arith.addi %mul3A_54, %add3A_344 : i32
        %get3A_346 = arith.index_cast %add3A_345 : i32 to index
        %get3A_347 = arith.constant 64 : index
        %get3A_348 = tpu.vector_load %arg6[%get3A_346, %get3A_347] {strides = array<i32>} : memref<128x256xf32, #tpu.memory_space<vmem>>, vector<1x16xf32>,
        %get3A_349 = vector.shape_cast %get3A_348 : vector<1x16xf32> to vector<16xf32>
        %add3A_350 = arith.constant 7 : i32
        %add3A_351 = arith.addi %mul3A_54, %add3A_350 : i32
        %get3A_352 = arith.index_cast %add3A_351 : i32 to index
        %get3A_353 = arith.constant 64 : index
        %get3A_354 = tpu.vector_load %arg6[%get3A_352, %get3A_353] {strides = array<i32>} : memref<128x256xf32, #tpu.memory_space<vmem>>, vector<1x16xf32>,
        %get3A_355 = vector.shape_cast %get3A_354 : vector<1x16xf32> to vector<16xf32>
        %add3A_356 = arith.addf %get3A_349, %get3A_355 : vector<16xf32>
        %add3A_357 = arith.addf %add3A_317, %add3A_330 : vector<16xf32>
        %add3A_358 = arith.addf %add3A_343, %add3A_356 : vector<16xf32>
        %add3A_359 = arith.addf %add3A_357, %add3A_358 : vector<16xf32>
        %mul3A_360 = arith.constant 16 : i32
        %mul3A_361 = arith.muli %mul3A_16, %mul3A_360 : i32
        %add3A_362 = arith.addi %mul3A_361, %scan3A_52 : i32
        %swap3A_363 = arith.index_cast %add3A_362 : i32 to index
        %swap3A_364 = arith.constant 64 : index
        %swap3A_365 = tpu.vector_load %arg8[%swap3A_363, %swap3A_364] {strides = array<i32>} : memref<128x256xf32, #tpu.memory_space<vmem>>, vector<1x16xf32>,
        %swap3A_366 = vector.shape_cast %swap3A_365 : vector<1x16xf32> to vector<16xf32>
        %swap3A_367 = vector.shape_cast %add3A_359 : vector<16xf32> to vector<1x16xf32>
        tpu.vector_store %arg8[%swap3A_363, %swap3A_364], %swap3A_367 {strides = array<i32>} : memref<128x256xf32, #tpu.memory_space<vmem>>, vector<1x16xf32>,
        %add3A_368 = arith.constant 0 : i32
        %add3A_369 = arith.addi %mul3A_54, %add3A_368 : i32
        %get3A_370 = arith.index_cast %add3A_369 : i32 to index
        %get3A_371 = arith.constant 80 : index
        %get3A_372 = tpu.vector_load %arg6[%get3A_370, %get3A_371] {strides = array<i32>} : memref<128x256xf32, #tpu.memory_space<vmem>>, vector<1x16xf32>,
        %get3A_373 = vector.shape_cast %get3A_372 : vector<1x16xf32> to vector<16xf32>
        %add3A_374 = arith.constant 1 : i32
        %add3A_375 = arith.addi %mul3A_54, %add3A_374 : i32
        %get3A_376 = arith.index_cast %add3A_375 : i32 to index
        %get3A_377 = arith.constant 80 : index
        %get3A_378 = tpu.vector_load %arg6[%get3A_376, %get3A_377] {strides = array<i32>} : memref<128x256xf32, #tpu.memory_space<vmem>>, vector<1x16xf32>,
        %get3A_379 = vector.shape_cast %get3A_378 : vector<1x16xf32> to vector<16xf32>
        %add3A_380 = arith.addf %get3A_373, %get3A_379 : vector<16xf32>
        %add3A_381 = arith.constant 2 : i32
        %add3A_382 = arith.addi %mul3A_54, %add3A_381 : i32
        %get3A_383 = arith.index_cast %add3A_382 : i32 to index
        %get3A_384 = arith.constant 80 : index
        %get3A_385 = tpu.vector_load %arg6[%get3A_383, %get3A_384] {strides = array<i32>} : memref<128x256xf32, #tpu.memory_space<vmem>>, vector<1x16xf32>,
        %get3A_386 = vector.shape_cast %get3A_385 : vector<1x16xf32> to vector<16xf32>
        %add3A_387 = arith.constant 3 : i32
        %add3A_388 = arith.addi %mul3A_54, %add3A_387 : i32
        %get3A_389 = arith.index_cast %add3A_388 : i32 to index
        %get3A_390 = arith.constant 80 : index
        %get3A_391 = tpu.vector_load %arg6[%get3A_389, %get3A_390] {strides = array<i32>} : memref<128x256xf32, #tpu.memory_space<vmem>>, vector<1x16xf32>,
        %get3A_392 = vector.shape_cast %get3A_391 : vector<1x16xf32> to vector<16xf32>
        %add3A_393 = arith.addf %get3A_386, %get3A_392 : vector<16xf32>
        %add3A_394 = arith.constant 4 : i32
        %add3A_395 = arith.addi %mul3A_54, %add3A_394 : i32
        %get3A_396 = arith.index_cast %add3A_395 : i32 to index
        %get3A_397 = arith.constant 80 : index
        %get3A_398 = tpu.vector_load %arg6[%get3A_396, %get3A_397] {strides = array<i32>} : memref<128x256xf32, #tpu.memory_space<vmem>>, vector<1x16xf32>,
        %get3A_399 = vector.shape_cast %get3A_398 : vector<1x16xf32> to vector<16xf32>
        %add3A_400 = arith.constant 5 : i32
        %add3A_401 = arith.addi %mul3A_54, %add3A_400 : i32
        %get3A_402 = arith.index_cast %add3A_401 : i32 to index
        %get3A_403 = arith.constant 80 : index
        %get3A_404 = tpu.vector_load %arg6[%get3A_402, %get3A_403] {strides = array<i32>} : memref<128x256xf32, #tpu.memory_space<vmem>>, vector<1x16xf32>,
        %get3A_405 = vector.shape_cast %get3A_404 : vector<1x16xf32> to vector<16xf32>
        %add3A_406 = arith.addf %get3A_399, %get3A_405 : vector<16xf32>
        %add3A_407 = arith.constant 6 : i32
        %add3A_408 = arith.addi %mul3A_54, %add3A_407 : i32
        %get3A_409 = arith.index_cast %add3A_408 : i32 to index
        %get3A_410 = arith.constant 80 : index
        %get3A_411 = tpu.vector_load %arg6[%get3A_409, %get3A_410] {strides = array<i32>} : memref<128x256xf32, #tpu.memory_space<vmem>>, vector<1x16xf32>,
        %get3A_412 = vector.shape_cast %get3A_411 : vector<1x16xf32> to vector<16xf32>
        %add3A_413 = arith.constant 7 : i32
        %add3A_414 = arith.addi %mul3A_54, %add3A_413 : i32
        %get3A_415 = arith.index_cast %add3A_414 : i32 to index
        %get3A_416 = arith.constant 80 : index
        %get3A_417 = tpu.vector_load %arg6[%get3A_415, %get3A_416] {strides = array<i32>} : memref<128x256xf32, #tpu.memory_space<vmem>>, vector<1x16xf32>,
        %get3A_418 = vector.shape_cast %get3A_417 : vector<1x16xf32> to vector<16xf32>
        %add3A_419 = arith.addf %get3A_412, %get3A_418 : vector<16xf32>
        %add3A_420 = arith.addf %add3A_380, %add3A_393 : vector<16xf32>
        %add3A_421 = arith.addf %add3A_406, %add3A_419 : vector<16xf32>
        %add3A_422 = arith.addf %add3A_420, %add3A_421 : vector<16xf32>
        %mul3A_423 = arith.constant 16 : i32
        %mul3A_424 = arith.muli %mul3A_16, %mul3A_423 : i32
        %add3A_425 = arith.addi %mul3A_424, %scan3A_52 : i32
        %swap3A_426 = arith.index_cast %add3A_425 : i32 to index
        %swap3A_427 = arith.constant 80 : index
        %swap3A_428 = tpu.vector_load %arg8[%swap3A_426, %swap3A_427] {strides = array<i32>} : memref<128x256xf32, #tpu.memory_space<vmem>>, vector<1x16xf32>,
        %swap3A_429 = vector.shape_cast %swap3A_428 : vector<1x16xf32> to vector<16xf32>
        %swap3A_430 = vector.shape_cast %add3A_422 : vector<16xf32> to vector<1x16xf32>
        tpu.vector_store %arg8[%swap3A_426, %swap3A_427], %swap3A_430 {strides = array<i32>} : memref<128x256xf32, #tpu.memory_space<vmem>>, vector<1x16xf32>,
        %add3A_431 = arith.constant 0 : i32
        %add3A_432 = arith.addi %mul3A_54, %add3A_431 : i32
        %get3A_433 = arith.index_cast %add3A_432 : i32 to index
        %get3A_434 = arith.constant 96 : index
        %get3A_435 = tpu.vector_load %arg6[%get3A_433, %get3A_434] {strides = array<i32>} : memref<128x256xf32, #tpu.memory_space<vmem>>, vector<1x16xf32>,
        %get3A_436 = vector.shape_cast %get3A_435 : vector<1x16xf32> to vector<16xf32>
        %add3A_437 = arith.constant 1 : i32
        %add3A_438 = arith.addi %mul3A_54, %add3A_437 : i32
        %get3A_439 = arith.index_cast %add3A_438 : i32 to index
        %get3A_440 = arith.constant 96 : index
        %get3A_441 = tpu.vector_load %arg6[%get3A_439, %get3A_440] {strides = array<i32>} : memref<128x256xf32, #tpu.memory_space<vmem>>, vector<1x16xf32>,
        %get3A_442 = vector.shape_cast %get3A_441 : vector<1x16xf32> to vector<16xf32>
        %add3A_443 = arith.addf %get3A_436, %get3A_442 : vector<16xf32>
        %add3A_444 = arith.constant 2 : i32
        %add3A_445 = arith.addi %mul3A_54, %add3A_444 : i32
        %get3A_446 = arith.index_cast %add3A_445 : i32 to index
        %get3A_447 = arith.constant 96 : index
        %get3A_448 = tpu.vector_load %arg6[%get3A_446, %get3A_447] {strides = array<i32>} : memref<128x256xf32, #tpu.memory_space<vmem>>, vector<1x16xf32>,
        %get3A_449 = vector.shape_cast %get3A_448 : vector<1x16xf32> to vector<16xf32>
        %add3A_450 = arith.constant 3 : i32
        %add3A_451 = arith.addi %mul3A_54, %add3A_450 : i32
        %get3A_452 = arith.index_cast %add3A_451 : i32 to index
        %get3A_453 = arith.constant 96 : index
        %get3A_454 = tpu.vector_load %arg6[%get3A_452, %get3A_453] {strides = array<i32>} : memref<128x256xf32, #tpu.memory_space<vmem>>, vector<1x16xf32>,
        %get3A_455 = vector.shape_cast %get3A_454 : vector<1x16xf32> to vector<16xf32>
        %add3A_456 = arith.addf %get3A_449, %get3A_455 : vector<16xf32>
        %add3A_457 = arith.constant 4 : i32
        %add3A_458 = arith.addi %mul3A_54, %add3A_457 : i32
        %get3A_459 = arith.index_cast %add3A_458 : i32 to index
        %get3A_460 = arith.constant 96 : index
        %get3A_461 = tpu.vector_load %arg6[%get3A_459, %get3A_460] {strides = array<i32>} : memref<128x256xf32, #tpu.memory_space<vmem>>, vector<1x16xf32>,
        %get3A_462 = vector.shape_cast %get3A_461 : vector<1x16xf32> to vector<16xf32>
        %add3A_463 = arith.constant 5 : i32
        %add3A_464 = arith.addi %mul3A_54, %add3A_463 : i32
        %get3A_465 = arith.index_cast %add3A_464 : i32 to index
        %get3A_466 = arith.constant 96 : index
        %get3A_467 = tpu.vector_load %arg6[%get3A_465, %get3A_466] {strides = array<i32>} : memref<128x256xf32, #tpu.memory_space<vmem>>, vector<1x16xf32>,
        %get3A_468 = vector.shape_cast %get3A_467 : vector<1x16xf32> to vector<16xf32>
        %add3A_469 = arith.addf %get3A_462, %get3A_468 : vector<16xf32>
        %add3A_470 = arith.constant 6 : i32
        %add3A_471 = arith.addi %mul3A_54, %add3A_470 : i32
        %get3A_472 = arith.index_cast %add3A_471 : i32 to index
        %get3A_473 = arith.constant 96 : index
        %get3A_474 = tpu.vector_load %arg6[%get3A_472, %get3A_473] {strides = array<i32>} : memref<128x256xf32, #tpu.memory_space<vmem>>, vector<1x16xf32>,
        %get3A_475 = vector.shape_cast %get3A_474 : vector<1x16xf32> to vector<16xf32>
        %add3A_476 = arith.constant 7 : i32
        %add3A_477 = arith.addi %mul3A_54, %add3A_476 : i32
        %get3A_478 = arith.index_cast %add3A_477 : i32 to index
        %get3A_479 = arith.constant 96 : index
        %get3A_480 = tpu.vector_load %arg6[%get3A_478, %get3A_479] {strides = array<i32>} : memref<128x256xf32, #tpu.memory_space<vmem>>, vector<1x16xf32>,
        %get3A_481 = vector.shape_cast %get3A_480 : vector<1x16xf32> to vector<16xf32>
        %add3A_482 = arith.addf %get3A_475, %get3A_481 : vector<16xf32>
        %add3A_483 = arith.addf %add3A_443, %add3A_456 : vector<16xf32>
        %add3A_484 = arith.addf %add3A_469, %add3A_482 : vector<16xf32>
        %add3A_485 = arith.addf %add3A_483, %add3A_484 : vector<16xf32>
        %mul3A_486 = arith.constant 16 : i32
        %mul3A_487 = arith.muli %mul3A_16, %mul3A_486 : i32
        %add3A_488 = arith.addi %mul3A_487, %scan3A_52 : i32
        %swap3A_489 = arith.index_cast %add3A_488 : i32 to index
        %swap3A_490 = arith.constant 96 : index
        %swap3A_491 = tpu.vector_load %arg8[%swap3A_489, %swap3A_490] {strides = array<i32>} : memref<128x256xf32, #tpu.memory_space<vmem>>, vector<1x16xf32>,
        %swap3A_492 = vector.shape_cast %swap3A_491 : vector<1x16xf32> to vector<16xf32>
        %swap3A_493 = vector.shape_cast %add3A_485 : vector<16xf32> to vector<1x16xf32>
        tpu.vector_store %arg8[%swap3A_489, %swap3A_490], %swap3A_493 {strides = array<i32>} : memref<128x256xf32, #tpu.memory_space<vmem>>, vector<1x16xf32>,
        %add3A_494 = arith.constant 0 : i32
        %add3A_495 = arith.addi %mul3A_54, %add3A_494 : i32
        %get3A_496 = arith.index_cast %add3A_495 : i32 to index
        %get3A_497 = arith.constant 112 : index
        %get3A_498 = tpu.vector_load %arg6[%get3A_496, %get3A_497] {strides = array<i32>} : memref<128x256xf32, #tpu.memory_space<vmem>>, vector<1x16xf32>,
        %get3A_499 = vector.shape_cast %get3A_498 : vector<1x16xf32> to vector<16xf32>
        %add3A_500 = arith.constant 1 : i32
        %add3A_501 = arith.addi %mul3A_54, %add3A_500 : i32
        %get3A_502 = arith.index_cast %add3A_501 : i32 to index
        %get3A_503 = arith.constant 112 : index
        %get3A_504 = tpu.vector_load %arg6[%get3A_502, %get3A_503] {strides = array<i32>} : memref<128x256xf32, #tpu.memory_space<vmem>>, vector<1x16xf32>,
        %get3A_505 = vector.shape_cast %get3A_504 : vector<1x16xf32> to vector<16xf32>
        %add3A_506 = arith.addf %get3A_499, %get3A_505 : vector<16xf32>
        %add3A_507 = arith.constant 2 : i32
        %add3A_508 = arith.addi %mul3A_54, %add3A_507 : i32
        %get3A_509 = arith.index_cast %add3A_508 : i32 to index
        %get3A_510 = arith.constant 112 : index
        %get3A_511 = tpu.vector_load %arg6[%get3A_509, %get3A_510] {strides = array<i32>} : memref<128x256xf32, #tpu.memory_space<vmem>>, vector<1x16xf32>,
        %get3A_512 = vector.shape_cast %get3A_511 : vector<1x16xf32> to vector<16xf32>
        %add3A_513 = arith.constant 3 : i32
        %add3A_514 = arith.addi %mul3A_54, %add3A_513 : i32
        %get3A_515 = arith.index_cast %add3A_514 : i32 to index
        %get3A_516 = arith.constant 112 : index
        %get3A_517 = tpu.vector_load %arg6[%get3A_515, %get3A_516] {strides = array<i32>} : memref<128x256xf32, #tpu.memory_space<vmem>>, vector<1x16xf32>,
        %get3A_518 = vector.shape_cast %get3A_517 : vector<1x16xf32> to vector<16xf32>
        %add3A_519 = arith.addf %get3A_512, %get3A_518 : vector<16xf32>
        %add3A_520 = arith.constant 4 : i32
        %add3A_521 = arith.addi %mul3A_54, %add3A_520 : i32
        %get3A_522 = arith.index_cast %add3A_521 : i32 to index
        %get3A_523 = arith.constant 112 : index
        %get3A_524 = tpu.vector_load %arg6[%get3A_522, %get3A_523] {strides = array<i32>} : memref<128x256xf32, #tpu.memory_space<vmem>>, vector<1x16xf32>,
        %get3A_525 = vector.shape_cast %get3A_524 : vector<1x16xf32> to vector<16xf32>
        %add3A_526 = arith.constant 5 : i32
        %add3A_527 = arith.addi %mul3A_54, %add3A_526 : i32
        %get3A_528 = arith.index_cast %add3A_527 : i32 to index
        %get3A_529 = arith.constant 112 : index
        %get3A_530 = tpu.vector_load %arg6[%get3A_528, %get3A_529] {strides = array<i32>} : memref<128x256xf32, #tpu.memory_space<vmem>>, vector<1x16xf32>,
        %get3A_531 = vector.shape_cast %get3A_530 : vector<1x16xf32> to vector<16xf32>
        %add3A_532 = arith.addf %get3A_525, %get3A_531 : vector<16xf32>
        %add3A_533 = arith.constant 6 : i32
        %add3A_534 = arith.addi %mul3A_54, %add3A_533 : i32
        %get3A_535 = arith.index_cast %add3A_534 : i32 to index
        %get3A_536 = arith.constant 112 : index
        %get3A_537 = tpu.vector_load %arg6[%get3A_535, %get3A_536] {strides = array<i32>} : memref<128x256xf32, #tpu.memory_space<vmem>>, vector<1x16xf32>,
        %get3A_538 = vector.shape_cast %get3A_537 : vector<1x16xf32> to vector<16xf32>
        %add3A_539 = arith.constant 7 : i32
        %add3A_540 = arith.addi %mul3A_54, %add3A_539 : i32
        %get3A_541 = arith.index_cast %add3A_540 : i32 to index
        %get3A_542 = arith.constant 112 : index
        %get3A_543 = tpu.vector_load %arg6[%get3A_541, %get3A_542] {strides = array<i32>} : memref<128x256xf32, #tpu.memory_space<vmem>>, vector<1x16xf32>,
        %get3A_544 = vector.shape_cast %get3A_543 : vector<1x16xf32> to vector<16xf32>
        %add3A_545 = arith.addf %get3A_538, %get3A_544 : vector<16xf32>
        %add3A_546 = arith.addf %add3A_506, %add3A_519 : vector<16xf32>
        %add3A_547 = arith.addf %add3A_532, %add3A_545 : vector<16xf32>
        %add3A_548 = arith.addf %add3A_546, %add3A_547 : vector<16xf32>
        %mul3A_549 = arith.constant 16 : i32
        %mul3A_550 = arith.muli %mul3A_16, %mul3A_549 : i32
        %add3A_551 = arith.addi %mul3A_550, %scan3A_52 : i32
        %swap3A_552 = arith.index_cast %add3A_551 : i32 to index
        %swap3A_553 = arith.constant 112 : index
        %swap3A_554 = tpu.vector_load %arg8[%swap3A_552, %swap3A_553] {strides = array<i32>} : memref<128x256xf32, #tpu.memory_space<vmem>>, vector<1x16xf32>,
        %swap3A_555 = vector.shape_cast %swap3A_554 : vector<1x16xf32> to vector<16xf32>
        %swap3A_556 = vector.shape_cast %add3A_548 : vector<16xf32> to vector<1x16xf32>
        tpu.vector_store %arg8[%swap3A_552, %swap3A_553], %swap3A_556 {strides = array<i32>} : memref<128x256xf32, #tpu.memory_space<vmem>>, vector<1x16xf32>,
        %add3A_557 = arith.constant 0 : i32
        %add3A_558 = arith.addi %mul3A_54, %add3A_557 : i32
        %get3A_559 = arith.index_cast %add3A_558 : i32 to index
        %get3A_560 = arith.constant 128 : index
        %get3A_561 = tpu.vector_load %arg6[%get3A_559, %get3A_560] {strides = array<i32>} : memref<128x256xf32, #tpu.memory_space<vmem>>, vector<1x16xf32>,
        %get3A_562 = vector.shape_cast %get3A_561 : vector<1x16xf32> to vector<16xf32>
        %add3A_563 = arith.constant 1 : i32
        %add3A_564 = arith.addi %mul3A_54, %add3A_563 : i32
        %get3A_565 = arith.index_cast %add3A_564 : i32 to index
        %get3A_566 = arith.constant 128 : index
        %get3A_567 = tpu.vector_load %arg6[%get3A_565, %get3A_566] {strides = array<i32>} : memref<128x256xf32, #tpu.memory_space<vmem>>, vector<1x16xf32>,
        %get3A_568 = vector.shape_cast %get3A_567 : vector<1x16xf32> to vector<16xf32>
        %add3A_569 = arith.addf %get3A_562, %get3A_568 : vector<16xf32>
        %add3A_570 = arith.constant 2 : i32
        %add3A_571 = arith.addi %mul3A_54, %add3A_570 : i32
        %get3A_572 = arith.index_cast %add3A_571 : i32 to index
        %get3A_573 = arith.constant 128 : index
        %get3A_574 = tpu.vector_load %arg6[%get3A_572, %get3A_573] {strides = array<i32>} : memref<128x256xf32, #tpu.memory_space<vmem>>, vector<1x16xf32>,
        %get3A_575 = vector.shape_cast %get3A_574 : vector<1x16xf32> to vector<16xf32>
        %add3A_576 = arith.constant 3 : i32
        %add3A_577 = arith.addi %mul3A_54, %add3A_576 : i32
        %get3A_578 = arith.index_cast %add3A_577 : i32 to index
        %get3A_579 = arith.constant 128 : index
        %get3A_580 = tpu.vector_load %arg6[%get3A_578, %get3A_579] {strides = array<i32>} : memref<128x256xf32, #tpu.memory_space<vmem>>, vector<1x16xf32>,
        %get3A_581 = vector.shape_cast %get3A_580 : vector<1x16xf32> to vector<16xf32>
        %add3A_582 = arith.addf %get3A_575, %get3A_581 : vector<16xf32>
        %add3A_583 = arith.constant 4 : i32
        %add3A_584 = arith.addi %mul3A_54, %add3A_583 : i32
        %get3A_585 = arith.index_cast %add3A_584 : i32 to index
        %get3A_586 = arith.constant 128 : index
        %get3A_587 = tpu.vector_load %arg6[%get3A_585, %get3A_586] {strides = array<i32>} : memref<128x256xf32, #tpu.memory_space<vmem>>, vector<1x16xf32>,
        %get3A_588 = vector.shape_cast %get3A_587 : vector<1x16xf32> to vector<16xf32>
        %add3A_589 = arith.constant 5 : i32
        %add3A_590 = arith.addi %mul3A_54, %add3A_589 : i32
        %get3A_591 = arith.index_cast %add3A_590 : i32 to index
        %get3A_592 = arith.constant 128 : index
        %get3A_593 = tpu.vector_load %arg6[%get3A_591, %get3A_592] {strides = array<i32>} : memref<128x256xf32, #tpu.memory_space<vmem>>, vector<1x16xf32>,
        %get3A_594 = vector.shape_cast %get3A_593 : vector<1x16xf32> to vector<16xf32>
        %add3A_595 = arith.addf %get3A_588, %get3A_594 : vector<16xf32>
        %add3A_596 = arith.constant 6 : i32
        %add3A_597 = arith.addi %mul3A_54, %add3A_596 : i32
        %get3A_598 = arith.index_cast %add3A_597 : i32 to index
        %get3A_599 = arith.constant 128 : index
        %get3A_600 = tpu.vector_load %arg6[%get3A_598, %get3A_599] {strides = array<i32>} : memref<128x256xf32, #tpu.memory_space<vmem>>, vector<1x16xf32>,
        %get3A_601 = vector.shape_cast %get3A_600 : vector<1x16xf32> to vector<16xf32>
        %add3A_602 = arith.constant 7 : i32
        %add3A_603 = arith.addi %mul3A_54, %add3A_602 : i32
        %get3A_604 = arith.index_cast %add3A_603 : i32 to index
        %get3A_605 = arith.constant 128 : index
        %get3A_606 = tpu.vector_load %arg6[%get3A_604, %get3A_605] {strides = array<i32>} : memref<128x256xf32, #tpu.memory_space<vmem>>, vector<1x16xf32>,
        %get3A_607 = vector.shape_cast %get3A_606 : vector<1x16xf32> to vector<16xf32>
        %add3A_608 = arith.addf %get3A_601, %get3A_607 : vector<16xf32>
        %add3A_609 = arith.addf %add3A_569, %add3A_582 : vector<16xf32>
        %add3A_610 = arith.addf %add3A_595, %add3A_608 : vector<16xf32>
        %add3A_611 = arith.addf %add3A_609, %add3A_610 : vector<16xf32>
        %mul3A_612 = arith.constant 16 : i32
        %mul3A_613 = arith.muli %mul3A_16, %mul3A_612 : i32
        %add3A_614 = arith.addi %mul3A_613, %scan3A_52 : i32
        %swap3A_615 = arith.index_cast %add3A_614 : i32 to index
        %swap3A_616 = arith.constant 128 : index
        %swap3A_617 = tpu.vector_load %arg8[%swap3A_615, %swap3A_616] {strides = array<i32>} : memref<128x256xf32, #tpu.memory_space<vmem>>, vector<1x16xf32>,
        %swap3A_618 = vector.shape_cast %swap3A_617 : vector<1x16xf32> to vector<16xf32>
        %swap3A_619 = vector.shape_cast %add3A_611 : vector<16xf32> to vector<1x16xf32>
        tpu.vector_store %arg8[%swap3A_615, %swap3A_616], %swap3A_619 {strides = array<i32>} : memref<128x256xf32, #tpu.memory_space<vmem>>, vector<1x16xf32>,
        %add3A_620 = arith.constant 0 : i32
        %add3A_621 = arith.addi %mul3A_54, %add3A_620 : i32
        %get3A_622 = arith.index_cast %add3A_621 : i32 to index
        %get3A_623 = arith.constant 144 : index
        %get3A_624 = tpu.vector_load %arg6[%get3A_622, %get3A_623] {strides = array<i32>} : memref<128x256xf32, #tpu.memory_space<vmem>>, vector<1x16xf32>,
        %get3A_625 = vector.shape_cast %get3A_624 : vector<1x16xf32> to vector<16xf32>
        %add3A_626 = arith.constant 1 : i32
        %add3A_627 = arith.addi %mul3A_54, %add3A_626 : i32
        %get3A_628 = arith.index_cast %add3A_627 : i32 to index
        %get3A_629 = arith.constant 144 : index
        %get3A_630 = tpu.vector_load %arg6[%get3A_628, %get3A_629] {strides = array<i32>} : memref<128x256xf32, #tpu.memory_space<vmem>>, vector<1x16xf32>,
        %get3A_631 = vector.shape_cast %get3A_630 : vector<1x16xf32> to vector<16xf32>
        %add3A_632 = arith.addf %get3A_625, %get3A_631 : vector<16xf32>
        %add3A_633 = arith.constant 2 : i32
        %add3A_634 = arith.addi %mul3A_54, %add3A_633 : i32
        %get3A_635 = arith.index_cast %add3A_634 : i32 to index
        %get3A_636 = arith.constant 144 : index
        %get3A_637 = tpu.vector_load %arg6[%get3A_635, %get3A_636] {strides = array<i32>} : memref<128x256xf32, #tpu.memory_space<vmem>>, vector<1x16xf32>,
        %get3A_638 = vector.shape_cast %get3A_637 : vector<1x16xf32> to vector<16xf32>
        %add3A_639 = arith.constant 3 : i32
        %add3A_640 = arith.addi %mul3A_54, %add3A_639 : i32
        %get3A_641 = arith.index_cast %add3A_640 : i32 to index
        %get3A_642 = arith.constant 144 : index
        %get3A_643 = tpu.vector_load %arg6[%get3A_641, %get3A_642] {strides = array<i32>} : memref<128x256xf32, #tpu.memory_space<vmem>>, vector<1x16xf32>,
        %get3A_644 = vector.shape_cast %get3A_643 : vector<1x16xf32> to vector<16xf32>
        %add3A_645 = arith.addf %get3A_638, %get3A_644 : vector<16xf32>
        %add3A_646 = arith.constant 4 : i32
        %add3A_647 = arith.addi %mul3A_54, %add3A_646 : i32
        %get3A_648 = arith.index_cast %add3A_647 : i32 to index
        %get3A_649 = arith.constant 144 : index
        %get3A_650 = tpu.vector_load %arg6[%get3A_648, %get3A_649] {strides = array<i32>} : memref<128x256xf32, #tpu.memory_space<vmem>>, vector<1x16xf32>,
        %get3A_651 = vector.shape_cast %get3A_650 : vector<1x16xf32> to vector<16xf32>
        %add3A_652 = arith.constant 5 : i32
        %add3A_653 = arith.addi %mul3A_54, %add3A_652 : i32
        %get3A_654 = arith.index_cast %add3A_653 : i32 to index
        %get3A_655 = arith.constant 144 : index
        %get3A_656 = tpu.vector_load %arg6[%get3A_654, %get3A_655] {strides = array<i32>} : memref<128x256xf32, #tpu.memory_space<vmem>>, vector<1x16xf32>,
        %get3A_657 = vector.shape_cast %get3A_656 : vector<1x16xf32> to vector<16xf32>
        %add3A_658 = arith.addf %get3A_651, %get3A_657 : vector<16xf32>
        %add3A_659 = arith.constant 6 : i32
        %add3A_660 = arith.addi %mul3A_54, %add3A_659 : i32
        %get3A_661 = arith.index_cast %add3A_660 : i32 to index
        %get3A_662 = arith.constant 144 : index
        %get3A_663 = tpu.vector_load %arg6[%get3A_661, %get3A_662] {strides = array<i32>} : memref<128x256xf32, #tpu.memory_space<vmem>>, vector<1x16xf32>,
        %get3A_664 = vector.shape_cast %get3A_663 : vector<1x16xf32> to vector<16xf32>
        %add3A_665 = arith.constant 7 : i32
        %add3A_666 = arith.addi %mul3A_54, %add3A_665 : i32
        %get3A_667 = arith.index_cast %add3A_666 : i32 to index
        %get3A_668 = arith.constant 144 : index
        %get3A_669 = tpu.vector_load %arg6[%get3A_667, %get3A_668] {strides = array<i32>} : memref<128x256xf32, #tpu.memory_space<vmem>>, vector<1x16xf32>,
        %get3A_670 = vector.shape_cast %get3A_669 : vector<1x16xf32> to vector<16xf32>
        %add3A_671 = arith.addf %get3A_664, %get3A_670 : vector<16xf32>
        %add3A_672 = arith.addf %add3A_632, %add3A_645 : vector<16xf32>
        %add3A_673 = arith.addf %add3A_658, %add3A_671 : vector<16xf32>
        %add3A_674 = arith.addf %add3A_672, %add3A_673 : vector<16xf32>
        %mul3A_675 = arith.constant 16 : i32
        %mul3A_676 = arith.muli %mul3A_16, %mul3A_675 : i32
        %add3A_677 = arith.addi %mul3A_676, %scan3A_52 : i32
        %swap3A_678 = arith.index_cast %add3A_677 : i32 to index
        %swap3A_679 = arith.constant 144 : index
        %swap3A_680 = tpu.vector_load %arg8[%swap3A_678, %swap3A_679] {strides = array<i32>} : memref<128x256xf32, #tpu.memory_space<vmem>>, vector<1x16xf32>,
        %swap3A_681 = vector.shape_cast %swap3A_680 : vector<1x16xf32> to vector<16xf32>
        %swap3A_682 = vector.shape_cast %add3A_674 : vector<16xf32> to vector<1x16xf32>
        tpu.vector_store %arg8[%swap3A_678, %swap3A_679], %swap3A_682 {strides = array<i32>} : memref<128x256xf32, #tpu.memory_space<vmem>>, vector<1x16xf32>,
        %add3A_683 = arith.constant 0 : i32
        %add3A_684 = arith.addi %mul3A_54, %add3A_683 : i32
        %get3A_685 = arith.index_cast %add3A_684 : i32 to index
        %get3A_686 = arith.constant 160 : index
        %get3A_687 = tpu.vector_load %arg6[%get3A_685, %get3A_686] {strides = array<i32>} : memref<128x256xf32, #tpu.memory_space<vmem>>, vector<1x16xf32>,
        %get3A_688 = vector.shape_cast %get3A_687 : vector<1x16xf32> to vector<16xf32>
        %add3A_689 = arith.constant 1 : i32
        %add3A_690 = arith.addi %mul3A_54, %add3A_689 : i32
        %get3A_691 = arith.index_cast %add3A_690 : i32 to index
        %get3A_692 = arith.constant 160 : index
        %get3A_693 = tpu.vector_load %arg6[%get3A_691, %get3A_692] {strides = array<i32>} : memref<128x256xf32, #tpu.memory_space<vmem>>, vector<1x16xf32>,
        %get3A_694 = vector.shape_cast %get3A_693 : vector<1x16xf32> to vector<16xf32>
        %add3A_695 = arith.addf %get3A_688, %get3A_694 : vector<16xf32>
        %add3A_696 = arith.constant 2 : i32
        %add3A_697 = arith.addi %mul3A_54, %add3A_696 : i32
        %get3A_698 = arith.index_cast %add3A_697 : i32 to index
        %get3A_699 = arith.constant 160 : index
        %get3A_700 = tpu.vector_load %arg6[%get3A_698, %get3A_699] {strides = array<i32>} : memref<128x256xf32, #tpu.memory_space<vmem>>, vector<1x16xf32>,
        %get3A_701 = vector.shape_cast %get3A_700 : vector<1x16xf32> to vector<16xf32>
        %add3A_702 = arith.constant 3 : i32
        %add3A_703 = arith.addi %mul3A_54, %add3A_702 : i32
        %get3A_704 = arith.index_cast %add3A_703 : i32 to index
        %get3A_705 = arith.constant 160 : index
        %get3A_706 = tpu.vector_load %arg6[%get3A_704, %get3A_705] {strides = array<i32>} : memref<128x256xf32, #tpu.memory_space<vmem>>, vector<1x16xf32>,
        %get3A_707 = vector.shape_cast %get3A_706 : vector<1x16xf32> to vector<16xf32>
        %add3A_708 = arith.addf %get3A_701, %get3A_707 : vector<16xf32>
        %add3A_709 = arith.constant 4 : i32
        %add3A_710 = arith.addi %mul3A_54, %add3A_709 : i32
        %get3A_711 = arith.index_cast %add3A_710 : i32 to index
        %get3A_712 = arith.constant 160 : index
        %get3A_713 = tpu.vector_load %arg6[%get3A_711, %get3A_712] {strides = array<i32>} : memref<128x256xf32, #tpu.memory_space<vmem>>, vector<1x16xf32>,
        %get3A_714 = vector.shape_cast %get3A_713 : vector<1x16xf32> to vector<16xf32>
        %add3A_715 = arith.constant 5 : i32
        %add3A_716 = arith.addi %mul3A_54, %add3A_715 : i32
        %get3A_717 = arith.index_cast %add3A_716 : i32 to index
        %get3A_718 = arith.constant 160 : index
        %get3A_719 = tpu.vector_load %arg6[%get3A_717, %get3A_718] {strides = array<i32>} : memref<128x256xf32, #tpu.memory_space<vmem>>, vector<1x16xf32>,
        %get3A_720 = vector.shape_cast %get3A_719 : vector<1x16xf32> to vector<16xf32>
        %add3A_721 = arith.addf %get3A_714, %get3A_720 : vector<16xf32>
        %add3A_722 = arith.constant 6 : i32
        %add3A_723 = arith.addi %mul3A_54, %add3A_722 : i32
        %get3A_724 = arith.index_cast %add3A_723 : i32 to index
        %get3A_725 = arith.constant 160 : index
        %get3A_726 = tpu.vector_load %arg6[%get3A_724, %get3A_725] {strides = array<i32>} : memref<128x256xf32, #tpu.memory_space<vmem>>, vector<1x16xf32>,
        %get3A_727 = vector.shape_cast %get3A_726 : vector<1x16xf32> to vector<16xf32>
        %add3A_728 = arith.constant 7 : i32
        %add3A_729 = arith.addi %mul3A_54, %add3A_728 : i32
        %get3A_730 = arith.index_cast %add3A_729 : i32 to index
        %get3A_731 = arith.constant 160 : index
        %get3A_732 = tpu.vector_load %arg6[%get3A_730, %get3A_731] {strides = array<i32>} : memref<128x256xf32, #tpu.memory_space<vmem>>, vector<1x16xf32>,
        %get3A_733 = vector.shape_cast %get3A_732 : vector<1x16xf32> to vector<16xf32>
        %add3A_734 = arith.addf %get3A_727, %get3A_733 : vector<16xf32>
        %add3A_735 = arith.addf %add3A_695, %add3A_708 : vector<16xf32>
        %add3A_736 = arith.addf %add3A_721, %add3A_734 : vector<16xf32>
        %add3A_737 = arith.addf %add3A_735, %add3A_736 : vector<16xf32>
        %mul3A_738 = arith.constant 16 : i32
        %mul3A_739 = arith.muli %mul3A_16, %mul3A_738 : i32
        %add3A_740 = arith.addi %mul3A_739, %scan3A_52 : i32
        %swap3A_741 = arith.index_cast %add3A_740 : i32 to index
        %swap3A_742 = arith.constant 160 : index
        %swap3A_743 = tpu.vector_load %arg8[%swap3A_741, %swap3A_742] {strides = array<i32>} : memref<128x256xf32, #tpu.memory_space<vmem>>, vector<1x16xf32>,
        %swap3A_744 = vector.shape_cast %swap3A_743 : vector<1x16xf32> to vector<16xf32>
        %swap3A_745 = vector.shape_cast %add3A_737 : vector<16xf32> to vector<1x16xf32>
        tpu.vector_store %arg8[%swap3A_741, %swap3A_742], %swap3A_745 {strides = array<i32>} : memref<128x256xf32, #tpu.memory_space<vmem>>, vector<1x16xf32>,
        %add3A_746 = arith.constant 0 : i32
        %add3A_747 = arith.addi %mul3A_54, %add3A_746 : i32
        %get3A_748 = arith.index_cast %add3A_747 : i32 to index
        %get3A_749 = arith.constant 176 : index
        %get3A_750 = tpu.vector_load %arg6[%get3A_748, %get3A_749] {strides = array<i32>} : memref<128x256xf32, #tpu.memory_space<vmem>>, vector<1x16xf32>,
        %get3A_751 = vector.shape_cast %get3A_750 : vector<1x16xf32> to vector<16xf32>
        %add3A_752 = arith.constant 1 : i32
        %add3A_753 = arith.addi %mul3A_54, %add3A_752 : i32
        %get3A_754 = arith.index_cast %add3A_753 : i32 to index
        %get3A_755 = arith.constant 176 : index
        %get3A_756 = tpu.vector_load %arg6[%get3A_754, %get3A_755] {strides = array<i32>} : memref<128x256xf32, #tpu.memory_space<vmem>>, vector<1x16xf32>,
        %get3A_757 = vector.shape_cast %get3A_756 : vector<1x16xf32> to vector<16xf32>
        %add3A_758 = arith.addf %get3A_751, %get3A_757 : vector<16xf32>
        %add3A_759 = arith.constant 2 : i32
        %add3A_760 = arith.addi %mul3A_54, %add3A_759 : i32
        %get3A_761 = arith.index_cast %add3A_760 : i32 to index
        %get3A_762 = arith.constant 176 : index
        %get3A_763 = tpu.vector_load %arg6[%get3A_761, %get3A_762] {strides = array<i32>} : memref<128x256xf32, #tpu.memory_space<vmem>>, vector<1x16xf32>,
        %get3A_764 = vector.shape_cast %get3A_763 : vector<1x16xf32> to vector<16xf32>
        %add3A_765 = arith.constant 3 : i32
        %add3A_766 = arith.addi %mul3A_54, %add3A_765 : i32
        %get3A_767 = arith.index_cast %add3A_766 : i32 to index
        %get3A_768 = arith.constant 176 : index
        %get3A_769 = tpu.vector_load %arg6[%get3A_767, %get3A_768] {strides = array<i32>} : memref<128x256xf32, #tpu.memory_space<vmem>>, vector<1x16xf32>,
        %get3A_770 = vector.shape_cast %get3A_769 : vector<1x16xf32> to vector<16xf32>
        %add3A_771 = arith.addf %get3A_764, %get3A_770 : vector<16xf32>
        %add3A_772 = arith.constant 4 : i32
        %add3A_773 = arith.addi %mul3A_54, %add3A_772 : i32
        %get3A_774 = arith.index_cast %add3A_773 : i32 to index
        %get3A_775 = arith.constant 176 : index
        %get3A_776 = tpu.vector_load %arg6[%get3A_774, %get3A_775] {strides = array<i32>} : memref<128x256xf32, #tpu.memory_space<vmem>>, vector<1x16xf32>,
        %get3A_777 = vector.shape_cast %get3A_776 : vector<1x16xf32> to vector<16xf32>
        %add3A_778 = arith.constant 5 : i32
        %add3A_779 = arith.addi %mul3A_54, %add3A_778 : i32
        %get3A_780 = arith.index_cast %add3A_779 : i32 to index
        %get3A_781 = arith.constant 176 : index
        %get3A_782 = tpu.vector_load %arg6[%get3A_780, %get3A_781] {strides = array<i32>} : memref<128x256xf32, #tpu.memory_space<vmem>>, vector<1x16xf32>,
        %get3A_783 = vector.shape_cast %get3A_782 : vector<1x16xf32> to vector<16xf32>
        %add3A_784 = arith.addf %get3A_777, %get3A_783 : vector<16xf32>
        %add3A_785 = arith.constant 6 : i32
        %add3A_786 = arith.addi %mul3A_54, %add3A_785 : i32
        %get3A_787 = arith.index_cast %add3A_786 : i32 to index
        %get3A_788 = arith.constant 176 : index
        %get3A_789 = tpu.vector_load %arg6[%get3A_787, %get3A_788] {strides = array<i32>} : memref<128x256xf32, #tpu.memory_space<vmem>>, vector<1x16xf32>,
        %get3A_790 = vector.shape_cast %get3A_789 : vector<1x16xf32> to vector<16xf32>
        %add3A_791 = arith.constant 7 : i32
        %add3A_792 = arith.addi %mul3A_54, %add3A_791 : i32
        %get3A_793 = arith.index_cast %add3A_792 : i32 to index
        %get3A_794 = arith.constant 176 : index
        %get3A_795 = tpu.vector_load %arg6[%get3A_793, %get3A_794] {strides = array<i32>} : memref<128x256xf32, #tpu.memory_space<vmem>>, vector<1x16xf32>,
        %get3A_796 = vector.shape_cast %get3A_795 : vector<1x16xf32> to vector<16xf32>
        %add3A_797 = arith.addf %get3A_790, %get3A_796 : vector<16xf32>
        %add3A_798 = arith.addf %add3A_758, %add3A_771 : vector<16xf32>
        %add3A_799 = arith.addf %add3A_784, %add3A_797 : vector<16xf32>
        %add3A_800 = arith.addf %add3A_798, %add3A_799 : vector<16xf32>
        %mul3A_801 = arith.constant 16 : i32
        %mul3A_802 = arith.muli %mul3A_16, %mul3A_801 : i32
        %add3A_803 = arith.addi %mul3A_802, %scan3A_52 : i32
        %swap3A_804 = arith.index_cast %add3A_803 : i32 to index
        %swap3A_805 = arith.constant 176 : index
        %swap3A_806 = tpu.vector_load %arg8[%swap3A_804, %swap3A_805] {strides = array<i32>} : memref<128x256xf32, #tpu.memory_space<vmem>>, vector<1x16xf32>,
        %swap3A_807 = vector.shape_cast %swap3A_806 : vector<1x16xf32> to vector<16xf32>
        %swap3A_808 = vector.shape_cast %add3A_800 : vector<16xf32> to vector<1x16xf32>
        tpu.vector_store %arg8[%swap3A_804, %swap3A_805], %swap3A_808 {strides = array<i32>} : memref<128x256xf32, #tpu.memory_space<vmem>>, vector<1x16xf32>,
        %add3A_809 = arith.constant 0 : i32
        %add3A_810 = arith.addi %mul3A_54, %add3A_809 : i32
        %get3A_811 = arith.index_cast %add3A_810 : i32 to index
        %get3A_812 = arith.constant 192 : index
        %get3A_813 = tpu.vector_load %arg6[%get3A_811, %get3A_812] {strides = array<i32>} : memref<128x256xf32, #tpu.memory_space<vmem>>, vector<1x16xf32>,
        %get3A_814 = vector.shape_cast %get3A_813 : vector<1x16xf32> to vector<16xf32>
        %add3A_815 = arith.constant 1 : i32
        %add3A_816 = arith.addi %mul3A_54, %add3A_815 : i32
        %get3A_817 = arith.index_cast %add3A_816 : i32 to index
        %get3A_818 = arith.constant 192 : index
        %get3A_819 = tpu.vector_load %arg6[%get3A_817, %get3A_818] {strides = array<i32>} : memref<128x256xf32, #tpu.memory_space<vmem>>, vector<1x16xf32>,
        %get3A_820 = vector.shape_cast %get3A_819 : vector<1x16xf32> to vector<16xf32>
        %add3A_821 = arith.addf %get3A_814, %get3A_820 : vector<16xf32>
        %add3A_822 = arith.constant 2 : i32
        %add3A_823 = arith.addi %mul3A_54, %add3A_822 : i32
        %get3A_824 = arith.index_cast %add3A_823 : i32 to index
        %get3A_825 = arith.constant 192 : index
        %get3A_826 = tpu.vector_load %arg6[%get3A_824, %get3A_825] {strides = array<i32>} : memref<128x256xf32, #tpu.memory_space<vmem>>, vector<1x16xf32>,
        %get3A_827 = vector.shape_cast %get3A_826 : vector<1x16xf32> to vector<16xf32>
        %add3A_828 = arith.constant 3 : i32
        %add3A_829 = arith.addi %mul3A_54, %add3A_828 : i32
        %get3A_830 = arith.index_cast %add3A_829 : i32 to index
        %get3A_831 = arith.constant 192 : index
        %get3A_832 = tpu.vector_load %arg6[%get3A_830, %get3A_831] {strides = array<i32>} : memref<128x256xf32, #tpu.memory_space<vmem>>, vector<1x16xf32>,
        %get3A_833 = vector.shape_cast %get3A_832 : vector<1x16xf32> to vector<16xf32>
        %add3A_834 = arith.addf %get3A_827, %get3A_833 : vector<16xf32>
        %add3A_835 = arith.constant 4 : i32
        %add3A_836 = arith.addi %mul3A_54, %add3A_835 : i32
        %get3A_837 = arith.index_cast %add3A_836 : i32 to index
        %get3A_838 = arith.constant 192 : index
        %get3A_839 = tpu.vector_load %arg6[%get3A_837, %get3A_838] {strides = array<i32>} : memref<128x256xf32, #tpu.memory_space<vmem>>, vector<1x16xf32>,
        %get3A_840 = vector.shape_cast %get3A_839 : vector<1x16xf32> to vector<16xf32>
        %add3A_841 = arith.constant 5 : i32
        %add3A_842 = arith.addi %mul3A_54, %add3A_841 : i32
        %get3A_843 = arith.index_cast %add3A_842 : i32 to index
        %get3A_844 = arith.constant 192 : index
        %get3A_845 = tpu.vector_load %arg6[%get3A_843, %get3A_844] {strides = array<i32>} : memref<128x256xf32, #tpu.memory_space<vmem>>, vector<1x16xf32>,
        %get3A_846 = vector.shape_cast %get3A_845 : vector<1x16xf32> to vector<16xf32>
        %add3A_847 = arith.addf %get3A_840, %get3A_846 : vector<16xf32>
        %add3A_848 = arith.constant 6 : i32
        %add3A_849 = arith.addi %mul3A_54, %add3A_848 : i32
        %get3A_850 = arith.index_cast %add3A_849 : i32 to index
        %get3A_851 = arith.constant 192 : index
        %get3A_852 = tpu.vector_load %arg6[%get3A_850, %get3A_851] {strides = array<i32>} : memref<128x256xf32, #tpu.memory_space<vmem>>, vector<1x16xf32>,
        %get3A_853 = vector.shape_cast %get3A_852 : vector<1x16xf32> to vector<16xf32>
        %add3A_854 = arith.constant 7 : i32
        %add3A_855 = arith.addi %mul3A_54, %add3A_854 : i32
        %get3A_856 = arith.index_cast %add3A_855 : i32 to index
        %get3A_857 = arith.constant 192 : index
        %get3A_858 = tpu.vector_load %arg6[%get3A_856, %get3A_857] {strides = array<i32>} : memref<128x256xf32, #tpu.memory_space<vmem>>, vector<1x16xf32>,
        %get3A_859 = vector.shape_cast %get3A_858 : vector<1x16xf32> to vector<16xf32>
        %add3A_860 = arith.addf %get3A_853, %get3A_859 : vector<16xf32>
        %add3A_861 = arith.addf %add3A_821, %add3A_834 : vector<16xf32>
        %add3A_862 = arith.addf %add3A_847, %add3A_860 : vector<16xf32>
        %add3A_863 = arith.addf %add3A_861, %add3A_862 : vector<16xf32>
        %mul3A_864 = arith.constant 16 : i32
        %mul3A_865 = arith.muli %mul3A_16, %mul3A_864 : i32
        %add3A_866 = arith.addi %mul3A_865, %scan3A_52 : i32
        %swap3A_867 = arith.index_cast %add3A_866 : i32 to index
        %swap3A_868 = arith.constant 192 : index
        %swap3A_869 = tpu.vector_load %arg8[%swap3A_867, %swap3A_868] {strides = array<i32>} : memref<128x256xf32, #tpu.memory_space<vmem>>, vector<1x16xf32>,
        %swap3A_870 = vector.shape_cast %swap3A_869 : vector<1x16xf32> to vector<16xf32>
        %swap3A_871 = vector.shape_cast %add3A_863 : vector<16xf32> to vector<1x16xf32>
        tpu.vector_store %arg8[%swap3A_867, %swap3A_868], %swap3A_871 {strides = array<i32>} : memref<128x256xf32, #tpu.memory_space<vmem>>, vector<1x16xf32>,
        %add3A_872 = arith.constant 0 : i32
        %add3A_873 = arith.addi %mul3A_54, %add3A_872 : i32
        %get3A_874 = arith.index_cast %add3A_873 : i32 to index
        %get3A_875 = arith.constant 208 : index
        %get3A_876 = tpu.vector_load %arg6[%get3A_874, %get3A_875] {strides = array<i32>} : memref<128x256xf32, #tpu.memory_space<vmem>>, vector<1x16xf32>,
        %get3A_877 = vector.shape_cast %get3A_876 : vector<1x16xf32> to vector<16xf32>
        %add3A_878 = arith.constant 1 : i32
        %add3A_879 = arith.addi %mul3A_54, %add3A_878 : i32
        %get3A_880 = arith.index_cast %add3A_879 : i32 to index
        %get3A_881 = arith.constant 208 : index
        %get3A_882 = tpu.vector_load %arg6[%get3A_880, %get3A_881] {strides = array<i32>} : memref<128x256xf32, #tpu.memory_space<vmem>>, vector<1x16xf32>,
        %get3A_883 = vector.shape_cast %get3A_882 : vector<1x16xf32> to vector<16xf32>
        %add3A_884 = arith.addf %get3A_877, %get3A_883 : vector<16xf32>
        %add3A_885 = arith.constant 2 : i32
        %add3A_886 = arith.addi %mul3A_54, %add3A_885 : i32
        %get3A_887 = arith.index_cast %add3A_886 : i32 to index
        %get3A_888 = arith.constant 208 : index
        %get3A_889 = tpu.vector_load %arg6[%get3A_887, %get3A_888] {strides = array<i32>} : memref<128x256xf32, #tpu.memory_space<vmem>>, vector<1x16xf32>,
        %get3A_890 = vector.shape_cast %get3A_889 : vector<1x16xf32> to vector<16xf32>
        %add3A_891 = arith.constant 3 : i32
        %add3A_892 = arith.addi %mul3A_54, %add3A_891 : i32
        %get3A_893 = arith.index_cast %add3A_892 : i32 to index
        %get3A_894 = arith.constant 208 : index
        %get3A_895 = tpu.vector_load %arg6[%get3A_893, %get3A_894] {strides = array<i32>} : memref<128x256xf32, #tpu.memory_space<vmem>>, vector<1x16xf32>,
        %get3A_896 = vector.shape_cast %get3A_895 : vector<1x16xf32> to vector<16xf32>
        %add3A_897 = arith.addf %get3A_890, %get3A_896 : vector<16xf32>
        %add3A_898 = arith.constant 4 : i32
        %add3A_899 = arith.addi %mul3A_54, %add3A_898 : i32
        %get3A_900 = arith.index_cast %add3A_899 : i32 to index
        %get3A_901 = arith.constant 208 : index
        %get3A_902 = tpu.vector_load %arg6[%get3A_900, %get3A_901] {strides = array<i32>} : memref<128x256xf32, #tpu.memory_space<vmem>>, vector<1x16xf32>,
        %get3A_903 = vector.shape_cast %get3A_902 : vector<1x16xf32> to vector<16xf32>
        %add3A_904 = arith.constant 5 : i32
        %add3A_905 = arith.addi %mul3A_54, %add3A_904 : i32
        %get3A_906 = arith.index_cast %add3A_905 : i32 to index
        %get3A_907 = arith.constant 208 : index
        %get3A_908 = tpu.vector_load %arg6[%get3A_906, %get3A_907] {strides = array<i32>} : memref<128x256xf32, #tpu.memory_space<vmem>>, vector<1x16xf32>,
        %get3A_909 = vector.shape_cast %get3A_908 : vector<1x16xf32> to vector<16xf32>
        %add3A_910 = arith.addf %get3A_903, %get3A_909 : vector<16xf32>
        %add3A_911 = arith.constant 6 : i32
        %add3A_912 = arith.addi %mul3A_54, %add3A_911 : i32
        %get3A_913 = arith.index_cast %add3A_912 : i32 to index
        %get3A_914 = arith.constant 208 : index
        %get3A_915 = tpu.vector_load %arg6[%get3A_913, %get3A_914] {strides = array<i32>} : memref<128x256xf32, #tpu.memory_space<vmem>>, vector<1x16xf32>,
        %get3A_916 = vector.shape_cast %get3A_915 : vector<1x16xf32> to vector<16xf32>
        %add3A_917 = arith.constant 7 : i32
        %add3A_918 = arith.addi %mul3A_54, %add3A_917 : i32
        %get3A_919 = arith.index_cast %add3A_918 : i32 to index
        %get3A_920 = arith.constant 208 : index
        %get3A_921 = tpu.vector_load %arg6[%get3A_919, %get3A_920] {strides = array<i32>} : memref<128x256xf32, #tpu.memory_space<vmem>>, vector<1x16xf32>,
        %get3A_922 = vector.shape_cast %get3A_921 : vector<1x16xf32> to vector<16xf32>
        %add3A_923 = arith.addf %get3A_916, %get3A_922 : vector<16xf32>
        %add3A_924 = arith.addf %add3A_884, %add3A_897 : vector<16xf32>
        %add3A_925 = arith.addf %add3A_910, %add3A_923 : vector<16xf32>
        %add3A_926 = arith.addf %add3A_924, %add3A_925 : vector<16xf32>
        %mul3A_927 = arith.constant 16 : i32
        %mul3A_928 = arith.muli %mul3A_16, %mul3A_927 : i32
        %add3A_929 = arith.addi %mul3A_928, %scan3A_52 : i32
        %swap3A_930 = arith.index_cast %add3A_929 : i32 to index
        %swap3A_931 = arith.constant 208 : index
        %swap3A_932 = tpu.vector_load %arg8[%swap3A_930, %swap3A_931] {strides = array<i32>} : memref<128x256xf32, #tpu.memory_space<vmem>>, vector<1x16xf32>,
        %swap3A_933 = vector.shape_cast %swap3A_932 : vector<1x16xf32> to vector<16xf32>
        %swap3A_934 = vector.shape_cast %add3A_926 : vector<16xf32> to vector<1x16xf32>
        tpu.vector_store %arg8[%swap3A_930, %swap3A_931], %swap3A_934 {strides = array<i32>} : memref<128x256xf32, #tpu.memory_space<vmem>>, vector<1x16xf32>,
        %add3A_935 = arith.constant 0 : i32
        %add3A_936 = arith.addi %mul3A_54, %add3A_935 : i32
        %get3A_937 = arith.index_cast %add3A_936 : i32 to index
        %get3A_938 = arith.constant 224 : index
        %get3A_939 = tpu.vector_load %arg6[%get3A_937, %get3A_938] {strides = array<i32>} : memref<128x256xf32, #tpu.memory_space<vmem>>, vector<1x16xf32>,
        %get3A_940 = vector.shape_cast %get3A_939 : vector<1x16xf32> to vector<16xf32>
        %add3A_941 = arith.constant 1 : i32
        %add3A_942 = arith.addi %mul3A_54, %add3A_941 : i32
        %get3A_943 = arith.index_cast %add3A_942 : i32 to index
        %get3A_944 = arith.constant 224 : index
        %get3A_945 = tpu.vector_load %arg6[%get3A_943, %get3A_944] {strides = array<i32>} : memref<128x256xf32, #tpu.memory_space<vmem>>, vector<1x16xf32>,
        %get3A_946 = vector.shape_cast %get3A_945 : vector<1x16xf32> to vector<16xf32>
        %add3A_947 = arith.addf %get3A_940, %get3A_946 : vector<16xf32>
        %add3A_948 = arith.constant 2 : i32
        %add3A_949 = arith.addi %mul3A_54, %add3A_948 : i32
        %get3A_950 = arith.index_cast %add3A_949 : i32 to index
        %get3A_951 = arith.constant 224 : index
        %get3A_952 = tpu.vector_load %arg6[%get3A_950, %get3A_951] {strides = array<i32>} : memref<128x256xf32, #tpu.memory_space<vmem>>, vector<1x16xf32>,
        %get3A_953 = vector.shape_cast %get3A_952 : vector<1x16xf32> to vector<16xf32>
        %add3A_954 = arith.constant 3 : i32
        %add3A_955 = arith.addi %mul3A_54, %add3A_954 : i32
        %get3A_956 = arith.index_cast %add3A_955 : i32 to index
        %get3A_957 = arith.constant 224 : index
        %get3A_958 = tpu.vector_load %arg6[%get3A_956, %get3A_957] {strides = array<i32>} : memref<128x256xf32, #tpu.memory_space<vmem>>, vector<1x16xf32>,
        %get3A_959 = vector.shape_cast %get3A_958 : vector<1x16xf32> to vector<16xf32>
        %add3A_960 = arith.addf %get3A_953, %get3A_959 : vector<16xf32>
        %add3A_961 = arith.constant 4 : i32
        %add3A_962 = arith.addi %mul3A_54, %add3A_961 : i32
        %get3A_963 = arith.index_cast %add3A_962 : i32 to index
        %get3A_964 = arith.constant 224 : index
        %get3A_965 = tpu.vector_load %arg6[%get3A_963, %get3A_964] {strides = array<i32>} : memref<128x256xf32, #tpu.memory_space<vmem>>, vector<1x16xf32>,
        %get3A_966 = vector.shape_cast %get3A_965 : vector<1x16xf32> to vector<16xf32>
        %add3A_967 = arith.constant 5 : i32
        %add3A_968 = arith.addi %mul3A_54, %add3A_967 : i32
        %get3A_969 = arith.index_cast %add3A_968 : i32 to index
        %get3A_970 = arith.constant 224 : index
        %get3A_971 = tpu.vector_load %arg6[%get3A_969, %get3A_970] {strides = array<i32>} : memref<128x256xf32, #tpu.memory_space<vmem>>, vector<1x16xf32>,
        %get3A_972 = vector.shape_cast %get3A_971 : vector<1x16xf32> to vector<16xf32>
        %add3A_973 = arith.addf %get3A_966, %get3A_972 : vector<16xf32>
        %add3A_974 = arith.constant 6 : i32
        %add3A_975 = arith.addi %mul3A_54, %add3A_974 : i32
        %get3A_976 = arith.index_cast %add3A_975 : i32 to index
        %get3A_977 = arith.constant 224 : index
        %get3A_978 = tpu.vector_load %arg6[%get3A_976, %get3A_977] {strides = array<i32>} : memref<128x256xf32, #tpu.memory_space<vmem>>, vector<1x16xf32>,
        %get3A_979 = vector.shape_cast %get3A_978 : vector<1x16xf32> to vector<16xf32>
        %add3A_980 = arith.constant 7 : i32
        %add3A_981 = arith.addi %mul3A_54, %add3A_980 : i32
        %get3A_982 = arith.index_cast %add3A_981 : i32 to index
        %get3A_983 = arith.constant 224 : index
        %get3A_984 = tpu.vector_load %arg6[%get3A_982, %get3A_983] {strides = array<i32>} : memref<128x256xf32, #tpu.memory_space<vmem>>, vector<1x16xf32>,
        %get3A_985 = vector.shape_cast %get3A_984 : vector<1x16xf32> to vector<16xf32>
        %add3A_986 = arith.addf %get3A_979, %get3A_985 : vector<16xf32>
        %add3A_987 = arith.addf %add3A_947, %add3A_960 : vector<16xf32>
        %add3A_988 = arith.addf %add3A_973, %add3A_986 : vector<16xf32>
        %add3A_989 = arith.addf %add3A_987, %add3A_988 : vector<16xf32>
        %mul3A_990 = arith.constant 16 : i32
        %mul3A_991 = arith.muli %mul3A_16, %mul3A_990 : i32
        %add3A_992 = arith.addi %mul3A_991, %scan3A_52 : i32
        %swap3A_993 = arith.index_cast %add3A_992 : i32 to index
        %swap3A_994 = arith.constant 224 : index
        %swap3A_995 = tpu.vector_load %arg8[%swap3A_993, %swap3A_994] {strides = array<i32>} : memref<128x256xf32, #tpu.memory_space<vmem>>, vector<1x16xf32>,
        %swap3A_996 = vector.shape_cast %swap3A_995 : vector<1x16xf32> to vector<16xf32>
        %swap3A_997 = vector.shape_cast %add3A_989 : vector<16xf32> to vector<1x16xf32>
        tpu.vector_store %arg8[%swap3A_993, %swap3A_994], %swap3A_997 {strides = array<i32>} : memref<128x256xf32, #tpu.memory_space<vmem>>, vector<1x16xf32>,
        %add3A_998 = arith.constant 0 : i32
        %add3A_999 = arith.addi %mul3A_54, %add3A_998 : i32
        %get3A_1000 = arith.index_cast %add3A_999 : i32 to index
        %get3A_1001 = arith.constant 240 : index
        %get3A_1002 = tpu.vector_load %arg6[%get3A_1000, %get3A_1001] {strides = array<i32>} : memref<128x256xf32, #tpu.memory_space<vmem>>, vector<1x16xf32>,
        %get3A_1003 = vector.shape_cast %get3A_1002 : vector<1x16xf32> to vector<16xf32>
        %add3A_1004 = arith.constant 1 : i32
        %add3A_1005 = arith.addi %mul3A_54, %add3A_1004 : i32
        %get3A_1006 = arith.index_cast %add3A_1005 : i32 to index
        %get3A_1007 = arith.constant 240 : index
        %get3A_1008 = tpu.vector_load %arg6[%get3A_1006, %get3A_1007] {strides = array<i32>} : memref<128x256xf32, #tpu.memory_space<vmem>>, vector<1x16xf32>,
        %get3A_1009 = vector.shape_cast %get3A_1008 : vector<1x16xf32> to vector<16xf32>
        %add3A_1010 = arith.addf %get3A_1003, %get3A_1009 : vector<16xf32>
        %add3A_1011 = arith.constant 2 : i32
        %add3A_1012 = arith.addi %mul3A_54, %add3A_1011 : i32
        %get3A_1013 = arith.index_cast %add3A_1012 : i32 to index
        %get3A_1014 = arith.constant 240 : index
        %get3A_1015 = tpu.vector_load %arg6[%get3A_1013, %get3A_1014] {strides = array<i32>} : memref<128x256xf32, #tpu.memory_space<vmem>>, vector<1x16xf32>,
        %get3A_1016 = vector.shape_cast %get3A_1015 : vector<1x16xf32> to vector<16xf32>
        %add3A_1017 = arith.constant 3 : i32
        %add3A_1018 = arith.addi %mul3A_54, %add3A_1017 : i32
        %get3A_1019 = arith.index_cast %add3A_1018 : i32 to index
        %get3A_1020 = arith.constant 240 : index
        %get3A_1021 = tpu.vector_load %arg6[%get3A_1019, %get3A_1020] {strides = array<i32>} : memref<128x256xf32, #tpu.memory_space<vmem>>, vector<1x16xf32>,
        %get3A_1022 = vector.shape_cast %get3A_1021 : vector<1x16xf32> to vector<16xf32>
        %add3A_1023 = arith.addf %get3A_1016, %get3A_1022 : vector<16xf32>
        %add3A_1024 = arith.constant 4 : i32
        %add3A_1025 = arith.addi %mul3A_54, %add3A_1024 : i32
        %get3A_1026 = arith.index_cast %add3A_1025 : i32 to index
        %get3A_1027 = arith.constant 240 : index
        %get3A_1028 = tpu.vector_load %arg6[%get3A_1026, %get3A_1027] {strides = array<i32>} : memref<128x256xf32, #tpu.memory_space<vmem>>, vector<1x16xf32>,
        %get3A_1029 = vector.shape_cast %get3A_1028 : vector<1x16xf32> to vector<16xf32>
        %add3A_1030 = arith.constant 5 : i32
        %add3A_1031 = arith.addi %mul3A_54, %add3A_1030 : i32
        %get3A_1032 = arith.index_cast %add3A_1031 : i32 to index
        %get3A_1033 = arith.constant 240 : index
        %get3A_1034 = tpu.vector_load %arg6[%get3A_1032, %get3A_1033] {strides = array<i32>} : memref<128x256xf32, #tpu.memory_space<vmem>>, vector<1x16xf32>,
        %get3A_1035 = vector.shape_cast %get3A_1034 : vector<1x16xf32> to vector<16xf32>
        %add3A_1036 = arith.addf %get3A_1029, %get3A_1035 : vector<16xf32>
        %add3A_1037 = arith.constant 6 : i32
        %add3A_1038 = arith.addi %mul3A_54, %add3A_1037 : i32
        %get3A_1039 = arith.index_cast %add3A_1038 : i32 to index
        %get3A_1040 = arith.constant 240 : index
        %get3A_1041 = tpu.vector_load %arg6[%get3A_1039, %get3A_1040] {strides = array<i32>} : memref<128x256xf32, #tpu.memory_space<vmem>>, vector<1x16xf32>,
        %get3A_1042 = vector.shape_cast %get3A_1041 : vector<1x16xf32> to vector<16xf32>
        %add3A_1043 = arith.constant 7 : i32
        %add3A_1044 = arith.addi %mul3A_54, %add3A_1043 : i32
        %get3A_1045 = arith.index_cast %add3A_1044 : i32 to index
        %get3A_1046 = arith.constant 240 : index
        %get3A_1047 = tpu.vector_load %arg6[%get3A_1045, %get3A_1046] {strides = array<i32>} : memref<128x256xf32, #tpu.memory_space<vmem>>, vector<1x16xf32>,
        %get3A_1048 = vector.shape_cast %get3A_1047 : vector<1x16xf32> to vector<16xf32>
        %add3A_1049 = arith.addf %get3A_1042, %get3A_1048 : vector<16xf32>
        %add3A_1050 = arith.addf %add3A_1010, %add3A_1023 : vector<16xf32>
        %add3A_1051 = arith.addf %add3A_1036, %add3A_1049 : vector<16xf32>
        %add3A_1052 = arith.addf %add3A_1050, %add3A_1051 : vector<16xf32>
        %mul3A_1053 = arith.constant 16 : i32
        %mul3A_1054 = arith.muli %mul3A_16, %mul3A_1053 : i32
        %add3A_1055 = arith.addi %mul3A_1054, %scan3A_52 : i32
        %swap3A_1056 = arith.index_cast %add3A_1055 : i32 to index
        %swap3A_1057 = arith.constant 240 : index
        %swap3A_1058 = tpu.vector_load %arg8[%swap3A_1056, %swap3A_1057] {strides = array<i32>} : memref<128x256xf32, #tpu.memory_space<vmem>>, vector<1x16xf32>,
        %swap3A_1059 = vector.shape_cast %swap3A_1058 : vector<1x16xf32> to vector<16xf32>
        %swap3A_1060 = vector.shape_cast %add3A_1052 : vector<16xf32> to vector<1x16xf32>
        tpu.vector_store %arg8[%swap3A_1056, %swap3A_1057], %swap3A_1060 {strides = array<i32>} : memref<128x256xf32, #tpu.memory_space<vmem>>, vector<1x16xf32>,
      }
      %scan3A_35 = arith.constant 16 : i32
      %add3A_36 = arith.constant 2 : i32
      %add3A_37 = arith.addi %mul3A_16, %add3A_36 : i32
      %lt3A = arith.constant 8 : i32
      %lt3A_38 = arith.cmpi slt, %add3A_37, %lt3A : i32
      %convert_element_type3A = arith.extui %lt3A_38 : i1 to i32
      %cond3A = arith.constant 0 : i32
      %cond3A_39 = arith.cmpi ne, %convert_element_type3A, %cond3A : i32
      scf.if %cond3A_39 {
        %add3A_52 = arith.constant 2 : i32
        %add3A_53 = arith.addi %mul3A_16, %add3A_52 : i32
        %dma_start3A_54 = arith.constant 0 : i32
        %dma_start3A_55 = tpu.memref_slice %arg5[%add3A_53, %dma_start3A_54] : memref<8x128xi32, #tpu.memory_space<vmem>> -> memref<1x128xi32, #tpu.memory_space<vmem>>
        %dma_start3A_56 = tpu.memref_squeeze %dma_start3A_55 : memref<1x128xi32, #tpu.memory_space<vmem>> -> memref<128xi32, #tpu.memory_space<vmem>>
        %dma_start3A_57 = arith.constant 0 : i32
        %dma_start3A_58 = arith.constant 0 : i32
        %dma_start3A_59 = tpu.memref_slice %arg2[%dma_start3A_57, %dma_start3A_58] : memref<4096x256xf32, #tpu.memory_space<hbm>> -> memref<4096x256xf32, #tpu.memory_space<hbm>>
        tpu.enqueue_indirect_dma source(%dma_start3A_59 : memref<4096x256xf32, #tpu.memory_space<hbm>>) target(%arg6 : memref<128x256xf32, #tpu.memory_space<vmem>>) offsets(%dma_start3A_56 : memref<128xi32, #tpu.memory_space<vmem>>) semaphore(%arg9 : memref<!tpu.dma_semaphore, #tpu.memory_space<semaphore_mem>>)
      } else {
      }
      %dma_wait3A_40 = arith.constant 0 : i32
      %dma_wait3A_41 = tpu.memref_slice %arg5[%add3A_18, %dma_wait3A_40] : memref<8x128xi32, #tpu.memory_space<vmem>> -> memref<1x128xi32, #tpu.memory_space<vmem>>
      %dma_wait3A_42 = tpu.memref_squeeze %dma_wait3A_41 : memref<1x128xi32, #tpu.memory_space<vmem>> -> memref<128xi32, #tpu.memory_space<vmem>>
      %dma_wait3A_43 = arith.constant 0 : i32
      %dma_wait3A_44 = arith.constant 0 : i32
      %dma_wait3A_45 = tpu.memref_slice %arg2[%dma_wait3A_43, %dma_wait3A_44] : memref<4096x256xf32, #tpu.memory_space<hbm>> -> memref<4096x256xf32, #tpu.memory_space<hbm>>
      tpu.wait_indirect_dma semaphore(%arg10 : memref<!tpu.dma_semaphore, #tpu.memory_space<semaphore_mem>>) src(%dma_wait3A_45 : memref<4096x256xf32, #tpu.memory_space<hbm>>) dst(%arg7 : memref<128x256xf32, #tpu.memory_space<vmem>>)
      %scan3A_46 = arith.constant 0 : i32
      %scan3A_47 = arith.constant 0 : i32
      %scan3A_48 = arith.constant 16 : i32
      %scan3A_49 = arith.addi %scan3A_47, %scan3A_48 : i32
      %scan3A_50 = arith.constant 1 : i32
      scf.for %scan3A_52 = %scan3A_47 to %scan3A_49 step %scan3A_50  : i32 {
        %mul3A_53 = arith.constant 8 : i32
        %mul3A_54 = arith.muli %scan3A_52, %mul3A_53 : i32
        %add3A_55 = arith.constant 0 : i32
        %add3A_56 = arith.addi %mul3A_54, %add3A_55 : i32
        %get3A = arith.index_cast %add3A_56 : i32 to index
        %get3A_57 = arith.constant 0 : index
        %get3A_58 = tpu.vector_load %arg7[%get3A, %get3A_57] {strides = array<i32>} : memref<128x256xf32, #tpu.memory_space<vmem>>, vector<1x16xf32>,
        %get3A_59 = vector.shape_cast %get3A_58 : vector<1x16xf32> to vector<16xf32>
        %add3A_60 = arith.constant 1 : i32
        %add3A_61 = arith.addi %mul3A_54, %add3A_60 : i32
        %get3A_62 = arith.index_cast %add3A_61 : i32 to index
        %get3A_63 = arith.constant 0 : index
        %get3A_64 = tpu.vector_load %arg7[%get3A_62, %get3A_63] {strides = array<i32>} : memref<128x256xf32, #tpu.memory_space<vmem>>, vector<1x16xf32>,
        %get3A_65 = vector.shape_cast %get3A_64 : vector<1x16xf32> to vector<16xf32>
        %add3A_66 = arith.addf %get3A_59, %get3A_65 : vector<16xf32>
        %add3A_67 = arith.constant 2 : i32
        %add3A_68 = arith.addi %mul3A_54, %add3A_67 : i32
        %get3A_69 = arith.index_cast %add3A_68 : i32 to index
        %get3A_70 = arith.constant 0 : index
        %get3A_71 = tpu.vector_load %arg7[%get3A_69, %get3A_70] {strides = array<i32>} : memref<128x256xf32, #tpu.memory_space<vmem>>, vector<1x16xf32>,
        %get3A_72 = vector.shape_cast %get3A_71 : vector<1x16xf32> to vector<16xf32>
        %add3A_73 = arith.constant 3 : i32
        %add3A_74 = arith.addi %mul3A_54, %add3A_73 : i32
        %get3A_75 = arith.index_cast %add3A_74 : i32 to index
        %get3A_76 = arith.constant 0 : index
        %get3A_77 = tpu.vector_load %arg7[%get3A_75, %get3A_76] {strides = array<i32>} : memref<128x256xf32, #tpu.memory_space<vmem>>, vector<1x16xf32>,
        %get3A_78 = vector.shape_cast %get3A_77 : vector<1x16xf32> to vector<16xf32>
        %add3A_79 = arith.addf %get3A_72, %get3A_78 : vector<16xf32>
        %add3A_80 = arith.constant 4 : i32
        %add3A_81 = arith.addi %mul3A_54, %add3A_80 : i32
        %get3A_82 = arith.index_cast %add3A_81 : i32 to index
        %get3A_83 = arith.constant 0 : index
        %get3A_84 = tpu.vector_load %arg7[%get3A_82, %get3A_83] {strides = array<i32>} : memref<128x256xf32, #tpu.memory_space<vmem>>, vector<1x16xf32>,
        %get3A_85 = vector.shape_cast %get3A_84 : vector<1x16xf32> to vector<16xf32>
        %add3A_86 = arith.constant 5 : i32
        %add3A_87 = arith.addi %mul3A_54, %add3A_86 : i32
        %get3A_88 = arith.index_cast %add3A_87 : i32 to index
        %get3A_89 = arith.constant 0 : index
        %get3A_90 = tpu.vector_load %arg7[%get3A_88, %get3A_89] {strides = array<i32>} : memref<128x256xf32, #tpu.memory_space<vmem>>, vector<1x16xf32>,
        %get3A_91 = vector.shape_cast %get3A_90 : vector<1x16xf32> to vector<16xf32>
        %add3A_92 = arith.addf %get3A_85, %get3A_91 : vector<16xf32>
        %add3A_93 = arith.constant 6 : i32
        %add3A_94 = arith.addi %mul3A_54, %add3A_93 : i32
        %get3A_95 = arith.index_cast %add3A_94 : i32 to index
        %get3A_96 = arith.constant 0 : index
        %get3A_97 = tpu.vector_load %arg7[%get3A_95, %get3A_96] {strides = array<i32>} : memref<128x256xf32, #tpu.memory_space<vmem>>, vector<1x16xf32>,
        %get3A_98 = vector.shape_cast %get3A_97 : vector<1x16xf32> to vector<16xf32>
        %add3A_99 = arith.constant 7 : i32
        %add3A_100 = arith.addi %mul3A_54, %add3A_99 : i32
        %get3A_101 = arith.index_cast %add3A_100 : i32 to index
        %get3A_102 = arith.constant 0 : index
        %get3A_103 = tpu.vector_load %arg7[%get3A_101, %get3A_102] {strides = array<i32>} : memref<128x256xf32, #tpu.memory_space<vmem>>, vector<1x16xf32>,
        %get3A_104 = vector.shape_cast %get3A_103 : vector<1x16xf32> to vector<16xf32>
        %add3A_105 = arith.addf %get3A_98, %get3A_104 : vector<16xf32>
        %add3A_106 = arith.addf %add3A_66, %add3A_79 : vector<16xf32>
        %add3A_107 = arith.addf %add3A_92, %add3A_105 : vector<16xf32>
        %add3A_108 = arith.addf %add3A_106, %add3A_107 : vector<16xf32>
        %mul3A_109 = arith.constant 16 : i32
        %mul3A_110 = arith.muli %add3A_18, %mul3A_109 : i32
        %add3A_111 = arith.addi %mul3A_110, %scan3A_52 : i32
        %swap3A = arith.index_cast %add3A_111 : i32 to index
        %swap3A_112 = arith.constant 0 : index
        %swap3A_113 = tpu.vector_load %arg8[%swap3A, %swap3A_112] {strides = array<i32>} : memref<128x256xf32, #tpu.memory_space<vmem>>, vector<1x16xf32>,
        %swap3A_114 = vector.shape_cast %swap3A_113 : vector<1x16xf32> to vector<16xf32>
        %swap3A_115 = vector.shape_cast %add3A_108 : vector<16xf32> to vector<1x16xf32>
        tpu.vector_store %arg8[%swap3A, %swap3A_112], %swap3A_115 {strides = array<i32>} : memref<128x256xf32, #tpu.memory_space<vmem>>, vector<1x16xf32>,
        %add3A_116 = arith.constant 0 : i32
        %add3A_117 = arith.addi %mul3A_54, %add3A_116 : i32
        %get3A_118 = arith.index_cast %add3A_117 : i32 to index
        %get3A_119 = arith.constant 16 : index
        %get3A_120 = tpu.vector_load %arg7[%get3A_118, %get3A_119] {strides = array<i32>} : memref<128x256xf32, #tpu.memory_space<vmem>>, vector<1x16xf32>,
        %get3A_121 = vector.shape_cast %get3A_120 : vector<1x16xf32> to vector<16xf32>
        %add3A_122 = arith.constant 1 : i32
        %add3A_123 = arith.addi %mul3A_54, %add3A_122 : i32
        %get3A_124 = arith.index_cast %add3A_123 : i32 to index
        %get3A_125 = arith.constant 16 : index
        %get3A_126 = tpu.vector_load %arg7[%get3A_124, %get3A_125] {strides = array<i32>} : memref<128x256xf32, #tpu.memory_space<vmem>>, vector<1x16xf32>,
        %get3A_127 = vector.shape_cast %get3A_126 : vector<1x16xf32> to vector<16xf32>
        %add3A_128 = arith.addf %get3A_121, %get3A_127 : vector<16xf32>
        %add3A_129 = arith.constant 2 : i32
        %add3A_130 = arith.addi %mul3A_54, %add3A_129 : i32
        %get3A_131 = arith.index_cast %add3A_130 : i32 to index
        %get3A_132 = arith.constant 16 : index
        %get3A_133 = tpu.vector_load %arg7[%get3A_131, %get3A_132] {strides = array<i32>} : memref<128x256xf32, #tpu.memory_space<vmem>>, vector<1x16xf32>,
        %get3A_134 = vector.shape_cast %get3A_133 : vector<1x16xf32> to vector<16xf32>
        %add3A_135 = arith.constant 3 : i32
        %add3A_136 = arith.addi %mul3A_54, %add3A_135 : i32
        %get3A_137 = arith.index_cast %add3A_136 : i32 to index
        %get3A_138 = arith.constant 16 : index
        %get3A_139 = tpu.vector_load %arg7[%get3A_137, %get3A_138] {strides = array<i32>} : memref<128x256xf32, #tpu.memory_space<vmem>>, vector<1x16xf32>,
        %get3A_140 = vector.shape_cast %get3A_139 : vector<1x16xf32> to vector<16xf32>
        %add3A_141 = arith.addf %get3A_134, %get3A_140 : vector<16xf32>
        %add3A_142 = arith.constant 4 : i32
        %add3A_143 = arith.addi %mul3A_54, %add3A_142 : i32
        %get3A_144 = arith.index_cast %add3A_143 : i32 to index
        %get3A_145 = arith.constant 16 : index
        %get3A_146 = tpu.vector_load %arg7[%get3A_144, %get3A_145] {strides = array<i32>} : memref<128x256xf32, #tpu.memory_space<vmem>>, vector<1x16xf32>,
        %get3A_147 = vector.shape_cast %get3A_146 : vector<1x16xf32> to vector<16xf32>
        %add3A_148 = arith.constant 5 : i32
        %add3A_149 = arith.addi %mul3A_54, %add3A_148 : i32
        %get3A_150 = arith.index_cast %add3A_149 : i32 to index
        %get3A_151 = arith.constant 16 : index
        %get3A_152 = tpu.vector_load %arg7[%get3A_150, %get3A_151] {strides = array<i32>} : memref<128x256xf32, #tpu.memory_space<vmem>>, vector<1x16xf32>,
        %get3A_153 = vector.shape_cast %get3A_152 : vector<1x16xf32> to vector<16xf32>
        %add3A_154 = arith.addf %get3A_147, %get3A_153 : vector<16xf32>
        %add3A_155 = arith.constant 6 : i32
        %add3A_156 = arith.addi %mul3A_54, %add3A_155 : i32
        %get3A_157 = arith.index_cast %add3A_156 : i32 to index
        %get3A_158 = arith.constant 16 : index
        %get3A_159 = tpu.vector_load %arg7[%get3A_157, %get3A_158] {strides = array<i32>} : memref<128x256xf32, #tpu.memory_space<vmem>>, vector<1x16xf32>,
        %get3A_160 = vector.shape_cast %get3A_159 : vector<1x16xf32> to vector<16xf32>
        %add3A_161 = arith.constant 7 : i32
        %add3A_162 = arith.addi %mul3A_54, %add3A_161 : i32
        %get3A_163 = arith.index_cast %add3A_162 : i32 to index
        %get3A_164 = arith.constant 16 : index
        %get3A_165 = tpu.vector_load %arg7[%get3A_163, %get3A_164] {strides = array<i32>} : memref<128x256xf32, #tpu.memory_space<vmem>>, vector<1x16xf32>,
        %get3A_166 = vector.shape_cast %get3A_165 : vector<1x16xf32> to vector<16xf32>
        %add3A_167 = arith.addf %get3A_160, %get3A_166 : vector<16xf32>
        %add3A_168 = arith.addf %add3A_128, %add3A_141 : vector<16xf32>
        %add3A_169 = arith.addf %add3A_154, %add3A_167 : vector<16xf32>
        %add3A_170 = arith.addf %add3A_168, %add3A_169 : vector<16xf32>
        %mul3A_171 = arith.constant 16 : i32
        %mul3A_172 = arith.muli %add3A_18, %mul3A_171 : i32
        %add3A_173 = arith.addi %mul3A_172, %scan3A_52 : i32
        %swap3A_174 = arith.index_cast %add3A_173 : i32 to index
        %swap3A_175 = arith.constant 16 : index
        %swap3A_176 = tpu.vector_load %arg8[%swap3A_174, %swap3A_175] {strides = array<i32>} : memref<128x256xf32, #tpu.memory_space<vmem>>, vector<1x16xf32>,
        %swap3A_177 = vector.shape_cast %swap3A_176 : vector<1x16xf32> to vector<16xf32>
        %swap3A_178 = vector.shape_cast %add3A_170 : vector<16xf32> to vector<1x16xf32>
        tpu.vector_store %arg8[%swap3A_174, %swap3A_175], %swap3A_178 {strides = array<i32>} : memref<128x256xf32, #tpu.memory_space<vmem>>, vector<1x16xf32>,
        %add3A_179 = arith.constant 0 : i32
        %add3A_180 = arith.addi %mul3A_54, %add3A_179 : i32
        %get3A_181 = arith.index_cast %add3A_180 : i32 to index
        %get3A_182 = arith.constant 32 : index
        %get3A_183 = tpu.vector_load %arg7[%get3A_181, %get3A_182] {strides = array<i32>} : memref<128x256xf32, #tpu.memory_space<vmem>>, vector<1x16xf32>,
        %get3A_184 = vector.shape_cast %get3A_183 : vector<1x16xf32> to vector<16xf32>
        %add3A_185 = arith.constant 1 : i32
        %add3A_186 = arith.addi %mul3A_54, %add3A_185 : i32
        %get3A_187 = arith.index_cast %add3A_186 : i32 to index
        %get3A_188 = arith.constant 32 : index
        %get3A_189 = tpu.vector_load %arg7[%get3A_187, %get3A_188] {strides = array<i32>} : memref<128x256xf32, #tpu.memory_space<vmem>>, vector<1x16xf32>,
        %get3A_190 = vector.shape_cast %get3A_189 : vector<1x16xf32> to vector<16xf32>
        %add3A_191 = arith.addf %get3A_184, %get3A_190 : vector<16xf32>
        %add3A_192 = arith.constant 2 : i32
        %add3A_193 = arith.addi %mul3A_54, %add3A_192 : i32
        %get3A_194 = arith.index_cast %add3A_193 : i32 to index
        %get3A_195 = arith.constant 32 : index
        %get3A_196 = tpu.vector_load %arg7[%get3A_194, %get3A_195] {strides = array<i32>} : memref<128x256xf32, #tpu.memory_space<vmem>>, vector<1x16xf32>,
        %get3A_197 = vector.shape_cast %get3A_196 : vector<1x16xf32> to vector<16xf32>
        %add3A_198 = arith.constant 3 : i32
        %add3A_199 = arith.addi %mul3A_54, %add3A_198 : i32
        %get3A_200 = arith.index_cast %add3A_199 : i32 to index
        %get3A_201 = arith.constant 32 : index
        %get3A_202 = tpu.vector_load %arg7[%get3A_200, %get3A_201] {strides = array<i32>} : memref<128x256xf32, #tpu.memory_space<vmem>>, vector<1x16xf32>,
        %get3A_203 = vector.shape_cast %get3A_202 : vector<1x16xf32> to vector<16xf32>
        %add3A_204 = arith.addf %get3A_197, %get3A_203 : vector<16xf32>
        %add3A_205 = arith.constant 4 : i32
        %add3A_206 = arith.addi %mul3A_54, %add3A_205 : i32
        %get3A_207 = arith.index_cast %add3A_206 : i32 to index
        %get3A_208 = arith.constant 32 : index
        %get3A_209 = tpu.vector_load %arg7[%get3A_207, %get3A_208] {strides = array<i32>} : memref<128x256xf32, #tpu.memory_space<vmem>>, vector<1x16xf32>,
        %get3A_210 = vector.shape_cast %get3A_209 : vector<1x16xf32> to vector<16xf32>
        %add3A_211 = arith.constant 5 : i32
        %add3A_212 = arith.addi %mul3A_54, %add3A_211 : i32
        %get3A_213 = arith.index_cast %add3A_212 : i32 to index
        %get3A_214 = arith.constant 32 : index
        %get3A_215 = tpu.vector_load %arg7[%get3A_213, %get3A_214] {strides = array<i32>} : memref<128x256xf32, #tpu.memory_space<vmem>>, vector<1x16xf32>,
        %get3A_216 = vector.shape_cast %get3A_215 : vector<1x16xf32> to vector<16xf32>
        %add3A_217 = arith.addf %get3A_210, %get3A_216 : vector<16xf32>
        %add3A_218 = arith.constant 6 : i32
        %add3A_219 = arith.addi %mul3A_54, %add3A_218 : i32
        %get3A_220 = arith.index_cast %add3A_219 : i32 to index
        %get3A_221 = arith.constant 32 : index
        %get3A_222 = tpu.vector_load %arg7[%get3A_220, %get3A_221] {strides = array<i32>} : memref<128x256xf32, #tpu.memory_space<vmem>>, vector<1x16xf32>,
        %get3A_223 = vector.shape_cast %get3A_222 : vector<1x16xf32> to vector<16xf32>
        %add3A_224 = arith.constant 7 : i32
        %add3A_225 = arith.addi %mul3A_54, %add3A_224 : i32
        %get3A_226 = arith.index_cast %add3A_225 : i32 to index
        %get3A_227 = arith.constant 32 : index
        %get3A_228 = tpu.vector_load %arg7[%get3A_226, %get3A_227] {strides = array<i32>} : memref<128x256xf32, #tpu.memory_space<vmem>>, vector<1x16xf32>,
        %get3A_229 = vector.shape_cast %get3A_228 : vector<1x16xf32> to vector<16xf32>
        %add3A_230 = arith.addf %get3A_223, %get3A_229 : vector<16xf32>
        %add3A_231 = arith.addf %add3A_191, %add3A_204 : vector<16xf32>
        %add3A_232 = arith.addf %add3A_217, %add3A_230 : vector<16xf32>
        %add3A_233 = arith.addf %add3A_231, %add3A_232 : vector<16xf32>
        %mul3A_234 = arith.constant 16 : i32
        %mul3A_235 = arith.muli %add3A_18, %mul3A_234 : i32
        %add3A_236 = arith.addi %mul3A_235, %scan3A_52 : i32
        %swap3A_237 = arith.index_cast %add3A_236 : i32 to index
        %swap3A_238 = arith.constant 32 : index
        %swap3A_239 = tpu.vector_load %arg8[%swap3A_237, %swap3A_238] {strides = array<i32>} : memref<128x256xf32, #tpu.memory_space<vmem>>, vector<1x16xf32>,
        %swap3A_240 = vector.shape_cast %swap3A_239 : vector<1x16xf32> to vector<16xf32>
        %swap3A_241 = vector.shape_cast %add3A_233 : vector<16xf32> to vector<1x16xf32>
        tpu.vector_store %arg8[%swap3A_237, %swap3A_238], %swap3A_241 {strides = array<i32>} : memref<128x256xf32, #tpu.memory_space<vmem>>, vector<1x16xf32>,
        %add3A_242 = arith.constant 0 : i32
        %add3A_243 = arith.addi %mul3A_54, %add3A_242 : i32
        %get3A_244 = arith.index_cast %add3A_243 : i32 to index
        %get3A_245 = arith.constant 48 : index
        %get3A_246 = tpu.vector_load %arg7[%get3A_244, %get3A_245] {strides = array<i32>} : memref<128x256xf32, #tpu.memory_space<vmem>>, vector<1x16xf32>,
        %get3A_247 = vector.shape_cast %get3A_246 : vector<1x16xf32> to vector<16xf32>
        %add3A_248 = arith.constant 1 : i32
        %add3A_249 = arith.addi %mul3A_54, %add3A_248 : i32
        %get3A_250 = arith.index_cast %add3A_249 : i32 to index
        %get3A_251 = arith.constant 48 : index
        %get3A_252 = tpu.vector_load %arg7[%get3A_250, %get3A_251] {strides = array<i32>} : memref<128x256xf32, #tpu.memory_space<vmem>>, vector<1x16xf32>,
        %get3A_253 = vector.shape_cast %get3A_252 : vector<1x16xf32> to vector<16xf32>
        %add3A_254 = arith.addf %get3A_247, %get3A_253 : vector<16xf32>
        %add3A_255 = arith.constant 2 : i32
        %add3A_256 = arith.addi %mul3A_54, %add3A_255 : i32
        %get3A_257 = arith.index_cast %add3A_256 : i32 to index
        %get3A_258 = arith.constant 48 : index
        %get3A_259 = tpu.vector_load %arg7[%get3A_257, %get3A_258] {strides = array<i32>} : memref<128x256xf32, #tpu.memory_space<vmem>>, vector<1x16xf32>,
        %get3A_260 = vector.shape_cast %get3A_259 : vector<1x16xf32> to vector<16xf32>
        %add3A_261 = arith.constant 3 : i32
        %add3A_262 = arith.addi %mul3A_54, %add3A_261 : i32
        %get3A_263 = arith.index_cast %add3A_262 : i32 to index
        %get3A_264 = arith.constant 48 : index
        %get3A_265 = tpu.vector_load %arg7[%get3A_263, %get3A_264] {strides = array<i32>} : memref<128x256xf32, #tpu.memory_space<vmem>>, vector<1x16xf32>,
        %get3A_266 = vector.shape_cast %get3A_265 : vector<1x16xf32> to vector<16xf32>
        %add3A_267 = arith.addf %get3A_260, %get3A_266 : vector<16xf32>
        %add3A_268 = arith.constant 4 : i32
        %add3A_269 = arith.addi %mul3A_54, %add3A_268 : i32
        %get3A_270 = arith.index_cast %add3A_269 : i32 to index
        %get3A_271 = arith.constant 48 : index
        %get3A_272 = tpu.vector_load %arg7[%get3A_270, %get3A_271] {strides = array<i32>} : memref<128x256xf32, #tpu.memory_space<vmem>>, vector<1x16xf32>,
        %get3A_273 = vector.shape_cast %get3A_272 : vector<1x16xf32> to vector<16xf32>
        %add3A_274 = arith.constant 5 : i32
        %add3A_275 = arith.addi %mul3A_54, %add3A_274 : i32
        %get3A_276 = arith.index_cast %add3A_275 : i32 to index
        %get3A_277 = arith.constant 48 : index
        %get3A_278 = tpu.vector_load %arg7[%get3A_276, %get3A_277] {strides = array<i32>} : memref<128x256xf32, #tpu.memory_space<vmem>>, vector<1x16xf32>,
        %get3A_279 = vector.shape_cast %get3A_278 : vector<1x16xf32> to vector<16xf32>
        %add3A_280 = arith.addf %get3A_273, %get3A_279 : vector<16xf32>
        %add3A_281 = arith.constant 6 : i32
        %add3A_282 = arith.addi %mul3A_54, %add3A_281 : i32
        %get3A_283 = arith.index_cast %add3A_282 : i32 to index
        %get3A_284 = arith.constant 48 : index
        %get3A_285 = tpu.vector_load %arg7[%get3A_283, %get3A_284] {strides = array<i32>} : memref<128x256xf32, #tpu.memory_space<vmem>>, vector<1x16xf32>,
        %get3A_286 = vector.shape_cast %get3A_285 : vector<1x16xf32> to vector<16xf32>
        %add3A_287 = arith.constant 7 : i32
        %add3A_288 = arith.addi %mul3A_54, %add3A_287 : i32
        %get3A_289 = arith.index_cast %add3A_288 : i32 to index
        %get3A_290 = arith.constant 48 : index
        %get3A_291 = tpu.vector_load %arg7[%get3A_289, %get3A_290] {strides = array<i32>} : memref<128x256xf32, #tpu.memory_space<vmem>>, vector<1x16xf32>,
        %get3A_292 = vector.shape_cast %get3A_291 : vector<1x16xf32> to vector<16xf32>
        %add3A_293 = arith.addf %get3A_286, %get3A_292 : vector<16xf32>
        %add3A_294 = arith.addf %add3A_254, %add3A_267 : vector<16xf32>
        %add3A_295 = arith.addf %add3A_280, %add3A_293 : vector<16xf32>
        %add3A_296 = arith.addf %add3A_294, %add3A_295 : vector<16xf32>
        %mul3A_297 = arith.constant 16 : i32
        %mul3A_298 = arith.muli %add3A_18, %mul3A_297 : i32
        %add3A_299 = arith.addi %mul3A_298, %scan3A_52 : i32
        %swap3A_300 = arith.index_cast %add3A_299 : i32 to index
        %swap3A_301 = arith.constant 48 : index
        %swap3A_302 = tpu.vector_load %arg8[%swap3A_300, %swap3A_301] {strides = array<i32>} : memref<128x256xf32, #tpu.memory_space<vmem>>, vector<1x16xf32>,
        %swap3A_303 = vector.shape_cast %swap3A_302 : vector<1x16xf32> to vector<16xf32>
        %swap3A_304 = vector.shape_cast %add3A_296 : vector<16xf32> to vector<1x16xf32>
        tpu.vector_store %arg8[%swap3A_300, %swap3A_301], %swap3A_304 {strides = array<i32>} : memref<128x256xf32, #tpu.memory_space<vmem>>, vector<1x16xf32>,
        %add3A_305 = arith.constant 0 : i32
        %add3A_306 = arith.addi %mul3A_54, %add3A_305 : i32
        %get3A_307 = arith.index_cast %add3A_306 : i32 to index
        %get3A_308 = arith.constant 64 : index
        %get3A_309 = tpu.vector_load %arg7[%get3A_307, %get3A_308] {strides = array<i32>} : memref<128x256xf32, #tpu.memory_space<vmem>>, vector<1x16xf32>,
        %get3A_310 = vector.shape_cast %get3A_309 : vector<1x16xf32> to vector<16xf32>
        %add3A_311 = arith.constant 1 : i32
        %add3A_312 = arith.addi %mul3A_54, %add3A_311 : i32
        %get3A_313 = arith.index_cast %add3A_312 : i32 to index
        %get3A_314 = arith.constant 64 : index
        %get3A_315 = tpu.vector_load %arg7[%get3A_313, %get3A_314] {strides = array<i32>} : memref<128x256xf32, #tpu.memory_space<vmem>>, vector<1x16xf32>,
        %get3A_316 = vector.shape_cast %get3A_315 : vector<1x16xf32> to vector<16xf32>
        %add3A_317 = arith.addf %get3A_310, %get3A_316 : vector<16xf32>
        %add3A_318 = arith.constant 2 : i32
        %add3A_319 = arith.addi %mul3A_54, %add3A_318 : i32
        %get3A_320 = arith.index_cast %add3A_319 : i32 to index
        %get3A_321 = arith.constant 64 : index
        %get3A_322 = tpu.vector_load %arg7[%get3A_320, %get3A_321] {strides = array<i32>} : memref<128x256xf32, #tpu.memory_space<vmem>>, vector<1x16xf32>,
        %get3A_323 = vector.shape_cast %get3A_322 : vector<1x16xf32> to vector<16xf32>
        %add3A_324 = arith.constant 3 : i32
        %add3A_325 = arith.addi %mul3A_54, %add3A_324 : i32
        %get3A_326 = arith.index_cast %add3A_325 : i32 to index
        %get3A_327 = arith.constant 64 : index
        %get3A_328 = tpu.vector_load %arg7[%get3A_326, %get3A_327] {strides = array<i32>} : memref<128x256xf32, #tpu.memory_space<vmem>>, vector<1x16xf32>,
        %get3A_329 = vector.shape_cast %get3A_328 : vector<1x16xf32> to vector<16xf32>
        %add3A_330 = arith.addf %get3A_323, %get3A_329 : vector<16xf32>
        %add3A_331 = arith.constant 4 : i32
        %add3A_332 = arith.addi %mul3A_54, %add3A_331 : i32
        %get3A_333 = arith.index_cast %add3A_332 : i32 to index
        %get3A_334 = arith.constant 64 : index
        %get3A_335 = tpu.vector_load %arg7[%get3A_333, %get3A_334] {strides = array<i32>} : memref<128x256xf32, #tpu.memory_space<vmem>>, vector<1x16xf32>,
        %get3A_336 = vector.shape_cast %get3A_335 : vector<1x16xf32> to vector<16xf32>
        %add3A_337 = arith.constant 5 : i32
        %add3A_338 = arith.addi %mul3A_54, %add3A_337 : i32
        %get3A_339 = arith.index_cast %add3A_338 : i32 to index
        %get3A_340 = arith.constant 64 : index
        %get3A_341 = tpu.vector_load %arg7[%get3A_339, %get3A_340] {strides = array<i32>} : memref<128x256xf32, #tpu.memory_space<vmem>>, vector<1x16xf32>,
        %get3A_342 = vector.shape_cast %get3A_341 : vector<1x16xf32> to vector<16xf32>
        %add3A_343 = arith.addf %get3A_336, %get3A_342 : vector<16xf32>
        %add3A_344 = arith.constant 6 : i32
        %add3A_345 = arith.addi %mul3A_54, %add3A_344 : i32
        %get3A_346 = arith.index_cast %add3A_345 : i32 to index
        %get3A_347 = arith.constant 64 : index
        %get3A_348 = tpu.vector_load %arg7[%get3A_346, %get3A_347] {strides = array<i32>} : memref<128x256xf32, #tpu.memory_space<vmem>>, vector<1x16xf32>,
        %get3A_349 = vector.shape_cast %get3A_348 : vector<1x16xf32> to vector<16xf32>
        %add3A_350 = arith.constant 7 : i32
        %add3A_351 = arith.addi %mul3A_54, %add3A_350 : i32
        %get3A_352 = arith.index_cast %add3A_351 : i32 to index
        %get3A_353 = arith.constant 64 : index
        %get3A_354 = tpu.vector_load %arg7[%get3A_352, %get3A_353] {strides = array<i32>} : memref<128x256xf32, #tpu.memory_space<vmem>>, vector<1x16xf32>,
        %get3A_355 = vector.shape_cast %get3A_354 : vector<1x16xf32> to vector<16xf32>
        %add3A_356 = arith.addf %get3A_349, %get3A_355 : vector<16xf32>
        %add3A_357 = arith.addf %add3A_317, %add3A_330 : vector<16xf32>
        %add3A_358 = arith.addf %add3A_343, %add3A_356 : vector<16xf32>
        %add3A_359 = arith.addf %add3A_357, %add3A_358 : vector<16xf32>
        %mul3A_360 = arith.constant 16 : i32
        %mul3A_361 = arith.muli %add3A_18, %mul3A_360 : i32
        %add3A_362 = arith.addi %mul3A_361, %scan3A_52 : i32
        %swap3A_363 = arith.index_cast %add3A_362 : i32 to index
        %swap3A_364 = arith.constant 64 : index
        %swap3A_365 = tpu.vector_load %arg8[%swap3A_363, %swap3A_364] {strides = array<i32>} : memref<128x256xf32, #tpu.memory_space<vmem>>, vector<1x16xf32>,
        %swap3A_366 = vector.shape_cast %swap3A_365 : vector<1x16xf32> to vector<16xf32>
        %swap3A_367 = vector.shape_cast %add3A_359 : vector<16xf32> to vector<1x16xf32>
        tpu.vector_store %arg8[%swap3A_363, %swap3A_364], %swap3A_367 {strides = array<i32>} : memref<128x256xf32, #tpu.memory_space<vmem>>, vector<1x16xf32>,
        %add3A_368 = arith.constant 0 : i32
        %add3A_369 = arith.addi %mul3A_54, %add3A_368 : i32
        %get3A_370 = arith.index_cast %add3A_369 : i32 to index
        %get3A_371 = arith.constant 80 : index
        %get3A_372 = tpu.vector_load %arg7[%get3A_370, %get3A_371] {strides = array<i32>} : memref<128x256xf32, #tpu.memory_space<vmem>>, vector<1x16xf32>,
        %get3A_373 = vector.shape_cast %get3A_372 : vector<1x16xf32> to vector<16xf32>
        %add3A_374 = arith.constant 1 : i32
        %add3A_375 = arith.addi %mul3A_54, %add3A_374 : i32
        %get3A_376 = arith.index_cast %add3A_375 : i32 to index
        %get3A_377 = arith.constant 80 : index
        %get3A_378 = tpu.vector_load %arg7[%get3A_376, %get3A_377] {strides = array<i32>} : memref<128x256xf32, #tpu.memory_space<vmem>>, vector<1x16xf32>,
        %get3A_379 = vector.shape_cast %get3A_378 : vector<1x16xf32> to vector<16xf32>
        %add3A_380 = arith.addf %get3A_373, %get3A_379 : vector<16xf32>
        %add3A_381 = arith.constant 2 : i32
        %add3A_382 = arith.addi %mul3A_54, %add3A_381 : i32
        %get3A_383 = arith.index_cast %add3A_382 : i32 to index
        %get3A_384 = arith.constant 80 : index
        %get3A_385 = tpu.vector_load %arg7[%get3A_383, %get3A_384] {strides = array<i32>} : memref<128x256xf32, #tpu.memory_space<vmem>>, vector<1x16xf32>,
        %get3A_386 = vector.shape_cast %get3A_385 : vector<1x16xf32> to vector<16xf32>
        %add3A_387 = arith.constant 3 : i32
        %add3A_388 = arith.addi %mul3A_54, %add3A_387 : i32
        %get3A_389 = arith.index_cast %add3A_388 : i32 to index
        %get3A_390 = arith.constant 80 : index
        %get3A_391 = tpu.vector_load %arg7[%get3A_389, %get3A_390] {strides = array<i32>} : memref<128x256xf32, #tpu.memory_space<vmem>>, vector<1x16xf32>,
        %get3A_392 = vector.shape_cast %get3A_391 : vector<1x16xf32> to vector<16xf32>
        %add3A_393 = arith.addf %get3A_386, %get3A_392 : vector<16xf32>
        %add3A_394 = arith.constant 4 : i32
        %add3A_395 = arith.addi %mul3A_54, %add3A_394 : i32
        %get3A_396 = arith.index_cast %add3A_395 : i32 to index
        %get3A_397 = arith.constant 80 : index
        %get3A_398 = tpu.vector_load %arg7[%get3A_396, %get3A_397] {strides = array<i32>} : memref<128x256xf32, #tpu.memory_space<vmem>>, vector<1x16xf32>,
        %get3A_399 = vector.shape_cast %get3A_398 : vector<1x16xf32> to vector<16xf32>
        %add3A_400 = arith.constant 5 : i32
        %add3A_401 = arith.addi %mul3A_54, %add3A_400 : i32
        %get3A_402 = arith.index_cast %add3A_401 : i32 to index
        %get3A_403 = arith.constant 80 : index
        %get3A_404 = tpu.vector_load %arg7[%get3A_402, %get3A_403] {strides = array<i32>} : memref<128x256xf32, #tpu.memory_space<vmem>>, vector<1x16xf32>,
        %get3A_405 = vector.shape_cast %get3A_404 : vector<1x16xf32> to vector<16xf32>
        %add3A_406 = arith.addf %get3A_399, %get3A_405 : vector<16xf32>
        %add3A_407 = arith.constant 6 : i32
        %add3A_408 = arith.addi %mul3A_54, %add3A_407 : i32
        %get3A_409 = arith.index_cast %add3A_408 : i32 to index
        %get3A_410 = arith.constant 80 : index
        %get3A_411 = tpu.vector_load %arg7[%get3A_409, %get3A_410] {strides = array<i32>} : memref<128x256xf32, #tpu.memory_space<vmem>>, vector<1x16xf32>,
        %get3A_412 = vector.shape_cast %get3A_411 : vector<1x16xf32> to vector<16xf32>
        %add3A_413 = arith.constant 7 : i32
        %add3A_414 = arith.addi %mul3A_54, %add3A_413 : i32
        %get3A_415 = arith.index_cast %add3A_414 : i32 to index
        %get3A_416 = arith.constant 80 : index
        %get3A_417 = tpu.vector_load %arg7[%get3A_415, %get3A_416] {strides = array<i32>} : memref<128x256xf32, #tpu.memory_space<vmem>>, vector<1x16xf32>,
        %get3A_418 = vector.shape_cast %get3A_417 : vector<1x16xf32> to vector<16xf32>
        %add3A_419 = arith.addf %get3A_412, %get3A_418 : vector<16xf32>
        %add3A_420 = arith.addf %add3A_380, %add3A_393 : vector<16xf32>
        %add3A_421 = arith.addf %add3A_406, %add3A_419 : vector<16xf32>
        %add3A_422 = arith.addf %add3A_420, %add3A_421 : vector<16xf32>
        %mul3A_423 = arith.constant 16 : i32
        %mul3A_424 = arith.muli %add3A_18, %mul3A_423 : i32
        %add3A_425 = arith.addi %mul3A_424, %scan3A_52 : i32
        %swap3A_426 = arith.index_cast %add3A_425 : i32 to index
        %swap3A_427 = arith.constant 80 : index
        %swap3A_428 = tpu.vector_load %arg8[%swap3A_426, %swap3A_427] {strides = array<i32>} : memref<128x256xf32, #tpu.memory_space<vmem>>, vector<1x16xf32>,
        %swap3A_429 = vector.shape_cast %swap3A_428 : vector<1x16xf32> to vector<16xf32>
        %swap3A_430 = vector.shape_cast %add3A_422 : vector<16xf32> to vector<1x16xf32>
        tpu.vector_store %arg8[%swap3A_426, %swap3A_427], %swap3A_430 {strides = array<i32>} : memref<128x256xf32, #tpu.memory_space<vmem>>, vector<1x16xf32>,
        %add3A_431 = arith.constant 0 : i32
        %add3A_432 = arith.addi %mul3A_54, %add3A_431 : i32
        %get3A_433 = arith.index_cast %add3A_432 : i32 to index
        %get3A_434 = arith.constant 96 : index
        %get3A_435 = tpu.vector_load %arg7[%get3A_433, %get3A_434] {strides = array<i32>} : memref<128x256xf32, #tpu.memory_space<vmem>>, vector<1x16xf32>,
        %get3A_436 = vector.shape_cast %get3A_435 : vector<1x16xf32> to vector<16xf32>
        %add3A_437 = arith.constant 1 : i32
        %add3A_438 = arith.addi %mul3A_54, %add3A_437 : i32
        %get3A_439 = arith.index_cast %add3A_438 : i32 to index
        %get3A_440 = arith.constant 96 : index
        %get3A_441 = tpu.vector_load %arg7[%get3A_439, %get3A_440] {strides = array<i32>} : memref<128x256xf32, #tpu.memory_space<vmem>>, vector<1x16xf32>,
        %get3A_442 = vector.shape_cast %get3A_441 : vector<1x16xf32> to vector<16xf32>
        %add3A_443 = arith.addf %get3A_436, %get3A_442 : vector<16xf32>
        %add3A_444 = arith.constant 2 : i32
        %add3A_445 = arith.addi %mul3A_54, %add3A_444 : i32
        %get3A_446 = arith.index_cast %add3A_445 : i32 to index
        %get3A_447 = arith.constant 96 : index
        %get3A_448 = tpu.vector_load %arg7[%get3A_446, %get3A_447] {strides = array<i32>} : memref<128x256xf32, #tpu.memory_space<vmem>>, vector<1x16xf32>,
        %get3A_449 = vector.shape_cast %get3A_448 : vector<1x16xf32> to vector<16xf32>
        %add3A_450 = arith.constant 3 : i32
        %add3A_451 = arith.addi %mul3A_54, %add3A_450 : i32
        %get3A_452 = arith.index_cast %add3A_451 : i32 to index
        %get3A_453 = arith.constant 96 : index
        %get3A_454 = tpu.vector_load %arg7[%get3A_452, %get3A_453] {strides = array<i32>} : memref<128x256xf32, #tpu.memory_space<vmem>>, vector<1x16xf32>,
        %get3A_455 = vector.shape_cast %get3A_454 : vector<1x16xf32> to vector<16xf32>
        %add3A_456 = arith.addf %get3A_449, %get3A_455 : vector<16xf32>
        %add3A_457 = arith.constant 4 : i32
        %add3A_458 = arith.addi %mul3A_54, %add3A_457 : i32
        %get3A_459 = arith.index_cast %add3A_458 : i32 to index
        %get3A_460 = arith.constant 96 : index
        %get3A_461 = tpu.vector_load %arg7[%get3A_459, %get3A_460] {strides = array<i32>} : memref<128x256xf32, #tpu.memory_space<vmem>>, vector<1x16xf32>,
        %get3A_462 = vector.shape_cast %get3A_461 : vector<1x16xf32> to vector<16xf32>
        %add3A_463 = arith.constant 5 : i32
        %add3A_464 = arith.addi %mul3A_54, %add3A_463 : i32
        %get3A_465 = arith.index_cast %add3A_464 : i32 to index
        %get3A_466 = arith.constant 96 : index
        %get3A_467 = tpu.vector_load %arg7[%get3A_465, %get3A_466] {strides = array<i32>} : memref<128x256xf32, #tpu.memory_space<vmem>>, vector<1x16xf32>,
        %get3A_468 = vector.shape_cast %get3A_467 : vector<1x16xf32> to vector<16xf32>
        %add3A_469 = arith.addf %get3A_462, %get3A_468 : vector<16xf32>
        %add3A_470 = arith.constant 6 : i32
        %add3A_471 = arith.addi %mul3A_54, %add3A_470 : i32
        %get3A_472 = arith.index_cast %add3A_471 : i32 to index
        %get3A_473 = arith.constant 96 : index
        %get3A_474 = tpu.vector_load %arg7[%get3A_472, %get3A_473] {strides = array<i32>} : memref<128x256xf32, #tpu.memory_space<vmem>>, vector<1x16xf32>,
        %get3A_475 = vector.shape_cast %get3A_474 : vector<1x16xf32> to vector<16xf32>
        %add3A_476 = arith.constant 7 : i32
        %add3A_477 = arith.addi %mul3A_54, %add3A_476 : i32
        %get3A_478 = arith.index_cast %add3A_477 : i32 to index
        %get3A_479 = arith.constant 96 : index
        %get3A_480 = tpu.vector_load %arg7[%get3A_478, %get3A_479] {strides = array<i32>} : memref<128x256xf32, #tpu.memory_space<vmem>>, vector<1x16xf32>,
        %get3A_481 = vector.shape_cast %get3A_480 : vector<1x16xf32> to vector<16xf32>
        %add3A_482 = arith.addf %get3A_475, %get3A_481 : vector<16xf32>
        %add3A_483 = arith.addf %add3A_443, %add3A_456 : vector<16xf32>
        %add3A_484 = arith.addf %add3A_469, %add3A_482 : vector<16xf32>
        %add3A_485 = arith.addf %add3A_483, %add3A_484 : vector<16xf32>
        %mul3A_486 = arith.constant 16 : i32
        %mul3A_487 = arith.muli %add3A_18, %mul3A_486 : i32
        %add3A_488 = arith.addi %mul3A_487, %scan3A_52 : i32
        %swap3A_489 = arith.index_cast %add3A_488 : i32 to index
        %swap3A_490 = arith.constant 96 : index
        %swap3A_491 = tpu.vector_load %arg8[%swap3A_489, %swap3A_490] {strides = array<i32>} : memref<128x256xf32, #tpu.memory_space<vmem>>, vector<1x16xf32>,
        %swap3A_492 = vector.shape_cast %swap3A_491 : vector<1x16xf32> to vector<16xf32>
        %swap3A_493 = vector.shape_cast %add3A_485 : vector<16xf32> to vector<1x16xf32>
        tpu.vector_store %arg8[%swap3A_489, %swap3A_490], %swap3A_493 {strides = array<i32>} : memref<128x256xf32, #tpu.memory_space<vmem>>, vector<1x16xf32>,
        %add3A_494 = arith.constant 0 : i32
        %add3A_495 = arith.addi %mul3A_54, %add3A_494 : i32
        %get3A_496 = arith.index_cast %add3A_495 : i32 to index
        %get3A_497 = arith.constant 112 : index
        %get3A_498 = tpu.vector_load %arg7[%get3A_496, %get3A_497] {strides = array<i32>} : memref<128x256xf32, #tpu.memory_space<vmem>>, vector<1x16xf32>,
        %get3A_499 = vector.shape_cast %get3A_498 : vector<1x16xf32> to vector<16xf32>
        %add3A_500 = arith.constant 1 : i32
        %add3A_501 = arith.addi %mul3A_54, %add3A_500 : i32
        %get3A_502 = arith.index_cast %add3A_501 : i32 to index
        %get3A_503 = arith.constant 112 : index
        %get3A_504 = tpu.vector_load %arg7[%get3A_502, %get3A_503] {strides = array<i32>} : memref<128x256xf32, #tpu.memory_space<vmem>>, vector<1x16xf32>,
        %get3A_505 = vector.shape_cast %get3A_504 : vector<1x16xf32> to vector<16xf32>
        %add3A_506 = arith.addf %get3A_499, %get3A_505 : vector<16xf32>
        %add3A_507 = arith.constant 2 : i32
        %add3A_508 = arith.addi %mul3A_54, %add3A_507 : i32
        %get3A_509 = arith.index_cast %add3A_508 : i32 to index
        %get3A_510 = arith.constant 112 : index
        %get3A_511 = tpu.vector_load %arg7[%get3A_509, %get3A_510] {strides = array<i32>} : memref<128x256xf32, #tpu.memory_space<vmem>>, vector<1x16xf32>,
        %get3A_512 = vector.shape_cast %get3A_511 : vector<1x16xf32> to vector<16xf32>
        %add3A_513 = arith.constant 3 : i32
        %add3A_514 = arith.addi %mul3A_54, %add3A_513 : i32
        %get3A_515 = arith.index_cast %add3A_514 : i32 to index
        %get3A_516 = arith.constant 112 : index
        %get3A_517 = tpu.vector_load %arg7[%get3A_515, %get3A_516] {strides = array<i32>} : memref<128x256xf32, #tpu.memory_space<vmem>>, vector<1x16xf32>,
        %get3A_518 = vector.shape_cast %get3A_517 : vector<1x16xf32> to vector<16xf32>
        %add3A_519 = arith.addf %get3A_512, %get3A_518 : vector<16xf32>
        %add3A_520 = arith.constant 4 : i32
        %add3A_521 = arith.addi %mul3A_54, %add3A_520 : i32
        %get3A_522 = arith.index_cast %add3A_521 : i32 to index
        %get3A_523 = arith.constant 112 : index
        %get3A_524 = tpu.vector_load %arg7[%get3A_522, %get3A_523] {strides = array<i32>} : memref<128x256xf32, #tpu.memory_space<vmem>>, vector<1x16xf32>,
        %get3A_525 = vector.shape_cast %get3A_524 : vector<1x16xf32> to vector<16xf32>
        %add3A_526 = arith.constant 5 : i32
        %add3A_527 = arith.addi %mul3A_54, %add3A_526 : i32
        %get3A_528 = arith.index_cast %add3A_527 : i32 to index
        %get3A_529 = arith.constant 112 : index
        %get3A_530 = tpu.vector_load %arg7[%get3A_528, %get3A_529] {strides = array<i32>} : memref<128x256xf32, #tpu.memory_space<vmem>>, vector<1x16xf32>,
        %get3A_531 = vector.shape_cast %get3A_530 : vector<1x16xf32> to vector<16xf32>
        %add3A_532 = arith.addf %get3A_525, %get3A_531 : vector<16xf32>
        %add3A_533 = arith.constant 6 : i32
        %add3A_534 = arith.addi %mul3A_54, %add3A_533 : i32
        %get3A_535 = arith.index_cast %add3A_534 : i32 to index
        %get3A_536 = arith.constant 112 : index
        %get3A_537 = tpu.vector_load %arg7[%get3A_535, %get3A_536] {strides = array<i32>} : memref<128x256xf32, #tpu.memory_space<vmem>>, vector<1x16xf32>,
        %get3A_538 = vector.shape_cast %get3A_537 : vector<1x16xf32> to vector<16xf32>
        %add3A_539 = arith.constant 7 : i32
        %add3A_540 = arith.addi %mul3A_54, %add3A_539 : i32
        %get3A_541 = arith.index_cast %add3A_540 : i32 to index
        %get3A_542 = arith.constant 112 : index
        %get3A_543 = tpu.vector_load %arg7[%get3A_541, %get3A_542] {strides = array<i32>} : memref<128x256xf32, #tpu.memory_space<vmem>>, vector<1x16xf32>,
        %get3A_544 = vector.shape_cast %get3A_543 : vector<1x16xf32> to vector<16xf32>
        %add3A_545 = arith.addf %get3A_538, %get3A_544 : vector<16xf32>
        %add3A_546 = arith.addf %add3A_506, %add3A_519 : vector<16xf32>
        %add3A_547 = arith.addf %add3A_532, %add3A_545 : vector<16xf32>
        %add3A_548 = arith.addf %add3A_546, %add3A_547 : vector<16xf32>
        %mul3A_549 = arith.constant 16 : i32
        %mul3A_550 = arith.muli %add3A_18, %mul3A_549 : i32
        %add3A_551 = arith.addi %mul3A_550, %scan3A_52 : i32
        %swap3A_552 = arith.index_cast %add3A_551 : i32 to index
        %swap3A_553 = arith.constant 112 : index
        %swap3A_554 = tpu.vector_load %arg8[%swap3A_552, %swap3A_553] {strides = array<i32>} : memref<128x256xf32, #tpu.memory_space<vmem>>, vector<1x16xf32>,
        %swap3A_555 = vector.shape_cast %swap3A_554 : vector<1x16xf32> to vector<16xf32>
        %swap3A_556 = vector.shape_cast %add3A_548 : vector<16xf32> to vector<1x16xf32>
        tpu.vector_store %arg8[%swap3A_552, %swap3A_553], %swap3A_556 {strides = array<i32>} : memref<128x256xf32, #tpu.memory_space<vmem>>, vector<1x16xf32>,
        %add3A_557 = arith.constant 0 : i32
        %add3A_558 = arith.addi %mul3A_54, %add3A_557 : i32
        %get3A_559 = arith.index_cast %add3A_558 : i32 to index
        %get3A_560 = arith.constant 128 : index
        %get3A_561 = tpu.vector_load %arg7[%get3A_559, %get3A_560] {strides = array<i32>} : memref<128x256xf32, #tpu.memory_space<vmem>>, vector<1x16xf32>,
        %get3A_562 = vector.shape_cast %get3A_561 : vector<1x16xf32> to vector<16xf32>
        %add3A_563 = arith.constant 1 : i32
        %add3A_564 = arith.addi %mul3A_54, %add3A_563 : i32
        %get3A_565 = arith.index_cast %add3A_564 : i32 to index
        %get3A_566 = arith.constant 128 : index
        %get3A_567 = tpu.vector_load %arg7[%get3A_565, %get3A_566] {strides = array<i32>} : memref<128x256xf32, #tpu.memory_space<vmem>>, vector<1x16xf32>,
        %get3A_568 = vector.shape_cast %get3A_567 : vector<1x16xf32> to vector<16xf32>
        %add3A_569 = arith.addf %get3A_562, %get3A_568 : vector<16xf32>
        %add3A_570 = arith.constant 2 : i32
        %add3A_571 = arith.addi %mul3A_54, %add3A_570 : i32
        %get3A_572 = arith.index_cast %add3A_571 : i32 to index
        %get3A_573 = arith.constant 128 : index
        %get3A_574 = tpu.vector_load %arg7[%get3A_572, %get3A_573] {strides = array<i32>} : memref<128x256xf32, #tpu.memory_space<vmem>>, vector<1x16xf32>,
        %get3A_575 = vector.shape_cast %get3A_574 : vector<1x16xf32> to vector<16xf32>
        %add3A_576 = arith.constant 3 : i32
        %add3A_577 = arith.addi %mul3A_54, %add3A_576 : i32
        %get3A_578 = arith.index_cast %add3A_577 : i32 to index
        %get3A_579 = arith.constant 128 : index
        %get3A_580 = tpu.vector_load %arg7[%get3A_578, %get3A_579] {strides = array<i32>} : memref<128x256xf32, #tpu.memory_space<vmem>>, vector<1x16xf32>,
        %get3A_581 = vector.shape_cast %get3A_580 : vector<1x16xf32> to vector<16xf32>
        %add3A_582 = arith.addf %get3A_575, %get3A_581 : vector<16xf32>
        %add3A_583 = arith.constant 4 : i32
        %add3A_584 = arith.addi %mul3A_54, %add3A_583 : i32
        %get3A_585 = arith.index_cast %add3A_584 : i32 to index
        %get3A_586 = arith.constant 128 : index
        %get3A_587 = tpu.vector_load %arg7[%get3A_585, %get3A_586] {strides = array<i32>} : memref<128x256xf32, #tpu.memory_space<vmem>>, vector<1x16xf32>,
        %get3A_588 = vector.shape_cast %get3A_587 : vector<1x16xf32> to vector<16xf32>
        %add3A_589 = arith.constant 5 : i32
        %add3A_590 = arith.addi %mul3A_54, %add3A_589 : i32
        %get3A_591 = arith.index_cast %add3A_590 : i32 to index
        %get3A_592 = arith.constant 128 : index
        %get3A_593 = tpu.vector_load %arg7[%get3A_591, %get3A_592] {strides = array<i32>} : memref<128x256xf32, #tpu.memory_space<vmem>>, vector<1x16xf32>,
        %get3A_594 = vector.shape_cast %get3A_593 : vector<1x16xf32> to vector<16xf32>
        %add3A_595 = arith.addf %get3A_588, %get3A_594 : vector<16xf32>
        %add3A_596 = arith.constant 6 : i32
        %add3A_597 = arith.addi %mul3A_54, %add3A_596 : i32
        %get3A_598 = arith.index_cast %add3A_597 : i32 to index
        %get3A_599 = arith.constant 128 : index
        %get3A_600 = tpu.vector_load %arg7[%get3A_598, %get3A_599] {strides = array<i32>} : memref<128x256xf32, #tpu.memory_space<vmem>>, vector<1x16xf32>,
        %get3A_601 = vector.shape_cast %get3A_600 : vector<1x16xf32> to vector<16xf32>
        %add3A_602 = arith.constant 7 : i32
        %add3A_603 = arith.addi %mul3A_54, %add3A_602 : i32
        %get3A_604 = arith.index_cast %add3A_603 : i32 to index
        %get3A_605 = arith.constant 128 : index
        %get3A_606 = tpu.vector_load %arg7[%get3A_604, %get3A_605] {strides = array<i32>} : memref<128x256xf32, #tpu.memory_space<vmem>>, vector<1x16xf32>,
        %get3A_607 = vector.shape_cast %get3A_606 : vector<1x16xf32> to vector<16xf32>
        %add3A_608 = arith.addf %get3A_601, %get3A_607 : vector<16xf32>
        %add3A_609 = arith.addf %add3A_569, %add3A_582 : vector<16xf32>
        %add3A_610 = arith.addf %add3A_595, %add3A_608 : vector<16xf32>
        %add3A_611 = arith.addf %add3A_609, %add3A_610 : vector<16xf32>
        %mul3A_612 = arith.constant 16 : i32
        %mul3A_613 = arith.muli %add3A_18, %mul3A_612 : i32
        %add3A_614 = arith.addi %mul3A_613, %scan3A_52 : i32
        %swap3A_615 = arith.index_cast %add3A_614 : i32 to index
        %swap3A_616 = arith.constant 128 : index
        %swap3A_617 = tpu.vector_load %arg8[%swap3A_615, %swap3A_616] {strides = array<i32>} : memref<128x256xf32, #tpu.memory_space<vmem>>, vector<1x16xf32>,
        %swap3A_618 = vector.shape_cast %swap3A_617 : vector<1x16xf32> to vector<16xf32>
        %swap3A_619 = vector.shape_cast %add3A_611 : vector<16xf32> to vector<1x16xf32>
        tpu.vector_store %arg8[%swap3A_615, %swap3A_616], %swap3A_619 {strides = array<i32>} : memref<128x256xf32, #tpu.memory_space<vmem>>, vector<1x16xf32>,
        %add3A_620 = arith.constant 0 : i32
        %add3A_621 = arith.addi %mul3A_54, %add3A_620 : i32
        %get3A_622 = arith.index_cast %add3A_621 : i32 to index
        %get3A_623 = arith.constant 144 : index
        %get3A_624 = tpu.vector_load %arg7[%get3A_622, %get3A_623] {strides = array<i32>} : memref<128x256xf32, #tpu.memory_space<vmem>>, vector<1x16xf32>,
        %get3A_625 = vector.shape_cast %get3A_624 : vector<1x16xf32> to vector<16xf32>
        %add3A_626 = arith.constant 1 : i32
        %add3A_627 = arith.addi %mul3A_54, %add3A_626 : i32
        %get3A_628 = arith.index_cast %add3A_627 : i32 to index
        %get3A_629 = arith.constant 144 : index
        %get3A_630 = tpu.vector_load %arg7[%get3A_628, %get3A_629] {strides = array<i32>} : memref<128x256xf32, #tpu.memory_space<vmem>>, vector<1x16xf32>,
        %get3A_631 = vector.shape_cast %get3A_630 : vector<1x16xf32> to vector<16xf32>
        %add3A_632 = arith.addf %get3A_625, %get3A_631 : vector<16xf32>
        %add3A_633 = arith.constant 2 : i32
        %add3A_634 = arith.addi %mul3A_54, %add3A_633 : i32
        %get3A_635 = arith.index_cast %add3A_634 : i32 to index
        %get3A_636 = arith.constant 144 : index
        %get3A_637 = tpu.vector_load %arg7[%get3A_635, %get3A_636] {strides = array<i32>} : memref<128x256xf32, #tpu.memory_space<vmem>>, vector<1x16xf32>,
        %get3A_638 = vector.shape_cast %get3A_637 : vector<1x16xf32> to vector<16xf32>
        %add3A_639 = arith.constant 3 : i32
        %add3A_640 = arith.addi %mul3A_54, %add3A_639 : i32
        %get3A_641 = arith.index_cast %add3A_640 : i32 to index
        %get3A_642 = arith.constant 144 : index
        %get3A_643 = tpu.vector_load %arg7[%get3A_641, %get3A_642] {strides = array<i32>} : memref<128x256xf32, #tpu.memory_space<vmem>>, vector<1x16xf32>,
        %get3A_644 = vector.shape_cast %get3A_643 : vector<1x16xf32> to vector<16xf32>
        %add3A_645 = arith.addf %get3A_638, %get3A_644 : vector<16xf32>
        %add3A_646 = arith.constant 4 : i32
        %add3A_647 = arith.addi %mul3A_54, %add3A_646 : i32
        %get3A_648 = arith.index_cast %add3A_647 : i32 to index
        %get3A_649 = arith.constant 144 : index
        %get3A_650 = tpu.vector_load %arg7[%get3A_648, %get3A_649] {strides = array<i32>} : memref<128x256xf32, #tpu.memory_space<vmem>>, vector<1x16xf32>,
        %get3A_651 = vector.shape_cast %get3A_650 : vector<1x16xf32> to vector<16xf32>
        %add3A_652 = arith.constant 5 : i32
        %add3A_653 = arith.addi %mul3A_54, %add3A_652 : i32
        %get3A_654 = arith.index_cast %add3A_653 : i32 to index
        %get3A_655 = arith.constant 144 : index
        %get3A_656 = tpu.vector_load %arg7[%get3A_654, %get3A_655] {strides = array<i32>} : memref<128x256xf32, #tpu.memory_space<vmem>>, vector<1x16xf32>,
        %get3A_657 = vector.shape_cast %get3A_656 : vector<1x16xf32> to vector<16xf32>
        %add3A_658 = arith.addf %get3A_651, %get3A_657 : vector<16xf32>
        %add3A_659 = arith.constant 6 : i32
        %add3A_660 = arith.addi %mul3A_54, %add3A_659 : i32
        %get3A_661 = arith.index_cast %add3A_660 : i32 to index
        %get3A_662 = arith.constant 144 : index
        %get3A_663 = tpu.vector_load %arg7[%get3A_661, %get3A_662] {strides = array<i32>} : memref<128x256xf32, #tpu.memory_space<vmem>>, vector<1x16xf32>,
        %get3A_664 = vector.shape_cast %get3A_663 : vector<1x16xf32> to vector<16xf32>
        %add3A_665 = arith.constant 7 : i32
        %add3A_666 = arith.addi %mul3A_54, %add3A_665 : i32
        %get3A_667 = arith.index_cast %add3A_666 : i32 to index
        %get3A_668 = arith.constant 144 : index
        %get3A_669 = tpu.vector_load %arg7[%get3A_667, %get3A_668] {strides = array<i32>} : memref<128x256xf32, #tpu.memory_space<vmem>>, vector<1x16xf32>,
        %get3A_670 = vector.shape_cast %get3A_669 : vector<1x16xf32> to vector<16xf32>
        %add3A_671 = arith.addf %get3A_664, %get3A_670 : vector<16xf32>
        %add3A_672 = arith.addf %add3A_632, %add3A_645 : vector<16xf32>
        %add3A_673 = arith.addf %add3A_658, %add3A_671 : vector<16xf32>
        %add3A_674 = arith.addf %add3A_672, %add3A_673 : vector<16xf32>
        %mul3A_675 = arith.constant 16 : i32
        %mul3A_676 = arith.muli %add3A_18, %mul3A_675 : i32
        %add3A_677 = arith.addi %mul3A_676, %scan3A_52 : i32
        %swap3A_678 = arith.index_cast %add3A_677 : i32 to index
        %swap3A_679 = arith.constant 144 : index
        %swap3A_680 = tpu.vector_load %arg8[%swap3A_678, %swap3A_679] {strides = array<i32>} : memref<128x256xf32, #tpu.memory_space<vmem>>, vector<1x16xf32>,
        %swap3A_681 = vector.shape_cast %swap3A_680 : vector<1x16xf32> to vector<16xf32>
        %swap3A_682 = vector.shape_cast %add3A_674 : vector<16xf32> to vector<1x16xf32>
        tpu.vector_store %arg8[%swap3A_678, %swap3A_679], %swap3A_682 {strides = array<i32>} : memref<128x256xf32, #tpu.memory_space<vmem>>, vector<1x16xf32>,
        %add3A_683 = arith.constant 0 : i32
        %add3A_684 = arith.addi %mul3A_54, %add3A_683 : i32
        %get3A_685 = arith.index_cast %add3A_684 : i32 to index
        %get3A_686 = arith.constant 160 : index
        %get3A_687 = tpu.vector_load %arg7[%get3A_685, %get3A_686] {strides = array<i32>} : memref<128x256xf32, #tpu.memory_space<vmem>>, vector<1x16xf32>,
        %get3A_688 = vector.shape_cast %get3A_687 : vector<1x16xf32> to vector<16xf32>
        %add3A_689 = arith.constant 1 : i32
        %add3A_690 = arith.addi %mul3A_54, %add3A_689 : i32
        %get3A_691 = arith.index_cast %add3A_690 : i32 to index
        %get3A_692 = arith.constant 160 : index
        %get3A_693 = tpu.vector_load %arg7[%get3A_691, %get3A_692] {strides = array<i32>} : memref<128x256xf32, #tpu.memory_space<vmem>>, vector<1x16xf32>,
        %get3A_694 = vector.shape_cast %get3A_693 : vector<1x16xf32> to vector<16xf32>
        %add3A_695 = arith.addf %get3A_688, %get3A_694 : vector<16xf32>
        %add3A_696 = arith.constant 2 : i32
        %add3A_697 = arith.addi %mul3A_54, %add3A_696 : i32
        %get3A_698 = arith.index_cast %add3A_697 : i32 to index
        %get3A_699 = arith.constant 160 : index
        %get3A_700 = tpu.vector_load %arg7[%get3A_698, %get3A_699] {strides = array<i32>} : memref<128x256xf32, #tpu.memory_space<vmem>>, vector<1x16xf32>,
        %get3A_701 = vector.shape_cast %get3A_700 : vector<1x16xf32> to vector<16xf32>
        %add3A_702 = arith.constant 3 : i32
        %add3A_703 = arith.addi %mul3A_54, %add3A_702 : i32
        %get3A_704 = arith.index_cast %add3A_703 : i32 to index
        %get3A_705 = arith.constant 160 : index
        %get3A_706 = tpu.vector_load %arg7[%get3A_704, %get3A_705] {strides = array<i32>} : memref<128x256xf32, #tpu.memory_space<vmem>>, vector<1x16xf32>,
        %get3A_707 = vector.shape_cast %get3A_706 : vector<1x16xf32> to vector<16xf32>
        %add3A_708 = arith.addf %get3A_701, %get3A_707 : vector<16xf32>
        %add3A_709 = arith.constant 4 : i32
        %add3A_710 = arith.addi %mul3A_54, %add3A_709 : i32
        %get3A_711 = arith.index_cast %add3A_710 : i32 to index
        %get3A_712 = arith.constant 160 : index
        %get3A_713 = tpu.vector_load %arg7[%get3A_711, %get3A_712] {strides = array<i32>} : memref<128x256xf32, #tpu.memory_space<vmem>>, vector<1x16xf32>,
        %get3A_714 = vector.shape_cast %get3A_713 : vector<1x16xf32> to vector<16xf32>
        %add3A_715 = arith.constant 5 : i32
        %add3A_716 = arith.addi %mul3A_54, %add3A_715 : i32
        %get3A_717 = arith.index_cast %add3A_716 : i32 to index
        %get3A_718 = arith.constant 160 : index
        %get3A_719 = tpu.vector_load %arg7[%get3A_717, %get3A_718] {strides = array<i32>} : memref<128x256xf32, #tpu.memory_space<vmem>>, vector<1x16xf32>,
        %get3A_720 = vector.shape_cast %get3A_719 : vector<1x16xf32> to vector<16xf32>
        %add3A_721 = arith.addf %get3A_714, %get3A_720 : vector<16xf32>
        %add3A_722 = arith.constant 6 : i32
        %add3A_723 = arith.addi %mul3A_54, %add3A_722 : i32
        %get3A_724 = arith.index_cast %add3A_723 : i32 to index
        %get3A_725 = arith.constant 160 : index
        %get3A_726 = tpu.vector_load %arg7[%get3A_724, %get3A_725] {strides = array<i32>} : memref<128x256xf32, #tpu.memory_space<vmem>>, vector<1x16xf32>,
        %get3A_727 = vector.shape_cast %get3A_726 : vector<1x16xf32> to vector<16xf32>
        %add3A_728 = arith.constant 7 : i32
        %add3A_729 = arith.addi %mul3A_54, %add3A_728 : i32
        %get3A_730 = arith.index_cast %add3A_729 : i32 to index
        %get3A_731 = arith.constant 160 : index
        %get3A_732 = tpu.vector_load %arg7[%get3A_730, %get3A_731] {strides = array<i32>} : memref<128x256xf32, #tpu.memory_space<vmem>>, vector<1x16xf32>,
        %get3A_733 = vector.shape_cast %get3A_732 : vector<1x16xf32> to vector<16xf32>
        %add3A_734 = arith.addf %get3A_727, %get3A_733 : vector<16xf32>
        %add3A_735 = arith.addf %add3A_695, %add3A_708 : vector<16xf32>
        %add3A_736 = arith.addf %add3A_721, %add3A_734 : vector<16xf32>
        %add3A_737 = arith.addf %add3A_735, %add3A_736 : vector<16xf32>
        %mul3A_738 = arith.constant 16 : i32
        %mul3A_739 = arith.muli %add3A_18, %mul3A_738 : i32
        %add3A_740 = arith.addi %mul3A_739, %scan3A_52 : i32
        %swap3A_741 = arith.index_cast %add3A_740 : i32 to index
        %swap3A_742 = arith.constant 160 : index
        %swap3A_743 = tpu.vector_load %arg8[%swap3A_741, %swap3A_742] {strides = array<i32>} : memref<128x256xf32, #tpu.memory_space<vmem>>, vector<1x16xf32>,
        %swap3A_744 = vector.shape_cast %swap3A_743 : vector<1x16xf32> to vector<16xf32>
        %swap3A_745 = vector.shape_cast %add3A_737 : vector<16xf32> to vector<1x16xf32>
        tpu.vector_store %arg8[%swap3A_741, %swap3A_742], %swap3A_745 {strides = array<i32>} : memref<128x256xf32, #tpu.memory_space<vmem>>, vector<1x16xf32>,
        %add3A_746 = arith.constant 0 : i32
        %add3A_747 = arith.addi %mul3A_54, %add3A_746 : i32
        %get3A_748 = arith.index_cast %add3A_747 : i32 to index
        %get3A_749 = arith.constant 176 : index
        %get3A_750 = tpu.vector_load %arg7[%get3A_748, %get3A_749] {strides = array<i32>} : memref<128x256xf32, #tpu.memory_space<vmem>>, vector<1x16xf32>,
        %get3A_751 = vector.shape_cast %get3A_750 : vector<1x16xf32> to vector<16xf32>
        %add3A_752 = arith.constant 1 : i32
        %add3A_753 = arith.addi %mul3A_54, %add3A_752 : i32
        %get3A_754 = arith.index_cast %add3A_753 : i32 to index
        %get3A_755 = arith.constant 176 : index
        %get3A_756 = tpu.vector_load %arg7[%get3A_754, %get3A_755] {strides = array<i32>} : memref<128x256xf32, #tpu.memory_space<vmem>>, vector<1x16xf32>,
        %get3A_757 = vector.shape_cast %get3A_756 : vector<1x16xf32> to vector<16xf32>
        %add3A_758 = arith.addf %get3A_751, %get3A_757 : vector<16xf32>
        %add3A_759 = arith.constant 2 : i32
        %add3A_760 = arith.addi %mul3A_54, %add3A_759 : i32
        %get3A_761 = arith.index_cast %add3A_760 : i32 to index
        %get3A_762 = arith.constant 176 : index
        %get3A_763 = tpu.vector_load %arg7[%get3A_761, %get3A_762] {strides = array<i32>} : memref<128x256xf32, #tpu.memory_space<vmem>>, vector<1x16xf32>,
        %get3A_764 = vector.shape_cast %get3A_763 : vector<1x16xf32> to vector<16xf32>
        %add3A_765 = arith.constant 3 : i32
        %add3A_766 = arith.addi %mul3A_54, %add3A_765 : i32
        %get3A_767 = arith.index_cast %add3A_766 : i32 to index
        %get3A_768 = arith.constant 176 : index
        %get3A_769 = tpu.vector_load %arg7[%get3A_767, %get3A_768] {strides = array<i32>} : memref<128x256xf32, #tpu.memory_space<vmem>>, vector<1x16xf32>,
        %get3A_770 = vector.shape_cast %get3A_769 : vector<1x16xf32> to vector<16xf32>
        %add3A_771 = arith.addf %get3A_764, %get3A_770 : vector<16xf32>
        %add3A_772 = arith.constant 4 : i32
        %add3A_773 = arith.addi %mul3A_54, %add3A_772 : i32
        %get3A_774 = arith.index_cast %add3A_773 : i32 to index
        %get3A_775 = arith.constant 176 : index
        %get3A_776 = tpu.vector_load %arg7[%get3A_774, %get3A_775] {strides = array<i32>} : memref<128x256xf32, #tpu.memory_space<vmem>>, vector<1x16xf32>,
        %get3A_777 = vector.shape_cast %get3A_776 : vector<1x16xf32> to vector<16xf32>
        %add3A_778 = arith.constant 5 : i32
        %add3A_779 = arith.addi %mul3A_54, %add3A_778 : i32
        %get3A_780 = arith.index_cast %add3A_779 : i32 to index
        %get3A_781 = arith.constant 176 : index
        %get3A_782 = tpu.vector_load %arg7[%get3A_780, %get3A_781] {strides = array<i32>} : memref<128x256xf32, #tpu.memory_space<vmem>>, vector<1x16xf32>,
        %get3A_783 = vector.shape_cast %get3A_782 : vector<1x16xf32> to vector<16xf32>
        %add3A_784 = arith.addf %get3A_777, %get3A_783 : vector<16xf32>
        %add3A_785 = arith.constant 6 : i32
        %add3A_786 = arith.addi %mul3A_54, %add3A_785 : i32
        %get3A_787 = arith.index_cast %add3A_786 : i32 to index
        %get3A_788 = arith.constant 176 : index
        %get3A_789 = tpu.vector_load %arg7[%get3A_787, %get3A_788] {strides = array<i32>} : memref<128x256xf32, #tpu.memory_space<vmem>>, vector<1x16xf32>,
        %get3A_790 = vector.shape_cast %get3A_789 : vector<1x16xf32> to vector<16xf32>
        %add3A_791 = arith.constant 7 : i32
        %add3A_792 = arith.addi %mul3A_54, %add3A_791 : i32
        %get3A_793 = arith.index_cast %add3A_792 : i32 to index
        %get3A_794 = arith.constant 176 : index
        %get3A_795 = tpu.vector_load %arg7[%get3A_793, %get3A_794] {strides = array<i32>} : memref<128x256xf32, #tpu.memory_space<vmem>>, vector<1x16xf32>,
        %get3A_796 = vector.shape_cast %get3A_795 : vector<1x16xf32> to vector<16xf32>
        %add3A_797 = arith.addf %get3A_790, %get3A_796 : vector<16xf32>
        %add3A_798 = arith.addf %add3A_758, %add3A_771 : vector<16xf32>
        %add3A_799 = arith.addf %add3A_784, %add3A_797 : vector<16xf32>
        %add3A_800 = arith.addf %add3A_798, %add3A_799 : vector<16xf32>
        %mul3A_801 = arith.constant 16 : i32
        %mul3A_802 = arith.muli %add3A_18, %mul3A_801 : i32
        %add3A_803 = arith.addi %mul3A_802, %scan3A_52 : i32
        %swap3A_804 = arith.index_cast %add3A_803 : i32 to index
        %swap3A_805 = arith.constant 176 : index
        %swap3A_806 = tpu.vector_load %arg8[%swap3A_804, %swap3A_805] {strides = array<i32>} : memref<128x256xf32, #tpu.memory_space<vmem>>, vector<1x16xf32>,
        %swap3A_807 = vector.shape_cast %swap3A_806 : vector<1x16xf32> to vector<16xf32>
        %swap3A_808 = vector.shape_cast %add3A_800 : vector<16xf32> to vector<1x16xf32>
        tpu.vector_store %arg8[%swap3A_804, %swap3A_805], %swap3A_808 {strides = array<i32>} : memref<128x256xf32, #tpu.memory_space<vmem>>, vector<1x16xf32>,
        %add3A_809 = arith.constant 0 : i32
        %add3A_810 = arith.addi %mul3A_54, %add3A_809 : i32
        %get3A_811 = arith.index_cast %add3A_810 : i32 to index
        %get3A_812 = arith.constant 192 : index
        %get3A_813 = tpu.vector_load %arg7[%get3A_811, %get3A_812] {strides = array<i32>} : memref<128x256xf32, #tpu.memory_space<vmem>>, vector<1x16xf32>,
        %get3A_814 = vector.shape_cast %get3A_813 : vector<1x16xf32> to vector<16xf32>
        %add3A_815 = arith.constant 1 : i32
        %add3A_816 = arith.addi %mul3A_54, %add3A_815 : i32
        %get3A_817 = arith.index_cast %add3A_816 : i32 to index
        %get3A_818 = arith.constant 192 : index
        %get3A_819 = tpu.vector_load %arg7[%get3A_817, %get3A_818] {strides = array<i32>} : memref<128x256xf32, #tpu.memory_space<vmem>>, vector<1x16xf32>,
        %get3A_820 = vector.shape_cast %get3A_819 : vector<1x16xf32> to vector<16xf32>
        %add3A_821 = arith.addf %get3A_814, %get3A_820 : vector<16xf32>
        %add3A_822 = arith.constant 2 : i32
        %add3A_823 = arith.addi %mul3A_54, %add3A_822 : i32
        %get3A_824 = arith.index_cast %add3A_823 : i32 to index
        %get3A_825 = arith.constant 192 : index
        %get3A_826 = tpu.vector_load %arg7[%get3A_824, %get3A_825] {strides = array<i32>} : memref<128x256xf32, #tpu.memory_space<vmem>>, vector<1x16xf32>,
        %get3A_827 = vector.shape_cast %get3A_826 : vector<1x16xf32> to vector<16xf32>
        %add3A_828 = arith.constant 3 : i32
        %add3A_829 = arith.addi %mul3A_54, %add3A_828 : i32
        %get3A_830 = arith.index_cast %add3A_829 : i32 to index
        %get3A_831 = arith.constant 192 : index
        %get3A_832 = tpu.vector_load %arg7[%get3A_830, %get3A_831] {strides = array<i32>} : memref<128x256xf32, #tpu.memory_space<vmem>>, vector<1x16xf32>,
        %get3A_833 = vector.shape_cast %get3A_832 : vector<1x16xf32> to vector<16xf32>
        %add3A_834 = arith.addf %get3A_827, %get3A_833 : vector<16xf32>
        %add3A_835 = arith.constant 4 : i32
        %add3A_836 = arith.addi %mul3A_54, %add3A_835 : i32
        %get3A_837 = arith.index_cast %add3A_836 : i32 to index
        %get3A_838 = arith.constant 192 : index
        %get3A_839 = tpu.vector_load %arg7[%get3A_837, %get3A_838] {strides = array<i32>} : memref<128x256xf32, #tpu.memory_space<vmem>>, vector<1x16xf32>,
        %get3A_840 = vector.shape_cast %get3A_839 : vector<1x16xf32> to vector<16xf32>
        %add3A_841 = arith.constant 5 : i32
        %add3A_842 = arith.addi %mul3A_54, %add3A_841 : i32
        %get3A_843 = arith.index_cast %add3A_842 : i32 to index
        %get3A_844 = arith.constant 192 : index
        %get3A_845 = tpu.vector_load %arg7[%get3A_843, %get3A_844] {strides = array<i32>} : memref<128x256xf32, #tpu.memory_space<vmem>>, vector<1x16xf32>,
        %get3A_846 = vector.shape_cast %get3A_845 : vector<1x16xf32> to vector<16xf32>
        %add3A_847 = arith.addf %get3A_840, %get3A_846 : vector<16xf32>
        %add3A_848 = arith.constant 6 : i32
        %add3A_849 = arith.addi %mul3A_54, %add3A_848 : i32
        %get3A_850 = arith.index_cast %add3A_849 : i32 to index
        %get3A_851 = arith.constant 192 : index
        %get3A_852 = tpu.vector_load %arg7[%get3A_850, %get3A_851] {strides = array<i32>} : memref<128x256xf32, #tpu.memory_space<vmem>>, vector<1x16xf32>,
        %get3A_853 = vector.shape_cast %get3A_852 : vector<1x16xf32> to vector<16xf32>
        %add3A_854 = arith.constant 7 : i32
        %add3A_855 = arith.addi %mul3A_54, %add3A_854 : i32
        %get3A_856 = arith.index_cast %add3A_855 : i32 to index
        %get3A_857 = arith.constant 192 : index
        %get3A_858 = tpu.vector_load %arg7[%get3A_856, %get3A_857] {strides = array<i32>} : memref<128x256xf32, #tpu.memory_space<vmem>>, vector<1x16xf32>,
        %get3A_859 = vector.shape_cast %get3A_858 : vector<1x16xf32> to vector<16xf32>
        %add3A_860 = arith.addf %get3A_853, %get3A_859 : vector<16xf32>
        %add3A_861 = arith.addf %add3A_821, %add3A_834 : vector<16xf32>
        %add3A_862 = arith.addf %add3A_847, %add3A_860 : vector<16xf32>
        %add3A_863 = arith.addf %add3A_861, %add3A_862 : vector<16xf32>
        %mul3A_864 = arith.constant 16 : i32
        %mul3A_865 = arith.muli %add3A_18, %mul3A_864 : i32
        %add3A_866 = arith.addi %mul3A_865, %scan3A_52 : i32
        %swap3A_867 = arith.index_cast %add3A_866 : i32 to index
        %swap3A_868 = arith.constant 192 : index
        %swap3A_869 = tpu.vector_load %arg8[%swap3A_867, %swap3A_868] {strides = array<i32>} : memref<128x256xf32, #tpu.memory_space<vmem>>, vector<1x16xf32>,
        %swap3A_870 = vector.shape_cast %swap3A_869 : vector<1x16xf32> to vector<16xf32>
        %swap3A_871 = vector.shape_cast %add3A_863 : vector<16xf32> to vector<1x16xf32>
        tpu.vector_store %arg8[%swap3A_867, %swap3A_868], %swap3A_871 {strides = array<i32>} : memref<128x256xf32, #tpu.memory_space<vmem>>, vector<1x16xf32>,
        %add3A_872 = arith.constant 0 : i32
        %add3A_873 = arith.addi %mul3A_54, %add3A_872 : i32
        %get3A_874 = arith.index_cast %add3A_873 : i32 to index
        %get3A_875 = arith.constant 208 : index
        %get3A_876 = tpu.vector_load %arg7[%get3A_874, %get3A_875] {strides = array<i32>} : memref<128x256xf32, #tpu.memory_space<vmem>>, vector<1x16xf32>,
        %get3A_877 = vector.shape_cast %get3A_876 : vector<1x16xf32> to vector<16xf32>
        %add3A_878 = arith.constant 1 : i32
        %add3A_879 = arith.addi %mul3A_54, %add3A_878 : i32
        %get3A_880 = arith.index_cast %add3A_879 : i32 to index
        %get3A_881 = arith.constant 208 : index
        %get3A_882 = tpu.vector_load %arg7[%get3A_880, %get3A_881] {strides = array<i32>} : memref<128x256xf32, #tpu.memory_space<vmem>>, vector<1x16xf32>,
        %get3A_883 = vector.shape_cast %get3A_882 : vector<1x16xf32> to vector<16xf32>
        %add3A_884 = arith.addf %get3A_877, %get3A_883 : vector<16xf32>
        %add3A_885 = arith.constant 2 : i32
        %add3A_886 = arith.addi %mul3A_54, %add3A_885 : i32
        %get3A_887 = arith.index_cast %add3A_886 : i32 to index
        %get3A_888 = arith.constant 208 : index
        %get3A_889 = tpu.vector_load %arg7[%get3A_887, %get3A_888] {strides = array<i32>} : memref<128x256xf32, #tpu.memory_space<vmem>>, vector<1x16xf32>,
        %get3A_890 = vector.shape_cast %get3A_889 : vector<1x16xf32> to vector<16xf32>
        %add3A_891 = arith.constant 3 : i32
        %add3A_892 = arith.addi %mul3A_54, %add3A_891 : i32
        %get3A_893 = arith.index_cast %add3A_892 : i32 to index
        %get3A_894 = arith.constant 208 : index
        %get3A_895 = tpu.vector_load %arg7[%get3A_893, %get3A_894] {strides = array<i32>} : memref<128x256xf32, #tpu.memory_space<vmem>>, vector<1x16xf32>,
        %get3A_896 = vector.shape_cast %get3A_895 : vector<1x16xf32> to vector<16xf32>
        %add3A_897 = arith.addf %get3A_890, %get3A_896 : vector<16xf32>
        %add3A_898 = arith.constant 4 : i32
        %add3A_899 = arith.addi %mul3A_54, %add3A_898 : i32
        %get3A_900 = arith.index_cast %add3A_899 : i32 to index
        %get3A_901 = arith.constant 208 : index
        %get3A_902 = tpu.vector_load %arg7[%get3A_900, %get3A_901] {strides = array<i32>} : memref<128x256xf32, #tpu.memory_space<vmem>>, vector<1x16xf32>,
        %get3A_903 = vector.shape_cast %get3A_902 : vector<1x16xf32> to vector<16xf32>
        %add3A_904 = arith.constant 5 : i32
        %add3A_905 = arith.addi %mul3A_54, %add3A_904 : i32
        %get3A_906 = arith.index_cast %add3A_905 : i32 to index
        %get3A_907 = arith.constant 208 : index
        %get3A_908 = tpu.vector_load %arg7[%get3A_906, %get3A_907] {strides = array<i32>} : memref<128x256xf32, #tpu.memory_space<vmem>>, vector<1x16xf32>,
        %get3A_909 = vector.shape_cast %get3A_908 : vector<1x16xf32> to vector<16xf32>
        %add3A_910 = arith.addf %get3A_903, %get3A_909 : vector<16xf32>
        %add3A_911 = arith.constant 6 : i32
        %add3A_912 = arith.addi %mul3A_54, %add3A_911 : i32
        %get3A_913 = arith.index_cast %add3A_912 : i32 to index
        %get3A_914 = arith.constant 208 : index
        %get3A_915 = tpu.vector_load %arg7[%get3A_913, %get3A_914] {strides = array<i32>} : memref<128x256xf32, #tpu.memory_space<vmem>>, vector<1x16xf32>,
        %get3A_916 = vector.shape_cast %get3A_915 : vector<1x16xf32> to vector<16xf32>
        %add3A_917 = arith.constant 7 : i32
        %add3A_918 = arith.addi %mul3A_54, %add3A_917 : i32
        %get3A_919 = arith.index_cast %add3A_918 : i32 to index
        %get3A_920 = arith.constant 208 : index
        %get3A_921 = tpu.vector_load %arg7[%get3A_919, %get3A_920] {strides = array<i32>} : memref<128x256xf32, #tpu.memory_space<vmem>>, vector<1x16xf32>,
        %get3A_922 = vector.shape_cast %get3A_921 : vector<1x16xf32> to vector<16xf32>
        %add3A_923 = arith.addf %get3A_916, %get3A_922 : vector<16xf32>
        %add3A_924 = arith.addf %add3A_884, %add3A_897 : vector<16xf32>
        %add3A_925 = arith.addf %add3A_910, %add3A_923 : vector<16xf32>
        %add3A_926 = arith.addf %add3A_924, %add3A_925 : vector<16xf32>
        %mul3A_927 = arith.constant 16 : i32
        %mul3A_928 = arith.muli %add3A_18, %mul3A_927 : i32
        %add3A_929 = arith.addi %mul3A_928, %scan3A_52 : i32
        %swap3A_930 = arith.index_cast %add3A_929 : i32 to index
        %swap3A_931 = arith.constant 208 : index
        %swap3A_932 = tpu.vector_load %arg8[%swap3A_930, %swap3A_931] {strides = array<i32>} : memref<128x256xf32, #tpu.memory_space<vmem>>, vector<1x16xf32>,
        %swap3A_933 = vector.shape_cast %swap3A_932 : vector<1x16xf32> to vector<16xf32>
        %swap3A_934 = vector.shape_cast %add3A_926 : vector<16xf32> to vector<1x16xf32>
        tpu.vector_store %arg8[%swap3A_930, %swap3A_931], %swap3A_934 {strides = array<i32>} : memref<128x256xf32, #tpu.memory_space<vmem>>, vector<1x16xf32>,
        %add3A_935 = arith.constant 0 : i32
        %add3A_936 = arith.addi %mul3A_54, %add3A_935 : i32
        %get3A_937 = arith.index_cast %add3A_936 : i32 to index
        %get3A_938 = arith.constant 224 : index
        %get3A_939 = tpu.vector_load %arg7[%get3A_937, %get3A_938] {strides = array<i32>} : memref<128x256xf32, #tpu.memory_space<vmem>>, vector<1x16xf32>,
        %get3A_940 = vector.shape_cast %get3A_939 : vector<1x16xf32> to vector<16xf32>
        %add3A_941 = arith.constant 1 : i32
        %add3A_942 = arith.addi %mul3A_54, %add3A_941 : i32
        %get3A_943 = arith.index_cast %add3A_942 : i32 to index
        %get3A_944 = arith.constant 224 : index
        %get3A_945 = tpu.vector_load %arg7[%get3A_943, %get3A_944] {strides = array<i32>} : memref<128x256xf32, #tpu.memory_space<vmem>>, vector<1x16xf32>,
        %get3A_946 = vector.shape_cast %get3A_945 : vector<1x16xf32> to vector<16xf32>
        %add3A_947 = arith.addf %get3A_940, %get3A_946 : vector<16xf32>
        %add3A_948 = arith.constant 2 : i32
        %add3A_949 = arith.addi %mul3A_54, %add3A_948 : i32
        %get3A_950 = arith.index_cast %add3A_949 : i32 to index
        %get3A_951 = arith.constant 224 : index
        %get3A_952 = tpu.vector_load %arg7[%get3A_950, %get3A_951] {strides = array<i32>} : memref<128x256xf32, #tpu.memory_space<vmem>>, vector<1x16xf32>,
        %get3A_953 = vector.shape_cast %get3A_952 : vector<1x16xf32> to vector<16xf32>
        %add3A_954 = arith.constant 3 : i32
        %add3A_955 = arith.addi %mul3A_54, %add3A_954 : i32
        %get3A_956 = arith.index_cast %add3A_955 : i32 to index
        %get3A_957 = arith.constant 224 : index
        %get3A_958 = tpu.vector_load %arg7[%get3A_956, %get3A_957] {strides = array<i32>} : memref<128x256xf32, #tpu.memory_space<vmem>>, vector<1x16xf32>,
        %get3A_959 = vector.shape_cast %get3A_958 : vector<1x16xf32> to vector<16xf32>
        %add3A_960 = arith.addf %get3A_953, %get3A_959 : vector<16xf32>
        %add3A_961 = arith.constant 4 : i32
        %add3A_962 = arith.addi %mul3A_54, %add3A_961 : i32
        %get3A_963 = arith.index_cast %add3A_962 : i32 to index
        %get3A_964 = arith.constant 224 : index
        %get3A_965 = tpu.vector_load %arg7[%get3A_963, %get3A_964] {strides = array<i32>} : memref<128x256xf32, #tpu.memory_space<vmem>>, vector<1x16xf32>,
        %get3A_966 = vector.shape_cast %get3A_965 : vector<1x16xf32> to vector<16xf32>
        %add3A_967 = arith.constant 5 : i32
        %add3A_968 = arith.addi %mul3A_54, %add3A_967 : i32
        %get3A_969 = arith.index_cast %add3A_968 : i32 to index
        %get3A_970 = arith.constant 224 : index
        %get3A_971 = tpu.vector_load %arg7[%get3A_969, %get3A_970] {strides = array<i32>} : memref<128x256xf32, #tpu.memory_space<vmem>>, vector<1x16xf32>,
        %get3A_972 = vector.shape_cast %get3A_971 : vector<1x16xf32> to vector<16xf32>
        %add3A_973 = arith.addf %get3A_966, %get3A_972 : vector<16xf32>
        %add3A_974 = arith.constant 6 : i32
        %add3A_975 = arith.addi %mul3A_54, %add3A_974 : i32
        %get3A_976 = arith.index_cast %add3A_975 : i32 to index
        %get3A_977 = arith.constant 224 : index
        %get3A_978 = tpu.vector_load %arg7[%get3A_976, %get3A_977] {strides = array<i32>} : memref<128x256xf32, #tpu.memory_space<vmem>>, vector<1x16xf32>,
        %get3A_979 = vector.shape_cast %get3A_978 : vector<1x16xf32> to vector<16xf32>
        %add3A_980 = arith.constant 7 : i32
        %add3A_981 = arith.addi %mul3A_54, %add3A_980 : i32
        %get3A_982 = arith.index_cast %add3A_981 : i32 to index
        %get3A_983 = arith.constant 224 : index
        %get3A_984 = tpu.vector_load %arg7[%get3A_982, %get3A_983] {strides = array<i32>} : memref<128x256xf32, #tpu.memory_space<vmem>>, vector<1x16xf32>,
        %get3A_985 = vector.shape_cast %get3A_984 : vector<1x16xf32> to vector<16xf32>
        %add3A_986 = arith.addf %get3A_979, %get3A_985 : vector<16xf32>
        %add3A_987 = arith.addf %add3A_947, %add3A_960 : vector<16xf32>
        %add3A_988 = arith.addf %add3A_973, %add3A_986 : vector<16xf32>
        %add3A_989 = arith.addf %add3A_987, %add3A_988 : vector<16xf32>
        %mul3A_990 = arith.constant 16 : i32
        %mul3A_991 = arith.muli %add3A_18, %mul3A_990 : i32
        %add3A_992 = arith.addi %mul3A_991, %scan3A_52 : i32
        %swap3A_993 = arith.index_cast %add3A_992 : i32 to index
        %swap3A_994 = arith.constant 224 : index
        %swap3A_995 = tpu.vector_load %arg8[%swap3A_993, %swap3A_994] {strides = array<i32>} : memref<128x256xf32, #tpu.memory_space<vmem>>, vector<1x16xf32>,
        %swap3A_996 = vector.shape_cast %swap3A_995 : vector<1x16xf32> to vector<16xf32>
        %swap3A_997 = vector.shape_cast %add3A_989 : vector<16xf32> to vector<1x16xf32>
        tpu.vector_store %arg8[%swap3A_993, %swap3A_994], %swap3A_997 {strides = array<i32>} : memref<128x256xf32, #tpu.memory_space<vmem>>, vector<1x16xf32>,
        %add3A_998 = arith.constant 0 : i32
        %add3A_999 = arith.addi %mul3A_54, %add3A_998 : i32
        %get3A_1000 = arith.index_cast %add3A_999 : i32 to index
        %get3A_1001 = arith.constant 240 : index
        %get3A_1002 = tpu.vector_load %arg7[%get3A_1000, %get3A_1001] {strides = array<i32>} : memref<128x256xf32, #tpu.memory_space<vmem>>, vector<1x16xf32>,
        %get3A_1003 = vector.shape_cast %get3A_1002 : vector<1x16xf32> to vector<16xf32>
        %add3A_1004 = arith.constant 1 : i32
        %add3A_1005 = arith.addi %mul3A_54, %add3A_1004 : i32
        %get3A_1006 = arith.index_cast %add3A_1005 : i32 to index
        %get3A_1007 = arith.constant 240 : index
        %get3A_1008 = tpu.vector_load %arg7[%get3A_1006, %get3A_1007] {strides = array<i32>} : memref<128x256xf32, #tpu.memory_space<vmem>>, vector<1x16xf32>,
        %get3A_1009 = vector.shape_cast %get3A_1008 : vector<1x16xf32> to vector<16xf32>
        %add3A_1010 = arith.addf %get3A_1003, %get3A_1009 : vector<16xf32>
        %add3A_1011 = arith.constant 2 : i32
        %add3A_1012 = arith.addi %mul3A_54, %add3A_1011 : i32
        %get3A_1013 = arith.index_cast %add3A_1012 : i32 to index
        %get3A_1014 = arith.constant 240 : index
        %get3A_1015 = tpu.vector_load %arg7[%get3A_1013, %get3A_1014] {strides = array<i32>} : memref<128x256xf32, #tpu.memory_space<vmem>>, vector<1x16xf32>,
        %get3A_1016 = vector.shape_cast %get3A_1015 : vector<1x16xf32> to vector<16xf32>
        %add3A_1017 = arith.constant 3 : i32
        %add3A_1018 = arith.addi %mul3A_54, %add3A_1017 : i32
        %get3A_1019 = arith.index_cast %add3A_1018 : i32 to index
        %get3A_1020 = arith.constant 240 : index
        %get3A_1021 = tpu.vector_load %arg7[%get3A_1019, %get3A_1020] {strides = array<i32>} : memref<128x256xf32, #tpu.memory_space<vmem>>, vector<1x16xf32>,
        %get3A_1022 = vector.shape_cast %get3A_1021 : vector<1x16xf32> to vector<16xf32>
        %add3A_1023 = arith.addf %get3A_1016, %get3A_1022 : vector<16xf32>
        %add3A_1024 = arith.constant 4 : i32
        %add3A_1025 = arith.addi %mul3A_54, %add3A_1024 : i32
        %get3A_1026 = arith.index_cast %add3A_1025 : i32 to index
        %get3A_1027 = arith.constant 240 : index
        %get3A_1028 = tpu.vector_load %arg7[%get3A_1026, %get3A_1027] {strides = array<i32>} : memref<128x256xf32, #tpu.memory_space<vmem>>, vector<1x16xf32>,
        %get3A_1029 = vector.shape_cast %get3A_1028 : vector<1x16xf32> to vector<16xf32>
        %add3A_1030 = arith.constant 5 : i32
        %add3A_1031 = arith.addi %mul3A_54, %add3A_1030 : i32
        %get3A_1032 = arith.index_cast %add3A_1031 : i32 to index
        %get3A_1033 = arith.constant 240 : index
        %get3A_1034 = tpu.vector_load %arg7[%get3A_1032, %get3A_1033] {strides = array<i32>} : memref<128x256xf32, #tpu.memory_space<vmem>>, vector<1x16xf32>,
        %get3A_1035 = vector.shape_cast %get3A_1034 : vector<1x16xf32> to vector<16xf32>
        %add3A_1036 = arith.addf %get3A_1029, %get3A_1035 : vector<16xf32>
        %add3A_1037 = arith.constant 6 : i32
        %add3A_1038 = arith.addi %mul3A_54, %add3A_1037 : i32
        %get3A_1039 = arith.index_cast %add3A_1038 : i32 to index
        %get3A_1040 = arith.constant 240 : index
        %get3A_1041 = tpu.vector_load %arg7[%get3A_1039, %get3A_1040] {strides = array<i32>} : memref<128x256xf32, #tpu.memory_space<vmem>>, vector<1x16xf32>,
        %get3A_1042 = vector.shape_cast %get3A_1041 : vector<1x16xf32> to vector<16xf32>
        %add3A_1043 = arith.constant 7 : i32
        %add3A_1044 = arith.addi %mul3A_54, %add3A_1043 : i32
        %get3A_1045 = arith.index_cast %add3A_1044 : i32 to index
        %get3A_1046 = arith.constant 240 : index
        %get3A_1047 = tpu.vector_load %arg7[%get3A_1045, %get3A_1046] {strides = array<i32>} : memref<128x256xf32, #tpu.memory_space<vmem>>, vector<1x16xf32>,
        %get3A_1048 = vector.shape_cast %get3A_1047 : vector<1x16xf32> to vector<16xf32>
        %add3A_1049 = arith.addf %get3A_1042, %get3A_1048 : vector<16xf32>
        %add3A_1050 = arith.addf %add3A_1010, %add3A_1023 : vector<16xf32>
        %add3A_1051 = arith.addf %add3A_1036, %add3A_1049 : vector<16xf32>
        %add3A_1052 = arith.addf %add3A_1050, %add3A_1051 : vector<16xf32>
        %mul3A_1053 = arith.constant 16 : i32
        %mul3A_1054 = arith.muli %add3A_18, %mul3A_1053 : i32
        %add3A_1055 = arith.addi %mul3A_1054, %scan3A_52 : i32
        %swap3A_1056 = arith.index_cast %add3A_1055 : i32 to index
        %swap3A_1057 = arith.constant 240 : index
        %swap3A_1058 = tpu.vector_load %arg8[%swap3A_1056, %swap3A_1057] {strides = array<i32>} : memref<128x256xf32, #tpu.memory_space<vmem>>, vector<1x16xf32>,
        %swap3A_1059 = vector.shape_cast %swap3A_1058 : vector<1x16xf32> to vector<16xf32>
        %swap3A_1060 = vector.shape_cast %add3A_1052 : vector<16xf32> to vector<1x16xf32>
        tpu.vector_store %arg8[%swap3A_1056, %swap3A_1057], %swap3A_1060 {strides = array<i32>} : memref<128x256xf32, #tpu.memory_space<vmem>>, vector<1x16xf32>,
      }
      %scan3A_51 = arith.constant 16 : i32
    }
    %scan3A_13 = arith.constant 4 : i32
    "tpu.region"() ({
      %run_scoped3A = tpu.sem_alloc : memref<!tpu.dma_semaphore, #tpu.memory_space<semaphore_mem>>
      %dma_start3A_14 = arith.constant 0 : i32
      %dma_start3A_15 = tpu.memref_slice %arg4[%mul3A_2, %dma_start3A_14] : memref<4096x256xf32, #tpu.memory_space<hbm>> -> memref<128x256xf32, #tpu.memory_space<hbm>>
      %dma_start3A_16 = arith.constant 0 : i32
      %dma_start3A_17 = tpu.memref_slice %arg4[%mul3A_2, %dma_start3A_16] : memref<4096x256xf32, #tpu.memory_space<hbm>> -> memref<128x256xf32, #tpu.memory_space<hbm>>
      tpu.enqueue_dma source(%arg8 : memref<128x256xf32, #tpu.memory_space<vmem>>) target(%dma_start3A_17 : memref<128x256xf32, #tpu.memory_space<hbm>>) target_semaphore(%run_scoped3A : memref<!tpu.dma_semaphore, #tpu.memory_space<semaphore_mem>>)
      %dma_wait3A = arith.constant 0 : i32
      %dma_wait3A_18 = tpu.memref_slice %arg4[%mul3A_2, %dma_wait3A] : memref<4096x256xf32, #tpu.memory_space<hbm>> -> memref<128x256xf32, #tpu.memory_space<hbm>>
      %dma_wait3A_19 = arith.constant 0 : i32
      %dma_wait3A_20 = tpu.memref_slice %arg4[%mul3A_2, %dma_wait3A_19] : memref<4096x256xf32, #tpu.memory_space<hbm>> -> memref<128x256xf32, #tpu.memory_space<hbm>>
      tpu.wait_dma2 semaphore(%run_scoped3A : memref<!tpu.dma_semaphore, #tpu.memory_space<semaphore_mem>>) src(%arg8 : memref<128x256xf32, #tpu.memory_space<vmem>>) dst(%dma_wait3A_20 : memref<128x256xf32, #tpu.memory_space<hbm>>)
      tpu.yield
    }) : () -> ()
    return
  }
}

module attributes {stable_mosaic.version = 14 : i64} {
  func.func @_prep_body(%arg0: memref<4096x512xf32, #tpu.memory_space<vmem>>, %arg1: memref<4096x64xf32, #tpu.memory_space<vmem>>, %arg2: memref<512x256xf32, #tpu.memory_space<vmem>>, %arg3: memref<1x256xf32, #tpu.memory_space<vmem>>, %arg4: memref<64x256xf32, #tpu.memory_space<vmem>>, %arg5: memref<1x256xf32, #tpu.memory_space<vmem>>, %arg6: memref<4096x256xf32, #tpu.memory_space<vmem>>, %arg7: memref<4096x256xf32, #tpu.memory_space<vmem>>) attributes {dimension_semantics = [], scalar_prefetch = 0 : i64, scratch_operands = 0 : i64, tpu.core_type = #tpu.core_type<tc>} {
    %get3A = arith.constant 0 : index
    %get3A_0 = arith.constant 0 : index
    %get3A_1 = vector.load %arg0[%get3A, %get3A_0] : memref<4096x512xf32, #tpu.memory_space<vmem>>, vector<4096x512xf32>
    %get3A_2 = arith.constant 0 : index
    %get3A_3 = arith.constant 0 : index
    %get3A_4 = vector.load %arg2[%get3A_2, %get3A_3] : memref<512x256xf32, #tpu.memory_space<vmem>>, vector<512x256xf32>
    %dot_general3A = arith.constant dense<0.000000e+00> : vector<4096x256xf32>
    %dot_general3A_5 = tpu.matmul %get3A_1, %get3A_4, %dot_general3A {dimension_numbers = #tpu.dot_dimension_numbers<[1], [0], [0], [1], [0, 0, 1, 1], [], []>, transpose_lhs_hint = false} : vector<4096x512xf32>, vector<512x256xf32>, vector<4096x256xf32> -> vector<4096x256xf32>
    %get3A_6 = arith.constant 0 : index
    %get3A_7 = arith.constant 0 : index
    %get3A_8 = vector.load %arg3[%get3A_6, %get3A_7] : memref<1x256xf32, #tpu.memory_space<vmem>>, vector<1x256xf32>
    %add3A = vector.broadcast %get3A_8 : vector<1x256xf32> to vector<4096x256xf32>
    %add3A_9 = arith.addf %dot_general3A_5, %add3A : vector<4096x256xf32>
    %swap3A = arith.constant 0 : index
    %swap3A_10 = arith.constant 0 : index
    %swap3A_11 = vector.load %arg6[%swap3A, %swap3A_10] : memref<4096x256xf32, #tpu.memory_space<vmem>>, vector<4096x256xf32>
    tpu.vector_store %arg6[%swap3A, %swap3A_10], %add3A_9 {strides = array<i32>} : memref<4096x256xf32, #tpu.memory_space<vmem>>, vector<4096x256xf32>,
    %get3A_12 = arith.constant 0 : index
    %get3A_13 = arith.constant 0 : index
    %get3A_14 = vector.load %arg1[%get3A_12, %get3A_13] : memref<4096x64xf32, #tpu.memory_space<vmem>>, vector<4096x64xf32>
    %get3A_15 = arith.constant 0 : index
    %get3A_16 = arith.constant 0 : index
    %get3A_17 = vector.load %arg4[%get3A_15, %get3A_16] : memref<64x256xf32, #tpu.memory_space<vmem>>, vector<64x256xf32>
    %dot_general3A_18 = arith.constant dense<0.000000e+00> : vector<4096x256xf32>
    %dot_general3A_19 = tpu.matmul %get3A_14, %get3A_17, %dot_general3A_18 {dimension_numbers = #tpu.dot_dimension_numbers<[1], [0], [0], [1], [0, 0, 1, 1], [], []>, transpose_lhs_hint = false} : vector<4096x64xf32>, vector<64x256xf32>, vector<4096x256xf32> -> vector<4096x256xf32>
    %get3A_20 = arith.constant 0 : index
    %get3A_21 = arith.constant 0 : index
    %get3A_22 = vector.load %arg5[%get3A_20, %get3A_21] : memref<1x256xf32, #tpu.memory_space<vmem>>, vector<1x256xf32>
    %add3A_23 = vector.broadcast %get3A_22 : vector<1x256xf32> to vector<4096x256xf32>
    %add3A_24 = arith.addf %dot_general3A_19, %add3A_23 : vector<4096x256xf32>
    %swap3A_25 = arith.constant 0 : index
    %swap3A_26 = arith.constant 0 : index
    %swap3A_27 = vector.load %arg7[%swap3A_25, %swap3A_26] : memref<4096x256xf32, #tpu.memory_space<vmem>>, vector<4096x256xf32>
    tpu.vector_store %arg7[%swap3A_25, %swap3A_26], %add3A_24 {strides = array<i32>} : memref<4096x256xf32, #tpu.memory_space<vmem>>, vector<4096x256xf32>,
    return
  }
}

module attributes {stable_mosaic.version = 14 : i64} {
  func.func @_topk_body(%arg0: i32, %arg1: memref<256x256xf32, #tpu.memory_space<vmem>>, %arg2: memref<256x4096xf32, #tpu.memory_space<vmem>>, %arg3: memref<1x256x4096xf32, #tpu.memory_space<vmem>>, %arg4: memref<1x256x4096xf32, #tpu.memory_space<vmem>>, %arg5: memref<2x1x1xf32, #tpu.memory_space<vmem>>, %arg6: memref<256x8xf32, #tpu.memory_space<vmem>>, %arg7: memref<256x8xi32, #tpu.memory_space<vmem>>, %arg8: memref<256x8xf32, #tpu.memory_space<vmem>>, %arg9: memref<256x8xi32, #tpu.memory_space<vmem>>) attributes {dimension_semantics = [#tpu.dimension_semantics<arbitrary>], iteration_bounds = array<i64: 16>, scalar_prefetch = 0 : i64, scratch_operands = 0 : i64, tpu.core_type = #tpu.core_type<tc>, window_params = [{transform_indices = @transform_0, window_bounds = array<i64: 256, 256>}, {pipeline_mode = #tpu.pipeline_mode<synchronous>, transform_indices = @transform_1, window_bounds = array<i64: 256, 4096>}, {transform_indices = @transform_2, window_bounds = array<i64: 1, 256, 4096>}, {transform_indices = @transform_3, window_bounds = array<i64: 1, 256, 4096>}, {pipeline_mode = #tpu.pipeline_mode<synchronous>, transform_indices = @transform_4, window_bounds = array<i64: 2, 1, 1>}, {transform_indices = @transform_5, window_bounds = array<i64: 256, 8>}, {transform_indices = @transform_6, window_bounds = array<i64: 256, 8>}, {transform_indices = @transform_7, window_bounds = array<i64: 256, 8>}, {transform_indices = @transform_8, window_bounds = array<i64: 256, 8>}]} {
    %get3A = arith.constant 0 : index
    %get3A_0 = arith.constant 0 : index
    %get3A_1 = vector.load %arg1[%get3A, %get3A_0] : memref<256x256xf32, #tpu.memory_space<vmem>>, vector<256x256xf32>
    %get3A_2 = arith.constant 0 : index
    %get3A_3 = arith.constant 0 : index
    %get3A_4 = vector.load %arg2[%get3A_2, %get3A_3] : memref<256x4096xf32, #tpu.memory_space<vmem>>, vector<256x4096xf32>
    %mul3A = arith.mulf %get3A_4, %get3A_4 : vector<256x4096xf32>
    %reduce_sum3A = arith.constant dense<0.000000e+00> : vector<4096xf32>
    %reduce_sum3A_5 = vector.multi_reduction <add>, %mul3A, %reduce_sum3A [0] : vector<256x4096xf32> to vector<4096xf32>
    %broadcast_in_dim3A = vector.shape_cast %reduce_sum3A_5 : vector<4096xf32> to vector<1x4096xf32>
    %mul3A_6 = arith.mulf %get3A_1, %get3A_1 : vector<256x256xf32>
    %reduce_sum3A_7 = arith.constant dense<0.000000e+00> : vector<256xf32>
    %reduce_sum3A_8 = vector.multi_reduction <add>, %mul3A_6, %reduce_sum3A_7 [1] : vector<256x256xf32> to vector<256xf32>
    %broadcast_in_dim3A_9 = vector.shape_cast %reduce_sum3A_8 : vector<256xf32> to vector<256x1xf32>
    %dot_general3A = arith.constant dense<0.000000e+00> : vector<256x4096xf32>
    %dot_general3A_10 = tpu.matmul %get3A_1, %get3A_4, %dot_general3A {dimension_numbers = #tpu.dot_dimension_numbers<[1], [0], [0], [1], [0, 0, 1, 1], [], []>, transpose_lhs_hint = false} : vector<256x256xf32>, vector<256x4096xf32>, vector<256x4096xf32> -> vector<256x4096xf32>
    %add3A = vector.broadcast %broadcast_in_dim3A_9 : vector<256x1xf32> to vector<256x4096xf32>
    %add3A_11 = vector.broadcast %broadcast_in_dim3A : vector<1x4096xf32> to vector<256x4096xf32>
    %add3A_12 = arith.addf %add3A, %add3A_11 : vector<256x4096xf32>
    %mul3A_13 = arith.constant 2.000000e+00 : f32
    %mul3A_14 = vector.broadcast %mul3A_13 : f32 to vector<256x4096xf32>
    %mul3A_15 = arith.mulf %mul3A_14, %dot_general3A_10 : vector<256x4096xf32>
    %sub3A = arith.subf %add3A_12, %mul3A_15 : vector<256x4096xf32>
    %max3A = arith.constant 0.000000e+00 : f32
    %max3A_16 = vector.broadcast %max3A : f32 to vector<256x4096xf32>
    %max3A_17 = arith.maximumf %sub3A, %max3A_16 : vector<256x4096xf32>
    %iota3A = tpu.iota {dimensions = array<i32: 1>} : vector<256x4096xi32>
    %convert_element_type3A = arith.sitofp %iota3A : vector<256x4096xi32> to vector<256x4096xf32>
    %get3A_18 = arith.constant 0 : index
    %get3A_19 = arith.constant 0 : index
    %get3A_20 = arith.constant 0 : index
    %get3A_21 = vector.load %arg3[%get3A_18, %get3A_19, %get3A_20] : memref<1x256x4096xf32, #tpu.memory_space<vmem>>, vector<1x256x4096xf32>
    %get3A_22 = vector.shape_cast %get3A_21 : vector<1x256x4096xf32> to vector<256x4096xf32>
    %log3A = math.log %get3A_22 : vector<256x4096xf32>
    %neg3A = arith.constant 0.000000e+00 : f32
    %neg3A_23 = vector.broadcast %neg3A : f32 to vector<256x4096xf32>
    %neg3A_24 = arith.subf %neg3A_23, %log3A : vector<256x4096xf32>
    %log3A_25 = math.log %neg3A_24 : vector<256x4096xf32>
    %get3A_26 = arith.constant 0 : index
    %get3A_27 = arith.constant 0 : index
    %get3A_28 = arith.constant 0 : index
    %get3A_29 = vector.load %arg5[%get3A_26, %get3A_27, %get3A_28] : memref<2x1x1xf32, #tpu.memory_space<vmem>>, vector<1x1x1xf32>
    %get3A_30 = vector.extract %get3A_29[0, 0, 0] : f32 from vector<1x1x1xf32>
    %mul3A_31 = vector.broadcast %get3A_30 : f32 to vector<256x4096xf32>
    %mul3A_32 = arith.mulf %max3A_17, %mul3A_31 : vector<256x4096xf32>
    %sub3A_33 = arith.subf %log3A_25, %mul3A_32 : vector<256x4096xf32>
    %get3A_34 = arith.constant 0 : index
    %get3A_35 = arith.constant 0 : index
    %get3A_36 = arith.constant 0 : index
    %get3A_37 = vector.load %arg4[%get3A_34, %get3A_35, %get3A_36] : memref<1x256x4096xf32, #tpu.memory_space<vmem>>, vector<1x256x4096xf32>
    %get3A_38 = vector.shape_cast %get3A_37 : vector<1x256x4096xf32> to vector<256x4096xf32>
    %log3A_39 = math.log %get3A_38 : vector<256x4096xf32>
    %neg3A_40 = arith.constant 0.000000e+00 : f32
    %neg3A_41 = vector.broadcast %neg3A_40 : f32 to vector<256x4096xf32>
    %neg3A_42 = arith.subf %neg3A_41, %log3A_39 : vector<256x4096xf32>
    %log3A_43 = math.log %neg3A_42 : vector<256x4096xf32>
    %get3A_44 = arith.constant 1 : index
    %get3A_45 = arith.constant 0 : index
    %get3A_46 = arith.constant 0 : index
    %get3A_47 = vector.load %arg5[%get3A_44, %get3A_45, %get3A_46] : memref<2x1x1xf32, #tpu.memory_space<vmem>>, vector<1x1x1xf32>
    %get3A_48 = vector.extract %get3A_47[0, 0, 0] : f32 from vector<1x1x1xf32>
    %mul3A_49 = vector.broadcast %get3A_48 : f32 to vector<256x4096xf32>
    %mul3A_50 = arith.mulf %max3A_17, %mul3A_49 : vector<256x4096xf32>
    %sub3A_51 = arith.subf %log3A_43, %mul3A_50 : vector<256x4096xf32>
    %reduce_max3A = arith.constant dense<0xFF800000> : vector<256xf32>
    %reduce_max3A_52 = vector.multi_reduction <maximumf>, %sub3A_33, %reduce_max3A [1] : vector<256x4096xf32> to vector<256xf32>
    %broadcast_in_dim3A_53 = vector.shape_cast %reduce_max3A_52 : vector<256xf32> to vector<256x1xf32>
    %ge3A = vector.broadcast %broadcast_in_dim3A_53 : vector<256x1xf32> to vector<256x4096xf32>
    %ge3A_54 = arith.cmpf oge, %sub3A_33, %ge3A : vector<256x4096xf32>
    %jit3A = arith.constant 8.192000e+03 : f32
    %broadcast_in_dim3A_55 = vector.broadcast %jit3A : f32 to vector<256x4096xf32>
    %select_n3A = arith.select %ge3A_54, %convert_element_type3A, %broadcast_in_dim3A_55 : vector<256x4096xi1>, vector<256x4096xf32>
    %reduce_min3A = arith.constant dense<0x7F800000> : vector<256xf32>
    %reduce_min3A_56 = vector.multi_reduction <minimumf>, %select_n3A, %reduce_min3A [1] : vector<256x4096xf32> to vector<256xf32>
    %broadcast_in_dim3A_57 = vector.shape_cast %reduce_min3A_56 : vector<256xf32> to vector<256x1xf32>
    %jit3A_58 = arith.constant 0xFF800000 : f32
    %broadcast_in_dim3A_59 = vector.broadcast %jit3A_58 : f32 to vector<256x4096xf32>
    %select_n3A_60 = arith.select %ge3A_54, %broadcast_in_dim3A_59, %sub3A_33 : vector<256x4096xi1>, vector<256x4096xf32>
    %reduce_max3A_61 = arith.constant dense<0xFF800000> : vector<256xf32>
    %reduce_max3A_62 = vector.multi_reduction <maximumf>, %sub3A_51, %reduce_max3A_61 [1] : vector<256x4096xf32> to vector<256xf32>
    %broadcast_in_dim3A_63 = vector.shape_cast %reduce_max3A_62 : vector<256xf32> to vector<256x1xf32>
    %ge3A_64 = vector.broadcast %broadcast_in_dim3A_63 : vector<256x1xf32> to vector<256x4096xf32>
    %ge3A_65 = arith.cmpf oge, %sub3A_51, %ge3A_64 : vector<256x4096xf32>
    %jit3A_66 = arith.constant 8.192000e+03 : f32
    %broadcast_in_dim3A_67 = vector.broadcast %jit3A_66 : f32 to vector<256x4096xf32>
    %select_n3A_68 = arith.select %ge3A_65, %convert_element_type3A, %broadcast_in_dim3A_67 : vector<256x4096xi1>, vector<256x4096xf32>
    %reduce_min3A_69 = arith.constant dense<0x7F800000> : vector<256xf32>
    %reduce_min3A_70 = vector.multi_reduction <minimumf>, %select_n3A_68, %reduce_min3A_69 [1] : vector<256x4096xf32> to vector<256xf32>
    %broadcast_in_dim3A_71 = vector.shape_cast %reduce_min3A_70 : vector<256xf32> to vector<256x1xf32>
    %jit3A_72 = arith.constant 0xFF800000 : f32
    %broadcast_in_dim3A_73 = vector.broadcast %jit3A_72 : f32 to vector<256x4096xf32>
    %select_n3A_74 = arith.select %ge3A_65, %broadcast_in_dim3A_73, %sub3A_51 : vector<256x4096xi1>, vector<256x4096xf32>
    %reduce_max3A_75 = arith.constant dense<0xFF800000> : vector<256xf32>
    %reduce_max3A_76 = vector.multi_reduction <maximumf>, %select_n3A_60, %reduce_max3A_75 [1] : vector<256x4096xf32> to vector<256xf32>
    %broadcast_in_dim3A_77 = vector.shape_cast %reduce_max3A_76 : vector<256xf32> to vector<256x1xf32>
    %ge3A_78 = vector.broadcast %broadcast_in_dim3A_77 : vector<256x1xf32> to vector<256x4096xf32>
    %ge3A_79 = arith.cmpf oge, %select_n3A_60, %ge3A_78 : vector<256x4096xf32>
    %jit3A_80 = arith.constant 8.192000e+03 : f32
    %broadcast_in_dim3A_81 = vector.broadcast %jit3A_80 : f32 to vector<256x4096xf32>
    %select_n3A_82 = arith.select %ge3A_79, %convert_element_type3A, %broadcast_in_dim3A_81 : vector<256x4096xi1>, vector<256x4096xf32>
    %reduce_min3A_83 = arith.constant dense<0x7F800000> : vector<256xf32>
    %reduce_min3A_84 = vector.multi_reduction <minimumf>, %select_n3A_82, %reduce_min3A_83 [1] : vector<256x4096xf32> to vector<256xf32>
    %broadcast_in_dim3A_85 = vector.shape_cast %reduce_min3A_84 : vector<256xf32> to vector<256x1xf32>
    %jit3A_86 = arith.constant 0xFF800000 : f32
    %broadcast_in_dim3A_87 = vector.broadcast %jit3A_86 : f32 to vector<256x4096xf32>
    %select_n3A_88 = arith.select %ge3A_79, %broadcast_in_dim3A_87, %select_n3A_60 : vector<256x4096xi1>, vector<256x4096xf32>
    %reduce_max3A_89 = arith.constant dense<0xFF800000> : vector<256xf32>
    %reduce_max3A_90 = vector.multi_reduction <maximumf>, %select_n3A_74, %reduce_max3A_89 [1] : vector<256x4096xf32> to vector<256xf32>
    %broadcast_in_dim3A_91 = vector.shape_cast %reduce_max3A_90 : vector<256xf32> to vector<256x1xf32>
    %ge3A_92 = vector.broadcast %broadcast_in_dim3A_91 : vector<256x1xf32> to vector<256x4096xf32>
    %ge3A_93 = arith.cmpf oge, %select_n3A_74, %ge3A_92 : vector<256x4096xf32>
    %jit3A_94 = arith.constant 8.192000e+03 : f32
    %broadcast_in_dim3A_95 = vector.broadcast %jit3A_94 : f32 to vector<256x4096xf32>
    %select_n3A_96 = arith.select %ge3A_93, %convert_element_type3A, %broadcast_in_dim3A_95 : vector<256x4096xi1>, vector<256x4096xf32>
    %reduce_min3A_97 = arith.constant dense<0x7F800000> : vector<256xf32>
    %reduce_min3A_98 = vector.multi_reduction <minimumf>, %select_n3A_96, %reduce_min3A_97 [1] : vector<256x4096xf32> to vector<256xf32>
    %broadcast_in_dim3A_99 = vector.shape_cast %reduce_min3A_98 : vector<256xf32> to vector<256x1xf32>
    %jit3A_100 = arith.constant 0xFF800000 : f32
    %broadcast_in_dim3A_101 = vector.broadcast %jit3A_100 : f32 to vector<256x4096xf32>
    %select_n3A_102 = arith.select %ge3A_93, %broadcast_in_dim3A_101, %select_n3A_74 : vector<256x4096xi1>, vector<256x4096xf32>
    %reduce_max3A_103 = arith.constant dense<0xFF800000> : vector<256xf32>
    %reduce_max3A_104 = vector.multi_reduction <maximumf>, %select_n3A_88, %reduce_max3A_103 [1] : vector<256x4096xf32> to vector<256xf32>
    %broadcast_in_dim3A_105 = vector.shape_cast %reduce_max3A_104 : vector<256xf32> to vector<256x1xf32>
    %ge3A_106 = vector.broadcast %broadcast_in_dim3A_105 : vector<256x1xf32> to vector<256x4096xf32>
    %ge3A_107 = arith.cmpf oge, %select_n3A_88, %ge3A_106 : vector<256x4096xf32>
    %jit3A_108 = arith.constant 8.192000e+03 : f32
    %broadcast_in_dim3A_109 = vector.broadcast %jit3A_108 : f32 to vector<256x4096xf32>
    %select_n3A_110 = arith.select %ge3A_107, %convert_element_type3A, %broadcast_in_dim3A_109 : vector<256x4096xi1>, vector<256x4096xf32>
    %reduce_min3A_111 = arith.constant dense<0x7F800000> : vector<256xf32>
    %reduce_min3A_112 = vector.multi_reduction <minimumf>, %select_n3A_110, %reduce_min3A_111 [1] : vector<256x4096xf32> to vector<256xf32>
    %broadcast_in_dim3A_113 = vector.shape_cast %reduce_min3A_112 : vector<256xf32> to vector<256x1xf32>
    %jit3A_114 = arith.constant 0xFF800000 : f32
    %broadcast_in_dim3A_115 = vector.broadcast %jit3A_114 : f32 to vector<256x4096xf32>
    %select_n3A_116 = arith.select %ge3A_107, %broadcast_in_dim3A_115, %select_n3A_88 : vector<256x4096xi1>, vector<256x4096xf32>
    %reduce_max3A_117 = arith.constant dense<0xFF800000> : vector<256xf32>
    %reduce_max3A_118 = vector.multi_reduction <maximumf>, %select_n3A_102, %reduce_max3A_117 [1] : vector<256x4096xf32> to vector<256xf32>
    %broadcast_in_dim3A_119 = vector.shape_cast %reduce_max3A_118 : vector<256xf32> to vector<256x1xf32>
    %ge3A_120 = vector.broadcast %broadcast_in_dim3A_119 : vector<256x1xf32> to vector<256x4096xf32>
    %ge3A_121 = arith.cmpf oge, %select_n3A_102, %ge3A_120 : vector<256x4096xf32>
    %jit3A_122 = arith.constant 8.192000e+03 : f32
    %broadcast_in_dim3A_123 = vector.broadcast %jit3A_122 : f32 to vector<256x4096xf32>
    %select_n3A_124 = arith.select %ge3A_121, %convert_element_type3A, %broadcast_in_dim3A_123 : vector<256x4096xi1>, vector<256x4096xf32>
    %reduce_min3A_125 = arith.constant dense<0x7F800000> : vector<256xf32>
    %reduce_min3A_126 = vector.multi_reduction <minimumf>, %select_n3A_124, %reduce_min3A_125 [1] : vector<256x4096xf32> to vector<256xf32>
    %broadcast_in_dim3A_127 = vector.shape_cast %reduce_min3A_126 : vector<256xf32> to vector<256x1xf32>
    %jit3A_128 = arith.constant 0xFF800000 : f32
    %broadcast_in_dim3A_129 = vector.broadcast %jit3A_128 : f32 to vector<256x4096xf32>
    %select_n3A_130 = arith.select %ge3A_121, %broadcast_in_dim3A_129, %select_n3A_102 : vector<256x4096xi1>, vector<256x4096xf32>
    %reduce_max3A_131 = arith.constant dense<0xFF800000> : vector<256xf32>
    %reduce_max3A_132 = vector.multi_reduction <maximumf>, %select_n3A_116, %reduce_max3A_131 [1] : vector<256x4096xf32> to vector<256xf32>
    %broadcast_in_dim3A_133 = vector.shape_cast %reduce_max3A_132 : vector<256xf32> to vector<256x1xf32>
    %ge3A_134 = vector.broadcast %broadcast_in_dim3A_133 : vector<256x1xf32> to vector<256x4096xf32>
    %ge3A_135 = arith.cmpf oge, %select_n3A_116, %ge3A_134 : vector<256x4096xf32>
    %jit3A_136 = arith.constant 8.192000e+03 : f32
    %broadcast_in_dim3A_137 = vector.broadcast %jit3A_136 : f32 to vector<256x4096xf32>
    %select_n3A_138 = arith.select %ge3A_135, %convert_element_type3A, %broadcast_in_dim3A_137 : vector<256x4096xi1>, vector<256x4096xf32>
    %reduce_min3A_139 = arith.constant dense<0x7F800000> : vector<256xf32>
    %reduce_min3A_140 = vector.multi_reduction <minimumf>, %select_n3A_138, %reduce_min3A_139 [1] : vector<256x4096xf32> to vector<256xf32>
    %broadcast_in_dim3A_141 = vector.shape_cast %reduce_min3A_140 : vector<256xf32> to vector<256x1xf32>
    %jit3A_142 = arith.constant 0xFF800000 : f32
    %broadcast_in_dim3A_143 = vector.broadcast %jit3A_142 : f32 to vector<256x4096xf32>
    %select_n3A_144 = arith.select %ge3A_135, %broadcast_in_dim3A_143, %select_n3A_116 : vector<256x4096xi1>, vector<256x4096xf32>
    %reduce_max3A_145 = arith.constant dense<0xFF800000> : vector<256xf32>
    %reduce_max3A_146 = vector.multi_reduction <maximumf>, %select_n3A_130, %reduce_max3A_145 [1] : vector<256x4096xf32> to vector<256xf32>
    %broadcast_in_dim3A_147 = vector.shape_cast %reduce_max3A_146 : vector<256xf32> to vector<256x1xf32>
    %ge3A_148 = vector.broadcast %broadcast_in_dim3A_147 : vector<256x1xf32> to vector<256x4096xf32>
    %ge3A_149 = arith.cmpf oge, %select_n3A_130, %ge3A_148 : vector<256x4096xf32>
    %jit3A_150 = arith.constant 8.192000e+03 : f32
    %broadcast_in_dim3A_151 = vector.broadcast %jit3A_150 : f32 to vector<256x4096xf32>
    %select_n3A_152 = arith.select %ge3A_149, %convert_element_type3A, %broadcast_in_dim3A_151 : vector<256x4096xi1>, vector<256x4096xf32>
    %reduce_min3A_153 = arith.constant dense<0x7F800000> : vector<256xf32>
    %reduce_min3A_154 = vector.multi_reduction <minimumf>, %select_n3A_152, %reduce_min3A_153 [1] : vector<256x4096xf32> to vector<256xf32>
    %broadcast_in_dim3A_155 = vector.shape_cast %reduce_min3A_154 : vector<256xf32> to vector<256x1xf32>
    %jit3A_156 = arith.constant 0xFF800000 : f32
    %broadcast_in_dim3A_157 = vector.broadcast %jit3A_156 : f32 to vector<256x4096xf32>
    %select_n3A_158 = arith.select %ge3A_149, %broadcast_in_dim3A_157, %select_n3A_130 : vector<256x4096xi1>, vector<256x4096xf32>
    %reduce_max3A_159 = arith.constant dense<0xFF800000> : vector<256xf32>
    %reduce_max3A_160 = vector.multi_reduction <maximumf>, %select_n3A_144, %reduce_max3A_159 [1] : vector<256x4096xf32> to vector<256xf32>
    %broadcast_in_dim3A_161 = vector.shape_cast %reduce_max3A_160 : vector<256xf32> to vector<256x1xf32>
    %ge3A_162 = vector.broadcast %broadcast_in_dim3A_161 : vector<256x1xf32> to vector<256x4096xf32>
    %ge3A_163 = arith.cmpf oge, %select_n3A_144, %ge3A_162 : vector<256x4096xf32>
    %jit3A_164 = arith.constant 8.192000e+03 : f32
    %broadcast_in_dim3A_165 = vector.broadcast %jit3A_164 : f32 to vector<256x4096xf32>
    %select_n3A_166 = arith.select %ge3A_163, %convert_element_type3A, %broadcast_in_dim3A_165 : vector<256x4096xi1>, vector<256x4096xf32>
    %reduce_min3A_167 = arith.constant dense<0x7F800000> : vector<256xf32>
    %reduce_min3A_168 = vector.multi_reduction <minimumf>, %select_n3A_166, %reduce_min3A_167 [1] : vector<256x4096xf32> to vector<256xf32>
    %broadcast_in_dim3A_169 = vector.shape_cast %reduce_min3A_168 : vector<256xf32> to vector<256x1xf32>
    %jit3A_170 = arith.constant 0xFF800000 : f32
    %broadcast_in_dim3A_171 = vector.broadcast %jit3A_170 : f32 to vector<256x4096xf32>
    %select_n3A_172 = arith.select %ge3A_163, %broadcast_in_dim3A_171, %select_n3A_144 : vector<256x4096xi1>, vector<256x4096xf32>
    %reduce_max3A_173 = arith.constant dense<0xFF800000> : vector<256xf32>
    %reduce_max3A_174 = vector.multi_reduction <maximumf>, %select_n3A_158, %reduce_max3A_173 [1] : vector<256x4096xf32> to vector<256xf32>
    %broadcast_in_dim3A_175 = vector.shape_cast %reduce_max3A_174 : vector<256xf32> to vector<256x1xf32>
    %ge3A_176 = vector.broadcast %broadcast_in_dim3A_175 : vector<256x1xf32> to vector<256x4096xf32>
    %ge3A_177 = arith.cmpf oge, %select_n3A_158, %ge3A_176 : vector<256x4096xf32>
    %jit3A_178 = arith.constant 8.192000e+03 : f32
    %broadcast_in_dim3A_179 = vector.broadcast %jit3A_178 : f32 to vector<256x4096xf32>
    %select_n3A_180 = arith.select %ge3A_177, %convert_element_type3A, %broadcast_in_dim3A_179 : vector<256x4096xi1>, vector<256x4096xf32>
    %reduce_min3A_181 = arith.constant dense<0x7F800000> : vector<256xf32>
    %reduce_min3A_182 = vector.multi_reduction <minimumf>, %select_n3A_180, %reduce_min3A_181 [1] : vector<256x4096xf32> to vector<256xf32>
    %broadcast_in_dim3A_183 = vector.shape_cast %reduce_min3A_182 : vector<256xf32> to vector<256x1xf32>
    %jit3A_184 = arith.constant 0xFF800000 : f32
    %broadcast_in_dim3A_185 = vector.broadcast %jit3A_184 : f32 to vector<256x4096xf32>
    %select_n3A_186 = arith.select %ge3A_177, %broadcast_in_dim3A_185, %select_n3A_158 : vector<256x4096xi1>, vector<256x4096xf32>
    %reduce_max3A_187 = arith.constant dense<0xFF800000> : vector<256xf32>
    %reduce_max3A_188 = vector.multi_reduction <maximumf>, %select_n3A_172, %reduce_max3A_187 [1] : vector<256x4096xf32> to vector<256xf32>
    %broadcast_in_dim3A_189 = vector.shape_cast %reduce_max3A_188 : vector<256xf32> to vector<256x1xf32>
    %ge3A_190 = vector.broadcast %broadcast_in_dim3A_189 : vector<256x1xf32> to vector<256x4096xf32>
    %ge3A_191 = arith.cmpf oge, %select_n3A_172, %ge3A_190 : vector<256x4096xf32>
    %jit3A_192 = arith.constant 8.192000e+03 : f32
    %broadcast_in_dim3A_193 = vector.broadcast %jit3A_192 : f32 to vector<256x4096xf32>
    %select_n3A_194 = arith.select %ge3A_191, %convert_element_type3A, %broadcast_in_dim3A_193 : vector<256x4096xi1>, vector<256x4096xf32>
    %reduce_min3A_195 = arith.constant dense<0x7F800000> : vector<256xf32>
    %reduce_min3A_196 = vector.multi_reduction <minimumf>, %select_n3A_194, %reduce_min3A_195 [1] : vector<256x4096xf32> to vector<256xf32>
    %broadcast_in_dim3A_197 = vector.shape_cast %reduce_min3A_196 : vector<256xf32> to vector<256x1xf32>
    %jit3A_198 = arith.constant 0xFF800000 : f32
    %broadcast_in_dim3A_199 = vector.broadcast %jit3A_198 : f32 to vector<256x4096xf32>
    %select_n3A_200 = arith.select %ge3A_191, %broadcast_in_dim3A_199, %select_n3A_172 : vector<256x4096xi1>, vector<256x4096xf32>
    %reduce_max3A_201 = arith.constant dense<0xFF800000> : vector<256xf32>
    %reduce_max3A_202 = vector.multi_reduction <maximumf>, %select_n3A_186, %reduce_max3A_201 [1] : vector<256x4096xf32> to vector<256xf32>
    %broadcast_in_dim3A_203 = vector.shape_cast %reduce_max3A_202 : vector<256xf32> to vector<256x1xf32>
    %ge3A_204 = vector.broadcast %broadcast_in_dim3A_203 : vector<256x1xf32> to vector<256x4096xf32>
    %ge3A_205 = arith.cmpf oge, %select_n3A_186, %ge3A_204 : vector<256x4096xf32>
    %jit3A_206 = arith.constant 8.192000e+03 : f32
    %broadcast_in_dim3A_207 = vector.broadcast %jit3A_206 : f32 to vector<256x4096xf32>
    %select_n3A_208 = arith.select %ge3A_205, %convert_element_type3A, %broadcast_in_dim3A_207 : vector<256x4096xi1>, vector<256x4096xf32>
    %reduce_min3A_209 = arith.constant dense<0x7F800000> : vector<256xf32>
    %reduce_min3A_210 = vector.multi_reduction <minimumf>, %select_n3A_208, %reduce_min3A_209 [1] : vector<256x4096xf32> to vector<256xf32>
    %broadcast_in_dim3A_211 = vector.shape_cast %reduce_min3A_210 : vector<256xf32> to vector<256x1xf32>
    %jit3A_212 = arith.constant 0xFF800000 : f32
    %broadcast_in_dim3A_213 = vector.broadcast %jit3A_212 : f32 to vector<256x4096xf32>
    %select_n3A_214 = arith.select %ge3A_205, %broadcast_in_dim3A_213, %select_n3A_186 : vector<256x4096xi1>, vector<256x4096xf32>
    %reduce_max3A_215 = arith.constant dense<0xFF800000> : vector<256xf32>
    %reduce_max3A_216 = vector.multi_reduction <maximumf>, %select_n3A_200, %reduce_max3A_215 [1] : vector<256x4096xf32> to vector<256xf32>
    %broadcast_in_dim3A_217 = vector.shape_cast %reduce_max3A_216 : vector<256xf32> to vector<256x1xf32>
    %ge3A_218 = vector.broadcast %broadcast_in_dim3A_217 : vector<256x1xf32> to vector<256x4096xf32>
    %ge3A_219 = arith.cmpf oge, %select_n3A_200, %ge3A_218 : vector<256x4096xf32>
    %jit3A_220 = arith.constant 8.192000e+03 : f32
    %broadcast_in_dim3A_221 = vector.broadcast %jit3A_220 : f32 to vector<256x4096xf32>
    %select_n3A_222 = arith.select %ge3A_219, %convert_element_type3A, %broadcast_in_dim3A_221 : vector<256x4096xi1>, vector<256x4096xf32>
    %reduce_min3A_223 = arith.constant dense<0x7F800000> : vector<256xf32>
    %reduce_min3A_224 = vector.multi_reduction <minimumf>, %select_n3A_222, %reduce_min3A_223 [1] : vector<256x4096xf32> to vector<256xf32>
    %broadcast_in_dim3A_225 = vector.shape_cast %reduce_min3A_224 : vector<256xf32> to vector<256x1xf32>
    %jit3A_226 = arith.constant 0xFF800000 : f32
    %broadcast_in_dim3A_227 = vector.broadcast %jit3A_226 : f32 to vector<256x4096xf32>
    %select_n3A_228 = arith.select %ge3A_219, %broadcast_in_dim3A_227, %select_n3A_200 : vector<256x4096xi1>, vector<256x4096xf32>
    %reduce_max3A_229 = arith.constant dense<0xFF800000> : vector<256xf32>
    %reduce_max3A_230 = vector.multi_reduction <maximumf>, %select_n3A_214, %reduce_max3A_229 [1] : vector<256x4096xf32> to vector<256xf32>
    %broadcast_in_dim3A_231 = vector.shape_cast %reduce_max3A_230 : vector<256xf32> to vector<256x1xf32>
    %ge3A_232 = vector.broadcast %broadcast_in_dim3A_231 : vector<256x1xf32> to vector<256x4096xf32>
    %ge3A_233 = arith.cmpf oge, %select_n3A_214, %ge3A_232 : vector<256x4096xf32>
    %jit3A_234 = arith.constant 8.192000e+03 : f32
    %broadcast_in_dim3A_235 = vector.broadcast %jit3A_234 : f32 to vector<256x4096xf32>
    %select_n3A_236 = arith.select %ge3A_233, %convert_element_type3A, %broadcast_in_dim3A_235 : vector<256x4096xi1>, vector<256x4096xf32>
    %reduce_min3A_237 = arith.constant dense<0x7F800000> : vector<256xf32>
    %reduce_min3A_238 = vector.multi_reduction <minimumf>, %select_n3A_236, %reduce_min3A_237 [1] : vector<256x4096xf32> to vector<256xf32>
    %broadcast_in_dim3A_239 = vector.shape_cast %reduce_min3A_238 : vector<256xf32> to vector<256x1xf32>
    %jit3A_240 = arith.constant 0xFF800000 : f32
    %broadcast_in_dim3A_241 = vector.broadcast %jit3A_240 : f32 to vector<256x4096xf32>
    %select_n3A_242 = arith.select %ge3A_233, %broadcast_in_dim3A_241, %select_n3A_214 : vector<256x4096xi1>, vector<256x4096xf32>
    %reduce_max3A_243 = arith.constant dense<0xFF800000> : vector<256xf32>
    %reduce_max3A_244 = vector.multi_reduction <maximumf>, %select_n3A_228, %reduce_max3A_243 [1] : vector<256x4096xf32> to vector<256xf32>
    %broadcast_in_dim3A_245 = vector.shape_cast %reduce_max3A_244 : vector<256xf32> to vector<256x1xf32>
    %ge3A_246 = vector.broadcast %broadcast_in_dim3A_245 : vector<256x1xf32> to vector<256x4096xf32>
    %ge3A_247 = arith.cmpf oge, %select_n3A_228, %ge3A_246 : vector<256x4096xf32>
    %jit3A_248 = arith.constant 8.192000e+03 : f32
    %broadcast_in_dim3A_249 = vector.broadcast %jit3A_248 : f32 to vector<256x4096xf32>
    %select_n3A_250 = arith.select %ge3A_247, %convert_element_type3A, %broadcast_in_dim3A_249 : vector<256x4096xi1>, vector<256x4096xf32>
    %reduce_min3A_251 = arith.constant dense<0x7F800000> : vector<256xf32>
    %reduce_min3A_252 = vector.multi_reduction <minimumf>, %select_n3A_250, %reduce_min3A_251 [1] : vector<256x4096xf32> to vector<256xf32>
    %broadcast_in_dim3A_253 = vector.shape_cast %reduce_min3A_252 : vector<256xf32> to vector<256x1xf32>
    %reduce_max3A_254 = arith.constant dense<0xFF800000> : vector<256xf32>
    %reduce_max3A_255 = vector.multi_reduction <maximumf>, %select_n3A_242, %reduce_max3A_254 [1] : vector<256x4096xf32> to vector<256xf32>
    %broadcast_in_dim3A_256 = vector.shape_cast %reduce_max3A_255 : vector<256xf32> to vector<256x1xf32>
    %ge3A_257 = vector.broadcast %broadcast_in_dim3A_256 : vector<256x1xf32> to vector<256x4096xf32>
    %ge3A_258 = arith.cmpf oge, %select_n3A_242, %ge3A_257 : vector<256x4096xf32>
    %jit3A_259 = arith.constant 8.192000e+03 : f32
    %broadcast_in_dim3A_260 = vector.broadcast %jit3A_259 : f32 to vector<256x4096xf32>
    %select_n3A_261 = arith.select %ge3A_258, %convert_element_type3A, %broadcast_in_dim3A_260 : vector<256x4096xi1>, vector<256x4096xf32>
    %reduce_min3A_262 = arith.constant dense<0x7F800000> : vector<256xf32>
    %reduce_min3A_263 = vector.multi_reduction <minimumf>, %select_n3A_261, %reduce_min3A_262 [1] : vector<256x4096xf32> to vector<256xf32>
    %broadcast_in_dim3A_264 = vector.shape_cast %reduce_min3A_263 : vector<256xf32> to vector<256x1xf32>
    %concatenate3A = tpu.concatenate %broadcast_in_dim3A_53, %broadcast_in_dim3A_77, %broadcast_in_dim3A_105, %broadcast_in_dim3A_133, %broadcast_in_dim3A_161, %broadcast_in_dim3A_189, %broadcast_in_dim3A_217, %broadcast_in_dim3A_245 in 1 : vector<256x1xf32>, vector<256x1xf32>, vector<256x1xf32>, vector<256x1xf32>, vector<256x1xf32>, vector<256x1xf32>, vector<256x1xf32>, vector<256x1xf32> -> vector<256x8xf32>
    %swap3A = arith.constant 0 : index
    %swap3A_265 = arith.constant 0 : index
    %swap3A_266 = vector.load %arg6[%swap3A, %swap3A_265] : memref<256x8xf32, #tpu.memory_space<vmem>>, vector<256x8xf32>
    tpu.vector_store %arg6[%swap3A, %swap3A_265], %concatenate3A {strides = array<i32>} : memref<256x8xf32, #tpu.memory_space<vmem>>, vector<256x8xf32>,
    %concatenate3A_267 = tpu.concatenate %broadcast_in_dim3A_57, %broadcast_in_dim3A_85, %broadcast_in_dim3A_113, %broadcast_in_dim3A_141, %broadcast_in_dim3A_169, %broadcast_in_dim3A_197, %broadcast_in_dim3A_225, %broadcast_in_dim3A_253 in 1 : vector<256x1xf32>, vector<256x1xf32>, vector<256x1xf32>, vector<256x1xf32>, vector<256x1xf32>, vector<256x1xf32>, vector<256x1xf32>, vector<256x1xf32> -> vector<256x8xf32>
    %convert_element_type3A_268 = arith.fptosi %concatenate3A_267 : vector<256x8xf32> to vector<256x8xi32>
    %swap3A_269 = arith.constant 0 : index
    %swap3A_270 = arith.constant 0 : index
    %swap3A_271 = vector.load %arg7[%swap3A_269, %swap3A_270] : memref<256x8xi32, #tpu.memory_space<vmem>>, vector<256x8xi32>
    tpu.vector_store %arg7[%swap3A_269, %swap3A_270], %convert_element_type3A_268 {strides = array<i32>} : memref<256x8xi32, #tpu.memory_space<vmem>>, vector<256x8xi32>,
    %concatenate3A_272 = tpu.concatenate %broadcast_in_dim3A_63, %broadcast_in_dim3A_91, %broadcast_in_dim3A_119, %broadcast_in_dim3A_147, %broadcast_in_dim3A_175, %broadcast_in_dim3A_203, %broadcast_in_dim3A_231, %broadcast_in_dim3A_256 in 1 : vector<256x1xf32>, vector<256x1xf32>, vector<256x1xf32>, vector<256x1xf32>, vector<256x1xf32>, vector<256x1xf32>, vector<256x1xf32>, vector<256x1xf32> -> vector<256x8xf32>
    %swap3A_273 = arith.constant 0 : index
    %swap3A_274 = arith.constant 0 : index
    %swap3A_275 = vector.load %arg8[%swap3A_273, %swap3A_274] : memref<256x8xf32, #tpu.memory_space<vmem>>, vector<256x8xf32>
    tpu.vector_store %arg8[%swap3A_273, %swap3A_274], %concatenate3A_272 {strides = array<i32>} : memref<256x8xf32, #tpu.memory_space<vmem>>, vector<256x8xf32>,
    %concatenate3A_276 = tpu.concatenate %broadcast_in_dim3A_71, %broadcast_in_dim3A_99, %broadcast_in_dim3A_127, %broadcast_in_dim3A_155, %broadcast_in_dim3A_183, %broadcast_in_dim3A_211, %broadcast_in_dim3A_239, %broadcast_in_dim3A_264 in 1 : vector<256x1xf32>, vector<256x1xf32>, vector<256x1xf32>, vector<256x1xf32>, vector<256x1xf32>, vector<256x1xf32>, vector<256x1xf32>, vector<256x1xf32> -> vector<256x8xf32>
    %convert_element_type3A_277 = arith.fptosi %concatenate3A_276 : vector<256x8xf32> to vector<256x8xi32>
    %swap3A_278 = arith.constant 0 : index
    %swap3A_279 = arith.constant 0 : index
    %swap3A_280 = vector.load %arg9[%swap3A_278, %swap3A_279] : memref<256x8xi32, #tpu.memory_space<vmem>>, vector<256x8xi32>
    tpu.vector_store %arg9[%swap3A_278, %swap3A_279], %convert_element_type3A_277 {strides = array<i32>} : memref<256x8xi32, #tpu.memory_space<vmem>>, vector<256x8xi32>,
    return
  }
  func.func @transform_0(%arg0: i32) -> (i32, i32) {
    %c0_i32 = arith.constant 0 : i32
    %c0_i32_0 = arith.constant 0 : i32
    return %arg0, %c0_i32 : i32, i32
  }
  func.func @transform_1(%arg0: i32) -> (i32, i32) {
    %c0_i32 = arith.constant 0 : i32
    %c0_i32_0 = arith.constant 0 : i32
    %c0_i32_1 = arith.constant 0 : i32
    return %c0_i32, %c0_i32_0 : i32, i32
  }
  func.func @transform_2(%arg0: i32) -> (i32, i32, i32) {
    %c0_i32 = arith.constant 0 : i32
    %c0_i32_0 = arith.constant 0 : i32
    %c0_i32_1 = arith.constant 0 : i32
    return %c0_i32, %arg0, %c0_i32_0 : i32, i32, i32
  }
  func.func @transform_3(%arg0: i32) -> (i32, i32, i32) {
    %c1_i32 = arith.constant 1 : i32
    %c0_i32 = arith.constant 0 : i32
    %c0_i32_0 = arith.constant 0 : i32
    return %c1_i32, %arg0, %c0_i32 : i32, i32, i32
  }
  func.func @transform_4(%arg0: i32) -> (i32, i32, i32) {
    %c0_i32 = arith.constant 0 : i32
    %c0_i32_0 = arith.constant 0 : i32
    %c0_i32_1 = arith.constant 0 : i32
    %c0_i32_2 = arith.constant 0 : i32
    return %c0_i32, %c0_i32_0, %c0_i32_1 : i32, i32, i32
  }
  func.func @transform_5(%arg0: i32) -> (i32, i32) {
    %c0_i32 = arith.constant 0 : i32
    %c0_i32_0 = arith.constant 0 : i32
    return %arg0, %c0_i32 : i32, i32
  }
  func.func @transform_6(%arg0: i32) -> (i32, i32) {
    %c0_i32 = arith.constant 0 : i32
    %c0_i32_0 = arith.constant 0 : i32
    return %arg0, %c0_i32 : i32, i32
  }
  func.func @transform_7(%arg0: i32) -> (i32, i32) {
    %c0_i32 = arith.constant 0 : i32
    %c0_i32_0 = arith.constant 0 : i32
    return %arg0, %c0_i32 : i32, i32
  }
  func.func @transform_8(%arg0: i32) -> (i32, i32) {
    %c0_i32 = arith.constant 0 : i32
    %c0_i32_0 = arith.constant 0 : i32
    return %arg0, %c0_i32 : i32, i32
  }
}

module attributes {stable_mosaic.version = 14 : i64} {
  func.func @_mm_body(%arg0: memref<4096x256xf32, #tpu.memory_space<vmem>>, %arg1: memref<256x256xf32, #tpu.memory_space<vmem>>, %arg2: memref<1x256xf32, #tpu.memory_space<vmem>>, %arg3: memref<4096x256xf32, #tpu.memory_space<vmem>>) attributes {dimension_semantics = [], scalar_prefetch = 0 : i64, scratch_operands = 0 : i64, tpu.core_type = #tpu.core_type<tc>} {
    %get3A = arith.constant 0 : index
    %get3A_0 = arith.constant 0 : index
    %get3A_1 = vector.load %arg0[%get3A, %get3A_0] : memref<4096x256xf32, #tpu.memory_space<vmem>>, vector<4096x256xf32>
    %mul3A = arith.constant 1.250000e-01 : f32
    %mul3A_2 = vector.broadcast %mul3A : f32 to vector<4096x256xf32>
    %mul3A_3 = arith.mulf %get3A_1, %mul3A_2 : vector<4096x256xf32>
    %get3A_4 = arith.constant 0 : index
    %get3A_5 = arith.constant 0 : index
    %get3A_6 = vector.load %arg1[%get3A_4, %get3A_5] : memref<256x256xf32, #tpu.memory_space<vmem>>, vector<256x256xf32>
    %dot_general3A = arith.constant dense<0.000000e+00> : vector<4096x256xf32>
    %dot_general3A_7 = tpu.matmul %mul3A_3, %get3A_6, %dot_general3A {dimension_numbers = #tpu.dot_dimension_numbers<[1], [0], [0], [1], [0, 0, 1, 1], [], []>, transpose_lhs_hint = false} : vector<4096x256xf32>, vector<256x256xf32>, vector<4096x256xf32> -> vector<4096x256xf32>
    %get3A_8 = arith.constant 0 : index
    %get3A_9 = arith.constant 0 : index
    %get3A_10 = vector.load %arg2[%get3A_8, %get3A_9] : memref<1x256xf32, #tpu.memory_space<vmem>>, vector<1x256xf32>
    %add3A = vector.broadcast %get3A_10 : vector<1x256xf32> to vector<4096x256xf32>
    %add3A_11 = arith.addf %dot_general3A_7, %add3A : vector<4096x256xf32>
    %swap3A = arith.constant 0 : index
    %swap3A_12 = arith.constant 0 : index
    %swap3A_13 = vector.load %arg3[%swap3A, %swap3A_12] : memref<4096x256xf32, #tpu.memory_space<vmem>>, vector<4096x256xf32>
    tpu.vector_store %arg3[%swap3A, %swap3A_12], %add3A_11 {strides = array<i32>} : memref<4096x256xf32, #tpu.memory_space<vmem>>, vector<4096x256xf32>,
    return
  }
}

module attributes {stable_mosaic.version = 14 : i64} {
  func.func @_mm_final_body(%arg0: memref<4096x256xf32, #tpu.memory_space<vmem>>, %arg1: memref<256x256xf32, #tpu.memory_space<vmem>>, %arg2: memref<1x256xf32, #tpu.memory_space<vmem>>, %arg3: memref<256x128xf32, #tpu.memory_space<vmem>>, %arg4: memref<1x128xf32, #tpu.memory_space<vmem>>, %arg5: memref<4096x128xf32, #tpu.memory_space<vmem>>) attributes {dimension_semantics = [], scalar_prefetch = 0 : i64, scratch_operands = 0 : i64, tpu.core_type = #tpu.core_type<tc>} {
    %get3A = arith.constant 0 : index
    %get3A_0 = arith.constant 0 : index
    %get3A_1 = vector.load %arg0[%get3A, %get3A_0] : memref<4096x256xf32, #tpu.memory_space<vmem>>, vector<4096x256xf32>
    %mul3A = arith.constant 1.250000e-01 : f32
    %mul3A_2 = vector.broadcast %mul3A : f32 to vector<4096x256xf32>
    %mul3A_3 = arith.mulf %get3A_1, %mul3A_2 : vector<4096x256xf32>
    %get3A_4 = arith.constant 0 : index
    %get3A_5 = arith.constant 0 : index
    %get3A_6 = vector.load %arg1[%get3A_4, %get3A_5] : memref<256x256xf32, #tpu.memory_space<vmem>>, vector<256x256xf32>
    %dot_general3A = arith.constant dense<0.000000e+00> : vector<4096x256xf32>
    %dot_general3A_7 = tpu.matmul %mul3A_3, %get3A_6, %dot_general3A {dimension_numbers = #tpu.dot_dimension_numbers<[1], [0], [0], [1], [0, 0, 1, 1], [], []>, transpose_lhs_hint = false} : vector<4096x256xf32>, vector<256x256xf32>, vector<4096x256xf32> -> vector<4096x256xf32>
    %get3A_8 = arith.constant 0 : index
    %get3A_9 = arith.constant 0 : index
    %get3A_10 = vector.load %arg2[%get3A_8, %get3A_9] : memref<1x256xf32, #tpu.memory_space<vmem>>, vector<1x256xf32>
    %add3A = vector.broadcast %get3A_10 : vector<1x256xf32> to vector<4096x256xf32>
    %add3A_11 = arith.addf %dot_general3A_7, %add3A : vector<4096x256xf32>
    %get3A_12 = arith.constant 0 : index
    %get3A_13 = arith.constant 0 : index
    %get3A_14 = vector.load %arg3[%get3A_12, %get3A_13] : memref<256x128xf32, #tpu.memory_space<vmem>>, vector<256x128xf32>
    %dot_general3A_15 = arith.constant dense<0.000000e+00> : vector<4096x128xf32>
    %dot_general3A_16 = tpu.matmul %add3A_11, %get3A_14, %dot_general3A_15 {dimension_numbers = #tpu.dot_dimension_numbers<[1], [0], [0], [1], [0, 0, 1, 1], [], []>, transpose_lhs_hint = false} : vector<4096x256xf32>, vector<256x128xf32>, vector<4096x128xf32> -> vector<4096x128xf32>
    %get3A_17 = arith.constant 0 : index
    %get3A_18 = arith.constant 0 : index
    %get3A_19 = vector.load %arg4[%get3A_17, %get3A_18] : memref<1x128xf32, #tpu.memory_space<vmem>>, vector<1x128xf32>
    %add3A_20 = vector.broadcast %get3A_19 : vector<1x128xf32> to vector<4096x128xf32>
    %add3A_21 = arith.addf %dot_general3A_16, %add3A_20 : vector<4096x128xf32>
    %swap3A = arith.constant 0 : index
    %swap3A_22 = arith.constant 0 : index
    %swap3A_23 = vector.load %arg5[%swap3A, %swap3A_22] : memref<4096x128xf32, #tpu.memory_space<vmem>>, vector<4096x128xf32>
    tpu.vector_store %arg5[%swap3A, %swap3A_22], %add3A_21 {strides = array<i32>} : memref<4096x128xf32, #tpu.memory_space<vmem>>, vector<4096x128xf32>,
    return
  }
}

</mosaic_0001>

<sc_bundles>
// kernel: kernel.11.cloned.1.call-start
scs
__scs_entry_jumppad:
0x0: {  	(pc) =	sbr.rel $0x88, $3  }
0x1: {  	(tag) =	ssettag $0x0;
	lr =	simm.s32 $0x1  }
0x2: {  	[smem:$0x3F95] =	sst lr;
	_ =	strace $0xD0000000  }
0x3: {  	_ = 	snop  }
0x4: {  	_ = 	snop  }
0x5: {  	_ = 	snop  }
0x6: {  	_ = 	snop  }
0x7: {  	_ = 	snop  }
__scs_overlays_trampoline_lowered:
0x8: {  	[smem:$0x3FA4] =	sst s0  }
0x9: {  	[smem:$0x3FA5] =	sst s1  }
0xa: {  	[smem:$0x3FA6] =	sst s2  }
0xb: {  	[smem:$0x3FA7] =	sst s3  }
0xc: {  	[smem:$0x3FA8] =	sst s4  }
0xd: {  	[smem:$0x3FA9] =	sst s5  }
0xe: {  	[smem:$0x3FAA] =	sst s6  }
0xf: {  	[smem:$0x3FAB] =	sst s7  }
0x10: {  	[smem:$0x3FAC] =	sst s8  }
0x11: {  	[smem:$0x3FAD] =	sst s9;
	s0 =	simm.s32 @!p0 $0x0  }
0x12: {  	s1 =	sld [smem:$0x3F93];
	s0 =	simm.s32 @p0 $0x1  }
0x13: {  	[smem:$0x3FAE] =	sst s0;
	s0 =	simm.s32 @!p1 $0x0  }
0x14: {  	s2 =	sld [smem:$0x3F92];
	s0 =	simm.s32 @p1 $0x1  }
0x15: {  	[smem:$0x3FAF] =	sst s0;
	s0 =	simm.s32 @!p2 $0x0  }
0x16: {  	s3 =	sld [smem:$0x3FDB];
	s0 =	simm.s32 @p2 $0x1  }
0x17: {  	s4 =	simm.s32 $0x1BF5;
	[smem:$0x3FB1] =	sst s0  }
0x18: {  	s0 =	sld [smem:$0x3F94];
	_ =	swait.ge [sflag:s4], $0x0  }
0x19: {  	s7 =	sld [smem:$0x3F95]  }
0x1a: {  	s8 =	sadd.s32 $0xFFFFE003, lr  }
0x1b: {  	s9 =	sadd.s32 $0xFFFFFEF7, lr;
	s5 =	simm.s32 $0xFFFFFFFF;
	p2 =	slt.u32 s8, $0xFFFFF086  }
0x1c: {  	p1 =	slt.u32 s9, $0xF7A;
	s5 =	simm.s32 @!p2 $0x0  }
0x1d: {  	s5 =	simm.s32 @p1 $0x1;
	p0 =	seq.s32 s7, s2  }
0x1e: {  	s7 =	smul.u32 @!p0 $0xF7A, s2;
	p2 =	seq.s32 @!p0 s5, $0x0  }
0x1f: {  	s9 =	smul.u32 $0xF7A, s1;
	s8 =	simm.s32 @!p0 $0x1BF5;
	p2 =	por !p2, p0  }
0x20: {  	[sflag:s8] =	ssyncset.s32 @!p0 $0xFFFFF086;
	s6 =	sadd.s32 @!p0 s3, s7;
	s7 =	simm.s32 @!p0 $0x108  }
0x21: {  	s3 =	sadd.s32 s3, s9;
	s6 =	sadd.s32 @!p0 $0x88, s6;
	s7 =	simm.s32 @p2 $0x1082  }
0x22: {  	[simem:s7], [sflag:s8] =	dma.local @!p0 [hbm:s6], $0xF7A  }
0x23: {  	s9 =	sor.u32 $0xD0000000, s2;
	s6 =	simm.s32 $0x108;
	_ =	swait.ge @!p0 [sflag:s8], $0x0  }
0x24: {  	s3 =	sadd.s32 $0x88, s3;
	s6 =	simm.s32 @!p1 $0x1082;
	[sflag:s4] =	ssyncset.s32 $0xFFFFF086  }
0x25: {  	[simem:s6], [sflag:s4] =	dma.local [hbm:s3], $0xF7A  }
0x26: {  	[smem:$0x3F95] =	sst s1;
	(tag) =	ssettag s2;
	_ =	strace s9  }
0x27: {  	s1 =	sld [smem:$0x3FA5]  }
0x28: {  	s2 =	sld [smem:$0x3FA6]  }
0x29: {  	s4 =	sld [smem:$0x3FA8]  }
0x2a: {  	p0 =	seq.s32 s5, $0x0;
	s5 =	sld [smem:$0x3FA9]  }
0x2b: {  	s6 =	sld [smem:$0x3FAA]  }
0x2c: {  	s7 =	sld [smem:$0x3FAB]  }
0x2d: {  	s3 =	simm.s32 $0x108;
	s8 =	sld [smem:$0x3FAC]  }
0x2e: {  	s3 =	simm.s32 @!p0 $0x1082;
	s9 =	sld [smem:$0x3FAD]  }
0x2f: {  	lr =	sadd.s32 s0, s3;
	s0 =	sld [smem:$0x3FA4]  }
0x30: {  	s3 =	sld [smem:$0x3FA7]  }
0x31: {  	[smem:$0x3FB0] =	sst s10  }
0x32: {  	s10 =	sld [smem:$0x3FAE];
	_ =	sdelay $0x3  }
0x33: {  	p0 =	seq.s32 s10, $0x1;
	s10 =	sld [smem:$0x3FB0];
	_ =	sdelay $0x3  }
0x34: {  	[smem:$0x3FB0] =	sst s10  }
0x35: {  	s10 =	sld [smem:$0x3FAF];
	_ =	sdelay $0x3  }
0x36: {  	p1 =	seq.s32 s10, $0x1;
	s10 =	sld [smem:$0x3FB0];
	_ =	sdelay $0x3  }
0x37: {  	[smem:$0x3FB0] =	sst s10  }
0x38: {  	s10 =	sld [smem:$0x3FB1]  }
0x39: {  	_ = 	snop;
	(pc) =	sbr.ind lr, $3  }
0x3a: {  	_ = 	snop  }
0x3b: {  	_ = 	snop  }
0x3c: {  	p2 =	seq.s32 s10, $0x1;
	s10 =	sld [smem:$0x3FB0]  }
0x3d: {  	_ =	shalt  }
0x3e: {  	_ =	shalt  }
0x3f: {  	_ =	shalt  }
0x40: {  	_ =	shalt  }
0x41: {  	_ =	shalt  }
0x42: {  	_ =	shalt  }
0x43: {  	_ =	shalt  }
0x44: {  	_ =	shalt  }
0x45: {  	_ =	shalt  }
0x46: {  	_ =	shalt  }
0x47: {  	_ =	shalt  }
0x48: {  	_ =	shalt  }
0x49: {  	_ =	shalt  }
0x4a: {  	_ =	shalt  }
0x4b: {  	_ =	shalt  }
0x4c: {  	_ =	shalt  }
0x4d: {  	_ =	shalt  }
0x4e: {  	_ =	shalt  }
0x4f: {  	_ =	shalt  }
0x50: {  	_ =	shalt  }
0x51: {  	_ =	shalt  }
0x52: {  	_ =	shalt  }
0x53: {  	_ =	shalt  }
0x54: {  	_ =	shalt  }
0x55: {  	_ =	shalt  }
0x56: {  	_ =	shalt  }
0x57: {  	_ =	shalt  }
0x58: {  	_ =	shalt  }
0x59: {  	_ =	shalt  }
0x5a: {  	_ =	shalt  }
0x5b: {  	_ =	shalt  }
0x5c: {  	_ =	shalt  }
0x5d: {  	_ =	shalt  }
0x5e: {  	_ =	shalt  }
0x5f: {  	_ =	shalt  }
0x60: {  	_ =	shalt  }
0x61: {  	_ =	shalt  }
0x62: {  	_ =	shalt  }
0x63: {  	_ =	shalt  }
0x64: {  	_ =	shalt  }
0x65: {  	_ =	shalt  }
0x66: {  	_ =	shalt  }
0x67: {  	_ =	shalt  }
0x68: {  	_ =	shalt  }
0x69: {  	_ =	shalt  }
0x6a: {  	_ =	shalt  }
0x6b: {  	_ =	shalt  }
0x6c: {  	_ =	shalt  }
0x6d: {  	_ =	shalt  }
0x6e: {  	_ =	shalt  }
0x6f: {  	_ =	shalt  }
0x70: {  	_ =	shalt  }
0x71: {  	_ =	shalt  }
0x72: {  	_ =	shalt  }
0x73: {  	_ =	shalt  }
0x74: {  	_ =	shalt  }
0x75: {  	_ =	shalt  }
0x76: {  	_ =	shalt  }
0x77: {  	_ =	shalt  }
0x78: {  	_ =	shalt  }
0x79: {  	_ =	shalt  }
0x7a: {  	_ =	shalt  }
0x7b: {  	_ =	shalt  }
0x7c: {  	_ =	shalt  }
0x7d: {  	_ =	shalt  }
0x7e: {  	_ =	shalt  }
0x7f: {  	_ =	shalt  }
0x80: {  	_ =	shalt  }
0x81: {  	_ =	shalt  }
0x82: {  	_ =	shalt  }
0x83: {  	_ =	shalt  }
0x84: {  	_ =	shalt  }
0x85: {  	_ =	shalt  }
0x86: {  	_ =	shalt  }
0x87: {  	_ =	shalt  }
.Lfunc_end0:
.L_simem_size_0:
called_computation.1_lowered:
.L_overlay_start_0:
0x88: {  	s2 =	sld [smem:$0x3FD9]  }
0x89: {  	s3 =	sld [smem:$0x3FFE];
	_ =	sdelay $0x1  }
0x8a: {  	s1 =	srdreg.scid  }
0x8b: {  	s0 =	sand.u32 $0x1, s1  }
0x8c: {  	s14 =	sshll.u32 s0, $0xA;
	s2 =	sadd.s32 s3, s2  }
0x8d: {  	s2 =	sadd.s32 s2, s14  }
0x8e: {  	[smem:$0x3FBC] =	sst s2  }
0x8f: {  	_ = 	snop  }
0x90: {  	s2 =	sld [smem:$0x3FD0];
	_ =	sdelay $0x2  }
0x91: {  	s15 =	simm.s32 $0xA;
	s4 =	simm.s32 $0x10  }
0x92: {  	[smem:s4], [sflag:s15] =	dma.local [hbm:s2], $0x1  }
0x93: {  	_ =	swait.eq [sflag:s15], $0x1  }
0x94: {  	[sflag:s15] =	ssyncset.done $0x0  }
0x95: {  	[sflag:s15] =	ssyncadd.s32 $0xFFFFFFFF  }
0x96: {  	s16 =	sld [smem:$0x10];
	(tm) =	ssettm $0x1  }
0x97: {  	s17 =	sld [smem:$0x3FFB];
	_ =	sdelay $0x3  }
0x98: {  	_ =	strace s17  }
0x99: {  	s3 =	sld [smem:$0x3FFC];
	_ =	sdelay $0x3  }
0x9a: {  	_ =	strace s3  }
0x9b: {  	s3 =	sld [smem:$0x3FFD];
	_ =	sdelay $0x3  }
0x9c: {  	_ =	strace s3  }
0x9d: {  	_ =	strace $0x8FFFFFFF  }
0x9e: {  	s18 =	sld [smem:$0x3FDB];
	_ =	sdelay $0x1  }
0x9f: {  	s19 =	simm.s32 $_scs_section_size  }
0xa0: {  	s5 =	simm.s32 $_size__tile_overlayer_lowered;
	s6 =	simm.s32 $_tile_overlayer_lowered  }
0xa1: {  	s22 =	simm.s32 $0x1BFF;
	s21 =	sshll.u32 s6, $0x1;
	s3 =	sadd.s32 s19, s18  }
0xa2: {  	s7 =	simm.s32 $0x0;
	s20 =	sshll.u32 s5, $0x1;
	s5 =	sadd.s32 s21, s3  }
0xa3: {  	[timem:s7], [sflag:s22] =	dma.local [hbm:s5], s20  }
0xa4: {  	_ =	swait.ge [sflag:s22], s20  }
0xa5: {  	s4 =	ssub.s32 $0x0, s20;
	[sflag:s22] =	ssyncset.done $0x0  }
0xa6: {  	[sflag:s22] =	ssyncadd.s32 s4;
	_ =	sdelay $0x1  }
0xa7: {  	s23 =	simm.s32 $0x1B8B  }
0xa8: {  	_ =	swait.ge [sflag:s23], $0x1  }
0xa9: {  	[sflag:s23] =	ssyncset.done $0x0  }
0xaa: {  	s25 =	simm.s32 $0x1B8E;
	s24 =	sld [smem:$0x3FFE];
	[sflag:s23] =	ssyncadd.s32 $0xFFFFFFFF  }
0xab: {  	s26 =	simm.s32 $execute0_lowered;
	[smem:$0x3FD2] =	sst s25  }
0xac: {  	s5 =	sshll.u32 s26, $0x1;
	_ =	strace $0x80000049;
	[dreg:$0x1] =	wrdreg $0xFFFFFFFF  }
0xad: {  	s28 =	simm.s32 $_size_execute0_lowered;
	s3 =	sadd.s32 s3, s5;
	[dreg:$0x0] =	wrdreg $0x0  }
0xae: {  	s5 =	sshll.u32 s28, $0x1;
	[dreg:$0x2] =	wrdreg s3  }
0xaf: {  	[dreg:$0x3] =	wrdreg s5  }
0xb0: {  	[dreg:$0x4] =	wrdreg $0xC0  }
0xb1: {  	_ =	task [dreg:s7], $0x5FFFF  }
0xb2: {  	[dreg:$0x1] =	wrdreg $0xFFFFFFFF  }
0xb3: {  	[dreg:$0x0] =	wrdreg $0x60  }
0xb4: {  	[dreg:$0x2] =	wrdreg s24  }
0xb5: {  	[dreg:$0x3] =	wrdreg s16  }
0xb6: {  	[dreg:$0x4] =	wrdreg $0x9  }
0xb7: {  	_ =	task.clear_ibuf [dreg:s7], $0x5FFFF;
	_ =	strace $0x90000049  }
0xb8: {  	s29 =	simm.s32 $0x9;
	_ =	strace $0x8000004B  }
0xb9: {  	_ =	swait.ge [sflag:s29], $0x1  }
0xba: {  	[sflag:s29] =	ssyncadd.s32 $0xFFFFFFFF  }
0xbb: {  	_ =	strace $0x9000004B  }
0xbc: {  	_ =	sfence  }
0xbd: {  	s30 =	sld [smem:$0x0];
	_ =	sdelay $0x2  }
0xbe: {  	s31 =	sshll.u32 s1, $0xD;
	s1 =	sshrl.u32 s1, $0x2  }
0xbf: {  	s3 =	sand.u32 $0x4000, s31;
	s1 =	sadd.s32 s1, s30  }
0xc0: {  	s0 =	sor.u32 s3, s0;
	s1 =	sshll.u32 s1, $0x11  }
0xc1: {  	s0 =	sor.u32 s1, s0  }
0xc2: {  	s0 =	sadd.s32 $0x8F2B, s0  }
0xc3: {  	[sflag:s0] =	ssyncadd.remote.s32 $0x1  }
0xc4: {  	_ =	sfence.sel $0xFFFF  }
0xc5: {  	[dreg:$0x0] =	wrdreg $0xFFFFFFFF;
	(pc) =	sbr.abs _section_cstart, $3  }
0xc6: {  	[dreg:$0x1] =	wrdreg $0xFFFFFFFF  }
0xc7: {  	_ =	task.clear_ibuf [dreg:s7], $0x2FFFF;
	_ =	strace $0x9FFFFFFF  }
0xc8: {  	(tm) =	ssettm $0x7FFFFFFF  }
0xc9: {  	_ =	shalt  }
tec
execute0_lowered:
.L_overlay_start_1:
0x0: {  	(tag) =	ssettag $0x1  }
0x1: {  	s0 =	rddreg [dreg:$0x0]  }
0x2: {  	s1 =	rddreg [dreg:$0x1];
	s2 =	simm.s32 $0x0;
	s3 =	srdreg.scid  }
0x3: {  	s5 =	stileid.u32;
	s14 =	simm.s32 $0x3;
	s21 =	simm.s32 $0x6C00  }
0x4: {  	s22 =	simm.s32 $0x7400;
	s23 =	simm.s32 $0x7C00;
	s24 =	simm.s32 $0x8400  }
0x5: {  	s25 =	simm.s32 $0x8C00;
	s28 =	simm.s32 $0x9C00;
	s29 =	simm.s32 $0xA400  }
0x6: {  	s30 =	simm.s32 $0xAC00;
	s31 =	simm.s32 $0xB400;
	s8 =	simm.s32 $0xEC00  }
0x7: {  	s9 =	simm.s32 $0xF400;
	s10 =	simm.s32 $0xFC00;
	s11 =	simm.s32 $0x1  }
0x8: {  	s12 =	simm.s32 $0x2;
	s15 =	simm.s32 $0x0;
	[smem:$0x7FF] =	sst s2  }
0x9: {  	s4 =	sand.u32 $0x1, s3;
	s5 =	sshll.u32 s5, $0x1;
	s3 =	sadd.s32 $0x2E00, s0  }
0xa: {  	_ =	strace $0x8000004A;
	s5 =	sor.u32 s4, s5;
	s4 =	ssub.s32 $0x2, s4  }
0xb: {  	s6 =	sshll.u32 s5, $0xC;
	s7 =	sshrl.u32 s4, $0x1;
	s5 =	sshll.u32 s5, $0x7  }
0xc: {  	s0 =	sadd.s32 s6, s0;
	s4 =	ssub.s32 s4, s7;
	s1 =	sadd.s32 s1, s5  }
0xd: {  	s5 =	simm.s32 $0xD400;
	s6 =	simm.s32 $0xDC00;
	s7 =	simm.s32 $0xE400  }
0xe: {  	v2 =	vlaneseq.u32;
	[dreg:$0x3] =	wrdreg s1;
	s0 =	sadd.s32 $0x22E00, s0;
	s26 =	smax.u32 s4, $0x1  }
0xf: {  	vm0 =	vmmov $0xffff;
	v1 =	vshrl.u32 v2, $0x3;
	s1 =	simm.s32 $0xC400;
	s4 =	simm.s32 $0xCC00;
	[dreg:$0x4] =	wrdreg s0  }
0x10: {  	v0 =	vand.u32 $0x7, v2;
	v2 =	vor.u32 $0x8, v2;
	v1 =	vmul.u32 $0x8, v1;
	[dreg:$0x5] =	wrdreg s26;
	s26 =	simm.s32 $0x9400;
	s0 =	simm.s32 $0xBC00  }
.LBB2_1:
0x11: {  	[dreg:$0x6] =	wrdreg s15  }
0x12: {  	s13 =	rddreg [dreg:$0x3]  }
0x13: {  	[tilespmem:s2], [sflag:$0x3] =	stream.linear.gather [hbm4b:s13+s2], $0x400, $0x38;
	[tilespmem:$0x18400] =	vst v63  }
0x14: {  	_ =	swait.ge [sflag:s14], $0x400  }
0x15: {  	[sflag:s14] =	ssyncset.done $0x0  }
0x16: {  	[sflag:s14] =	ssyncadd.s32 $0xFFFFFC00  }
0x17: {  	v3 =	vld [tilespmem:$0x0];
	_ =	sdelay $0x4  }
0x18: {  	v4 =	vshll.u32 v3, $0x1  }
0x19: {  	v3 =	vand.u32 $0x7, v3;
	v4 =	vand.u32 $0xFFFFFFF0, v4  }
0x1a: {  	v3 =	vor.u32 v3, v4  }
0x1b: {  	v4 =	vperm.xlane v3, v0;
	_ =	sdelay $0x1  }
0x1c: {  	v3 =	vperm.xlane v3, v2;
	v4 =	vadd.s32 v1, v4;
	_ =	sdelay $0x1  }
0x1d: {  	v3 =	vadd.s32 v1, v3;
	_ =	sdelay $0x1  }
0x1e: {  	s15 =	simm.s32 $0x400  }
0x1f: {  	[tilespmem:s15], [sflag:$0x1] =	stream.indirect_vreg.gather [hbm4b:s3+s2], $0x80, v4, vm0, $0xb8;
	[tilespmem:$0x18400] =	vst v63  }
0x20: {  	s16 =	simm.s32 $0xC00  }
0x21: {  	[tilespmem:s16], [sflag:$0x1] =	stream.indirect_vreg.gather [hbm4b:s3+s2], $0x80, v3, vm0, $0xb8;
	[tilespmem:$0x18400] =	vst v63  }
0x22: {  	v3 =	vld [tilespmem:$0x10];
	_ =	sdelay $0x4  }
0x23: {  	v57 =	vshll.u32 v3, $0x1  }
0x24: {  	v3 =	vand.u32 $0x7, v3;
	v4 =	vand.u32 $0xFFFFFFF0, v57  }
0x25: {  	v3 =	vor.u32 v3, v4  }
0x26: {  	v4 =	vperm.xlane v3, v0;
	_ =	sdelay $0x1  }
0x27: {  	v3 =	vperm.xlane v3, v2;
	v4 =	vadd.s32 v1, v4;
	_ =	sdelay $0x1  }
0x28: {  	v3 =	vadd.s32 v1, v3;
	_ =	sdelay $0x1  }
0x29: {  	s17 =	simm.s32 $0x1400  }
0x2a: {  	[tilespmem:s17], [sflag:$0x1] =	stream.indirect_vreg.gather [hbm4b:s3+s2], $0x80, v4, vm0, $0xb8;
	[tilespmem:$0x18400] =	vst v63  }
0x2b: {  	s18 =	simm.s32 $0x1C00  }
0x2c: {  	[tilespmem:s18], [sflag:$0x1] =	stream.indirect_vreg.gather [hbm4b:s3+s2], $0x80, v3, vm0, $0xb8;
	[tilespmem:$0x18400] =	vst v63  }
0x2d: {  	v3 =	vld [tilespmem:$0x20];
	_ =	sdelay $0x4  }
0x2e: {  	v58 =	vshll.u32 v3, $0x1  }
0x2f: {  	v3 =	vand.u32 $0x7, v3;
	v4 =	vand.u32 $0xFFFFFFF0, v58  }
0x30: {  	v3 =	vor.u32 v3, v4  }
0x31: {  	v4 =	vperm.xlane v3, v0;
	_ =	sdelay $0x1  }
0x32: {  	v3 =	vperm.xlane v3, v2;
	v4 =	vadd.s32 v1, v4;
	_ =	sdelay $0x1  }
0x33: {  	v3 =	vadd.s32 v1, v3;
	_ =	sdelay $0x1  }
0x34: {  	s19 =	simm.s32 $0x2400  }
0x35: {  	[tilespmem:s19], [sflag:$0x1] =	stream.indirect_vreg.gather [hbm4b:s3+s2], $0x80, v4, vm0, $0xb8;
	[tilespmem:$0x18400] =	vst v63  }
0x36: {  	s20 =	simm.s32 $0x2C00  }
0x37: {  	[tilespmem:s20], [sflag:$0x1] =	stream.indirect_vreg.gather [hbm4b:s3+s2], $0x80, v3, vm0, $0xb8;
	[tilespmem:$0x18400] =	vst v63  }
0x38: {  	v3 =	vld [tilespmem:$0x30];
	_ =	sdelay $0x4  }
0x39: {  	v59 =	vshll.u32 v3, $0x1  }
0x3a: {  	v3 =	vand.u32 $0x7, v3;
	v4 =	vand.u32 $0xFFFFFFF0, v59  }
0x3b: {  	v3 =	vor.u32 v3, v4  }
0x3c: {  	v4 =	vperm.xlane v3, v0;
	_ =	sdelay $0x1  }
0x3d: {  	v3 =	vperm.xlane v3, v2;
	v4 =	vadd.s32 v1, v4;
	_ =	sdelay $0x1  }
0x3e: {  	v3 =	vadd.s32 v1, v3;
	_ =	sdelay $0x1  }
0x3f: {  	s14 =	simm.s32 $0x3400  }
0x40: {  	[tilespmem:s14], [sflag:$0x1] =	stream.indirect_vreg.gather [hbm4b:s3+s2], $0x80, v4, vm0, $0xb8;
	[tilespmem:$0x18400] =	vst v63  }
0x41: {  	s15 =	simm.s32 $0x3C00  }
0x42: {  	[tilespmem:s15], [sflag:$0x1] =	stream.indirect_vreg.gather [hbm4b:s3+s2], $0x80, v3, vm0, $0xb8;
	[tilespmem:$0x18400] =	vst v63  }
0x43: {  	v3 =	vld [tilespmem:$0x40];
	_ =	sdelay $0x4  }
0x44: {  	v60 =	vshll.u32 v3, $0x1  }
0x45: {  	v3 =	vand.u32 $0x7, v3;
	v4 =	vand.u32 $0xFFFFFFF0, v60  }
0x46: {  	v3 =	vor.u32 v3, v4  }
0x47: {  	v4 =	vperm.xlane v3, v0;
	_ =	sdelay $0x1  }
0x48: {  	v3 =	vperm.xlane v3, v2;
	v4 =	vadd.s32 v1, v4;
	_ =	sdelay $0x1  }
0x49: {  	v3 =	vadd.s32 v1, v3;
	_ =	sdelay $0x1  }
0x4a: {  	s16 =	simm.s32 $0x4400  }
0x4b: {  	[tilespmem:s16], [sflag:$0x1] =	stream.indirect_vreg.gather [hbm4b:s3+s2], $0x80, v4, vm0, $0xb8;
	[tilespmem:$0x18400] =	vst v63  }
0x4c: {  	s17 =	simm.s32 $0x4C00  }
0x4d: {  	[tilespmem:s17], [sflag:$0x1] =	stream.indirect_vreg.gather [hbm4b:s3+s2], $0x80, v3, vm0, $0xb8;
	[tilespmem:$0x18400] =	vst v63  }
0x4e: {  	v3 =	vld [tilespmem:$0x50];
	_ =	sdelay $0x4  }
0x4f: {  	v61 =	vshll.u32 v3, $0x1  }
0x50: {  	v3 =	vand.u32 $0x7, v3;
	v4 =	vand.u32 $0xFFFFFFF0, v61  }
0x51: {  	v3 =	vor.u32 v3, v4  }
0x52: {  	v4 =	vperm.xlane v3, v0;
	_ =	sdelay $0x1  }
0x53: {  	v3 =	vperm.xlane v3, v2;
	v4 =	vadd.s32 v1, v4;
	_ =	sdelay $0x1  }
0x54: {  	v3 =	vadd.s32 v1, v3;
	_ =	sdelay $0x1  }
0x55: {  	s18 =	simm.s32 $0x5400  }
0x56: {  	[tilespmem:s18], [sflag:$0x1] =	stream.indirect_vreg.gather [hbm4b:s3+s2], $0x80, v4, vm0, $0xb8;
	[tilespmem:$0x18400] =	vst v63  }
0x57: {  	s19 =	simm.s32 $0x5C00  }
0x58: {  	[tilespmem:s19], [sflag:$0x1] =	stream.indirect_vreg.gather [hbm4b:s3+s2], $0x80, v3, vm0, $0xb8;
	[tilespmem:$0x18400] =	vst v63  }
0x59: {  	v3 =	vld [tilespmem:$0x60];
	_ =	sdelay $0x4  }
0x5a: {  	v62 =	vshll.u32 v3, $0x1  }
0x5b: {  	v3 =	vand.u32 $0x7, v3;
	v4 =	vand.u32 $0xFFFFFFF0, v62  }
0x5c: {  	v3 =	vor.u32 v3, v4  }
0x5d: {  	v4 =	vperm.xlane v3, v0;
	_ =	sdelay $0x1  }
0x5e: {  	v3 =	vperm.xlane v3, v2;
	v4 =	vadd.s32 v1, v4;
	_ =	sdelay $0x1  }
0x5f: {  	v3 =	vadd.s32 v1, v3;
	_ =	sdelay $0x1  }
0x60: {  	s20 =	simm.s32 $0x6400  }
0x61: {  	[tilespmem:s20], [sflag:$0x1] =	stream.indirect_vreg.gather [hbm4b:s3+s2], $0x80, v4, vm0, $0xb8;
	[tilespmem:$0x18400] =	vst v63  }
0x62: {  	_ = 	snop  }
0x63: {  	[tilespmem:s21], [sflag:$0x1] =	stream.indirect_vreg.gather [hbm4b:s3+s2], $0x80, v3, vm0, $0xb8;
	[tilespmem:$0x18400] =	vst v63  }
0x64: {  	v3 =	vld [tilespmem:$0x70];
	_ =	sdelay $0x4  }
0x65: {  	v63 =	vshll.u32 v3, $0x1  }
0x66: {  	v3 =	vand.u32 $0x7, v3;
	v4 =	vand.u32 $0xFFFFFFF0, v63  }
0x67: {  	v3 =	vor.u32 v3, v4  }
0x68: {  	v4 =	vperm.xlane v3, v0;
	_ =	sdelay $0x1  }
0x69: {  	v3 =	vperm.xlane v3, v2;
	v4 =	vadd.s32 v1, v4;
	_ =	sdelay $0x1  }
0x6a: {  	v3 =	vadd.s32 v1, v3;
	_ =	sdelay $0x2  }
0x6b: {  	[tilespmem:s22], [sflag:$0x1] =	stream.indirect_vreg.gather [hbm4b:s3+s2], $0x80, v4, vm0, $0xb8;
	[tilespmem:$0x18400] =	vst v63  }
0x6c: {  	s13 =	simm.s32 $0x0  }
0x6d: {  	[tilespmem:s23], [sflag:$0x1] =	stream.indirect_vreg.gather [hbm4b:s3+s2], $0x80, v3, vm0, $0xb8;
	[tilespmem:$0x18400] =	vst v63  }
.LBB2_2:
0x6e: {  	s14 =	sshllo.u32 s13, $0x1  }
0x6f: {  	s15 =	sshll.u32 s14, $0x7  }
0x70: {  	s16 =	sand.u32 $0x3FFFFF80, s15  }
0x71: {  	v3 =	vld [tilespmem:s16+$0x0];
	_ =	sdelay $0x4  }
0x72: {  	v4 =	vshll.u32 v3, $0x1  }
0x73: {  	v3 =	vand.u32 $0x7, v3;
	v4 =	vand.u32 $0xFFFFFFF0, v4  }
0x74: {  	v3 =	vor.u32 v3, v4  }
0x75: {  	v4 =	vperm.xlane v3, v0;
	_ =	sdelay $0x1  }
0x76: {  	v3 =	vperm.xlane v3, v2;
	v4 =	vadd.s32 v1, v4;
	_ =	sdelay $0x1  }
0x77: {  	v3 =	vadd.s32 v1, v3;
	_ =	sdelay $0x1  }
0x78: {  	s15 =	simm.s32 $0x0  }
0x79: {  	[tilespmem:s24], [sflag:$0x2] =	stream.indirect_vreg.gather [hbm4b:s3+s15], $0x80, v4, vm0, $0xb8;
	[tilespmem:$0x18400] =	vst v63  }
0x7a: {  	_ = 	snop  }
0x7b: {  	[tilespmem:s25], [sflag:$0x2] =	stream.indirect_vreg.gather [hbm4b:s3+s15], $0x80, v3, vm0, $0xb8;
	[tilespmem:$0x18400] =	vst v63  }
0x7c: {  	v3 =	vld [tilespmem:s16+$0x10];
	_ =	sdelay $0x4  }
0x7d: {  	v57 =	vshll.u32 v3, $0x1  }
0x7e: {  	v3 =	vand.u32 $0x7, v3;
	v4 =	vand.u32 $0xFFFFFFF0, v57  }
0x7f: {  	v3 =	vor.u32 v3, v4  }
0x80: {  	v4 =	vperm.xlane v3, v0;
	_ =	sdelay $0x1  }
0x81: {  	v3 =	vperm.xlane v3, v2;
	v4 =	vadd.s32 v1, v4;
	_ =	sdelay $0x1  }
0x82: {  	v3 =	vadd.s32 v1, v3;
	_ =	sdelay $0x2  }
0x83: {  	[tilespmem:s26], [sflag:$0x2] =	stream.indirect_vreg.gather [hbm4b:s3+s15], $0x80, v4, vm0, $0xb8;
	[tilespmem:$0x18400] =	vst v63  }
0x84: {  	_ = 	snop  }
0x85: {  	[tilespmem:s28], [sflag:$0x2] =	stream.indirect_vreg.gather [hbm4b:s3+s15], $0x80, v3, vm0, $0xb8;
	[tilespmem:$0x18400] =	vst v63  }
0x86: {  	v3 =	vld [tilespmem:s16+$0x20];
	_ =	sdelay $0x4  }
0x87: {  	v58 =	vshll.u32 v3, $0x1  }
0x88: {  	v3 =	vand.u32 $0x7, v3;
	v4 =	vand.u32 $0xFFFFFFF0, v58  }
0x89: {  	v3 =	vor.u32 v3, v4  }
0x8a: {  	v4 =	vperm.xlane v3, v0;
	_ =	sdelay $0x1  }
0x8b: {  	v3 =	vperm.xlane v3, v2;
	v4 =	vadd.s32 v1, v4;
	_ =	sdelay $0x1  }
0x8c: {  	v3 =	vadd.s32 v1, v3;
	_ =	sdelay $0x2  }
0x8d: {  	[tilespmem:s29], [sflag:$0x2] =	stream.indirect_vreg.gather [hbm4b:s3+s15], $0x80, v4, vm0, $0xb8;
	[tilespmem:$0x18400] =	vst v63  }
0x8e: {  	_ = 	snop  }
0x8f: {  	[tilespmem:s30], [sflag:$0x2] =	stream.indirect_vreg.gather [hbm4b:s3+s15], $0x80, v3, vm0, $0xb8;
	[tilespmem:$0x18400] =	vst v63  }
0x90: {  	v3 =	vld [tilespmem:s16+$0x30];
	_ =	sdelay $0x4  }
0x91: {  	v59 =	vshll.u32 v3, $0x1  }
0x92: {  	v3 =	vand.u32 $0x7, v3;
	v4 =	vand.u32 $0xFFFFFFF0, v59  }
0x93: {  	v3 =	vor.u32 v3, v4  }
0x94: {  	v4 =	vperm.xlane v3, v0;
	_ =	sdelay $0x1  }
0x95: {  	v3 =	vperm.xlane v3, v2;
	v4 =	vadd.s32 v1, v4;
	_ =	sdelay $0x1  }
0x96: {  	v3 =	vadd.s32 v1, v3;
	_ =	sdelay $0x2  }
0x97: {  	[tilespmem:s31], [sflag:$0x2] =	stream.indirect_vreg.gather [hbm4b:s3+s15], $0x80, v4, vm0, $0xb8;
	[tilespmem:$0x18400] =	vst v63  }
0x98: {  	_ = 	snop  }
0x99: {  	[tilespmem:s0], [sflag:$0x2] =	stream.indirect_vreg.gather [hbm4b:s3+s15], $0x80, v3, vm0, $0xb8;
	[tilespmem:$0x18400] =	vst v63  }
0x9a: {  	v3 =	vld [tilespmem:s16+$0x40];
	_ =	sdelay $0x4  }
0x9b: {  	v60 =	vshll.u32 v3, $0x1  }
0x9c: {  	v3 =	vand.u32 $0x7, v3;
	v4 =	vand.u32 $0xFFFFFFF0, v60  }
0x9d: {  	v3 =	vor.u32 v3, v4  }
0x9e: {  	v4 =	vperm.xlane v3, v0;
	_ =	sdelay $0x1  }
0x9f: {  	v3 =	vperm.xlane v3, v2;
	v4 =	vadd.s32 v1, v4;
	_ =	sdelay $0x1  }
0xa0: {  	v3 =	vadd.s32 v1, v3;
	_ =	sdelay $0x2  }
0xa1: {  	[tilespmem:s1], [sflag:$0x2] =	stream.indirect_vreg.gather [hbm4b:s3+s15], $0x80, v4, vm0, $0xb8;
	[tilespmem:$0x18400] =	vst v63  }
0xa2: {  	_ = 	snop  }
0xa3: {  	[tilespmem:s4], [sflag:$0x2] =	stream.indirect_vreg.gather [hbm4b:s3+s15], $0x80, v3, vm0, $0xb8;
	[tilespmem:$0x18400] =	vst v63  }
0xa4: {  	v3 =	vld [tilespmem:s16+$0x50];
	_ =	sdelay $0x4  }
0xa5: {  	v61 =	vshll.u32 v3, $0x1  }
0xa6: {  	v3 =	vand.u32 $0x7, v3;
	v4 =	vand.u32 $0xFFFFFFF0, v61  }
0xa7: {  	v3 =	vor.u32 v3, v4  }
0xa8: {  	v4 =	vperm.xlane v3, v0;
	_ =	sdelay $0x1  }
0xa9: {  	v3 =	vperm.xlane v3, v2;
	v4 =	vadd.s32 v1, v4;
	_ =	sdelay $0x1  }
0xaa: {  	v3 =	vadd.s32 v1, v3;
	_ =	sdelay $0x2  }
0xab: {  	[tilespmem:s5], [sflag:$0x2] =	stream.indirect_vreg.gather [hbm4b:s3+s15], $0x80, v4, vm0, $0xb8;
	[tilespmem:$0x18400] =	vst v63  }
0xac: {  	_ = 	snop  }
0xad: {  	[tilespmem:s6], [sflag:$0x2] =	stream.indirect_vreg.gather [hbm4b:s3+s15], $0x80, v3, vm0, $0xb8;
	[tilespmem:$0x18400] =	vst v63  }
0xae: {  	v3 =	vld [tilespmem:s16+$0x60];
	_ =	sdelay $0x4  }
0xaf: {  	v62 =	vshll.u32 v3, $0x1  }
0xb0: {  	v3 =	vand.u32 $0x7, v3;
	v4 =	vand.u32 $0xFFFFFFF0, v62  }
0xb1: {  	v3 =	vor.u32 v3, v4  }
0xb2: {  	v4 =	vperm.xlane v3, v0;
	_ =	sdelay $0x1  }
0xb3: {  	v3 =	vperm.xlane v3, v2;
	v4 =	vadd.s32 v1, v4;
	_ =	sdelay $0x1  }
0xb4: {  	v3 =	vadd.s32 v1, v3;
	_ =	sdelay $0x2  }
0xb5: {  	[tilespmem:s7], [sflag:$0x2] =	stream.indirect_vreg.gather [hbm4b:s3+s15], $0x80, v4, vm0, $0xb8;
	[tilespmem:$0x18400] =	vst v63  }
0xb6: {  	_ = 	snop  }
0xb7: {  	[tilespmem:s8], [sflag:$0x2] =	stream.indirect_vreg.gather [hbm4b:s3+s15], $0x80, v3, vm0, $0xb8;
	[tilespmem:$0x18400] =	vst v63  }
0xb8: {  	v3 =	vld [tilespmem:s16+$0x70];
	_ =	sdelay $0x4  }
0xb9: {  	v63 =	vshll.u32 v3, $0x1  }
0xba: {  	v3 =	vand.u32 $0x7, v3;
	v4 =	vand.u32 $0xFFFFFFF0, v63  }
0xbb: {  	v3 =	vor.u32 v3, v4  }
0xbc: {  	v4 =	vperm.xlane v3, v0;
	_ =	sdelay $0x1  }
0xbd: {  	v3 =	vperm.xlane v3, v2;
	v4 =	vadd.s32 v1, v4;
	_ =	sdelay $0x1  }
0xbe: {  	v3 =	vadd.s32 v1, v3;
	_ =	sdelay $0x2  }
0xbf: {  	[tilespmem:s9], [sflag:$0x2] =	stream.indirect_vreg.gather [hbm4b:s3+s15], $0x80, v4, vm0, $0xb8;
	[tilespmem:$0x18400] =	vst v63  }
0xc0: {  	_ = 	snop  }
0xc1: {  	[tilespmem:s10], [sflag:$0x2] =	stream.indirect_vreg.gather [hbm4b:s3+s15], $0x80, v3, vm0, $0xb8;
	[tilespmem:$0x18400] =	vst v63  }
0xc2: {  	s20 =	sshll.u32 s13, $0xD;
	_ =	swait.ge [sflag:s11], $0x8000  }
0xc3: {  	s17 =	simm.s32 $0x800;
	s16 =	sand.u32 $0x3FFFE000, s20;
	[sflag:s11] =	ssyncset.done $0x0  }
0xc4: {  	s18 =	simm.s32 $0x0;
	s16 =	sadd.s32 $0x10400, s16;
	[sflag:s11] =	ssyncadd.s32 $0xFFFF8000  }
.LBB2_3:
0xc5: {  	v3 =	vld [tilespmem:s17+$0xFFFFFC00]  }
0xc6: {  	v4 =	vld [tilespmem:s17+$0xFFFFFC80]  }
0xc7: {  	v5 =	vld [tilespmem:s17+$0xFFFFFD00]  }
0xc8: {  	v6 =	vld [tilespmem:s17+$0xFFFFFD80]  }
0xc9: {  	v7 =	vld [tilespmem:s17+$0xFFFFFE00]  }
0xca: {  	v8 =	vld [tilespmem:s17+$0xFFFFFE80]  }
0xcb: {  	v9 =	vld [tilespmem:s17+$0xFFFFFF00]  }
0xcc: {  	v10 =	vld [tilespmem:s17+$0xFFFFFF80];
	_ =	sdelay $0x3  }
0xcd: {  	v3 =	vadd.f32 v4, v3;
	v52 =	vadd.f32 v6, v5  }
0xce: {  	v53 =	vadd.f32 v8, v7;
	v54 =	vadd.f32 v10, v9;
	_ =	sdelay $0x1  }
0xcf: {  	v3 =	vadd.f32 v52, v3;
	v55 =	vadd.f32 v54, v53  }
0xd0: {  	s19 =	sand.u32 $0x800, s18  }
0xd1: {  	s20 =	sand.u32 $0x380, s15;
	s19 =	sadd.s32 s19, s16;
	v3 =	vadd.f32 v55, v3  }
0xd2: {  	s19 =	sadd.s32 s20, s19  }
0xd3: {  	[tilespmem:s19+$0x0] =	vst v3  }
0xd4: {  	v3 =	vld [tilespmem:s17+$0xFFFFFC10]  }
0xd5: {  	v56 =	vld [tilespmem:s17+$0xFFFFFC90]  }
0xd6: {  	v57 =	vld [tilespmem:s17+$0xFFFFFD10]  }
0xd7: {  	v58 =	vld [tilespmem:s17+$0xFFFFFD90]  }
0xd8: {  	v59 =	vld [tilespmem:s17+$0xFFFFFE10]  }
0xd9: {  	v60 =	vld [tilespmem:s17+$0xFFFFFE90]  }
0xda: {  	v61 =	vld [tilespmem:s17+$0xFFFFFF10]  }
0xdb: {  	v62 =	vld [tilespmem:s17+$0xFFFFFF90];
	_ =	sdelay $0x3  }
0xdc: {  	v3 =	vadd.f32 v56, v3;
	v63 =	vadd.f32 v58, v57  }
0xdd: {  	v11 =	vadd.f32 v60, v59;
	v12 =	vadd.f32 v62, v61;
	_ =	sdelay $0x1  }
0xde: {  	v3 =	vadd.f32 v63, v3;
	v13 =	vadd.f32 v12, v11;
	_ =	sdelay $0x1  }
0xdf: {  	v3 =	vadd.f32 v13, v3;
	_ =	sdelay $0x1  }
0xe0: {  	[tilespmem:s19+$0x10] =	vst v3  }
0xe1: {  	v3 =	vld [tilespmem:s17+$0xFFFFFC20]  }
0xe2: {  	v14 =	vld [tilespmem:s17+$0xFFFFFCA0]  }
0xe3: {  	v15 =	vld [tilespmem:s17+$0xFFFFFD20]  }
0xe4: {  	v16 =	vld [tilespmem:s17+$0xFFFFFDA0]  }
0xe5: {  	v17 =	vld [tilespmem:s17+$0xFFFFFE20]  }
0xe6: {  	v18 =	vld [tilespmem:s17+$0xFFFFFEA0]  }
0xe7: {  	v19 =	vld [tilespmem:s17+$0xFFFFFF20]  }
0xe8: {  	v20 =	vld [tilespmem:s17+$0xFFFFFFA0];
	_ =	sdelay $0x3  }
0xe9: {  	v3 =	vadd.f32 v14, v3;
	v21 =	vadd.f32 v16, v15  }
0xea: {  	v22 =	vadd.f32 v18, v17;
	v23 =	vadd.f32 v20, v19;
	_ =	sdelay $0x1  }
0xeb: {  	v3 =	vadd.f32 v21, v3;
	v24 =	vadd.f32 v23, v22;
	_ =	sdelay $0x1  }
0xec: {  	v3 =	vadd.f32 v24, v3;
	_ =	sdelay $0x1  }
0xed: {  	[tilespmem:s19+$0x20] =	vst v3  }
0xee: {  	v3 =	vld [tilespmem:s17+$0xFFFFFC30]  }
0xef: {  	v25 =	vld [tilespmem:s17+$0xFFFFFCB0]  }
0xf0: {  	v26 =	vld [tilespmem:s17+$0xFFFFFD30]  }
0xf1: {  	v27 =	vld [tilespmem:s17+$0xFFFFFDB0]  }
0xf2: {  	v28 =	vld [tilespmem:s17+$0xFFFFFE30]  }
0xf3: {  	v29 =	vld [tilespmem:s17+$0xFFFFFEB0]  }
0xf4: {  	v30 =	vld [tilespmem:s17+$0xFFFFFF30]  }
0xf5: {  	v31 =	vld [tilespmem:s17+$0xFFFFFFB0];
	_ =	sdelay $0x3  }
0xf6: {  	v3 =	vadd.f32 v25, v3;
	v32 =	vadd.f32 v27, v26  }
0xf7: {  	v33 =	vadd.f32 v29, v28;
	v34 =	vadd.f32 v31, v30;
	_ =	sdelay $0x1  }
0xf8: {  	v3 =	vadd.f32 v32, v3;
	v35 =	vadd.f32 v34, v33;
	_ =	sdelay $0x1  }
0xf9: {  	v3 =	vadd.f32 v35, v3;
	_ =	sdelay $0x1  }
0xfa: {  	[tilespmem:s19+$0x30] =	vst v3  }
0xfb: {  	v3 =	vld [tilespmem:s17+$0xFFFFFC40]  }
0xfc: {  	v36 =	vld [tilespmem:s17+$0xFFFFFCC0]  }
0xfd: {  	v37 =	vld [tilespmem:s17+$0xFFFFFD40]  }
0xfe: {  	v38 =	vld [tilespmem:s17+$0xFFFFFDC0]  }
0xff: {  	v39 =	vld [tilespmem:s17+$0xFFFFFE40]  }
0x100: {  	v40 =	vld [tilespmem:s17+$0xFFFFFEC0]  }
0x101: {  	v41 =	vld [tilespmem:s17+$0xFFFFFF40]  }
0x102: {  	v42 =	vld [tilespmem:s17+$0xFFFFFFC0];
	_ =	sdelay $0x3  }
0x103: {  	v3 =	vadd.f32 v36, v3;
	v43 =	vadd.f32 v38, v37  }
0x104: {  	v44 =	vadd.f32 v40, v39;
	v45 =	vadd.f32 v42, v41;
	_ =	sdelay $0x1  }
0x105: {  	v3 =	vadd.f32 v43, v3;
	v46 =	vadd.f32 v45, v44;
	_ =	sdelay $0x1  }
0x106: {  	v3 =	vadd.f32 v46, v3;
	_ =	sdelay $0x1  }
0x107: {  	[tilespmem:s19+$0x40] =	vst v3  }
0x108: {  	v3 =	vld [tilespmem:s17+$0xFFFFFC50]  }
0x109: {  	v47 =	vld [tilespmem:s17+$0xFFFFFCD0]  }
0x10a: {  	v48 =	vld [tilespmem:s17+$0xFFFFFD50]  }
0x10b: {  	v49 =	vld [tilespmem:s17+$0xFFFFFDD0]  }
0x10c: {  	v50 =	vld [tilespmem:s17+$0xFFFFFE50]  }
0x10d: {  	v51 =	vld [tilespmem:s17+$0xFFFFFED0]  }
0x10e: {  	v52 =	vld [tilespmem:s17+$0xFFFFFF50]  }
0x10f: {  	v53 =	vld [tilespmem:s17+$0xFFFFFFD0];
	_ =	sdelay $0x3  }
0x110: {  	v3 =	vadd.f32 v47, v3;
	v54 =	vadd.f32 v49, v48  }
0x111: {  	v55 =	vadd.f32 v51, v50;
	v56 =	vadd.f32 v53, v52;
	_ =	sdelay $0x1  }
0x112: {  	v3 =	vadd.f32 v54, v3;
	v57 =	vadd.f32 v56, v55;
	_ =	sdelay $0x1  }
0x113: {  	v3 =	vadd.f32 v57, v3;
	_ =	sdelay $0x1  }
0x114: {  	[tilespmem:s19+$0x50] =	vst v3  }
0x115: {  	v3 =	vld [tilespmem:s17+$0xFFFFFC60]  }
0x116: {  	v58 =	vld [tilespmem:s17+$0xFFFFFCE0]  }
0x117: {  	v59 =	vld [tilespmem:s17+$0xFFFFFD60]  }
0x118: {  	v60 =	vld [tilespmem:s17+$0xFFFFFDE0]  }
0x119: {  	v61 =	vld [tilespmem:s17+$0xFFFFFE60]  }
0x11a: {  	v62 =	vld [tilespmem:s17+$0xFFFFFEE0]  }
0x11b: {  	v63 =	vld [tilespmem:s17+$0xFFFFFF60]  }
0x11c: {  	v12 =	vld [tilespmem:s17+$0xFFFFFFE0];
	_ =	sdelay $0x3  }
0x11d: {  	v3 =	vadd.f32 v58, v3;
	v13 =	vadd.f32 v60, v59  }
0x11e: {  	v14 =	vadd.f32 v62, v61;
	v15 =	vadd.f32 v12, v63;
	_ =	sdelay $0x1  }
0x11f: {  	v3 =	vadd.f32 v13, v3;
	v16 =	vadd.f32 v15, v14;
	_ =	sdelay $0x1  }
0x120: {  	v3 =	vadd.f32 v16, v3;
	_ =	sdelay $0x1  }
0x121: {  	[tilespmem:s19+$0x60] =	vst v3  }
0x122: {  	v3 =	vld [tilespmem:s17+$0xFFFFFC70]  }
0x123: {  	v17 =	vld [tilespmem:s17+$0xFFFFFCF0]  }
0x124: {  	v18 =	vld [tilespmem:s17+$0xFFFFFD70]  }
0x125: {  	v19 =	vld [tilespmem:s17+$0xFFFFFDF0]  }
0x126: {  	v20 =	vld [tilespmem:s17+$0xFFFFFE70]  }
0x127: {  	v21 =	vld [tilespmem:s17+$0xFFFFFEF0]  }
0x128: {  	v22 =	vld [tilespmem:s17+$0xFFFFFF70]  }
0x129: {  	v23 =	vld [tilespmem:s17+$0xFFFFFFF0];
	_ =	sdelay $0x3  }
0x12a: {  	v3 =	vadd.f32 v17, v3;
	v24 =	vadd.f32 v19, v18  }
0x12b: {  	v25 =	vadd.f32 v21, v20;
	v26 =	vadd.f32 v23, v22;
	_ =	sdelay $0x1  }
0x12c: {  	v3 =	vadd.f32 v24, v3;
	v27 =	vadd.f32 v26, v25;
	_ =	sdelay $0x1  }
0x12d: {  	v3 =	vadd.f32 v27, v3;
	_ =	sdelay $0x1  }
0x12e: {  	[tilespmem:s19+$0x70] =	vst v3  }
0x12f: {  	v3 =	vld [tilespmem:s17+$0x0]  }
0x130: {  	v28 =	vld [tilespmem:s17+$0x80]  }
0x131: {  	v29 =	vld [tilespmem:s17+$0x100]  }
0x132: {  	v30 =	vld [tilespmem:s17+$0x180]  }
0x133: {  	v31 =	vld [tilespmem:s17+$0x200]  }
0x134: {  	v32 =	vld [tilespmem:s17+$0x280]  }
0x135: {  	v33 =	vld [tilespmem:s17+$0x300]  }
0x136: {  	v34 =	vld [tilespmem:s17+$0x380];
	_ =	sdelay $0x3  }
0x137: {  	v3 =	vadd.f32 v28, v3;
	v35 =	vadd.f32 v30, v29  }
0x138: {  	v36 =	vadd.f32 v32, v31;
	v37 =	vadd.f32 v34, v33;
	_ =	sdelay $0x1  }
0x139: {  	v3 =	vadd.f32 v35, v3;
	v38 =	vadd.f32 v37, v36;
	_ =	sdelay $0x1  }
0x13a: {  	v3 =	vadd.f32 v38, v3;
	_ =	sdelay $0x1  }
0x13b: {  	[tilespmem:s19+$0x400] =	vst v3  }
0x13c: {  	v3 =	vld [tilespmem:s17+$0x10]  }
0x13d: {  	v39 =	vld [tilespmem:s17+$0x90]  }
0x13e: {  	v40 =	vld [tilespmem:s17+$0x110]  }
0x13f: {  	v41 =	vld [tilespmem:s17+$0x190]  }
0x140: {  	v42 =	vld [tilespmem:s17+$0x210]  }
0x141: {  	v43 =	vld [tilespmem:s17+$0x290]  }
0x142: {  	v44 =	vld [tilespmem:s17+$0x310]  }
0x143: {  	v45 =	vld [tilespmem:s17+$0x390];
	_ =	sdelay $0x3  }
0x144: {  	v3 =	vadd.f32 v39, v3;
	v46 =	vadd.f32 v41, v40  }
0x145: {  	v47 =	vadd.f32 v43, v42;
	v48 =	vadd.f32 v45, v44;
	_ =	sdelay $0x1  }
0x146: {  	v3 =	vadd.f32 v46, v3;
	v49 =	vadd.f32 v48, v47;
	_ =	sdelay $0x1  }
0x147: {  	v3 =	vadd.f32 v49, v3;
	_ =	sdelay $0x1  }
0x148: {  	[tilespmem:s19+$0x410] =	vst v3  }
0x149: {  	v3 =	vld [tilespmem:s17+$0x20]  }
0x14a: {  	v50 =	vld [tilespmem:s17+$0xA0]  }
0x14b: {  	v51 =	vld [tilespmem:s17+$0x120]  }
0x14c: {  	v52 =	vld [tilespmem:s17+$0x1A0]  }
0x14d: {  	v53 =	vld [tilespmem:s17+$0x220]  }
0x14e: {  	v54 =	vld [tilespmem:s17+$0x2A0]  }
0x14f: {  	v55 =	vld [tilespmem:s17+$0x320]  }
0x150: {  	v56 =	vld [tilespmem:s17+$0x3A0];
	_ =	sdelay $0x3  }
0x151: {  	v3 =	vadd.f32 v50, v3;
	v57 =	vadd.f32 v52, v51  }
0x152: {  	v58 =	vadd.f32 v54, v53;
	v59 =	vadd.f32 v56, v55;
	_ =	sdelay $0x1  }
0x153: {  	v3 =	vadd.f32 v57, v3;
	v60 =	vadd.f32 v59, v58;
	_ =	sdelay $0x1  }
0x154: {  	v3 =	vadd.f32 v60, v3;
	_ =	sdelay $0x1  }
0x155: {  	[tilespmem:s19+$0x420] =	vst v3  }
0x156: {  	v3 =	vld [tilespmem:s17+$0x30]  }
0x157: {  	v61 =	vld [tilespmem:s17+$0xB0]  }
0x158: {  	v62 =	vld [tilespmem:s17+$0x130]  }
0x159: {  	v63 =	vld [tilespmem:s17+$0x1B0]  }
0x15a: {  	v12 =	vld [tilespmem:s17+$0x230]  }
0x15b: {  	v13 =	vld [tilespmem:s17+$0x2B0]  }
0x15c: {  	v14 =	vld [tilespmem:s17+$0x330]  }
0x15d: {  	v15 =	vld [tilespmem:s17+$0x3B0];
	_ =	sdelay $0x3  }
0x15e: {  	v3 =	vadd.f32 v61, v3;
	v16 =	vadd.f32 v63, v62  }
0x15f: {  	v17 =	vadd.f32 v13, v12;
	v18 =	vadd.f32 v15, v14;
	_ =	sdelay $0x1  }
0x160: {  	v3 =	vadd.f32 v16, v3;
	v19 =	vadd.f32 v18, v17;
	_ =	sdelay $0x1  }
0x161: {  	v3 =	vadd.f32 v19, v3;
	_ =	sdelay $0x1  }
0x162: {  	[tilespmem:s19+$0x430] =	vst v3  }
0x163: {  	v3 =	vld [tilespmem:s17+$0x40]  }
0x164: {  	v20 =	vld [tilespmem:s17+$0xC0]  }
0x165: {  	v21 =	vld [tilespmem:s17+$0x140]  }
0x166: {  	v22 =	vld [tilespmem:s17+$0x1C0]  }
0x167: {  	v23 =	vld [tilespmem:s17+$0x240]  }
0x168: {  	v24 =	vld [tilespmem:s17+$0x2C0]  }
0x169: {  	v25 =	vld [tilespmem:s17+$0x340]  }
0x16a: {  	v26 =	vld [tilespmem:s17+$0x3C0];
	_ =	sdelay $0x3  }
0x16b: {  	v3 =	vadd.f32 v20, v3;
	v27 =	vadd.f32 v22, v21  }
0x16c: {  	v28 =	vadd.f32 v24, v23;
	v29 =	vadd.f32 v26, v25;
	_ =	sdelay $0x1  }
0x16d: {  	v3 =	vadd.f32 v27, v3;
	v30 =	vadd.f32 v29, v28;
	_ =	sdelay $0x1  }
0x16e: {  	v3 =	vadd.f32 v30, v3;
	_ =	sdelay $0x1  }
0x16f: {  	[tilespmem:s19+$0x440] =	vst v3  }
0x170: {  	v3 =	vld [tilespmem:s17+$0x50]  }
0x171: {  	v31 =	vld [tilespmem:s17+$0xD0]  }
0x172: {  	v32 =	vld [tilespmem:s17+$0x150]  }
0x173: {  	v33 =	vld [tilespmem:s17+$0x1D0]  }
0x174: {  	v34 =	vld [tilespmem:s17+$0x250]  }
0x175: {  	v35 =	vld [tilespmem:s17+$0x2D0]  }
0x176: {  	v36 =	vld [tilespmem:s17+$0x350]  }
0x177: {  	v37 =	vld [tilespmem:s17+$0x3D0];
	_ =	sdelay $0x3  }
0x178: {  	v3 =	vadd.f32 v31, v3;
	v38 =	vadd.f32 v33, v32  }
0x179: {  	v39 =	vadd.f32 v35, v34;
	v40 =	vadd.f32 v37, v36;
	_ =	sdelay $0x1  }
0x17a: {  	v3 =	vadd.f32 v38, v3;
	v41 =	vadd.f32 v40, v39;
	_ =	sdelay $0x1  }
0x17b: {  	v3 =	vadd.f32 v41, v3;
	_ =	sdelay $0x1  }
0x17c: {  	[tilespmem:s19+$0x450] =	vst v3  }
0x17d: {  	v3 =	vld [tilespmem:s17+$0x60]  }
0x17e: {  	v42 =	vld [tilespmem:s17+$0xE0]  }
0x17f: {  	v43 =	vld [tilespmem:s17+$0x160]  }
0x180: {  	v44 =	vld [tilespmem:s17+$0x1E0]  }
0x181: {  	v45 =	vld [tilespmem:s17+$0x260]  }
0x182: {  	v46 =	vld [tilespmem:s17+$0x2E0]  }
0x183: {  	v47 =	vld [tilespmem:s17+$0x360]  }
0x184: {  	v48 =	vld [tilespmem:s17+$0x3E0];
	_ =	sdelay $0x3  }
0x185: {  	v3 =	vadd.f32 v42, v3;
	v49 =	vadd.f32 v44, v43  }
0x186: {  	v50 =	vadd.f32 v46, v45;
	v51 =	vadd.f32 v48, v47;
	_ =	sdelay $0x1  }
0x187: {  	v3 =	vadd.f32 v49, v3;
	v52 =	vadd.f32 v51, v50;
	_ =	sdelay $0x1  }
0x188: {  	v3 =	vadd.f32 v52, v3;
	_ =	sdelay $0x1  }
0x189: {  	[tilespmem:s19+$0x460] =	vst v3  }
0x18a: {  	v3 =	vld [tilespmem:s17+$0x70]  }
0x18b: {  	v53 =	vld [tilespmem:s17+$0xF0]  }
0x18c: {  	v54 =	vld [tilespmem:s17+$0x170]  }
0x18d: {  	v55 =	vld [tilespmem:s17+$0x1F0]  }
0x18e: {  	v56 =	vld [tilespmem:s17+$0x270]  }
0x18f: {  	v57 =	vld [tilespmem:s17+$0x2F0]  }
0x190: {  	v58 =	vld [tilespmem:s17+$0x370]  }
0x191: {  	v59 =	vld [tilespmem:s17+$0x3F0];
	_ =	sdelay $0x3  }
0x192: {  	v3 =	vadd.f32 v53, v3;
	v60 =	vadd.f32 v55, v54  }
0x193: {  	v61 =	vadd.f32 v57, v56;
	v62 =	vadd.f32 v59, v58  }
0x194: {  	p0 =	sne.s32 s18, $0xF00  }
.Ltmp0:
0x195: {  	v3 =	vadd.f32 v60, v3;
	v63 =	vadd.f32 v62, v61;
	(pc) =	sbr.rel @p0 .LBB2_3-.Ltmp0, $3  }
0x196: {  	_ = 	snop  }
0x197: {  	v3 =	vadd.f32 v63, v3;
	_ =	sdelay $0x1  }
0x198: {  	s15 =	sadd.s32 $0x80, s15;
	s18 =	sadd.s32 $0x100, s18;
	s17 =	sadd.s32 $0x800, s17;
	[tilespmem:s19+$0x470] =	vst v3  }
0x199: {  	p0 =	seq.s32 s13, $0x3  }
.Ltmp1:
0x19a: {  	_ = 	snop;
	(pc) =	sbr.rel @p0 .LBB2_6-.Ltmp1, $1  }
0x19b: {  	_ =	sdelay $0x3  }
0x19c: {  	s15 =	sshll.u32 s13, $0x8  }
0x19d: {  	s15 =	sand.u32 $0x3FFFFF00, s15  }
0x19e: {  	v3 =	vld [tilespmem:s15+$0x100];
	_ =	sdelay $0x4  }
0x19f: {  	v4 =	vshll.u32 v3, $0x1  }
0x1a0: {  	v3 =	vand.u32 $0x7, v3;
	v4 =	vand.u32 $0xFFFFFFF0, v4  }
0x1a1: {  	v3 =	vor.u32 v3, v4  }
0x1a2: {  	v4 =	vperm.xlane v3, v0;
	_ =	sdelay $0x1  }
0x1a3: {  	v3 =	vperm.xlane v3, v2;
	v4 =	vadd.s32 v1, v4;
	_ =	sdelay $0x1  }
0x1a4: {  	v3 =	vadd.s32 v1, v3;
	_ =	sdelay $0x1  }
0x1a5: {  	s16 =	simm.s32 $0x400  }
0x1a6: {  	[tilespmem:s16], [sflag:$0x1] =	stream.indirect_vreg.gather [hbm4b:s3+s2], $0x80, v4, vm0, $0xb8;
	[tilespmem:$0x18400] =	vst v63  }
0x1a7: {  	s17 =	simm.s32 $0xC00  }
0x1a8: {  	[tilespmem:s17], [sflag:$0x1] =	stream.indirect_vreg.gather [hbm4b:s3+s2], $0x80, v3, vm0, $0xb8;
	[tilespmem:$0x18400] =	vst v63  }
0x1a9: {  	v3 =	vld [tilespmem:s15+$0x110];
	_ =	sdelay $0x4  }
0x1aa: {  	v57 =	vshll.u32 v3, $0x1  }
0x1ab: {  	v3 =	vand.u32 $0x7, v3;
	v4 =	vand.u32 $0xFFFFFFF0, v57  }
0x1ac: {  	v3 =	vor.u32 v3, v4  }
0x1ad: {  	v4 =	vperm.xlane v3, v0;
	_ =	sdelay $0x1  }
0x1ae: {  	v3 =	vperm.xlane v3, v2;
	v4 =	vadd.s32 v1, v4;
	_ =	sdelay $0x1  }
0x1af: {  	v3 =	vadd.s32 v1, v3;
	_ =	sdelay $0x1  }
0x1b0: {  	s18 =	simm.s32 $0x1400  }
0x1b1: {  	[tilespmem:s18], [sflag:$0x1] =	stream.indirect_vreg.gather [hbm4b:s3+s2], $0x80, v4, vm0, $0xb8;
	[tilespmem:$0x18400] =	vst v63  }
0x1b2: {  	s19 =	simm.s32 $0x1C00  }
0x1b3: {  	[tilespmem:s19], [sflag:$0x1] =	stream.indirect_vreg.gather [hbm4b:s3+s2], $0x80, v3, vm0, $0xb8;
	[tilespmem:$0x18400] =	vst v63  }
0x1b4: {  	v3 =	vld [tilespmem:s15+$0x120];
	_ =	sdelay $0x4  }
0x1b5: {  	v58 =	vshll.u32 v3, $0x1  }
0x1b6: {  	v3 =	vand.u32 $0x7, v3;
	v4 =	vand.u32 $0xFFFFFFF0, v58  }
0x1b7: {  	v3 =	vor.u32 v3, v4  }
0x1b8: {  	v4 =	vperm.xlane v3, v0;
	_ =	sdelay $0x1  }
0x1b9: {  	v3 =	vperm.xlane v3, v2;
	v4 =	vadd.s32 v1, v4;
	_ =	sdelay $0x1  }
0x1ba: {  	v3 =	vadd.s32 v1, v3;
	_ =	sdelay $0x1  }
0x1bb: {  	s20 =	simm.s32 $0x2400  }
0x1bc: {  	[tilespmem:s20], [sflag:$0x1] =	stream.indirect_vreg.gather [hbm4b:s3+s2], $0x80, v4, vm0, $0xb8;
	[tilespmem:$0x18400] =	vst v63  }
0x1bd: {  	s17 =	simm.s32 $0x2C00  }
0x1be: {  	[tilespmem:s17], [sflag:$0x1] =	stream.indirect_vreg.gather [hbm4b:s3+s2], $0x80, v3, vm0, $0xb8;
	[tilespmem:$0x18400] =	vst v63  }
0x1bf: {  	v3 =	vld [tilespmem:s15+$0x130];
	_ =	sdelay $0x4  }
0x1c0: {  	v59 =	vshll.u32 v3, $0x1  }
0x1c1: {  	v3 =	vand.u32 $0x7, v3;
	v4 =	vand.u32 $0xFFFFFFF0, v59  }
0x1c2: {  	v3 =	vor.u32 v3, v4  }
0x1c3: {  	v4 =	vperm.xlane v3, v0;
	_ =	sdelay $0x1  }
0x1c4: {  	v3 =	vperm.xlane v3, v2;
	v4 =	vadd.s32 v1, v4;
	_ =	sdelay $0x1  }
0x1c5: {  	v3 =	vadd.s32 v1, v3;
	_ =	sdelay $0x1  }
0x1c6: {  	s18 =	simm.s32 $0x3400  }
0x1c7: {  	[tilespmem:s18], [sflag:$0x1] =	stream.indirect_vreg.gather [hbm4b:s3+s2], $0x80, v4, vm0, $0xb8;
	[tilespmem:$0x18400] =	vst v63  }
0x1c8: {  	s19 =	simm.s32 $0x3C00  }
0x1c9: {  	[tilespmem:s19], [sflag:$0x1] =	stream.indirect_vreg.gather [hbm4b:s3+s2], $0x80, v3, vm0, $0xb8;
	[tilespmem:$0x18400] =	vst v63  }
0x1ca: {  	v3 =	vld [tilespmem:s15+$0x140];
	_ =	sdelay $0x4  }
0x1cb: {  	v60 =	vshll.u32 v3, $0x1  }
0x1cc: {  	v3 =	vand.u32 $0x7, v3;
	v4 =	vand.u32 $0xFFFFFFF0, v60  }
0x1cd: {  	v3 =	vor.u32 v3, v4  }
0x1ce: {  	v4 =	vperm.xlane v3, v0;
	_ =	sdelay $0x1  }
0x1cf: {  	v3 =	vperm.xlane v3, v2;
	v4 =	vadd.s32 v1, v4;
	_ =	sdelay $0x1  }
0x1d0: {  	v3 =	vadd.s32 v1, v3;
	_ =	sdelay $0x1  }
0x1d1: {  	s20 =	simm.s32 $0x4400  }
0x1d2: {  	[tilespmem:s20], [sflag:$0x1] =	stream.indirect_vreg.gather [hbm4b:s3+s2], $0x80, v4, vm0, $0xb8;
	[tilespmem:$0x18400] =	vst v63  }
0x1d3: {  	s17 =	simm.s32 $0x4C00  }
0x1d4: {  	[tilespmem:s17], [sflag:$0x1] =	stream.indirect_vreg.gather [hbm4b:s3+s2], $0x80, v3, vm0, $0xb8;
	[tilespmem:$0x18400] =	vst v63  }
0x1d5: {  	v3 =	vld [tilespmem:s15+$0x150];
	_ =	sdelay $0x4  }
0x1d6: {  	v61 =	vshll.u32 v3, $0x1  }
0x1d7: {  	v3 =	vand.u32 $0x7, v3;
	v4 =	vand.u32 $0xFFFFFFF0, v61  }
0x1d8: {  	v3 =	vor.u32 v3, v4  }
0x1d9: {  	v4 =	vperm.xlane v3, v0;
	_ =	sdelay $0x1  }
0x1da: {  	v3 =	vperm.xlane v3, v2;
	v4 =	vadd.s32 v1, v4;
	_ =	sdelay $0x1  }
0x1db: {  	v3 =	vadd.s32 v1, v3;
	_ =	sdelay $0x1  }
0x1dc: {  	s18 =	simm.s32 $0x5400  }
0x1dd: {  	[tilespmem:s18], [sflag:$0x1] =	stream.indirect_vreg.gather [hbm4b:s3+s2], $0x80, v4, vm0, $0xb8;
	[tilespmem:$0x18400] =	vst v63  }
0x1de: {  	s19 =	simm.s32 $0x5C00  }
0x1df: {  	[tilespmem:s19], [sflag:$0x1] =	stream.indirect_vreg.gather [hbm4b:s3+s2], $0x80, v3, vm0, $0xb8;
	[tilespmem:$0x18400] =	vst v63  }
0x1e0: {  	v3 =	vld [tilespmem:s15+$0x160];
	_ =	sdelay $0x4  }
0x1e1: {  	v62 =	vshll.u32 v3, $0x1  }
0x1e2: {  	v3 =	vand.u32 $0x7, v3;
	v4 =	vand.u32 $0xFFFFFFF0, v62  }
0x1e3: {  	v3 =	vor.u32 v3, v4  }
0x1e4: {  	v4 =	vperm.xlane v3, v0;
	_ =	sdelay $0x1  }
0x1e5: {  	v3 =	vperm.xlane v3, v2;
	v4 =	vadd.s32 v1, v4;
	_ =	sdelay $0x1  }
0x1e6: {  	v3 =	vadd.s32 v1, v3;
	_ =	sdelay $0x1  }
0x1e7: {  	s20 =	simm.s32 $0x6400  }
0x1e8: {  	[tilespmem:s20], [sflag:$0x1] =	stream.indirect_vreg.gather [hbm4b:s3+s2], $0x80, v4, vm0, $0xb8;
	[tilespmem:$0x18400] =	vst v63  }
0x1e9: {  	_ = 	snop  }
0x1ea: {  	[tilespmem:s21], [sflag:$0x1] =	stream.indirect_vreg.gather [hbm4b:s3+s2], $0x80, v3, vm0, $0xb8;
	[tilespmem:$0x18400] =	vst v63  }
0x1eb: {  	v3 =	vld [tilespmem:s15+$0x170];
	_ =	sdelay $0x4  }
0x1ec: {  	v63 =	vshll.u32 v3, $0x1  }
0x1ed: {  	v3 =	vand.u32 $0x7, v3;
	v4 =	vand.u32 $0xFFFFFFF0, v63  }
0x1ee: {  	v3 =	vor.u32 v3, v4  }
0x1ef: {  	v4 =	vperm.xlane v3, v0;
	_ =	sdelay $0x1  }
0x1f0: {  	v3 =	vperm.xlane v3, v2;
	v4 =	vadd.s32 v1, v4;
	_ =	sdelay $0x1  }
0x1f1: {  	v3 =	vadd.s32 v1, v3;
	_ =	sdelay $0x2  }
0x1f2: {  	[tilespmem:s22], [sflag:$0x1] =	stream.indirect_vreg.gather [hbm4b:s3+s2], $0x80, v4, vm0, $0xb8;
	[tilespmem:$0x18400] =	vst v63  }
0x1f3: {  	_ = 	snop  }
0x1f4: {  	[tilespmem:s23], [sflag:$0x1] =	stream.indirect_vreg.gather [hbm4b:s3+s2], $0x80, v3, vm0, $0xb8;
	[tilespmem:$0x18400] =	vst v63  }
.LBB2_6:
0x1f5: {  	_ =	swait.ge [sflag:s12], $0x8000;
	s14 =	sshll.u32 s14, $0xC;
	s15 =	simm.s32 $0x0  }
0x1f6: {  	s16 =	simm.s32 $0x8800;
	[sflag:s12] =	ssyncset.done $0x0;
	s14 =	sand.u32 $0x3FFFF000, s14  }
0x1f7: {  	s17 =	simm.s32 $0x0;
	[sflag:s12] =	ssyncadd.s32 $0xFFFF8000;
	s14 =	sadd.s32 $0x10400, s14  }
.LBB2_7:
0x1f8: {  	v3 =	vld [tilespmem:s16+$0xFFFFFC00]  }
0x1f9: {  	v4 =	vld [tilespmem:s16+$0xFFFFFC80]  }
0x1fa: {  	v5 =	vld [tilespmem:s16+$0xFFFFFD00]  }
0x1fb: {  	v6 =	vld [tilespmem:s16+$0xFFFFFD80]  }
0x1fc: {  	v7 =	vld [tilespmem:s16+$0xFFFFFE00]  }
0x1fd: {  	v8 =	vld [tilespmem:s16+$0xFFFFFE80]  }
0x1fe: {  	v9 =	vld [tilespmem:s16+$0xFFFFFF00]  }
0x1ff: {  	v10 =	vld [tilespmem:s16+$0xFFFFFF80];
	_ =	sdelay $0x3  }
0x200: {  	v3 =	vadd.f32 v4, v3;
	v52 =	vadd.f32 v6, v5  }
0x201: {  	v53 =	vadd.f32 v8, v7;
	v54 =	vadd.f32 v10, v9;
	_ =	sdelay $0x1  }
0x202: {  	v3 =	vadd.f32 v52, v3;
	v55 =	vadd.f32 v54, v53  }
0x203: {  	s18 =	sand.u32 $0x800, s17  }
0x204: {  	s19 =	sand.u32 $0x380, s15;
	s18 =	sadd.s32 s18, s14;
	v3 =	vadd.f32 v55, v3  }
0x205: {  	s18 =	sadd.s32 s19, s18  }
0x206: {  	[tilespmem:s18+$0x0] =	vst v3  }
0x207: {  	v3 =	vld [tilespmem:s16+$0xFFFFFC10]  }
0x208: {  	v56 =	vld [tilespmem:s16+$0xFFFFFC90]  }
0x209: {  	v57 =	vld [tilespmem:s16+$0xFFFFFD10]  }
0x20a: {  	v58 =	vld [tilespmem:s16+$0xFFFFFD90]  }
0x20b: {  	v59 =	vld [tilespmem:s16+$0xFFFFFE10]  }
0x20c: {  	v60 =	vld [tilespmem:s16+$0xFFFFFE90]  }
0x20d: {  	v61 =	vld [tilespmem:s16+$0xFFFFFF10]  }
0x20e: {  	v62 =	vld [tilespmem:s16+$0xFFFFFF90];
	_ =	sdelay $0x3  }
0x20f: {  	v3 =	vadd.f32 v56, v3;
	v63 =	vadd.f32 v58, v57  }
0x210: {  	v11 =	vadd.f32 v60, v59;
	v12 =	vadd.f32 v62, v61;
	_ =	sdelay $0x1  }
0x211: {  	v3 =	vadd.f32 v63, v3;
	v13 =	vadd.f32 v12, v11;
	_ =	sdelay $0x1  }
0x212: {  	v3 =	vadd.f32 v13, v3;
	_ =	sdelay $0x1  }
0x213: {  	[tilespmem:s18+$0x10] =	vst v3  }
0x214: {  	v3 =	vld [tilespmem:s16+$0xFFFFFC20]  }
0x215: {  	v14 =	vld [tilespmem:s16+$0xFFFFFCA0]  }
0x216: {  	v15 =	vld [tilespmem:s16+$0xFFFFFD20]  }
0x217: {  	v16 =	vld [tilespmem:s16+$0xFFFFFDA0]  }
0x218: {  	v17 =	vld [tilespmem:s16+$0xFFFFFE20]  }
0x219: {  	v18 =	vld [tilespmem:s16+$0xFFFFFEA0]  }
0x21a: {  	v19 =	vld [tilespmem:s16+$0xFFFFFF20]  }
0x21b: {  	v20 =	vld [tilespmem:s16+$0xFFFFFFA0];
	_ =	sdelay $0x3  }
0x21c: {  	v3 =	vadd.f32 v14, v3;
	v21 =	vadd.f32 v16, v15  }
0x21d: {  	v22 =	vadd.f32 v18, v17;
	v23 =	vadd.f32 v20, v19;
	_ =	sdelay $0x1  }
0x21e: {  	v3 =	vadd.f32 v21, v3;
	v24 =	vadd.f32 v23, v22;
	_ =	sdelay $0x1  }
0x21f: {  	v3 =	vadd.f32 v24, v3;
	_ =	sdelay $0x1  }
0x220: {  	[tilespmem:s18+$0x20] =	vst v3  }
0x221: {  	v3 =	vld [tilespmem:s16+$0xFFFFFC30]  }
0x222: {  	v25 =	vld [tilespmem:s16+$0xFFFFFCB0]  }
0x223: {  	v26 =	vld [tilespmem:s16+$0xFFFFFD30]  }
0x224: {  	v27 =	vld [tilespmem:s16+$0xFFFFFDB0]  }
0x225: {  	v28 =	vld [tilespmem:s16+$0xFFFFFE30]  }
0x226: {  	v29 =	vld [tilespmem:s16+$0xFFFFFEB0]  }
0x227: {  	v30 =	vld [tilespmem:s16+$0xFFFFFF30]  }
0x228: {  	v31 =	vld [tilespmem:s16+$0xFFFFFFB0];
	_ =	sdelay $0x3  }
0x229: {  	v3 =	vadd.f32 v25, v3;
	v32 =	vadd.f32 v27, v26  }
0x22a: {  	v33 =	vadd.f32 v29, v28;
	v34 =	vadd.f32 v31, v30;
	_ =	sdelay $0x1  }
0x22b: {  	v3 =	vadd.f32 v32, v3;
	v35 =	vadd.f32 v34, v33;
	_ =	sdelay $0x1  }
0x22c: {  	v3 =	vadd.f32 v35, v3;
	_ =	sdelay $0x1  }
0x22d: {  	[tilespmem:s18+$0x30] =	vst v3  }
0x22e: {  	v3 =	vld [tilespmem:s16+$0xFFFFFC40]  }
0x22f: {  	v36 =	vld [tilespmem:s16+$0xFFFFFCC0]  }
0x230: {  	v37 =	vld [tilespmem:s16+$0xFFFFFD40]  }
0x231: {  	v38 =	vld [tilespmem:s16+$0xFFFFFDC0]  }
0x232: {  	v39 =	vld [tilespmem:s16+$0xFFFFFE40]  }
0x233: {  	v40 =	vld [tilespmem:s16+$0xFFFFFEC0]  }
0x234: {  	v41 =	vld [tilespmem:s16+$0xFFFFFF40]  }
0x235: {  	v42 =	vld [tilespmem:s16+$0xFFFFFFC0];
	_ =	sdelay $0x3  }
0x236: {  	v3 =	vadd.f32 v36, v3;
	v43 =	vadd.f32 v38, v37  }
0x237: {  	v44 =	vadd.f32 v40, v39;
	v45 =	vadd.f32 v42, v41;
	_ =	sdelay $0x1  }
0x238: {  	v3 =	vadd.f32 v43, v3;
	v46 =	vadd.f32 v45, v44;
	_ =	sdelay $0x1  }
0x239: {  	v3 =	vadd.f32 v46, v3;
	_ =	sdelay $0x1  }
0x23a: {  	[tilespmem:s18+$0x40] =	vst v3  }
0x23b: {  	v3 =	vld [tilespmem:s16+$0xFFFFFC50]  }
0x23c: {  	v47 =	vld [tilespmem:s16+$0xFFFFFCD0]  }
0x23d: {  	v48 =	vld [tilespmem:s16+$0xFFFFFD50]  }
0x23e: {  	v49 =	vld [tilespmem:s16+$0xFFFFFDD0]  }
0x23f: {  	v50 =	vld [tilespmem:s16+$0xFFFFFE50]  }
0x240: {  	v51 =	vld [tilespmem:s16+$0xFFFFFED0]  }
0x241: {  	v52 =	vld [tilespmem:s16+$0xFFFFFF50]  }
0x242: {  	v53 =	vld [tilespmem:s16+$0xFFFFFFD0];
	_ =	sdelay $0x3  }
0x243: {  	v3 =	vadd.f32 v47, v3;
	v54 =	vadd.f32 v49, v48  }
0x244: {  	v55 =	vadd.f32 v51, v50;
	v56 =	vadd.f32 v53, v52;
	_ =	sdelay $0x1  }
0x245: {  	v3 =	vadd.f32 v54, v3;
	v57 =	vadd.f32 v56, v55;
	_ =	sdelay $0x1  }
0x246: {  	v3 =	vadd.f32 v57, v3;
	_ =	sdelay $0x1  }
0x247: {  	[tilespmem:s18+$0x50] =	vst v3  }
0x248: {  	v3 =	vld [tilespmem:s16+$0xFFFFFC60]  }
0x249: {  	v58 =	vld [tilespmem:s16+$0xFFFFFCE0]  }
0x24a: {  	v59 =	vld [tilespmem:s16+$0xFFFFFD60]  }
0x24b: {  	v60 =	vld [tilespmem:s16+$0xFFFFFDE0]  }
0x24c: {  	v61 =	vld [tilespmem:s16+$0xFFFFFE60]  }
0x24d: {  	v62 =	vld [tilespmem:s16+$0xFFFFFEE0]  }
0x24e: {  	v63 =	vld [tilespmem:s16+$0xFFFFFF60]  }
0x24f: {  	v12 =	vld [tilespmem:s16+$0xFFFFFFE0];
	_ =	sdelay $0x3  }
0x250: {  	v3 =	vadd.f32 v58, v3;
	v13 =	vadd.f32 v60, v59  }
0x251: {  	v14 =	vadd.f32 v62, v61;
	v15 =	vadd.f32 v12, v63;
	_ =	sdelay $0x1  }
0x252: {  	v3 =	vadd.f32 v13, v3;
	v16 =	vadd.f32 v15, v14;
	_ =	sdelay $0x1  }
0x253: {  	v3 =	vadd.f32 v16, v3;
	_ =	sdelay $0x1  }
0x254: {  	[tilespmem:s18+$0x60] =	vst v3  }
0x255: {  	v3 =	vld [tilespmem:s16+$0xFFFFFC70]  }
0x256: {  	v17 =	vld [tilespmem:s16+$0xFFFFFCF0]  }
0x257: {  	v18 =	vld [tilespmem:s16+$0xFFFFFD70]  }
0x258: {  	v19 =	vld [tilespmem:s16+$0xFFFFFDF0]  }
0x259: {  	v20 =	vld [tilespmem:s16+$0xFFFFFE70]  }
0x25a: {  	v21 =	vld [tilespmem:s16+$0xFFFFFEF0]  }
0x25b: {  	v22 =	vld [tilespmem:s16+$0xFFFFFF70]  }
0x25c: {  	v23 =	vld [tilespmem:s16+$0xFFFFFFF0];
	_ =	sdelay $0x3  }
0x25d: {  	v3 =	vadd.f32 v17, v3;
	v24 =	vadd.f32 v19, v18  }
0x25e: {  	v25 =	vadd.f32 v21, v20;
	v26 =	vadd.f32 v23, v22;
	_ =	sdelay $0x1  }
0x25f: {  	v3 =	vadd.f32 v24, v3;
	v27 =	vadd.f32 v26, v25;
	_ =	sdelay $0x1  }
0x260: {  	v3 =	vadd.f32 v27, v3;
	_ =	sdelay $0x1  }
0x261: {  	[tilespmem:s18+$0x70] =	vst v3  }
0x262: {  	v3 =	vld [tilespmem:s16+$0x0]  }
0x263: {  	v28 =	vld [tilespmem:s16+$0x80]  }
0x264: {  	v29 =	vld [tilespmem:s16+$0x100]  }
0x265: {  	v30 =	vld [tilespmem:s16+$0x180]  }
0x266: {  	v31 =	vld [tilespmem:s16+$0x200]  }
0x267: {  	v32 =	vld [tilespmem:s16+$0x280]  }
0x268: {  	v33 =	vld [tilespmem:s16+$0x300]  }
0x269: {  	v34 =	vld [tilespmem:s16+$0x380];
	_ =	sdelay $0x3  }
0x26a: {  	v3 =	vadd.f32 v28, v3;
	v35 =	vadd.f32 v30, v29  }
0x26b: {  	v36 =	vadd.f32 v32, v31;
	v37 =	vadd.f32 v34, v33;
	_ =	sdelay $0x1  }
0x26c: {  	v3 =	vadd.f32 v35, v3;
	v38 =	vadd.f32 v37, v36;
	_ =	sdelay $0x1  }
0x26d: {  	v3 =	vadd.f32 v38, v3;
	_ =	sdelay $0x1  }
0x26e: {  	[tilespmem:s18+$0x400] =	vst v3  }
0x26f: {  	v3 =	vld [tilespmem:s16+$0x10]  }
0x270: {  	v39 =	vld [tilespmem:s16+$0x90]  }
0x271: {  	v40 =	vld [tilespmem:s16+$0x110]  }
0x272: {  	v41 =	vld [tilespmem:s16+$0x190]  }
0x273: {  	v42 =	vld [tilespmem:s16+$0x210]  }
0x274: {  	v43 =	vld [tilespmem:s16+$0x290]  }
0x275: {  	v44 =	vld [tilespmem:s16+$0x310]  }
0x276: {  	v45 =	vld [tilespmem:s16+$0x390];
	_ =	sdelay $0x3  }
0x277: {  	v3 =	vadd.f32 v39, v3;
	v46 =	vadd.f32 v41, v40  }
0x278: {  	v47 =	vadd.f32 v43, v42;
	v48 =	vadd.f32 v45, v44;
	_ =	sdelay $0x1  }
0x279: {  	v3 =	vadd.f32 v46, v3;
	v49 =	vadd.f32 v48, v47;
	_ =	sdelay $0x1  }
0x27a: {  	v3 =	vadd.f32 v49, v3;
	_ =	sdelay $0x1  }
0x27b: {  	[tilespmem:s18+$0x410] =	vst v3  }
0x27c: {  	v3 =	vld [tilespmem:s16+$0x20]  }
0x27d: {  	v50 =	vld [tilespmem:s16+$0xA0]  }
0x27e: {  	v51 =	vld [tilespmem:s16+$0x120]  }
0x27f: {  	v52 =	vld [tilespmem:s16+$0x1A0]  }
0x280: {  	v53 =	vld [tilespmem:s16+$0x220]  }
0x281: {  	v54 =	vld [tilespmem:s16+$0x2A0]  }
0x282: {  	v55 =	vld [tilespmem:s16+$0x320]  }
0x283: {  	v56 =	vld [tilespmem:s16+$0x3A0];
	_ =	sdelay $0x3  }
0x284: {  	v3 =	vadd.f32 v50, v3;
	v57 =	vadd.f32 v52, v51  }
0x285: {  	v58 =	vadd.f32 v54, v53;
	v59 =	vadd.f32 v56, v55;
	_ =	sdelay $0x1  }
0x286: {  	v3 =	vadd.f32 v57, v3;
	v60 =	vadd.f32 v59, v58;
	_ =	sdelay $0x1  }
0x287: {  	v3 =	vadd.f32 v60, v3;
	_ =	sdelay $0x1  }
0x288: {  	[tilespmem:s18+$0x420] =	vst v3  }
0x289: {  	v3 =	vld [tilespmem:s16+$0x30]  }
0x28a: {  	v61 =	vld [tilespmem:s16+$0xB0]  }
0x28b: {  	v62 =	vld [tilespmem:s16+$0x130]  }
0x28c: {  	v63 =	vld [tilespmem:s16+$0x1B0]  }
0x28d: {  	v12 =	vld [tilespmem:s16+$0x230]  }
0x28e: {  	v13 =	vld [tilespmem:s16+$0x2B0]  }
0x28f: {  	v14 =	vld [tilespmem:s16+$0x330]  }
0x290: {  	v15 =	vld [tilespmem:s16+$0x3B0];
	_ =	sdelay $0x3  }
0x291: {  	v3 =	vadd.f32 v61, v3;
	v16 =	vadd.f32 v63, v62  }
0x292: {  	v17 =	vadd.f32 v13, v12;
	v18 =	vadd.f32 v15, v14;
	_ =	sdelay $0x1  }
0x293: {  	v3 =	vadd.f32 v16, v3;
	v19 =	vadd.f32 v18, v17;
	_ =	sdelay $0x1  }
0x294: {  	v3 =	vadd.f32 v19, v3;
	_ =	sdelay $0x1  }
0x295: {  	[tilespmem:s18+$0x430] =	vst v3  }
0x296: {  	v3 =	vld [tilespmem:s16+$0x40]  }
0x297: {  	v20 =	vld [tilespmem:s16+$0xC0]  }
0x298: {  	v21 =	vld [tilespmem:s16+$0x140]  }
0x299: {  	v22 =	vld [tilespmem:s16+$0x1C0]  }
0x29a: {  	v23 =	vld [tilespmem:s16+$0x240]  }
0x29b: {  	v24 =	vld [tilespmem:s16+$0x2C0]  }
0x29c: {  	v25 =	vld [tilespmem:s16+$0x340]  }
0x29d: {  	v26 =	vld [tilespmem:s16+$0x3C0];
	_ =	sdelay $0x3  }
0x29e: {  	v3 =	vadd.f32 v20, v3;
	v27 =	vadd.f32 v22, v21  }
0x29f: {  	v28 =	vadd.f32 v24, v23;
	v29 =	vadd.f32 v26, v25;
	_ =	sdelay $0x1  }
0x2a0: {  	v3 =	vadd.f32 v27, v3;
	v30 =	vadd.f32 v29, v28;
	_ =	sdelay $0x1  }
0x2a1: {  	v3 =	vadd.f32 v30, v3;
	_ =	sdelay $0x1  }
0x2a2: {  	[tilespmem:s18+$0x440] =	vst v3  }
0x2a3: {  	v3 =	vld [tilespmem:s16+$0x50]  }
0x2a4: {  	v31 =	vld [tilespmem:s16+$0xD0]  }
0x2a5: {  	v32 =	vld [tilespmem:s16+$0x150]  }
0x2a6: {  	v33 =	vld [tilespmem:s16+$0x1D0]  }
0x2a7: {  	v34 =	vld [tilespmem:s16+$0x250]  }
0x2a8: {  	v35 =	vld [tilespmem:s16+$0x2D0]  }
0x2a9: {  	v36 =	vld [tilespmem:s16+$0x350]  }
0x2aa: {  	v37 =	vld [tilespmem:s16+$0x3D0];
	_ =	sdelay $0x3  }
0x2ab: {  	v3 =	vadd.f32 v31, v3;
	v38 =	vadd.f32 v33, v32  }
0x2ac: {  	v39 =	vadd.f32 v35, v34;
	v40 =	vadd.f32 v37, v36;
	_ =	sdelay $0x1  }
0x2ad: {  	v3 =	vadd.f32 v38, v3;
	v41 =	vadd.f32 v40, v39;
	_ =	sdelay $0x1  }
0x2ae: {  	v3 =	vadd.f32 v41, v3;
	_ =	sdelay $0x1  }
0x2af: {  	[tilespmem:s18+$0x450] =	vst v3  }
0x2b0: {  	v3 =	vld [tilespmem:s16+$0x60]  }
0x2b1: {  	v42 =	vld [tilespmem:s16+$0xE0]  }
0x2b2: {  	v43 =	vld [tilespmem:s16+$0x160]  }
0x2b3: {  	v44 =	vld [tilespmem:s16+$0x1E0]  }
0x2b4: {  	v45 =	vld [tilespmem:s16+$0x260]  }
0x2b5: {  	v46 =	vld [tilespmem:s16+$0x2E0]  }
0x2b6: {  	v47 =	vld [tilespmem:s16+$0x360]  }
0x2b7: {  	v48 =	vld [tilespmem:s16+$0x3E0];
	_ =	sdelay $0x3  }
0x2b8: {  	v3 =	vadd.f32 v42, v3;
	v49 =	vadd.f32 v44, v43  }
0x2b9: {  	v50 =	vadd.f32 v46, v45;
	v51 =	vadd.f32 v48, v47;
	_ =	sdelay $0x1  }
0x2ba: {  	v3 =	vadd.f32 v49, v3;
	v52 =	vadd.f32 v51, v50;
	_ =	sdelay $0x1  }
0x2bb: {  	v3 =	vadd.f32 v52, v3;
	_ =	sdelay $0x1  }
0x2bc: {  	[tilespmem:s18+$0x460] =	vst v3  }
0x2bd: {  	v3 =	vld [tilespmem:s16+$0x70]  }
0x2be: {  	v53 =	vld [tilespmem:s16+$0xF0]  }
0x2bf: {  	v54 =	vld [tilespmem:s16+$0x170]  }
0x2c0: {  	v55 =	vld [tilespmem:s16+$0x1F0]  }
0x2c1: {  	v56 =	vld [tilespmem:s16+$0x270]  }
0x2c2: {  	v57 =	vld [tilespmem:s16+$0x2F0]  }
0x2c3: {  	v58 =	vld [tilespmem:s16+$0x370]  }
0x2c4: {  	v59 =	vld [tilespmem:s16+$0x3F0];
	_ =	sdelay $0x3  }
0x2c5: {  	v3 =	vadd.f32 v53, v3;
	v60 =	vadd.f32 v55, v54  }
0x2c6: {  	v61 =	vadd.f32 v57, v56;
	v62 =	vadd.f32 v59, v58  }
0x2c7: {  	p0 =	sne.s32 s17, $0xF00  }
.Ltmp2:
0x2c8: {  	v3 =	vadd.f32 v60, v3;
	v63 =	vadd.f32 v62, v61;
	(pc) =	sbr.rel @p0 .LBB2_7-.Ltmp2, $3  }
0x2c9: {  	_ = 	snop  }
0x2ca: {  	v3 =	vadd.f32 v63, v3;
	_ =	sdelay $0x1  }
0x2cb: {  	s15 =	sadd.s32 $0x80, s15;
	s17 =	sadd.s32 $0x100, s17;
	s16 =	sadd.s32 $0x800, s16;
	[tilespmem:s18+$0x470] =	vst v3  }
0x2cc: {  	s13 =	sadd.s32 $0x1, s13  }
0x2cd: {  	p0 =	sne.s32 s13, $0x4  }
.Ltmp3:
0x2ce: {  	_ = 	snop;
	(pc) =	sbr.rel @p0 .LBB2_2-.Ltmp3, $1  }
0x2cf: {  	_ =	sdelay $0x3  }
0x2d0: {  	s13 =	rddreg [dreg:$0x4];
	s14 =	simm.s32 $0x10400  }
0x2d1: {  	[hbm4b:s13+s2] =	stream.linear.scatter [tilespmem:s14], [sflag:$0x3], $0x8000, $0x38;
	[tilespmem:$0x18400] =	vst v63  }
0x2d2: {  	s14 =	simm.s32 $0x3  }
0x2d3: {  	_ =	swait.ge [sflag:s14], $0x8000  }
0x2d4: {  	s15 =	rddreg [dreg:$0x6]  }
0x2d5: {  	s20 =	rddreg [dreg:$0x5];
	s15 =	sadd.s32 $0x1, s15  }
0x2d6: {  	p0 =	sne.s32 s15, s20  }
.Ltmp4:
0x2d7: {  	_ = 	snop;
	(pc) =	sbr.rel @p0 .LBB2_1-.Ltmp4, $3  }
0x2d8: {  	_ =	sdelay $0x1  }
0x2d9: {  	[sflag:s14] =	ssyncset.done $0x0  }
0x2da: {  	[sflag:s14] =	ssyncadd.s32 $0xFFFF8000  }
0x2db: {  	_ =	sfence.sel $0x180000  }
0x2dc: {  	[bflag:$0x0] =	sbarrier.arrive $0xFFFF  }
0x2dd: {  	_ =	strace $0x9000004A  }
0x2de: {  	s0 =	stileid.u32;
	[bflag:$0x2] =	sbarrier.arrive $0xFFFF  }
0x2df: {  	p0 =	sne.s32 s0, $0x0;
	s0 =	rddreg [dreg:$0x2]  }
0x2e0: {  	s0 =	sadd.s32 @!p0 $0x100000, s0  }
0x2e1: {  	[sflag:s0] =	ssyncadd.tile.s32 @!p0 $0x1;
	_ =	shalt  }
.Lfunc_end2:
_tile_overlayer_lowered:
.L_overlay_start_2:
0x2e2: {  	(tag) =	ssettag $0x2  }
0x2e3: {  	s0 =	rddreg [dreg:$0x0];
	s2 =	stileid.u32  }
0x2e4: {  	s1 =	rddreg [dreg:$0x1];
	p0 =	sne.s32 s2, $0x0  }
0x2e5: {  	s3 =	rddreg [dreg:$0x2];
	[bflag:$0x3] =	sbarrier.arrive $0xFFFF;
	s2 =	simm.s32 @!p0 $0x1C03  }
0x2e6: {  	[timem:s3], [sflag:s2] =	dma.local @!p0 [hbm:s0], s1  }
0x2e7: {  	s0 =	simm.s32 @!p0 $0x3  }
0x2e8: {  	_ =	swait.ge @!p0 [sflag:s0], s1  }
0x2e9: {  	s1 =	ssub.s32 @!p0 $0x0, s1;
	[sflag:s0] =	ssyncset.done @!p0 $0x0  }
0x2ea: {  	[sflag:s0] =	ssyncadd.s32 @!p0 s1  }
0x2eb: {  	[bflag:$0x3] =	sbarrier.arrive $0xFFFF  }
0x2ec: {  	_ =	shalt  }

// kernel: kernel.8.cloned.1.call-start
scs
__scs_entry_jumppad:
0x0: {  	(pc) =	sbr.rel $0x88, $3  }
0x1: {  	(tag) =	ssettag $0x0;
	lr =	simm.s32 $0x1  }
0x2: {  	[smem:$0x3F95] =	sst lr;
	_ =	strace $0xD0000000  }
0x3: {  	_ = 	snop  }
0x4: {  	_ = 	snop  }
0x5: {  	_ = 	snop  }
0x6: {  	_ = 	snop  }
0x7: {  	_ = 	snop  }
__scs_overlays_trampoline_lowered:
0x8: {  	[smem:$0x3FA4] =	sst s0  }
0x9: {  	[smem:$0x3FA5] =	sst s1  }
0xa: {  	[smem:$0x3FA6] =	sst s2  }
0xb: {  	[smem:$0x3FA7] =	sst s3  }
0xc: {  	[smem:$0x3FA8] =	sst s4  }
0xd: {  	[smem:$0x3FA9] =	sst s5  }
0xe: {  	[smem:$0x3FAA] =	sst s6  }
0xf: {  	[smem:$0x3FAB] =	sst s7  }
0x10: {  	[smem:$0x3FAC] =	sst s8  }
0x11: {  	[smem:$0x3FAD] =	sst s9;
	s0 =	simm.s32 @!p0 $0x0  }
0x12: {  	s1 =	sld [smem:$0x3F93];
	s0 =	simm.s32 @p0 $0x1  }
0x13: {  	[smem:$0x3FAE] =	sst s0;
	s0 =	simm.s32 @!p1 $0x0  }
0x14: {  	s2 =	sld [smem:$0x3F92];
	s0 =	simm.s32 @p1 $0x1  }
0x15: {  	[smem:$0x3FAF] =	sst s0;
	s0 =	simm.s32 @!p2 $0x0  }
0x16: {  	s3 =	sld [smem:$0x3FDB];
	s0 =	simm.s32 @p2 $0x1  }
0x17: {  	s4 =	simm.s32 $0x1BF5;
	[smem:$0x3FB1] =	sst s0  }
0x18: {  	s0 =	sld [smem:$0x3F94];
	_ =	swait.ge [sflag:s4], $0x0  }
0x19: {  	s7 =	sld [smem:$0x3F95]  }
0x1a: {  	s8 =	sadd.s32 $0xFFFFE003, lr  }
0x1b: {  	s9 =	sadd.s32 $0xFFFFFEF7, lr;
	s5 =	simm.s32 $0xFFFFFFFF;
	p2 =	slt.u32 s8, $0xFFFFF086  }
0x1c: {  	p1 =	slt.u32 s9, $0xF7A;
	s5 =	simm.s32 @!p2 $0x0  }
0x1d: {  	s5 =	simm.s32 @p1 $0x1;
	p0 =	seq.s32 s7, s2  }
0x1e: {  	s7 =	smul.u32 @!p0 $0xF7A, s2;
	p2 =	seq.s32 @!p0 s5, $0x0  }
0x1f: {  	s9 =	smul.u32 $0xF7A, s1;
	s8 =	simm.s32 @!p0 $0x1BF5;
	p2 =	por !p2, p0  }
0x20: {  	[sflag:s8] =	ssyncset.s32 @!p0 $0xFFFFF086;
	s6 =	sadd.s32 @!p0 s3, s7;
	s7 =	simm.s32 @!p0 $0x108  }
0x21: {  	s3 =	sadd.s32 s3, s9;
	s6 =	sadd.s32 @!p0 $0x88, s6;
	s7 =	simm.s32 @p2 $0x1082  }
0x22: {  	[simem:s7], [sflag:s8] =	dma.local @!p0 [hbm:s6], $0xF7A  }
0x23: {  	s9 =	sor.u32 $0xD0000000, s2;
	s6 =	simm.s32 $0x108;
	_ =	swait.ge @!p0 [sflag:s8], $0x0  }
0x24: {  	s3 =	sadd.s32 $0x88, s3;
	s6 =	simm.s32 @!p1 $0x1082;
	[sflag:s4] =	ssyncset.s32 $0xFFFFF086  }
0x25: {  	[simem:s6], [sflag:s4] =	dma.local [hbm:s3], $0xF7A  }
0x26: {  	[smem:$0x3F95] =	sst s1;
	(tag) =	ssettag s2;
	_ =	strace s9  }
0x27: {  	s1 =	sld [smem:$0x3FA5]  }
0x28: {  	s2 =	sld [smem:$0x3FA6]  }
0x29: {  	s4 =	sld [smem:$0x3FA8]  }
0x2a: {  	p0 =	seq.s32 s5, $0x0;
	s5 =	sld [smem:$0x3FA9]  }
0x2b: {  	s6 =	sld [smem:$0x3FAA]  }
0x2c: {  	s7 =	sld [smem:$0x3FAB]  }
0x2d: {  	s3 =	simm.s32 $0x108;
	s8 =	sld [smem:$0x3FAC]  }
0x2e: {  	s3 =	simm.s32 @!p0 $0x1082;
	s9 =	sld [smem:$0x3FAD]  }
0x2f: {  	lr =	sadd.s32 s0, s3;
	s0 =	sld [smem:$0x3FA4]  }
0x30: {  	s3 =	sld [smem:$0x3FA7]  }
0x31: {  	[smem:$0x3FB0] =	sst s10  }
0x32: {  	s10 =	sld [smem:$0x3FAE];
	_ =	sdelay $0x3  }
0x33: {  	p0 =	seq.s32 s10, $0x1;
	s10 =	sld [smem:$0x3FB0];
	_ =	sdelay $0x3  }
0x34: {  	[smem:$0x3FB0] =	sst s10  }
0x35: {  	s10 =	sld [smem:$0x3FAF];
	_ =	sdelay $0x3  }
0x36: {  	p1 =	seq.s32 s10, $0x1;
	s10 =	sld [smem:$0x3FB0];
	_ =	sdelay $0x3  }
0x37: {  	[smem:$0x3FB0] =	sst s10  }
0x38: {  	s10 =	sld [smem:$0x3FB1]  }
0x39: {  	_ = 	snop;
	(pc) =	sbr.ind lr, $3  }
0x3a: {  	_ = 	snop  }
0x3b: {  	_ = 	snop  }
0x3c: {  	p2 =	seq.s32 s10, $0x1;
	s10 =	sld [smem:$0x3FB0]  }
0x3d: {  	_ =	shalt  }
0x3e: {  	_ =	shalt  }
0x3f: {  	_ =	shalt  }
0x40: {  	_ =	shalt  }
0x41: {  	_ =	shalt  }
0x42: {  	_ =	shalt  }
0x43: {  	_ =	shalt  }
0x44: {  	_ =	shalt  }
0x45: {  	_ =	shalt  }
0x46: {  	_ =	shalt  }
0x47: {  	_ =	shalt  }
0x48: {  	_ =	shalt  }
0x49: {  	_ =	shalt  }
0x4a: {  	_ =	shalt  }
0x4b: {  	_ =	shalt  }
0x4c: {  	_ =	shalt  }
0x4d: {  	_ =	shalt  }
0x4e: {  	_ =	shalt  }
0x4f: {  	_ =	shalt  }
0x50: {  	_ =	shalt  }
0x51: {  	_ =	shalt  }
0x52: {  	_ =	shalt  }
0x53: {  	_ =	shalt  }
0x54: {  	_ =	shalt  }
0x55: {  	_ =	shalt  }
0x56: {  	_ =	shalt  }
0x57: {  	_ =	shalt  }
0x58: {  	_ =	shalt  }
0x59: {  	_ =	shalt  }
0x5a: {  	_ =	shalt  }
0x5b: {  	_ =	shalt  }
0x5c: {  	_ =	shalt  }
0x5d: {  	_ =	shalt  }
0x5e: {  	_ =	shalt  }
0x5f: {  	_ =	shalt  }
0x60: {  	_ =	shalt  }
0x61: {  	_ =	shalt  }
0x62: {  	_ =	shalt  }
0x63: {  	_ =	shalt  }
0x64: {  	_ =	shalt  }
0x65: {  	_ =	shalt  }
0x66: {  	_ =	shalt  }
0x67: {  	_ =	shalt  }
0x68: {  	_ =	shalt  }
0x69: {  	_ =	shalt  }
0x6a: {  	_ =	shalt  }
0x6b: {  	_ =	shalt  }
0x6c: {  	_ =	shalt  }
0x6d: {  	_ =	shalt  }
0x6e: {  	_ =	shalt  }
0x6f: {  	_ =	shalt  }
0x70: {  	_ =	shalt  }
0x71: {  	_ =	shalt  }
0x72: {  	_ =	shalt  }
0x73: {  	_ =	shalt  }
0x74: {  	_ =	shalt  }
0x75: {  	_ =	shalt  }
0x76: {  	_ =	shalt  }
0x77: {  	_ =	shalt  }
0x78: {  	_ =	shalt  }
0x79: {  	_ =	shalt  }
0x7a: {  	_ =	shalt  }
0x7b: {  	_ =	shalt  }
0x7c: {  	_ =	shalt  }
0x7d: {  	_ =	shalt  }
0x7e: {  	_ =	shalt  }
0x7f: {  	_ =	shalt  }
0x80: {  	_ =	shalt  }
0x81: {  	_ =	shalt  }
0x82: {  	_ =	shalt  }
0x83: {  	_ =	shalt  }
0x84: {  	_ =	shalt  }
0x85: {  	_ =	shalt  }
0x86: {  	_ =	shalt  }
0x87: {  	_ =	shalt  }
.Lfunc_end0:
.L_simem_size_0:
called_computation_lowered:
.L_overlay_start_0:
0x88: {  	s2 =	sld [smem:$0x3FD9]  }
0x89: {  	s3 =	sld [smem:$0x3FFE];
	_ =	sdelay $0x1  }
0x8a: {  	s1 =	srdreg.scid  }
0x8b: {  	s0 =	sand.u32 $0x1, s1  }
0x8c: {  	s14 =	sshll.u32 s0, $0xA;
	s2 =	sadd.s32 s3, s2  }
0x8d: {  	s2 =	sadd.s32 s2, s14  }
0x8e: {  	[smem:$0x3FBC] =	sst s2  }
0x8f: {  	_ = 	snop  }
0x90: {  	s2 =	sld [smem:$0x3FD0];
	_ =	sdelay $0x2  }
0x91: {  	s15 =	simm.s32 $0xA;
	s4 =	simm.s32 $0x10  }
0x92: {  	[smem:s4], [sflag:s15] =	dma.local [hbm:s2], $0x1  }
0x93: {  	_ =	swait.eq [sflag:s15], $0x1  }
0x94: {  	[sflag:s15] =	ssyncset.done $0x0  }
0x95: {  	[sflag:s15] =	ssyncadd.s32 $0xFFFFFFFF  }
0x96: {  	s16 =	sld [smem:$0x12];
	(tm) =	ssettm $0x1  }
0x97: {  	s17 =	sld [smem:$0x3FFB];
	_ =	sdelay $0x3  }
0x98: {  	_ =	strace s17  }
0x99: {  	s3 =	sld [smem:$0x3FFC];
	_ =	sdelay $0x3  }
0x9a: {  	_ =	strace s3  }
0x9b: {  	s3 =	sld [smem:$0x3FFD];
	_ =	sdelay $0x3  }
0x9c: {  	_ =	strace s3  }
0x9d: {  	_ =	strace $0x8FFFFFFF  }
0x9e: {  	s18 =	sld [smem:$0x3FDB];
	_ =	sdelay $0x1  }
0x9f: {  	s19 =	simm.s32 $_scs_section_size  }
0xa0: {  	s5 =	simm.s32 $_size__tile_overlayer_lowered;
	s6 =	simm.s32 $_tile_overlayer_lowered  }
0xa1: {  	s22 =	simm.s32 $0x1BFF;
	s21 =	sshll.u32 s6, $0x1;
	s3 =	sadd.s32 s19, s18  }
0xa2: {  	s7 =	simm.s32 $0x0;
	s20 =	sshll.u32 s5, $0x1;
	s5 =	sadd.s32 s21, s3  }
0xa3: {  	[timem:s7], [sflag:s22] =	dma.local [hbm:s5], s20  }
0xa4: {  	_ =	swait.ge [sflag:s22], s20  }
0xa5: {  	s4 =	ssub.s32 $0x0, s20;
	[sflag:s22] =	ssyncset.done $0x0  }
0xa6: {  	[sflag:s22] =	ssyncadd.s32 s4;
	_ =	sdelay $0x1  }
0xa7: {  	s23 =	simm.s32 $0x1B8B  }
0xa8: {  	_ =	swait.ge [sflag:s23], $0x1  }
0xa9: {  	[sflag:s23] =	ssyncset.done $0x0  }
0xaa: {  	s25 =	simm.s32 $0x1B8E;
	s24 =	sld [smem:$0x3FFE];
	[sflag:s23] =	ssyncadd.s32 $0xFFFFFFFF  }
0xab: {  	s26 =	simm.s32 $execute0_lowered;
	[smem:$0x3FD2] =	sst s25  }
0xac: {  	s5 =	sshll.u32 s26, $0x1;
	_ =	strace $0x80000046;
	[dreg:$0x1] =	wrdreg $0xFFFFFFFF  }
0xad: {  	s28 =	simm.s32 $_size_execute0_lowered;
	s3 =	sadd.s32 s3, s5;
	[dreg:$0x0] =	wrdreg $0x0  }
0xae: {  	s5 =	sshll.u32 s28, $0x1;
	[dreg:$0x2] =	wrdreg s3  }
0xaf: {  	[dreg:$0x3] =	wrdreg s5  }
0xb0: {  	[dreg:$0x4] =	wrdreg $0xC0  }
0xb1: {  	_ =	task [dreg:s7], $0x5FFFF  }
0xb2: {  	[dreg:$0x1] =	wrdreg $0xFFFFFFFF  }
0xb3: {  	[dreg:$0x0] =	wrdreg $0x60  }
0xb4: {  	[dreg:$0x2] =	wrdreg s24  }
0xb5: {  	[dreg:$0x3] =	wrdreg s16  }
0xb6: {  	[dreg:$0x4] =	wrdreg $0x9  }
0xb7: {  	_ =	task.clear_ibuf [dreg:s7], $0x5FFFF;
	_ =	strace $0x90000046  }
0xb8: {  	s29 =	simm.s32 $0x9;
	_ =	strace $0x80000048  }
0xb9: {  	_ =	swait.ge [sflag:s29], $0x1  }
0xba: {  	[sflag:s29] =	ssyncadd.s32 $0xFFFFFFFF  }
0xbb: {  	_ =	strace $0x90000048  }
0xbc: {  	_ =	sfence  }
0xbd: {  	s30 =	sld [smem:$0x0];
	_ =	sdelay $0x2  }
0xbe: {  	s31 =	sshll.u32 s1, $0xD;
	s1 =	sshrl.u32 s1, $0x2  }
0xbf: {  	s3 =	sand.u32 $0x4000, s31;
	s1 =	sadd.s32 s1, s30  }
0xc0: {  	s0 =	sor.u32 s3, s0;
	s1 =	sshll.u32 s1, $0x11  }
0xc1: {  	s0 =	sor.u32 s1, s0  }
0xc2: {  	s0 =	sadd.s32 $0x8F2B, s0  }
0xc3: {  	[sflag:s0] =	ssyncadd.remote.s32 $0x1  }
0xc4: {  	_ =	sfence.sel $0xFFFF  }
0xc5: {  	[dreg:$0x0] =	wrdreg $0xFFFFFFFF;
	(pc) =	sbr.abs _section_cstart, $3  }
0xc6: {  	[dreg:$0x1] =	wrdreg $0xFFFFFFFF  }
0xc7: {  	_ =	task.clear_ibuf [dreg:s7], $0x2FFFF;
	_ =	strace $0x9FFFFFFF  }
0xc8: {  	(tm) =	ssettm $0x7FFFFFFF  }
0xc9: {  	_ =	shalt  }
tec
execute0_lowered:
.L_overlay_start_1:
0x0: {  	(tag) =	ssettag $0x1  }
0x1: {  	s0 =	rddreg [dreg:$0x0]  }
0x2: {  	s1 =	rddreg [dreg:$0x1];
	s2 =	simm.s32 $0x0;
	s3 =	srdreg.scid  }
0x3: {  	s5 =	stileid.u32;
	s14 =	simm.s32 $0x3;
	s21 =	simm.s32 $0x6C00  }
0x4: {  	s22 =	simm.s32 $0x7400;
	s23 =	simm.s32 $0x7C00;
	s24 =	simm.s32 $0x8400  }
0x5: {  	s25 =	simm.s32 $0x8C00;
	s28 =	simm.s32 $0x9C00;
	s29 =	simm.s32 $0xA400  }
0x6: {  	s30 =	simm.s32 $0xAC00;
	s31 =	simm.s32 $0xB400;
	s8 =	simm.s32 $0xEC00  }
0x7: {  	s9 =	simm.s32 $0xF400;
	s10 =	simm.s32 $0xFC00;
	s11 =	simm.s32 $0x1  }
0x8: {  	s12 =	simm.s32 $0x2;
	s15 =	simm.s32 $0x0;
	[smem:$0x7FF] =	sst s2  }
0x9: {  	s4 =	sand.u32 $0x1, s3;
	s5 =	sshll.u32 s5, $0x1;
	s3 =	sadd.s32 $0x2E00, s0  }
0xa: {  	_ =	strace $0x80000047;
	s5 =	sor.u32 s4, s5;
	s4 =	ssub.s32 $0x2, s4  }
0xb: {  	s6 =	sshll.u32 s5, $0xC;
	s7 =	sshrl.u32 s4, $0x1;
	s5 =	sshll.u32 s5, $0x7  }
0xc: {  	s0 =	sadd.s32 s6, s0;
	s4 =	ssub.s32 s4, s7;
	s1 =	sadd.s32 s1, s5  }
0xd: {  	s5 =	simm.s32 $0xD400;
	s6 =	simm.s32 $0xDC00;
	s7 =	simm.s32 $0xE400  }
0xe: {  	v2 =	vlaneseq.u32;
	[dreg:$0x3] =	wrdreg s1;
	s0 =	sadd.s32 $0x22E00, s0;
	s26 =	smax.u32 s4, $0x1  }
0xf: {  	vm0 =	vmmov $0xffff;
	v1 =	vshrl.u32 v2, $0x3;
	s1 =	simm.s32 $0xC400;
	s4 =	simm.s32 $0xCC00;
	[dreg:$0x4] =	wrdreg s0  }
0x10: {  	v0 =	vand.u32 $0x7, v2;
	v2 =	vor.u32 $0x8, v2;
	v1 =	vmul.u32 $0x8, v1;
	[dreg:$0x5] =	wrdreg s26;
	s26 =	simm.s32 $0x9400;
	s0 =	simm.s32 $0xBC00  }
.LBB2_1:
0x11: {  	[dreg:$0x6] =	wrdreg s15  }
0x12: {  	s13 =	rddreg [dreg:$0x3]  }
0x13: {  	[tilespmem:s2], [sflag:$0x3] =	stream.linear.gather [hbm4b:s13+s2], $0x400, $0x38;
	[tilespmem:$0x18400] =	vst v63  }
0x14: {  	_ =	swait.ge [sflag:s14], $0x400  }
0x15: {  	[sflag:s14] =	ssyncset.done $0x0  }
0x16: {  	[sflag:s14] =	ssyncadd.s32 $0xFFFFFC00  }
0x17: {  	v3 =	vld [tilespmem:$0x0];
	_ =	sdelay $0x4  }
0x18: {  	v4 =	vshll.u32 v3, $0x1  }
0x19: {  	v3 =	vand.u32 $0x7, v3;
	v4 =	vand.u32 $0xFFFFFFF0, v4  }
0x1a: {  	v3 =	vor.u32 v3, v4  }
0x1b: {  	v4 =	vperm.xlane v3, v0;
	_ =	sdelay $0x1  }
0x1c: {  	v3 =	vperm.xlane v3, v2;
	v4 =	vadd.s32 v1, v4;
	_ =	sdelay $0x1  }
0x1d: {  	v3 =	vadd.s32 v1, v3;
	_ =	sdelay $0x1  }
0x1e: {  	s15 =	simm.s32 $0x400  }
0x1f: {  	[tilespmem:s15], [sflag:$0x1] =	stream.indirect_vreg.gather [hbm4b:s3+s2], $0x80, v4, vm0, $0xb8;
	[tilespmem:$0x18400] =	vst v63  }
0x20: {  	s16 =	simm.s32 $0xC00  }
0x21: {  	[tilespmem:s16], [sflag:$0x1] =	stream.indirect_vreg.gather [hbm4b:s3+s2], $0x80, v3, vm0, $0xb8;
	[tilespmem:$0x18400] =	vst v63  }
0x22: {  	v3 =	vld [tilespmem:$0x10];
	_ =	sdelay $0x4  }
0x23: {  	v57 =	vshll.u32 v3, $0x1  }
0x24: {  	v3 =	vand.u32 $0x7, v3;
	v4 =	vand.u32 $0xFFFFFFF0, v57  }
0x25: {  	v3 =	vor.u32 v3, v4  }
0x26: {  	v4 =	vperm.xlane v3, v0;
	_ =	sdelay $0x1  }
0x27: {  	v3 =	vperm.xlane v3, v2;
	v4 =	vadd.s32 v1, v4;
	_ =	sdelay $0x1  }
0x28: {  	v3 =	vadd.s32 v1, v3;
	_ =	sdelay $0x1  }
0x29: {  	s17 =	simm.s32 $0x1400  }
0x2a: {  	[tilespmem:s17], [sflag:$0x1] =	stream.indirect_vreg.gather [hbm4b:s3+s2], $0x80, v4, vm0, $0xb8;
	[tilespmem:$0x18400] =	vst v63  }
0x2b: {  	s18 =	simm.s32 $0x1C00  }
0x2c: {  	[tilespmem:s18], [sflag:$0x1] =	stream.indirect_vreg.gather [hbm4b:s3+s2], $0x80, v3, vm0, $0xb8;
	[tilespmem:$0x18400] =	vst v63  }
0x2d: {  	v3 =	vld [tilespmem:$0x20];
	_ =	sdelay $0x4  }
0x2e: {  	v58 =	vshll.u32 v3, $0x1  }
0x2f: {  	v3 =	vand.u32 $0x7, v3;
	v4 =	vand.u32 $0xFFFFFFF0, v58  }
0x30: {  	v3 =	vor.u32 v3, v4  }
0x31: {  	v4 =	vperm.xlane v3, v0;
	_ =	sdelay $0x1  }
0x32: {  	v3 =	vperm.xlane v3, v2;
	v4 =	vadd.s32 v1, v4;
	_ =	sdelay $0x1  }
0x33: {  	v3 =	vadd.s32 v1, v3;
	_ =	sdelay $0x1  }
0x34: {  	s19 =	simm.s32 $0x2400  }
0x35: {  	[tilespmem:s19], [sflag:$0x1] =	stream.indirect_vreg.gather [hbm4b:s3+s2], $0x80, v4, vm0, $0xb8;
	[tilespmem:$0x18400] =	vst v63  }
0x36: {  	s20 =	simm.s32 $0x2C00  }
0x37: {  	[tilespmem:s20], [sflag:$0x1] =	stream.indirect_vreg.gather [hbm4b:s3+s2], $0x80, v3, vm0, $0xb8;
	[tilespmem:$0x18400] =	vst v63  }
0x38: {  	v3 =	vld [tilespmem:$0x30];
	_ =	sdelay $0x4  }
0x39: {  	v59 =	vshll.u32 v3, $0x1  }
0x3a: {  	v3 =	vand.u32 $0x7, v3;
	v4 =	vand.u32 $0xFFFFFFF0, v59  }
0x3b: {  	v3 =	vor.u32 v3, v4  }
0x3c: {  	v4 =	vperm.xlane v3, v0;
	_ =	sdelay $0x1  }
0x3d: {  	v3 =	vperm.xlane v3, v2;
	v4 =	vadd.s32 v1, v4;
	_ =	sdelay $0x1  }
0x3e: {  	v3 =	vadd.s32 v1, v3;
	_ =	sdelay $0x1  }
0x3f: {  	s14 =	simm.s32 $0x3400  }
0x40: {  	[tilespmem:s14], [sflag:$0x1] =	stream.indirect_vreg.gather [hbm4b:s3+s2], $0x80, v4, vm0, $0xb8;
	[tilespmem:$0x18400] =	vst v63  }
0x41: {  	s15 =	simm.s32 $0x3C00  }
0x42: {  	[tilespmem:s15], [sflag:$0x1] =	stream.indirect_vreg.gather [hbm4b:s3+s2], $0x80, v3, vm0, $0xb8;
	[tilespmem:$0x18400] =	vst v63  }
0x43: {  	v3 =	vld [tilespmem:$0x40];
	_ =	sdelay $0x4  }
0x44: {  	v60 =	vshll.u32 v3, $0x1  }
0x45: {  	v3 =	vand.u32 $0x7, v3;
	v4 =	vand.u32 $0xFFFFFFF0, v60  }
0x46: {  	v3 =	vor.u32 v3, v4  }
0x47: {  	v4 =	vperm.xlane v3, v0;
	_ =	sdelay $0x1  }
0x48: {  	v3 =	vperm.xlane v3, v2;
	v4 =	vadd.s32 v1, v4;
	_ =	sdelay $0x1  }
0x49: {  	v3 =	vadd.s32 v1, v3;
	_ =	sdelay $0x1  }
0x4a: {  	s16 =	simm.s32 $0x4400  }
0x4b: {  	[tilespmem:s16], [sflag:$0x1] =	stream.indirect_vreg.gather [hbm4b:s3+s2], $0x80, v4, vm0, $0xb8;
	[tilespmem:$0x18400] =	vst v63  }
0x4c: {  	s17 =	simm.s32 $0x4C00  }
0x4d: {  	[tilespmem:s17], [sflag:$0x1] =	stream.indirect_vreg.gather [hbm4b:s3+s2], $0x80, v3, vm0, $0xb8;
	[tilespmem:$0x18400] =	vst v63  }
0x4e: {  	v3 =	vld [tilespmem:$0x50];
	_ =	sdelay $0x4  }
0x4f: {  	v61 =	vshll.u32 v3, $0x1  }
0x50: {  	v3 =	vand.u32 $0x7, v3;
	v4 =	vand.u32 $0xFFFFFFF0, v61  }
0x51: {  	v3 =	vor.u32 v3, v4  }
0x52: {  	v4 =	vperm.xlane v3, v0;
	_ =	sdelay $0x1  }
0x53: {  	v3 =	vperm.xlane v3, v2;
	v4 =	vadd.s32 v1, v4;
	_ =	sdelay $0x1  }
0x54: {  	v3 =	vadd.s32 v1, v3;
	_ =	sdelay $0x1  }
0x55: {  	s18 =	simm.s32 $0x5400  }
0x56: {  	[tilespmem:s18], [sflag:$0x1] =	stream.indirect_vreg.gather [hbm4b:s3+s2], $0x80, v4, vm0, $0xb8;
	[tilespmem:$0x18400] =	vst v63  }
0x57: {  	s19 =	simm.s32 $0x5C00  }
0x58: {  	[tilespmem:s19], [sflag:$0x1] =	stream.indirect_vreg.gather [hbm4b:s3+s2], $0x80, v3, vm0, $0xb8;
	[tilespmem:$0x18400] =	vst v63  }
0x59: {  	v3 =	vld [tilespmem:$0x60];
	_ =	sdelay $0x4  }
0x5a: {  	v62 =	vshll.u32 v3, $0x1  }
0x5b: {  	v3 =	vand.u32 $0x7, v3;
	v4 =	vand.u32 $0xFFFFFFF0, v62  }
0x5c: {  	v3 =	vor.u32 v3, v4  }
0x5d: {  	v4 =	vperm.xlane v3, v0;
	_ =	sdelay $0x1  }
0x5e: {  	v3 =	vperm.xlane v3, v2;
	v4 =	vadd.s32 v1, v4;
	_ =	sdelay $0x1  }
0x5f: {  	v3 =	vadd.s32 v1, v3;
	_ =	sdelay $0x1  }
0x60: {  	s20 =	simm.s32 $0x6400  }
0x61: {  	[tilespmem:s20], [sflag:$0x1] =	stream.indirect_vreg.gather [hbm4b:s3+s2], $0x80, v4, vm0, $0xb8;
	[tilespmem:$0x18400] =	vst v63  }
0x62: {  	_ = 	snop  }
0x63: {  	[tilespmem:s21], [sflag:$0x1] =	stream.indirect_vreg.gather [hbm4b:s3+s2], $0x80, v3, vm0, $0xb8;
	[tilespmem:$0x18400] =	vst v63  }
0x64: {  	v3 =	vld [tilespmem:$0x70];
	_ =	sdelay $0x4  }
0x65: {  	v63 =	vshll.u32 v3, $0x1  }
0x66: {  	v3 =	vand.u32 $0x7, v3;
	v4 =	vand.u32 $0xFFFFFFF0, v63  }
0x67: {  	v3 =	vor.u32 v3, v4  }
0x68: {  	v4 =	vperm.xlane v3, v0;
	_ =	sdelay $0x1  }
0x69: {  	v3 =	vperm.xlane v3, v2;
	v4 =	vadd.s32 v1, v4;
	_ =	sdelay $0x1  }
0x6a: {  	v3 =	vadd.s32 v1, v3;
	_ =	sdelay $0x2  }
0x6b: {  	[tilespmem:s22], [sflag:$0x1] =	stream.indirect_vreg.gather [hbm4b:s3+s2], $0x80, v4, vm0, $0xb8;
	[tilespmem:$0x18400] =	vst v63  }
0x6c: {  	s13 =	simm.s32 $0x0  }
0x6d: {  	[tilespmem:s23], [sflag:$0x1] =	stream.indirect_vreg.gather [hbm4b:s3+s2], $0x80, v3, vm0, $0xb8;
	[tilespmem:$0x18400] =	vst v63  }
.LBB2_2:
0x6e: {  	s14 =	sshllo.u32 s13, $0x1  }
0x6f: {  	s15 =	sshll.u32 s14, $0x7  }
0x70: {  	s16 =	sand.u32 $0x3FFFFF80, s15  }
0x71: {  	v3 =	vld [tilespmem:s16+$0x0];
	_ =	sdelay $0x4  }
0x72: {  	v4 =	vshll.u32 v3, $0x1  }
0x73: {  	v3 =	vand.u32 $0x7, v3;
	v4 =	vand.u32 $0xFFFFFFF0, v4  }
0x74: {  	v3 =	vor.u32 v3, v4  }
0x75: {  	v4 =	vperm.xlane v3, v0;
	_ =	sdelay $0x1  }
0x76: {  	v3 =	vperm.xlane v3, v2;
	v4 =	vadd.s32 v1, v4;
	_ =	sdelay $0x1  }
0x77: {  	v3 =	vadd.s32 v1, v3;
	_ =	sdelay $0x1  }
0x78: {  	s15 =	simm.s32 $0x0  }
0x79: {  	[tilespmem:s24], [sflag:$0x2] =	stream.indirect_vreg.gather [hbm4b:s3+s15], $0x80, v4, vm0, $0xb8;
	[tilespmem:$0x18400] =	vst v63  }
0x7a: {  	_ = 	snop  }
0x7b: {  	[tilespmem:s25], [sflag:$0x2] =	stream.indirect_vreg.gather [hbm4b:s3+s15], $0x80, v3, vm0, $0xb8;
	[tilespmem:$0x18400] =	vst v63  }
0x7c: {  	v3 =	vld [tilespmem:s16+$0x10];
	_ =	sdelay $0x4  }
0x7d: {  	v57 =	vshll.u32 v3, $0x1  }
0x7e: {  	v3 =	vand.u32 $0x7, v3;
	v4 =	vand.u32 $0xFFFFFFF0, v57  }
0x7f: {  	v3 =	vor.u32 v3, v4  }
0x80: {  	v4 =	vperm.xlane v3, v0;
	_ =	sdelay $0x1  }
0x81: {  	v3 =	vperm.xlane v3, v2;
	v4 =	vadd.s32 v1, v4;
	_ =	sdelay $0x1  }
0x82: {  	v3 =	vadd.s32 v1, v3;
	_ =	sdelay $0x2  }
0x83: {  	[tilespmem:s26], [sflag:$0x2] =	stream.indirect_vreg.gather [hbm4b:s3+s15], $0x80, v4, vm0, $0xb8;
	[tilespmem:$0x18400] =	vst v63  }
0x84: {  	_ = 	snop  }
0x85: {  	[tilespmem:s28], [sflag:$0x2] =	stream.indirect_vreg.gather [hbm4b:s3+s15], $0x80, v3, vm0, $0xb8;
	[tilespmem:$0x18400] =	vst v63  }
0x86: {  	v3 =	vld [tilespmem:s16+$0x20];
	_ =	sdelay $0x4  }
0x87: {  	v58 =	vshll.u32 v3, $0x1  }
0x88: {  	v3 =	vand.u32 $0x7, v3;
	v4 =	vand.u32 $0xFFFFFFF0, v58  }
0x89: {  	v3 =	vor.u32 v3, v4  }
0x8a: {  	v4 =	vperm.xlane v3, v0;
	_ =	sdelay $0x1  }
0x8b: {  	v3 =	vperm.xlane v3, v2;
	v4 =	vadd.s32 v1, v4;
	_ =	sdelay $0x1  }
0x8c: {  	v3 =	vadd.s32 v1, v3;
	_ =	sdelay $0x2  }
0x8d: {  	[tilespmem:s29], [sflag:$0x2] =	stream.indirect_vreg.gather [hbm4b:s3+s15], $0x80, v4, vm0, $0xb8;
	[tilespmem:$0x18400] =	vst v63  }
0x8e: {  	_ = 	snop  }
0x8f: {  	[tilespmem:s30], [sflag:$0x2] =	stream.indirect_vreg.gather [hbm4b:s3+s15], $0x80, v3, vm0, $0xb8;
	[tilespmem:$0x18400] =	vst v63  }
0x90: {  	v3 =	vld [tilespmem:s16+$0x30];
	_ =	sdelay $0x4  }
0x91: {  	v59 =	vshll.u32 v3, $0x1  }
0x92: {  	v3 =	vand.u32 $0x7, v3;
	v4 =	vand.u32 $0xFFFFFFF0, v59  }
0x93: {  	v3 =	vor.u32 v3, v4  }
0x94: {  	v4 =	vperm.xlane v3, v0;
	_ =	sdelay $0x1  }
0x95: {  	v3 =	vperm.xlane v3, v2;
	v4 =	vadd.s32 v1, v4;
	_ =	sdelay $0x1  }
0x96: {  	v3 =	vadd.s32 v1, v3;
	_ =	sdelay $0x2  }
0x97: {  	[tilespmem:s31], [sflag:$0x2] =	stream.indirect_vreg.gather [hbm4b:s3+s15], $0x80, v4, vm0, $0xb8;
	[tilespmem:$0x18400] =	vst v63  }
0x98: {  	_ = 	snop  }
0x99: {  	[tilespmem:s0], [sflag:$0x2] =	stream.indirect_vreg.gather [hbm4b:s3+s15], $0x80, v3, vm0, $0xb8;
	[tilespmem:$0x18400] =	vst v63  }
0x9a: {  	v3 =	vld [tilespmem:s16+$0x40];
	_ =	sdelay $0x4  }
0x9b: {  	v60 =	vshll.u32 v3, $0x1  }
0x9c: {  	v3 =	vand.u32 $0x7, v3;
	v4 =	vand.u32 $0xFFFFFFF0, v60  }
0x9d: {  	v3 =	vor.u32 v3, v4  }
0x9e: {  	v4 =	vperm.xlane v3, v0;
	_ =	sdelay $0x1  }
0x9f: {  	v3 =	vperm.xlane v3, v2;
	v4 =	vadd.s32 v1, v4;
	_ =	sdelay $0x1  }
0xa0: {  	v3 =	vadd.s32 v1, v3;
	_ =	sdelay $0x2  }
0xa1: {  	[tilespmem:s1], [sflag:$0x2] =	stream.indirect_vreg.gather [hbm4b:s3+s15], $0x80, v4, vm0, $0xb8;
	[tilespmem:$0x18400] =	vst v63  }
0xa2: {  	_ = 	snop  }
0xa3: {  	[tilespmem:s4], [sflag:$0x2] =	stream.indirect_vreg.gather [hbm4b:s3+s15], $0x80, v3, vm0, $0xb8;
	[tilespmem:$0x18400] =	vst v63  }
0xa4: {  	v3 =	vld [tilespmem:s16+$0x50];
	_ =	sdelay $0x4  }
0xa5: {  	v61 =	vshll.u32 v3, $0x1  }
0xa6: {  	v3 =	vand.u32 $0x7, v3;
	v4 =	vand.u32 $0xFFFFFFF0, v61  }
0xa7: {  	v3 =	vor.u32 v3, v4  }
0xa8: {  	v4 =	vperm.xlane v3, v0;
	_ =	sdelay $0x1  }
0xa9: {  	v3 =	vperm.xlane v3, v2;
	v4 =	vadd.s32 v1, v4;
	_ =	sdelay $0x1  }
0xaa: {  	v3 =	vadd.s32 v1, v3;
	_ =	sdelay $0x2  }
0xab: {  	[tilespmem:s5], [sflag:$0x2] =	stream.indirect_vreg.gather [hbm4b:s3+s15], $0x80, v4, vm0, $0xb8;
	[tilespmem:$0x18400] =	vst v63  }
0xac: {  	_ = 	snop  }
0xad: {  	[tilespmem:s6], [sflag:$0x2] =	stream.indirect_vreg.gather [hbm4b:s3+s15], $0x80, v3, vm0, $0xb8;
	[tilespmem:$0x18400] =	vst v63  }
0xae: {  	v3 =	vld [tilespmem:s16+$0x60];
	_ =	sdelay $0x4  }
0xaf: {  	v62 =	vshll.u32 v3, $0x1  }
0xb0: {  	v3 =	vand.u32 $0x7, v3;
	v4 =	vand.u32 $0xFFFFFFF0, v62  }
0xb1: {  	v3 =	vor.u32 v3, v4  }
0xb2: {  	v4 =	vperm.xlane v3, v0;
	_ =	sdelay $0x1  }
0xb3: {  	v3 =	vperm.xlane v3, v2;
	v4 =	vadd.s32 v1, v4;
	_ =	sdelay $0x1  }
0xb4: {  	v3 =	vadd.s32 v1, v3;
	_ =	sdelay $0x2  }
0xb5: {  	[tilespmem:s7], [sflag:$0x2] =	stream.indirect_vreg.gather [hbm4b:s3+s15], $0x80, v4, vm0, $0xb8;
	[tilespmem:$0x18400] =	vst v63  }
0xb6: {  	_ = 	snop  }
0xb7: {  	[tilespmem:s8], [sflag:$0x2] =	stream.indirect_vreg.gather [hbm4b:s3+s15], $0x80, v3, vm0, $0xb8;
	[tilespmem:$0x18400] =	vst v63  }
0xb8: {  	v3 =	vld [tilespmem:s16+$0x70];
	_ =	sdelay $0x4  }
0xb9: {  	v63 =	vshll.u32 v3, $0x1  }
0xba: {  	v3 =	vand.u32 $0x7, v3;
	v4 =	vand.u32 $0xFFFFFFF0, v63  }
0xbb: {  	v3 =	vor.u32 v3, v4  }
0xbc: {  	v4 =	vperm.xlane v3, v0;
	_ =	sdelay $0x1  }
0xbd: {  	v3 =	vperm.xlane v3, v2;
	v4 =	vadd.s32 v1, v4;
	_ =	sdelay $0x1  }
0xbe: {  	v3 =	vadd.s32 v1, v3;
	_ =	sdelay $0x2  }
0xbf: {  	[tilespmem:s9], [sflag:$0x2] =	stream.indirect_vreg.gather [hbm4b:s3+s15], $0x80, v4, vm0, $0xb8;
	[tilespmem:$0x18400] =	vst v63  }
0xc0: {  	_ = 	snop  }
0xc1: {  	[tilespmem:s10], [sflag:$0x2] =	stream.indirect_vreg.gather [hbm4b:s3+s15], $0x80, v3, vm0, $0xb8;
	[tilespmem:$0x18400] =	vst v63  }
0xc2: {  	s20 =	sshll.u32 s13, $0xD;
	_ =	swait.ge [sflag:s11], $0x8000  }
0xc3: {  	s17 =	simm.s32 $0x800;
	s16 =	sand.u32 $0x3FFFE000, s20;
	[sflag:s11] =	ssyncset.done $0x0  }
0xc4: {  	s18 =	simm.s32 $0x0;
	s16 =	sadd.s32 $0x10400, s16;
	[sflag:s11] =	ssyncadd.s32 $0xFFFF8000  }
.LBB2_3:
0xc5: {  	v3 =	vld [tilespmem:s17+$0xFFFFFC00]  }
0xc6: {  	v4 =	vld [tilespmem:s17+$0xFFFFFC80]  }
0xc7: {  	v5 =	vld [tilespmem:s17+$0xFFFFFD00]  }
0xc8: {  	v6 =	vld [tilespmem:s17+$0xFFFFFD80]  }
0xc9: {  	v7 =	vld [tilespmem:s17+$0xFFFFFE00]  }
0xca: {  	v8 =	vld [tilespmem:s17+$0xFFFFFE80]  }
0xcb: {  	v9 =	vld [tilespmem:s17+$0xFFFFFF00]  }
0xcc: {  	v10 =	vld [tilespmem:s17+$0xFFFFFF80];
	_ =	sdelay $0x3  }
0xcd: {  	v3 =	vadd.f32 v4, v3;
	v52 =	vadd.f32 v6, v5  }
0xce: {  	v53 =	vadd.f32 v8, v7;
	v54 =	vadd.f32 v10, v9;
	_ =	sdelay $0x1  }
0xcf: {  	v3 =	vadd.f32 v52, v3;
	v55 =	vadd.f32 v54, v53  }
0xd0: {  	s19 =	sand.u32 $0x800, s18  }
0xd1: {  	s20 =	sand.u32 $0x380, s15;
	s19 =	sadd.s32 s19, s16;
	v3 =	vadd.f32 v55, v3  }
0xd2: {  	s19 =	sadd.s32 s20, s19  }
0xd3: {  	[tilespmem:s19+$0x0] =	vst v3  }
0xd4: {  	v3 =	vld [tilespmem:s17+$0xFFFFFC10]  }
0xd5: {  	v56 =	vld [tilespmem:s17+$0xFFFFFC90]  }
0xd6: {  	v57 =	vld [tilespmem:s17+$0xFFFFFD10]  }
0xd7: {  	v58 =	vld [tilespmem:s17+$0xFFFFFD90]  }
0xd8: {  	v59 =	vld [tilespmem:s17+$0xFFFFFE10]  }
0xd9: {  	v60 =	vld [tilespmem:s17+$0xFFFFFE90]  }
0xda: {  	v61 =	vld [tilespmem:s17+$0xFFFFFF10]  }
0xdb: {  	v62 =	vld [tilespmem:s17+$0xFFFFFF90];
	_ =	sdelay $0x3  }
0xdc: {  	v3 =	vadd.f32 v56, v3;
	v63 =	vadd.f32 v58, v57  }
0xdd: {  	v11 =	vadd.f32 v60, v59;
	v12 =	vadd.f32 v62, v61;
	_ =	sdelay $0x1  }
0xde: {  	v3 =	vadd.f32 v63, v3;
	v13 =	vadd.f32 v12, v11;
	_ =	sdelay $0x1  }
0xdf: {  	v3 =	vadd.f32 v13, v3;
	_ =	sdelay $0x1  }
0xe0: {  	[tilespmem:s19+$0x10] =	vst v3  }
0xe1: {  	v3 =	vld [tilespmem:s17+$0xFFFFFC20]  }
0xe2: {  	v14 =	vld [tilespmem:s17+$0xFFFFFCA0]  }
0xe3: {  	v15 =	vld [tilespmem:s17+$0xFFFFFD20]  }
0xe4: {  	v16 =	vld [tilespmem:s17+$0xFFFFFDA0]  }
0xe5: {  	v17 =	vld [tilespmem:s17+$0xFFFFFE20]  }
0xe6: {  	v18 =	vld [tilespmem:s17+$0xFFFFFEA0]  }
0xe7: {  	v19 =	vld [tilespmem:s17+$0xFFFFFF20]  }
0xe8: {  	v20 =	vld [tilespmem:s17+$0xFFFFFFA0];
	_ =	sdelay $0x3  }
0xe9: {  	v3 =	vadd.f32 v14, v3;
	v21 =	vadd.f32 v16, v15  }
0xea: {  	v22 =	vadd.f32 v18, v17;
	v23 =	vadd.f32 v20, v19;
	_ =	sdelay $0x1  }
0xeb: {  	v3 =	vadd.f32 v21, v3;
	v24 =	vadd.f32 v23, v22;
	_ =	sdelay $0x1  }
0xec: {  	v3 =	vadd.f32 v24, v3;
	_ =	sdelay $0x1  }
0xed: {  	[tilespmem:s19+$0x20] =	vst v3  }
0xee: {  	v3 =	vld [tilespmem:s17+$0xFFFFFC30]  }
0xef: {  	v25 =	vld [tilespmem:s17+$0xFFFFFCB0]  }
0xf0: {  	v26 =	vld [tilespmem:s17+$0xFFFFFD30]  }
0xf1: {  	v27 =	vld [tilespmem:s17+$0xFFFFFDB0]  }
0xf2: {  	v28 =	vld [tilespmem:s17+$0xFFFFFE30]  }
0xf3: {  	v29 =	vld [tilespmem:s17+$0xFFFFFEB0]  }
0xf4: {  	v30 =	vld [tilespmem:s17+$0xFFFFFF30]  }
0xf5: {  	v31 =	vld [tilespmem:s17+$0xFFFFFFB0];
	_ =	sdelay $0x3  }
0xf6: {  	v3 =	vadd.f32 v25, v3;
	v32 =	vadd.f32 v27, v26  }
0xf7: {  	v33 =	vadd.f32 v29, v28;
	v34 =	vadd.f32 v31, v30;
	_ =	sdelay $0x1  }
0xf8: {  	v3 =	vadd.f32 v32, v3;
	v35 =	vadd.f32 v34, v33;
	_ =	sdelay $0x1  }
0xf9: {  	v3 =	vadd.f32 v35, v3;
	_ =	sdelay $0x1  }
0xfa: {  	[tilespmem:s19+$0x30] =	vst v3  }
0xfb: {  	v3 =	vld [tilespmem:s17+$0xFFFFFC40]  }
0xfc: {  	v36 =	vld [tilespmem:s17+$0xFFFFFCC0]  }
0xfd: {  	v37 =	vld [tilespmem:s17+$0xFFFFFD40]  }
0xfe: {  	v38 =	vld [tilespmem:s17+$0xFFFFFDC0]  }
0xff: {  	v39 =	vld [tilespmem:s17+$0xFFFFFE40]  }
0x100: {  	v40 =	vld [tilespmem:s17+$0xFFFFFEC0]  }
0x101: {  	v41 =	vld [tilespmem:s17+$0xFFFFFF40]  }
0x102: {  	v42 =	vld [tilespmem:s17+$0xFFFFFFC0];
	_ =	sdelay $0x3  }
0x103: {  	v3 =	vadd.f32 v36, v3;
	v43 =	vadd.f32 v38, v37  }
0x104: {  	v44 =	vadd.f32 v40, v39;
	v45 =	vadd.f32 v42, v41;
	_ =	sdelay $0x1  }
0x105: {  	v3 =	vadd.f32 v43, v3;
	v46 =	vadd.f32 v45, v44;
	_ =	sdelay $0x1  }
0x106: {  	v3 =	vadd.f32 v46, v3;
	_ =	sdelay $0x1  }
0x107: {  	[tilespmem:s19+$0x40] =	vst v3  }
0x108: {  	v3 =	vld [tilespmem:s17+$0xFFFFFC50]  }
0x109: {  	v47 =	vld [tilespmem:s17+$0xFFFFFCD0]  }
0x10a: {  	v48 =	vld [tilespmem:s17+$0xFFFFFD50]  }
0x10b: {  	v49 =	vld [tilespmem:s17+$0xFFFFFDD0]  }
0x10c: {  	v50 =	vld [tilespmem:s17+$0xFFFFFE50]  }
0x10d: {  	v51 =	vld [tilespmem:s17+$0xFFFFFED0]  }
0x10e: {  	v52 =	vld [tilespmem:s17+$0xFFFFFF50]  }
0x10f: {  	v53 =	vld [tilespmem:s17+$0xFFFFFFD0];
	_ =	sdelay $0x3  }
0x110: {  	v3 =	vadd.f32 v47, v3;
	v54 =	vadd.f32 v49, v48  }
0x111: {  	v55 =	vadd.f32 v51, v50;
	v56 =	vadd.f32 v53, v52;
	_ =	sdelay $0x1  }
0x112: {  	v3 =	vadd.f32 v54, v3;
	v57 =	vadd.f32 v56, v55;
	_ =	sdelay $0x1  }
0x113: {  	v3 =	vadd.f32 v57, v3;
	_ =	sdelay $0x1  }
0x114: {  	[tilespmem:s19+$0x50] =	vst v3  }
0x115: {  	v3 =	vld [tilespmem:s17+$0xFFFFFC60]  }
0x116: {  	v58 =	vld [tilespmem:s17+$0xFFFFFCE0]  }
0x117: {  	v59 =	vld [tilespmem:s17+$0xFFFFFD60]  }
0x118: {  	v60 =	vld [tilespmem:s17+$0xFFFFFDE0]  }
0x119: {  	v61 =	vld [tilespmem:s17+$0xFFFFFE60]  }
0x11a: {  	v62 =	vld [tilespmem:s17+$0xFFFFFEE0]  }
0x11b: {  	v63 =	vld [tilespmem:s17+$0xFFFFFF60]  }
0x11c: {  	v12 =	vld [tilespmem:s17+$0xFFFFFFE0];
	_ =	sdelay $0x3  }
0x11d: {  	v3 =	vadd.f32 v58, v3;
	v13 =	vadd.f32 v60, v59  }
0x11e: {  	v14 =	vadd.f32 v62, v61;
	v15 =	vadd.f32 v12, v63;
	_ =	sdelay $0x1  }
0x11f: {  	v3 =	vadd.f32 v13, v3;
	v16 =	vadd.f32 v15, v14;
	_ =	sdelay $0x1  }
0x120: {  	v3 =	vadd.f32 v16, v3;
	_ =	sdelay $0x1  }
0x121: {  	[tilespmem:s19+$0x60] =	vst v3  }
0x122: {  	v3 =	vld [tilespmem:s17+$0xFFFFFC70]  }
0x123: {  	v17 =	vld [tilespmem:s17+$0xFFFFFCF0]  }
0x124: {  	v18 =	vld [tilespmem:s17+$0xFFFFFD70]  }
0x125: {  	v19 =	vld [tilespmem:s17+$0xFFFFFDF0]  }
0x126: {  	v20 =	vld [tilespmem:s17+$0xFFFFFE70]  }
0x127: {  	v21 =	vld [tilespmem:s17+$0xFFFFFEF0]  }
0x128: {  	v22 =	vld [tilespmem:s17+$0xFFFFFF70]  }
0x129: {  	v23 =	vld [tilespmem:s17+$0xFFFFFFF0];
	_ =	sdelay $0x3  }
0x12a: {  	v3 =	vadd.f32 v17, v3;
	v24 =	vadd.f32 v19, v18  }
0x12b: {  	v25 =	vadd.f32 v21, v20;
	v26 =	vadd.f32 v23, v22;
	_ =	sdelay $0x1  }
0x12c: {  	v3 =	vadd.f32 v24, v3;
	v27 =	vadd.f32 v26, v25;
	_ =	sdelay $0x1  }
0x12d: {  	v3 =	vadd.f32 v27, v3;
	_ =	sdelay $0x1  }
0x12e: {  	[tilespmem:s19+$0x70] =	vst v3  }
0x12f: {  	v3 =	vld [tilespmem:s17+$0x0]  }
0x130: {  	v28 =	vld [tilespmem:s17+$0x80]  }
0x131: {  	v29 =	vld [tilespmem:s17+$0x100]  }
0x132: {  	v30 =	vld [tilespmem:s17+$0x180]  }
0x133: {  	v31 =	vld [tilespmem:s17+$0x200]  }
0x134: {  	v32 =	vld [tilespmem:s17+$0x280]  }
0x135: {  	v33 =	vld [tilespmem:s17+$0x300]  }
0x136: {  	v34 =	vld [tilespmem:s17+$0x380];
	_ =	sdelay $0x3  }
0x137: {  	v3 =	vadd.f32 v28, v3;
	v35 =	vadd.f32 v30, v29  }
0x138: {  	v36 =	vadd.f32 v32, v31;
	v37 =	vadd.f32 v34, v33;
	_ =	sdelay $0x1  }
0x139: {  	v3 =	vadd.f32 v35, v3;
	v38 =	vadd.f32 v37, v36;
	_ =	sdelay $0x1  }
0x13a: {  	v3 =	vadd.f32 v38, v3;
	_ =	sdelay $0x1  }
0x13b: {  	[tilespmem:s19+$0x400] =	vst v3  }
0x13c: {  	v3 =	vld [tilespmem:s17+$0x10]  }
0x13d: {  	v39 =	vld [tilespmem:s17+$0x90]  }
0x13e: {  	v40 =	vld [tilespmem:s17+$0x110]  }
0x13f: {  	v41 =	vld [tilespmem:s17+$0x190]  }
0x140: {  	v42 =	vld [tilespmem:s17+$0x210]  }
0x141: {  	v43 =	vld [tilespmem:s17+$0x290]  }
0x142: {  	v44 =	vld [tilespmem:s17+$0x310]  }
0x143: {  	v45 =	vld [tilespmem:s17+$0x390];
	_ =	sdelay $0x3  }
0x144: {  	v3 =	vadd.f32 v39, v3;
	v46 =	vadd.f32 v41, v40  }
0x145: {  	v47 =	vadd.f32 v43, v42;
	v48 =	vadd.f32 v45, v44;
	_ =	sdelay $0x1  }
0x146: {  	v3 =	vadd.f32 v46, v3;
	v49 =	vadd.f32 v48, v47;
	_ =	sdelay $0x1  }
0x147: {  	v3 =	vadd.f32 v49, v3;
	_ =	sdelay $0x1  }
0x148: {  	[tilespmem:s19+$0x410] =	vst v3  }
0x149: {  	v3 =	vld [tilespmem:s17+$0x20]  }
0x14a: {  	v50 =	vld [tilespmem:s17+$0xA0]  }
0x14b: {  	v51 =	vld [tilespmem:s17+$0x120]  }
0x14c: {  	v52 =	vld [tilespmem:s17+$0x1A0]  }
0x14d: {  	v53 =	vld [tilespmem:s17+$0x220]  }
0x14e: {  	v54 =	vld [tilespmem:s17+$0x2A0]  }
0x14f: {  	v55 =	vld [tilespmem:s17+$0x320]  }
0x150: {  	v56 =	vld [tilespmem:s17+$0x3A0];
	_ =	sdelay $0x3  }
0x151: {  	v3 =	vadd.f32 v50, v3;
	v57 =	vadd.f32 v52, v51  }
0x152: {  	v58 =	vadd.f32 v54, v53;
	v59 =	vadd.f32 v56, v55;
	_ =	sdelay $0x1  }
0x153: {  	v3 =	vadd.f32 v57, v3;
	v60 =	vadd.f32 v59, v58;
	_ =	sdelay $0x1  }
0x154: {  	v3 =	vadd.f32 v60, v3;
	_ =	sdelay $0x1  }
0x155: {  	[tilespmem:s19+$0x420] =	vst v3  }
0x156: {  	v3 =	vld [tilespmem:s17+$0x30]  }
0x157: {  	v61 =	vld [tilespmem:s17+$0xB0]  }
0x158: {  	v62 =	vld [tilespmem:s17+$0x130]  }
0x159: {  	v63 =	vld [tilespmem:s17+$0x1B0]  }
0x15a: {  	v12 =	vld [tilespmem:s17+$0x230]  }
0x15b: {  	v13 =	vld [tilespmem:s17+$0x2B0]  }
0x15c: {  	v14 =	vld [tilespmem:s17+$0x330]  }
0x15d: {  	v15 =	vld [tilespmem:s17+$0x3B0];
	_ =	sdelay $0x3  }
0x15e: {  	v3 =	vadd.f32 v61, v3;
	v16 =	vadd.f32 v63, v62  }
0x15f: {  	v17 =	vadd.f32 v13, v12;
	v18 =	vadd.f32 v15, v14;
	_ =	sdelay $0x1  }
0x160: {  	v3 =	vadd.f32 v16, v3;
	v19 =	vadd.f32 v18, v17;
	_ =	sdelay $0x1  }
0x161: {  	v3 =	vadd.f32 v19, v3;
	_ =	sdelay $0x1  }
0x162: {  	[tilespmem:s19+$0x430] =	vst v3  }
0x163: {  	v3 =	vld [tilespmem:s17+$0x40]  }
0x164: {  	v20 =	vld [tilespmem:s17+$0xC0]  }
0x165: {  	v21 =	vld [tilespmem:s17+$0x140]  }
0x166: {  	v22 =	vld [tilespmem:s17+$0x1C0]  }
0x167: {  	v23 =	vld [tilespmem:s17+$0x240]  }
0x168: {  	v24 =	vld [tilespmem:s17+$0x2C0]  }
0x169: {  	v25 =	vld [tilespmem:s17+$0x340]  }
0x16a: {  	v26 =	vld [tilespmem:s17+$0x3C0];
	_ =	sdelay $0x3  }
0x16b: {  	v3 =	vadd.f32 v20, v3;
	v27 =	vadd.f32 v22, v21  }
0x16c: {  	v28 =	vadd.f32 v24, v23;
	v29 =	vadd.f32 v26, v25;
	_ =	sdelay $0x1  }
0x16d: {  	v3 =	vadd.f32 v27, v3;
	v30 =	vadd.f32 v29, v28;
	_ =	sdelay $0x1  }
0x16e: {  	v3 =	vadd.f32 v30, v3;
	_ =	sdelay $0x1  }
0x16f: {  	[tilespmem:s19+$0x440] =	vst v3  }
0x170: {  	v3 =	vld [tilespmem:s17+$0x50]  }
0x171: {  	v31 =	vld [tilespmem:s17+$0xD0]  }
0x172: {  	v32 =	vld [tilespmem:s17+$0x150]  }
0x173: {  	v33 =	vld [tilespmem:s17+$0x1D0]  }
0x174: {  	v34 =	vld [tilespmem:s17+$0x250]  }
0x175: {  	v35 =	vld [tilespmem:s17+$0x2D0]  }
0x176: {  	v36 =	vld [tilespmem:s17+$0x350]  }
0x177: {  	v37 =	vld [tilespmem:s17+$0x3D0];
	_ =	sdelay $0x3  }
0x178: {  	v3 =	vadd.f32 v31, v3;
	v38 =	vadd.f32 v33, v32  }
0x179: {  	v39 =	vadd.f32 v35, v34;
	v40 =	vadd.f32 v37, v36;
	_ =	sdelay $0x1  }
0x17a: {  	v3 =	vadd.f32 v38, v3;
	v41 =	vadd.f32 v40, v39;
	_ =	sdelay $0x1  }
0x17b: {  	v3 =	vadd.f32 v41, v3;
	_ =	sdelay $0x1  }
0x17c: {  	[tilespmem:s19+$0x450] =	vst v3  }
0x17d: {  	v3 =	vld [tilespmem:s17+$0x60]  }
0x17e: {  	v42 =	vld [tilespmem:s17+$0xE0]  }
0x17f: {  	v43 =	vld [tilespmem:s17+$0x160]  }
0x180: {  	v44 =	vld [tilespmem:s17+$0x1E0]  }
0x181: {  	v45 =	vld [tilespmem:s17+$0x260]  }
0x182: {  	v46 =	vld [tilespmem:s17+$0x2E0]  }
0x183: {  	v47 =	vld [tilespmem:s17+$0x360]  }
0x184: {  	v48 =	vld [tilespmem:s17+$0x3E0];
	_ =	sdelay $0x3  }
0x185: {  	v3 =	vadd.f32 v42, v3;
	v49 =	vadd.f32 v44, v43  }
0x186: {  	v50 =	vadd.f32 v46, v45;
	v51 =	vadd.f32 v48, v47;
	_ =	sdelay $0x1  }
0x187: {  	v3 =	vadd.f32 v49, v3;
	v52 =	vadd.f32 v51, v50;
	_ =	sdelay $0x1  }
0x188: {  	v3 =	vadd.f32 v52, v3;
	_ =	sdelay $0x1  }
0x189: {  	[tilespmem:s19+$0x460] =	vst v3  }
0x18a: {  	v3 =	vld [tilespmem:s17+$0x70]  }
0x18b: {  	v53 =	vld [tilespmem:s17+$0xF0]  }
0x18c: {  	v54 =	vld [tilespmem:s17+$0x170]  }
0x18d: {  	v55 =	vld [tilespmem:s17+$0x1F0]  }
0x18e: {  	v56 =	vld [tilespmem:s17+$0x270]  }
0x18f: {  	v57 =	vld [tilespmem:s17+$0x2F0]  }
0x190: {  	v58 =	vld [tilespmem:s17+$0x370]  }
0x191: {  	v59 =	vld [tilespmem:s17+$0x3F0];
	_ =	sdelay $0x3  }
0x192: {  	v3 =	vadd.f32 v53, v3;
	v60 =	vadd.f32 v55, v54  }
0x193: {  	v61 =	vadd.f32 v57, v56;
	v62 =	vadd.f32 v59, v58  }
0x194: {  	p0 =	sne.s32 s18, $0xF00  }
.Ltmp0:
0x195: {  	v3 =	vadd.f32 v60, v3;
	v63 =	vadd.f32 v62, v61;
	(pc) =	sbr.rel @p0 .LBB2_3-.Ltmp0, $3  }
0x196: {  	_ = 	snop  }
0x197: {  	v3 =	vadd.f32 v63, v3;
	_ =	sdelay $0x1  }
0x198: {  	s15 =	sadd.s32 $0x80, s15;
	s18 =	sadd.s32 $0x100, s18;
	s17 =	sadd.s32 $0x800, s17;
	[tilespmem:s19+$0x470] =	vst v3  }
0x199: {  	p0 =	seq.s32 s13, $0x3  }
.Ltmp1:
0x19a: {  	_ = 	snop;
	(pc) =	sbr.rel @p0 .LBB2_6-.Ltmp1, $1  }
0x19b: {  	_ =	sdelay $0x3  }
0x19c: {  	s15 =	sshll.u32 s13, $0x8  }
0x19d: {  	s15 =	sand.u32 $0x3FFFFF00, s15  }
0x19e: {  	v3 =	vld [tilespmem:s15+$0x100];
	_ =	sdelay $0x4  }
0x19f: {  	v4 =	vshll.u32 v3, $0x1  }
0x1a0: {  	v3 =	vand.u32 $0x7, v3;
	v4 =	vand.u32 $0xFFFFFFF0, v4  }
0x1a1: {  	v3 =	vor.u32 v3, v4  }
0x1a2: {  	v4 =	vperm.xlane v3, v0;
	_ =	sdelay $0x1  }
0x1a3: {  	v3 =	vperm.xlane v3, v2;
	v4 =	vadd.s32 v1, v4;
	_ =	sdelay $0x1  }
0x1a4: {  	v3 =	vadd.s32 v1, v3;
	_ =	sdelay $0x1  }
0x1a5: {  	s16 =	simm.s32 $0x400  }
0x1a6: {  	[tilespmem:s16], [sflag:$0x1] =	stream.indirect_vreg.gather [hbm4b:s3+s2], $0x80, v4, vm0, $0xb8;
	[tilespmem:$0x18400] =	vst v63  }
0x1a7: {  	s17 =	simm.s32 $0xC00  }
0x1a8: {  	[tilespmem:s17], [sflag:$0x1] =	stream.indirect_vreg.gather [hbm4b:s3+s2], $0x80, v3, vm0, $0xb8;
	[tilespmem:$0x18400] =	vst v63  }
0x1a9: {  	v3 =	vld [tilespmem:s15+$0x110];
	_ =	sdelay $0x4  }
0x1aa: {  	v57 =	vshll.u32 v3, $0x1  }
0x1ab: {  	v3 =	vand.u32 $0x7, v3;
	v4 =	vand.u32 $0xFFFFFFF0, v57  }
0x1ac: {  	v3 =	vor.u32 v3, v4  }
0x1ad: {  	v4 =	vperm.xlane v3, v0;
	_ =	sdelay $0x1  }
0x1ae: {  	v3 =	vperm.xlane v3, v2;
	v4 =	vadd.s32 v1, v4;
	_ =	sdelay $0x1  }
0x1af: {  	v3 =	vadd.s32 v1, v3;
	_ =	sdelay $0x1  }
0x1b0: {  	s18 =	simm.s32 $0x1400  }
0x1b1: {  	[tilespmem:s18], [sflag:$0x1] =	stream.indirect_vreg.gather [hbm4b:s3+s2], $0x80, v4, vm0, $0xb8;
	[tilespmem:$0x18400] =	vst v63  }
0x1b2: {  	s19 =	simm.s32 $0x1C00  }
0x1b3: {  	[tilespmem:s19], [sflag:$0x1] =	stream.indirect_vreg.gather [hbm4b:s3+s2], $0x80, v3, vm0, $0xb8;
	[tilespmem:$0x18400] =	vst v63  }
0x1b4: {  	v3 =	vld [tilespmem:s15+$0x120];
	_ =	sdelay $0x4  }
0x1b5: {  	v58 =	vshll.u32 v3, $0x1  }
0x1b6: {  	v3 =	vand.u32 $0x7, v3;
	v4 =	vand.u32 $0xFFFFFFF0, v58  }
0x1b7: {  	v3 =	vor.u32 v3, v4  }
0x1b8: {  	v4 =	vperm.xlane v3, v0;
	_ =	sdelay $0x1  }
0x1b9: {  	v3 =	vperm.xlane v3, v2;
	v4 =	vadd.s32 v1, v4;
	_ =	sdelay $0x1  }
0x1ba: {  	v3 =	vadd.s32 v1, v3;
	_ =	sdelay $0x1  }
0x1bb: {  	s20 =	simm.s32 $0x2400  }
0x1bc: {  	[tilespmem:s20], [sflag:$0x1] =	stream.indirect_vreg.gather [hbm4b:s3+s2], $0x80, v4, vm0, $0xb8;
	[tilespmem:$0x18400] =	vst v63  }
0x1bd: {  	s17 =	simm.s32 $0x2C00  }
0x1be: {  	[tilespmem:s17], [sflag:$0x1] =	stream.indirect_vreg.gather [hbm4b:s3+s2], $0x80, v3, vm0, $0xb8;
	[tilespmem:$0x18400] =	vst v63  }
0x1bf: {  	v3 =	vld [tilespmem:s15+$0x130];
	_ =	sdelay $0x4  }
0x1c0: {  	v59 =	vshll.u32 v3, $0x1  }
0x1c1: {  	v3 =	vand.u32 $0x7, v3;
	v4 =	vand.u32 $0xFFFFFFF0, v59  }
0x1c2: {  	v3 =	vor.u32 v3, v4  }
0x1c3: {  	v4 =	vperm.xlane v3, v0;
	_ =	sdelay $0x1  }
0x1c4: {  	v3 =	vperm.xlane v3, v2;
	v4 =	vadd.s32 v1, v4;
	_ =	sdelay $0x1  }
0x1c5: {  	v3 =	vadd.s32 v1, v3;
	_ =	sdelay $0x1  }
0x1c6: {  	s18 =	simm.s32 $0x3400  }
0x1c7: {  	[tilespmem:s18], [sflag:$0x1] =	stream.indirect_vreg.gather [hbm4b:s3+s2], $0x80, v4, vm0, $0xb8;
	[tilespmem:$0x18400] =	vst v63  }
0x1c8: {  	s19 =	simm.s32 $0x3C00  }
0x1c9: {  	[tilespmem:s19], [sflag:$0x1] =	stream.indirect_vreg.gather [hbm4b:s3+s2], $0x80, v3, vm0, $0xb8;
	[tilespmem:$0x18400] =	vst v63  }
0x1ca: {  	v3 =	vld [tilespmem:s15+$0x140];
	_ =	sdelay $0x4  }
0x1cb: {  	v60 =	vshll.u32 v3, $0x1  }
0x1cc: {  	v3 =	vand.u32 $0x7, v3;
	v4 =	vand.u32 $0xFFFFFFF0, v60  }
0x1cd: {  	v3 =	vor.u32 v3, v4  }
0x1ce: {  	v4 =	vperm.xlane v3, v0;
	_ =	sdelay $0x1  }
0x1cf: {  	v3 =	vperm.xlane v3, v2;
	v4 =	vadd.s32 v1, v4;
	_ =	sdelay $0x1  }
0x1d0: {  	v3 =	vadd.s32 v1, v3;
	_ =	sdelay $0x1  }
0x1d1: {  	s20 =	simm.s32 $0x4400  }
0x1d2: {  	[tilespmem:s20], [sflag:$0x1] =	stream.indirect_vreg.gather [hbm4b:s3+s2], $0x80, v4, vm0, $0xb8;
	[tilespmem:$0x18400] =	vst v63  }
0x1d3: {  	s17 =	simm.s32 $0x4C00  }
0x1d4: {  	[tilespmem:s17], [sflag:$0x1] =	stream.indirect_vreg.gather [hbm4b:s3+s2], $0x80, v3, vm0, $0xb8;
	[tilespmem:$0x18400] =	vst v63  }
0x1d5: {  	v3 =	vld [tilespmem:s15+$0x150];
	_ =	sdelay $0x4  }
0x1d6: {  	v61 =	vshll.u32 v3, $0x1  }
0x1d7: {  	v3 =	vand.u32 $0x7, v3;
	v4 =	vand.u32 $0xFFFFFFF0, v61  }
0x1d8: {  	v3 =	vor.u32 v3, v4  }
0x1d9: {  	v4 =	vperm.xlane v3, v0;
	_ =	sdelay $0x1  }
0x1da: {  	v3 =	vperm.xlane v3, v2;
	v4 =	vadd.s32 v1, v4;
	_ =	sdelay $0x1  }
0x1db: {  	v3 =	vadd.s32 v1, v3;
	_ =	sdelay $0x1  }
0x1dc: {  	s18 =	simm.s32 $0x5400  }
0x1dd: {  	[tilespmem:s18], [sflag:$0x1] =	stream.indirect_vreg.gather [hbm4b:s3+s2], $0x80, v4, vm0, $0xb8;
	[tilespmem:$0x18400] =	vst v63  }
0x1de: {  	s19 =	simm.s32 $0x5C00  }
0x1df: {  	[tilespmem:s19], [sflag:$0x1] =	stream.indirect_vreg.gather [hbm4b:s3+s2], $0x80, v3, vm0, $0xb8;
	[tilespmem:$0x18400] =	vst v63  }
0x1e0: {  	v3 =	vld [tilespmem:s15+$0x160];
	_ =	sdelay $0x4  }
0x1e1: {  	v62 =	vshll.u32 v3, $0x1  }
0x1e2: {  	v3 =	vand.u32 $0x7, v3;
	v4 =	vand.u32 $0xFFFFFFF0, v62  }
0x1e3: {  	v3 =	vor.u32 v3, v4  }
0x1e4: {  	v4 =	vperm.xlane v3, v0;
	_ =	sdelay $0x1  }
0x1e5: {  	v3 =	vperm.xlane v3, v2;
	v4 =	vadd.s32 v1, v4;
	_ =	sdelay $0x1  }
0x1e6: {  	v3 =	vadd.s32 v1, v3;
	_ =	sdelay $0x1  }
0x1e7: {  	s20 =	simm.s32 $0x6400  }
0x1e8: {  	[tilespmem:s20], [sflag:$0x1] =	stream.indirect_vreg.gather [hbm4b:s3+s2], $0x80, v4, vm0, $0xb8;
	[tilespmem:$0x18400] =	vst v63  }
0x1e9: {  	_ = 	snop  }
0x1ea: {  	[tilespmem:s21], [sflag:$0x1] =	stream.indirect_vreg.gather [hbm4b:s3+s2], $0x80, v3, vm0, $0xb8;
	[tilespmem:$0x18400] =	vst v63  }
0x1eb: {  	v3 =	vld [tilespmem:s15+$0x170];
	_ =	sdelay $0x4  }
0x1ec: {  	v63 =	vshll.u32 v3, $0x1  }
0x1ed: {  	v3 =	vand.u32 $0x7, v3;
	v4 =	vand.u32 $0xFFFFFFF0, v63  }
0x1ee: {  	v3 =	vor.u32 v3, v4  }
0x1ef: {  	v4 =	vperm.xlane v3, v0;
	_ =	sdelay $0x1  }
0x1f0: {  	v3 =	vperm.xlane v3, v2;
	v4 =	vadd.s32 v1, v4;
	_ =	sdelay $0x1  }
0x1f1: {  	v3 =	vadd.s32 v1, v3;
	_ =	sdelay $0x2  }
0x1f2: {  	[tilespmem:s22], [sflag:$0x1] =	stream.indirect_vreg.gather [hbm4b:s3+s2], $0x80, v4, vm0, $0xb8;
	[tilespmem:$0x18400] =	vst v63  }
0x1f3: {  	_ = 	snop  }
0x1f4: {  	[tilespmem:s23], [sflag:$0x1] =	stream.indirect_vreg.gather [hbm4b:s3+s2], $0x80, v3, vm0, $0xb8;
	[tilespmem:$0x18400] =	vst v63  }
.LBB2_6:
0x1f5: {  	_ =	swait.ge [sflag:s12], $0x8000;
	s14 =	sshll.u32 s14, $0xC;
	s15 =	simm.s32 $0x0  }
0x1f6: {  	s16 =	simm.s32 $0x8800;
	[sflag:s12] =	ssyncset.done $0x0;
	s14 =	sand.u32 $0x3FFFF000, s14  }
0x1f7: {  	s17 =	simm.s32 $0x0;
	[sflag:s12] =	ssyncadd.s32 $0xFFFF8000;
	s14 =	sadd.s32 $0x10400, s14  }
.LBB2_7:
0x1f8: {  	v3 =	vld [tilespmem:s16+$0xFFFFFC00]  }
0x1f9: {  	v4 =	vld [tilespmem:s16+$0xFFFFFC80]  }
0x1fa: {  	v5 =	vld [tilespmem:s16+$0xFFFFFD00]  }
0x1fb: {  	v6 =	vld [tilespmem:s16+$0xFFFFFD80]  }
0x1fc: {  	v7 =	vld [tilespmem:s16+$0xFFFFFE00]  }
0x1fd: {  	v8 =	vld [tilespmem:s16+$0xFFFFFE80]  }
0x1fe: {  	v9 =	vld [tilespmem:s16+$0xFFFFFF00]  }
0x1ff: {  	v10 =	vld [tilespmem:s16+$0xFFFFFF80];
	_ =	sdelay $0x3  }
0x200: {  	v3 =	vadd.f32 v4, v3;
	v52 =	vadd.f32 v6, v5  }
0x201: {  	v53 =	vadd.f32 v8, v7;
	v54 =	vadd.f32 v10, v9;
	_ =	sdelay $0x1  }
0x202: {  	v3 =	vadd.f32 v52, v3;
	v55 =	vadd.f32 v54, v53  }
0x203: {  	s18 =	sand.u32 $0x800, s17  }
0x204: {  	s19 =	sand.u32 $0x380, s15;
	s18 =	sadd.s32 s18, s14;
	v3 =	vadd.f32 v55, v3  }
0x205: {  	s18 =	sadd.s32 s19, s18  }
0x206: {  	[tilespmem:s18+$0x0] =	vst v3  }
0x207: {  	v3 =	vld [tilespmem:s16+$0xFFFFFC10]  }
0x208: {  	v56 =	vld [tilespmem:s16+$0xFFFFFC90]  }
0x209: {  	v57 =	vld [tilespmem:s16+$0xFFFFFD10]  }
0x20a: {  	v58 =	vld [tilespmem:s16+$0xFFFFFD90]  }
0x20b: {  	v59 =	vld [tilespmem:s16+$0xFFFFFE10]  }
0x20c: {  	v60 =	vld [tilespmem:s16+$0xFFFFFE90]  }
0x20d: {  	v61 =	vld [tilespmem:s16+$0xFFFFFF10]  }
0x20e: {  	v62 =	vld [tilespmem:s16+$0xFFFFFF90];
	_ =	sdelay $0x3  }
0x20f: {  	v3 =	vadd.f32 v56, v3;
	v63 =	vadd.f32 v58, v57  }
0x210: {  	v11 =	vadd.f32 v60, v59;
	v12 =	vadd.f32 v62, v61;
	_ =	sdelay $0x1  }
0x211: {  	v3 =	vadd.f32 v63, v3;
	v13 =	vadd.f32 v12, v11;
	_ =	sdelay $0x1  }
0x212: {  	v3 =	vadd.f32 v13, v3;
	_ =	sdelay $0x1  }
0x213: {  	[tilespmem:s18+$0x10] =	vst v3  }
0x214: {  	v3 =	vld [tilespmem:s16+$0xFFFFFC20]  }
0x215: {  	v14 =	vld [tilespmem:s16+$0xFFFFFCA0]  }
0x216: {  	v15 =	vld [tilespmem:s16+$0xFFFFFD20]  }
0x217: {  	v16 =	vld [tilespmem:s16+$0xFFFFFDA0]  }
0x218: {  	v17 =	vld [tilespmem:s16+$0xFFFFFE20]  }
0x219: {  	v18 =	vld [tilespmem:s16+$0xFFFFFEA0]  }
0x21a: {  	v19 =	vld [tilespmem:s16+$0xFFFFFF20]  }
0x21b: {  	v20 =	vld [tilespmem:s16+$0xFFFFFFA0];
	_ =	sdelay $0x3  }
0x21c: {  	v3 =	vadd.f32 v14, v3;
	v21 =	vadd.f32 v16, v15  }
0x21d: {  	v22 =	vadd.f32 v18, v17;
	v23 =	vadd.f32 v20, v19;
	_ =	sdelay $0x1  }
0x21e: {  	v3 =	vadd.f32 v21, v3;
	v24 =	vadd.f32 v23, v22;
	_ =	sdelay $0x1  }
0x21f: {  	v3 =	vadd.f32 v24, v3;
	_ =	sdelay $0x1  }
0x220: {  	[tilespmem:s18+$0x20] =	vst v3  }
0x221: {  	v3 =	vld [tilespmem:s16+$0xFFFFFC30]  }
0x222: {  	v25 =	vld [tilespmem:s16+$0xFFFFFCB0]  }
0x223: {  	v26 =	vld [tilespmem:s16+$0xFFFFFD30]  }
0x224: {  	v27 =	vld [tilespmem:s16+$0xFFFFFDB0]  }
0x225: {  	v28 =	vld [tilespmem:s16+$0xFFFFFE30]  }
0x226: {  	v29 =	vld [tilespmem:s16+$0xFFFFFEB0]  }
0x227: {  	v30 =	vld [tilespmem:s16+$0xFFFFFF30]  }
0x228: {  	v31 =	vld [tilespmem:s16+$0xFFFFFFB0];
	_ =	sdelay $0x3  }
0x229: {  	v3 =	vadd.f32 v25, v3;
	v32 =	vadd.f32 v27, v26  }
0x22a: {  	v33 =	vadd.f32 v29, v28;
	v34 =	vadd.f32 v31, v30;
	_ =	sdelay $0x1  }
0x22b: {  	v3 =	vadd.f32 v32, v3;
	v35 =	vadd.f32 v34, v33;
	_ =	sdelay $0x1  }
0x22c: {  	v3 =	vadd.f32 v35, v3;
	_ =	sdelay $0x1  }
0x22d: {  	[tilespmem:s18+$0x30] =	vst v3  }
0x22e: {  	v3 =	vld [tilespmem:s16+$0xFFFFFC40]  }
0x22f: {  	v36 =	vld [tilespmem:s16+$0xFFFFFCC0]  }
0x230: {  	v37 =	vld [tilespmem:s16+$0xFFFFFD40]  }
0x231: {  	v38 =	vld [tilespmem:s16+$0xFFFFFDC0]  }
0x232: {  	v39 =	vld [tilespmem:s16+$0xFFFFFE40]  }
0x233: {  	v40 =	vld [tilespmem:s16+$0xFFFFFEC0]  }
0x234: {  	v41 =	vld [tilespmem:s16+$0xFFFFFF40]  }
0x235: {  	v42 =	vld [tilespmem:s16+$0xFFFFFFC0];
	_ =	sdelay $0x3  }
0x236: {  	v3 =	vadd.f32 v36, v3;
	v43 =	vadd.f32 v38, v37  }
0x237: {  	v44 =	vadd.f32 v40, v39;
	v45 =	vadd.f32 v42, v41;
	_ =	sdelay $0x1  }
0x238: {  	v3 =	vadd.f32 v43, v3;
	v46 =	vadd.f32 v45, v44;
	_ =	sdelay $0x1  }
0x239: {  	v3 =	vadd.f32 v46, v3;
	_ =	sdelay $0x1  }
0x23a: {  	[tilespmem:s18+$0x40] =	vst v3  }
0x23b: {  	v3 =	vld [tilespmem:s16+$0xFFFFFC50]  }
0x23c: {  	v47 =	vld [tilespmem:s16+$0xFFFFFCD0]  }
0x23d: {  	v48 =	vld [tilespmem:s16+$0xFFFFFD50]  }
0x23e: {  	v49 =	vld [tilespmem:s16+$0xFFFFFDD0]  }
0x23f: {  	v50 =	vld [tilespmem:s16+$0xFFFFFE50]  }
0x240: {  	v51 =	vld [tilespmem:s16+$0xFFFFFED0]  }
0x241: {  	v52 =	vld [tilespmem:s16+$0xFFFFFF50]  }
0x242: {  	v53 =	vld [tilespmem:s16+$0xFFFFFFD0];
	_ =	sdelay $0x3  }
0x243: {  	v3 =	vadd.f32 v47, v3;
	v54 =	vadd.f32 v49, v48  }
0x244: {  	v55 =	vadd.f32 v51, v50;
	v56 =	vadd.f32 v53, v52;
	_ =	sdelay $0x1  }
0x245: {  	v3 =	vadd.f32 v54, v3;
	v57 =	vadd.f32 v56, v55;
	_ =	sdelay $0x1  }
0x246: {  	v3 =	vadd.f32 v57, v3;
	_ =	sdelay $0x1  }
0x247: {  	[tilespmem:s18+$0x50] =	vst v3  }
0x248: {  	v3 =	vld [tilespmem:s16+$0xFFFFFC60]  }
0x249: {  	v58 =	vld [tilespmem:s16+$0xFFFFFCE0]  }
0x24a: {  	v59 =	vld [tilespmem:s16+$0xFFFFFD60]  }
0x24b: {  	v60 =	vld [tilespmem:s16+$0xFFFFFDE0]  }
0x24c: {  	v61 =	vld [tilespmem:s16+$0xFFFFFE60]  }
0x24d: {  	v62 =	vld [tilespmem:s16+$0xFFFFFEE0]  }
0x24e: {  	v63 =	vld [tilespmem:s16+$0xFFFFFF60]  }
0x24f: {  	v12 =	vld [tilespmem:s16+$0xFFFFFFE0];
	_ =	sdelay $0x3  }
0x250: {  	v3 =	vadd.f32 v58, v3;
	v13 =	vadd.f32 v60, v59  }
0x251: {  	v14 =	vadd.f32 v62, v61;
	v15 =	vadd.f32 v12, v63;
	_ =	sdelay $0x1  }
0x252: {  	v3 =	vadd.f32 v13, v3;
	v16 =	vadd.f32 v15, v14;
	_ =	sdelay $0x1  }
0x253: {  	v3 =	vadd.f32 v16, v3;
	_ =	sdelay $0x1  }
0x254: {  	[tilespmem:s18+$0x60] =	vst v3  }
0x255: {  	v3 =	vld [tilespmem:s16+$0xFFFFFC70]  }
0x256: {  	v17 =	vld [tilespmem:s16+$0xFFFFFCF0]  }
0x257: {  	v18 =	vld [tilespmem:s16+$0xFFFFFD70]  }
0x258: {  	v19 =	vld [tilespmem:s16+$0xFFFFFDF0]  }
0x259: {  	v20 =	vld [tilespmem:s16+$0xFFFFFE70]  }
0x25a: {  	v21 =	vld [tilespmem:s16+$0xFFFFFEF0]  }
0x25b: {  	v22 =	vld [tilespmem:s16+$0xFFFFFF70]  }
0x25c: {  	v23 =	vld [tilespmem:s16+$0xFFFFFFF0];
	_ =	sdelay $0x3  }
0x25d: {  	v3 =	vadd.f32 v17, v3;
	v24 =	vadd.f32 v19, v18  }
0x25e: {  	v25 =	vadd.f32 v21, v20;
	v26 =	vadd.f32 v23, v22;
	_ =	sdelay $0x1  }
0x25f: {  	v3 =	vadd.f32 v24, v3;
	v27 =	vadd.f32 v26, v25;
	_ =	sdelay $0x1  }
0x260: {  	v3 =	vadd.f32 v27, v3;
	_ =	sdelay $0x1  }
0x261: {  	[tilespmem:s18+$0x70] =	vst v3  }
0x262: {  	v3 =	vld [tilespmem:s16+$0x0]  }
0x263: {  	v28 =	vld [tilespmem:s16+$0x80]  }
0x264: {  	v29 =	vld [tilespmem:s16+$0x100]  }
0x265: {  	v30 =	vld [tilespmem:s16+$0x180]  }
0x266: {  	v31 =	vld [tilespmem:s16+$0x200]  }
0x267: {  	v32 =	vld [tilespmem:s16+$0x280]  }
0x268: {  	v33 =	vld [tilespmem:s16+$0x300]  }
0x269: {  	v34 =	vld [tilespmem:s16+$0x380];
	_ =	sdelay $0x3  }
0x26a: {  	v3 =	vadd.f32 v28, v3;
	v35 =	vadd.f32 v30, v29  }
0x26b: {  	v36 =	vadd.f32 v32, v31;
	v37 =	vadd.f32 v34, v33;
	_ =	sdelay $0x1  }
0x26c: {  	v3 =	vadd.f32 v35, v3;
	v38 =	vadd.f32 v37, v36;
	_ =	sdelay $0x1  }
0x26d: {  	v3 =	vadd.f32 v38, v3;
	_ =	sdelay $0x1  }
0x26e: {  	[tilespmem:s18+$0x400] =	vst v3  }
0x26f: {  	v3 =	vld [tilespmem:s16+$0x10]  }
0x270: {  	v39 =	vld [tilespmem:s16+$0x90]  }
0x271: {  	v40 =	vld [tilespmem:s16+$0x110]  }
0x272: {  	v41 =	vld [tilespmem:s16+$0x190]  }
0x273: {  	v42 =	vld [tilespmem:s16+$0x210]  }
0x274: {  	v43 =	vld [tilespmem:s16+$0x290]  }
0x275: {  	v44 =	vld [tilespmem:s16+$0x310]  }
0x276: {  	v45 =	vld [tilespmem:s16+$0x390];
	_ =	sdelay $0x3  }
0x277: {  	v3 =	vadd.f32 v39, v3;
	v46 =	vadd.f32 v41, v40  }
0x278: {  	v47 =	vadd.f32 v43, v42;
	v48 =	vadd.f32 v45, v44;
	_ =	sdelay $0x1  }
0x279: {  	v3 =	vadd.f32 v46, v3;
	v49 =	vadd.f32 v48, v47;
	_ =	sdelay $0x1  }
0x27a: {  	v3 =	vadd.f32 v49, v3;
	_ =	sdelay $0x1  }
0x27b: {  	[tilespmem:s18+$0x410] =	vst v3  }
0x27c: {  	v3 =	vld [tilespmem:s16+$0x20]  }
0x27d: {  	v50 =	vld [tilespmem:s16+$0xA0]  }
0x27e: {  	v51 =	vld [tilespmem:s16+$0x120]  }
0x27f: {  	v52 =	vld [tilespmem:s16+$0x1A0]  }
0x280: {  	v53 =	vld [tilespmem:s16+$0x220]  }
0x281: {  	v54 =	vld [tilespmem:s16+$0x2A0]  }
0x282: {  	v55 =	vld [tilespmem:s16+$0x320]  }
0x283: {  	v56 =	vld [tilespmem:s16+$0x3A0];
	_ =	sdelay $0x3  }
0x284: {  	v3 =	vadd.f32 v50, v3;
	v57 =	vadd.f32 v52, v51  }
0x285: {  	v58 =	vadd.f32 v54, v53;
	v59 =	vadd.f32 v56, v55;
	_ =	sdelay $0x1  }
0x286: {  	v3 =	vadd.f32 v57, v3;
	v60 =	vadd.f32 v59, v58;
	_ =	sdelay $0x1  }
0x287: {  	v3 =	vadd.f32 v60, v3;
	_ =	sdelay $0x1  }
0x288: {  	[tilespmem:s18+$0x420] =	vst v3  }
0x289: {  	v3 =	vld [tilespmem:s16+$0x30]  }
0x28a: {  	v61 =	vld [tilespmem:s16+$0xB0]  }
0x28b: {  	v62 =	vld [tilespmem:s16+$0x130]  }
0x28c: {  	v63 =	vld [tilespmem:s16+$0x1B0]  }
0x28d: {  	v12 =	vld [tilespmem:s16+$0x230]  }
0x28e: {  	v13 =	vld [tilespmem:s16+$0x2B0]  }
0x28f: {  	v14 =	vld [tilespmem:s16+$0x330]  }
0x290: {  	v15 =	vld [tilespmem:s16+$0x3B0];
	_ =	sdelay $0x3  }
0x291: {  	v3 =	vadd.f32 v61, v3;
	v16 =	vadd.f32 v63, v62  }
0x292: {  	v17 =	vadd.f32 v13, v12;
	v18 =	vadd.f32 v15, v14;
	_ =	sdelay $0x1  }
0x293: {  	v3 =	vadd.f32 v16, v3;
	v19 =	vadd.f32 v18, v17;
	_ =	sdelay $0x1  }
0x294: {  	v3 =	vadd.f32 v19, v3;
	_ =	sdelay $0x1  }
0x295: {  	[tilespmem:s18+$0x430] =	vst v3  }
0x296: {  	v3 =	vld [tilespmem:s16+$0x40]  }
0x297: {  	v20 =	vld [tilespmem:s16+$0xC0]  }
0x298: {  	v21 =	vld [tilespmem:s16+$0x140]  }
0x299: {  	v22 =	vld [tilespmem:s16+$0x1C0]  }
0x29a: {  	v23 =	vld [tilespmem:s16+$0x240]  }
0x29b: {  	v24 =	vld [tilespmem:s16+$0x2C0]  }
0x29c: {  	v25 =	vld [tilespmem:s16+$0x340]  }
0x29d: {  	v26 =	vld [tilespmem:s16+$0x3C0];
	_ =	sdelay $0x3  }
0x29e: {  	v3 =	vadd.f32 v20, v3;
	v27 =	vadd.f32 v22, v21  }
0x29f: {  	v28 =	vadd.f32 v24, v23;
	v29 =	vadd.f32 v26, v25;
	_ =	sdelay $0x1  }
0x2a0: {  	v3 =	vadd.f32 v27, v3;
	v30 =	vadd.f32 v29, v28;
	_ =	sdelay $0x1  }
0x2a1: {  	v3 =	vadd.f32 v30, v3;
	_ =	sdelay $0x1  }
0x2a2: {  	[tilespmem:s18+$0x440] =	vst v3  }
0x2a3: {  	v3 =	vld [tilespmem:s16+$0x50]  }
0x2a4: {  	v31 =	vld [tilespmem:s16+$0xD0]  }
0x2a5: {  	v32 =	vld [tilespmem:s16+$0x150]  }
0x2a6: {  	v33 =	vld [tilespmem:s16+$0x1D0]  }
0x2a7: {  	v34 =	vld [tilespmem:s16+$0x250]  }
0x2a8: {  	v35 =	vld [tilespmem:s16+$0x2D0]  }
0x2a9: {  	v36 =	vld [tilespmem:s16+$0x350]  }
0x2aa: {  	v37 =	vld [tilespmem:s16+$0x3D0];
	_ =	sdelay $0x3  }
0x2ab: {  	v3 =	vadd.f32 v31, v3;
	v38 =	vadd.f32 v33, v32  }
0x2ac: {  	v39 =	vadd.f32 v35, v34;
	v40 =	vadd.f32 v37, v36;
	_ =	sdelay $0x1  }
0x2ad: {  	v3 =	vadd.f32 v38, v3;
	v41 =	vadd.f32 v40, v39;
	_ =	sdelay $0x1  }
0x2ae: {  	v3 =	vadd.f32 v41, v3;
	_ =	sdelay $0x1  }
0x2af: {  	[tilespmem:s18+$0x450] =	vst v3  }
0x2b0: {  	v3 =	vld [tilespmem:s16+$0x60]  }
0x2b1: {  	v42 =	vld [tilespmem:s16+$0xE0]  }
0x2b2: {  	v43 =	vld [tilespmem:s16+$0x160]  }
0x2b3: {  	v44 =	vld [tilespmem:s16+$0x1E0]  }
0x2b4: {  	v45 =	vld [tilespmem:s16+$0x260]  }
0x2b5: {  	v46 =	vld [tilespmem:s16+$0x2E0]  }
0x2b6: {  	v47 =	vld [tilespmem:s16+$0x360]  }
0x2b7: {  	v48 =	vld [tilespmem:s16+$0x3E0];
	_ =	sdelay $0x3  }
0x2b8: {  	v3 =	vadd.f32 v42, v3;
	v49 =	vadd.f32 v44, v43  }
0x2b9: {  	v50 =	vadd.f32 v46, v45;
	v51 =	vadd.f32 v48, v47;
	_ =	sdelay $0x1  }
0x2ba: {  	v3 =	vadd.f32 v49, v3;
	v52 =	vadd.f32 v51, v50;
	_ =	sdelay $0x1  }
0x2bb: {  	v3 =	vadd.f32 v52, v3;
	_ =	sdelay $0x1  }
0x2bc: {  	[tilespmem:s18+$0x460] =	vst v3  }
0x2bd: {  	v3 =	vld [tilespmem:s16+$0x70]  }
0x2be: {  	v53 =	vld [tilespmem:s16+$0xF0]  }
0x2bf: {  	v54 =	vld [tilespmem:s16+$0x170]  }
0x2c0: {  	v55 =	vld [tilespmem:s16+$0x1F0]  }
0x2c1: {  	v56 =	vld [tilespmem:s16+$0x270]  }
0x2c2: {  	v57 =	vld [tilespmem:s16+$0x2F0]  }
0x2c3: {  	v58 =	vld [tilespmem:s16+$0x370]  }
0x2c4: {  	v59 =	vld [tilespmem:s16+$0x3F0];
	_ =	sdelay $0x3  }
0x2c5: {  	v3 =	vadd.f32 v53, v3;
	v60 =	vadd.f32 v55, v54  }
0x2c6: {  	v61 =	vadd.f32 v57, v56;
	v62 =	vadd.f32 v59, v58  }
0x2c7: {  	p0 =	sne.s32 s17, $0xF00  }
.Ltmp2:
0x2c8: {  	v3 =	vadd.f32 v60, v3;
	v63 =	vadd.f32 v62, v61;
	(pc) =	sbr.rel @p0 .LBB2_7-.Ltmp2, $3  }
0x2c9: {  	_ = 	snop  }
0x2ca: {  	v3 =	vadd.f32 v63, v3;
	_ =	sdelay $0x1  }
0x2cb: {  	s15 =	sadd.s32 $0x80, s15;
	s17 =	sadd.s32 $0x100, s17;
	s16 =	sadd.s32 $0x800, s16;
	[tilespmem:s18+$0x470] =	vst v3  }
0x2cc: {  	s13 =	sadd.s32 $0x1, s13  }
0x2cd: {  	p0 =	sne.s32 s13, $0x4  }
.Ltmp3:
0x2ce: {  	_ = 	snop;
	(pc) =	sbr.rel @p0 .LBB2_2-.Ltmp3, $1  }
0x2cf: {  	_ =	sdelay $0x3  }
0x2d0: {  	s13 =	rddreg [dreg:$0x4];
	s14 =	simm.s32 $0x10400  }
0x2d1: {  	[hbm4b:s13+s2] =	stream.linear.scatter [tilespmem:s14], [sflag:$0x3], $0x8000, $0x38;
	[tilespmem:$0x18400] =	vst v63  }
0x2d2: {  	s14 =	simm.s32 $0x3  }
0x2d3: {  	_ =	swait.ge [sflag:s14], $0x8000  }
0x2d4: {  	s15 =	rddreg [dreg:$0x6]  }
0x2d5: {  	s20 =	rddreg [dreg:$0x5];
	s15 =	sadd.s32 $0x1, s15  }
0x2d6: {  	p0 =	sne.s32 s15, s20  }
.Ltmp4:
0x2d7: {  	_ = 	snop;
	(pc) =	sbr.rel @p0 .LBB2_1-.Ltmp4, $3  }
0x2d8: {  	_ =	sdelay $0x1  }
0x2d9: {  	[sflag:s14] =	ssyncset.done $0x0  }
0x2da: {  	[sflag:s14] =	ssyncadd.s32 $0xFFFF8000  }
0x2db: {  	_ =	sfence.sel $0x180000  }
0x2dc: {  	[bflag:$0x0] =	sbarrier.arrive $0xFFFF  }
0x2dd: {  	_ =	strace $0x90000047  }
0x2de: {  	s0 =	stileid.u32;
	[bflag:$0x2] =	sbarrier.arrive $0xFFFF  }
0x2df: {  	p0 =	sne.s32 s0, $0x0;
	s0 =	rddreg [dreg:$0x2]  }
0x2e0: {  	s0 =	sadd.s32 @!p0 $0x100000, s0  }
0x2e1: {  	[sflag:s0] =	ssyncadd.tile.s32 @!p0 $0x1;
	_ =	shalt  }
.Lfunc_end2:
_tile_overlayer_lowered:
.L_overlay_start_2:
0x2e2: {  	(tag) =	ssettag $0x2  }
0x2e3: {  	s0 =	rddreg [dreg:$0x0];
	s2 =	stileid.u32  }
0x2e4: {  	s1 =	rddreg [dreg:$0x1];
	p0 =	sne.s32 s2, $0x0  }
0x2e5: {  	s3 =	rddreg [dreg:$0x2];
	[bflag:$0x3] =	sbarrier.arrive $0xFFFF;
	s2 =	simm.s32 @!p0 $0x1C03  }
0x2e6: {  	[timem:s3], [sflag:s2] =	dma.local @!p0 [hbm:s0], s1  }
0x2e7: {  	s0 =	simm.s32 @!p0 $0x3  }
0x2e8: {  	_ =	swait.ge @!p0 [sflag:s0], s1  }
0x2e9: {  	s1 =	ssub.s32 @!p0 $0x0, s1;
	[sflag:s0] =	ssyncset.done @!p0 $0x0  }
0x2ea: {  	[sflag:s0] =	ssyncadd.s32 @!p0 s1  }
0x2eb: {  	[bflag:$0x3] =	sbarrier.arrive $0xFFFF  }
0x2ec: {  	_ =	shalt  }

</sc_bundles>
